<compile_context>
chip_gen: v7x
topology: tpu7x:2x2x1
jax: 0.10.2.dev20260603
libtpu: 0.0.44.dev20260713+nightly
codegen_flags: <defaults>
</compile_context>

<pallas_src>
import functools

import jax
import jax.numpy as jnp
from jax import lax
from jax.experimental import pallas as pl
from jax.experimental.pallas import tpu as pltpu
from jax.experimental.pallas import tpu_sc as plsc

EMBED = 64
HIDDEN = 128

_NC = 2
_NS = 16
_NW = _NC * _NS
_CROWS = 256


def _gather_body(n_per_w, n_chunks, table_hbm, idx_hbm, emb_hbm,
                 idx_v, buf_a, buf_b, gs_a, gs_b, ws_a, ws_b):
    wid = lax.axis_index("s") * _NC + lax.axis_index("c")
    base = wid * n_per_w
    pltpu.sync_copy(idx_hbm.at[pl.ds(base, n_per_w)], idx_v)

    def issue_rows(chunk, buf, sem):
        def group(g, _):
            vj = idx_v[pl.ds(chunk * _CROWS + g * 16, 16)]
            for i in range(16):
                iv = vj[i]
                pltpu.async_copy(table_hbm.at[pl.ds(iv, 1)],
                                 buf.at[pl.ds(g * 16 + i, 1)], sem)
            return 0
        lax.fori_loop(0, _CROWS // 16, group, 0)

    def wait_rows(buf, sem):
        pltpu.make_async_copy(emb_hbm.at[pl.ds(0, _CROWS)], buf, sem).wait()

    def issue_wb(chunk, buf, sem):
        pltpu.async_copy(buf, emb_hbm.at[pl.ds(base + chunk * _CROWS,
                                               _CROWS)], sem)

    def wait_wb(buf, sem):
        pltpu.make_async_copy(buf, emb_hbm.at[pl.ds(0, _CROWS)], sem).wait()

    issue_rows(0, buf_a, gs_a)
    issue_rows(1, buf_b, gs_b)

    def pair(p, _):
        g0 = 2 * p
        wait_rows(buf_a, gs_a)
        issue_wb(g0, buf_a, ws_a)
        wait_rows(buf_b, gs_b)
        issue_wb(g0 + 1, buf_b, ws_b)
        wait_wb(buf_a, ws_a)

        @pl.when(g0 + 2 < n_chunks)
        def _():
            issue_rows(g0 + 2, buf_a, gs_a)

        wait_wb(buf_b, ws_b)

        @pl.when(g0 + 3 < n_chunks)
        def _():
            issue_rows(g0 + 3, buf_b, gs_b)

        return 0

    lax.fori_loop(0, n_chunks // 2, pair, 0)


def _sc_gather(table, idx):
    n = idx.shape[0]
    n_per_w = n // _NW
    n_chunks = n_per_w // _CROWS
    mesh = plsc.VectorSubcoreMesh(core_axis_name="c", subcore_axis_name="s")
    f = pl.kernel(
        functools.partial(_gather_body, n_per_w, n_chunks),
        mesh=mesh,
        out_type=jax.ShapeDtypeStruct((n, EMBED), jnp.float32),
        scratch_types=[
            pltpu.VMEM((n_per_w,), jnp.int32),
            pltpu.VMEM((_CROWS, EMBED), jnp.float32),
            pltpu.VMEM((_CROWS, EMBED), jnp.float32),
            pltpu.SemaphoreType.DMA,
            pltpu.SemaphoreType.DMA,
            pltpu.SemaphoreType.DMA,
            pltpu.SemaphoreType.DMA,
        ],
    )
    return f(table, idx)


def _mlp_body(hist, emb_ref, w_ref, b_ref, out_ref):
    e = emb_ref[...]
    o = jnp.dot(e, w_ref[...], preferred_element_type=jnp.float32)
    o = jnp.maximum(o + b_ref[...], 0.0)
    bb = out_ref.shape[0]
    out_ref[...] = o.reshape(bb, hist, HIDDEN)


def _mlp_body_alias(hist, emb_ref, w_ref, b_ref, prev_ref, out_ref):
    del prev_ref
    _mlp_body(hist, emb_ref, w_ref, b_ref, out_ref)


def _tc_mlp_half(emb, W, b, bsz, hist, off, prev):
    bb = 256
    rows = bb * hist
    grid = emb.shape[0] // rows
    in_specs = [
        pl.BlockSpec((rows, EMBED), lambda i: (i, 0)),
        pl.BlockSpec((EMBED, HIDDEN), lambda i: (0, 0)),
        pl.BlockSpec((1, HIDDEN), lambda i: (0, 0)),
    ]
    args = [emb, W, b.reshape(1, HIDDEN)]
    if prev is None:
        body = functools.partial(_mlp_body, hist)
        aliases = {}
    else:
        body = functools.partial(_mlp_body_alias, hist)
        in_specs.append(pl.BlockSpec(memory_space=pl.ANY))
        args.append(prev)
        aliases = {3: 0}
    return pl.pallas_call(
        body,
        grid=(grid,),
        in_specs=in_specs,
        out_specs=pl.BlockSpec((bb, hist, HIDDEN),
                               lambda i: (i + off, 0, 0)),
        out_shape=jax.ShapeDtypeStruct((bsz, hist, HIDDEN), jnp.float32),
        input_output_aliases=aliases,
    )(*args)


def kernel(data, table, W, b):
    bsz, hist = data.shape
    idx = data.reshape(bsz * hist).astype(jnp.int32)
    half = (bsz // 2) * hist
    emb1 = _sc_gather(table, lax.slice(idx, (0,), (half,)))
    emb2 = _sc_gather(table, lax.slice(idx, (half,), (2 * half,)))
    blocks_per_half = (bsz // 2) // 256
    out1 = _tc_mlp_half(emb1, W, b, bsz, hist, 0, None)
    return _tc_mlp_half(emb2, W, b, bsz, hist, blocks_per_half, out1)

# --- scband reference (transcript-rebuilt; emitter-appended) ---
"""Pipeline reference for scband-answer-encoder-45827301048406 (READ-ONLY COPY).

The authoritative reference and input builder live on the scoring server;
editing this copy changes nothing except your own understanding.
"""

import jax, jax.numpy as jnp
import numpy as np

VOCAB = 1000000
EMBED_DIM = 64
HIDDEN = 128
BATCH = 16384
HIST = 20

def setup_inputs(seed: int = 0) -> dict:
    key = jax.random.key(seed)
    k1, k2, k3, k4 = jax.random.split(key, 4)
    data = jax.random.randint(k1, (BATCH, HIST), 0, VOCAB, dtype=jnp.int64 if jax.config.jax_enable_x64 else jnp.int32)
    table = jax.random.normal(k2, (VOCAB, EMBED_DIM), dtype=jnp.float32) * 0.02
    W = jax.random.normal(k3, (EMBED_DIM, HIDDEN), dtype=jnp.float32) * (1.0 / np.sqrt(EMBED_DIM))
    b = jax.random.normal(k4, (HIDDEN,), dtype=jnp.float32) * 0.01
    return {"data": data, "table": table, "W": W, "b": b}

def reference(data, table, W, b):
    # embedding lookup (dropout is identity in eval mode)
    emb = jnp.take(table, data, axis=0)            # [B, L, E]
    out = jax.nn.relu(jnp.dot(emb, W) + b)         # [B, L, H]
    return out

if __name__ == "__main__":
    import jax
    _d = setup_inputs()
    print(jax.jit(kernel)(*tuple(_d.values())))

</pallas_src>

<mosaic_0001>
#map = affine_map<(d0, d1) -> (0, 0)>
#map1 = affine_map<(d0, d1) -> (0)>
module attributes {stable_mosaic.version = 14 : i64} {
  func.func @_gather_body(%arg0: i32, %arg1: i32, %arg2: memref<1000000x64xf32, #tpu.memory_space<hbm>>, %arg3: memref<163840xi32, #tpu.memory_space<hbm>>, %arg4: memref<163840x64xf32, #tpu.memory_space<hbm>>, %arg5: memref<5120xi32, #tpu.memory_space<vmem>>, %arg6: memref<256x64xf32, #tpu.memory_space<vmem>>, %arg7: memref<256x64xf32, #tpu.memory_space<vmem>>, %arg8: memref<!tpu.dma_semaphore, #tpu.memory_space<semaphore_mem>>, %arg9: memref<!tpu.dma_semaphore, #tpu.memory_space<semaphore_mem>>, %arg10: memref<!tpu.dma_semaphore, #tpu.memory_space<semaphore_mem>>, %arg11: memref<!tpu.dma_semaphore, #tpu.memory_space<semaphore_mem>>) attributes {dimension_semantics = [#tpu.dimension_semantics<core_parallel>, #tpu.dimension_semantics<subcore_parallel>], iteration_bounds = array<i64: 2, 16>, scalar_prefetch = 0 : i64, scratch_operands = 7 : i64, tpu.core_type = #tpu.core_type<sc_vector_subcore>, window_params = [{transform_indices = #map}, {transform_indices = #map1}, {transform_indices = #map}]} {
    %mul3A = arith.constant 2 : i32
    %mul3A_0 = arith.muli %arg1, %mul3A : i32
    %add3A = arith.addi %mul3A_0, %arg0 : i32
    %mul3A_1 = arith.constant 5120 : i32
    %mul3A_2 = arith.muli %add3A, %mul3A_1 : i32
    "tpu.region"() ({
      %run_scoped3A = tpu.sem_alloc : memref<!tpu.dma_semaphore, #tpu.memory_space<semaphore_mem>>
      %dma_start3A = tpu.memref_slice %arg3[%mul3A_2] : memref<163840xi32, #tpu.memory_space<hbm>> -> memref<5120xi32, #tpu.memory_space<hbm>>
      %dma_start3A_23 = tpu.memref_slice %arg3[%mul3A_2] : memref<163840xi32, #tpu.memory_space<hbm>> -> memref<5120xi32, #tpu.memory_space<hbm>>
      tpu.enqueue_dma source(%dma_start3A_23 : memref<5120xi32, #tpu.memory_space<hbm>>) target(%arg5 : memref<5120xi32, #tpu.memory_space<vmem>>) target_semaphore(%run_scoped3A : memref<!tpu.dma_semaphore, #tpu.memory_space<semaphore_mem>>)
      %dma_wait3A = tpu.memref_slice %arg3[%mul3A_2] : memref<163840xi32, #tpu.memory_space<hbm>> -> memref<5120xi32, #tpu.memory_space<hbm>>
      %dma_wait3A_24 = tpu.memref_slice %arg3[%mul3A_2] : memref<163840xi32, #tpu.memory_space<hbm>> -> memref<5120xi32, #tpu.memory_space<hbm>>
      tpu.wait_dma2 semaphore(%run_scoped3A : memref<!tpu.dma_semaphore, #tpu.memory_space<semaphore_mem>>) src(%dma_wait3A_24 : memref<5120xi32, #tpu.memory_space<hbm>>) dst(%arg5 : memref<5120xi32, #tpu.memory_space<vmem>>)
      tpu.yield
    }) : () -> ()
    %scan3A = arith.constant 0 : i32
    %scan3A_3 = arith.constant 0 : i32
    %scan3A_4 = arith.constant 16 : i32
    %scan3A_5 = arith.addi %scan3A_3, %scan3A_4 : i32
    %scan3A_6 = arith.constant 1 : i32
    %scan3A_7 = scf.for %scan3A_23 = %scan3A_3 to %scan3A_5 step %scan3A_6 iter_args(%scan3A_24 = %scan3A) -> (i32)  : i32 {
      %mul3A_25 = arith.constant 16 : i32
      %mul3A_26 = arith.muli %scan3A_23, %mul3A_25 : i32
      %add3A_27 = arith.constant 0 : i32
      %add3A_28 = arith.addi %add3A_27, %mul3A_26 : i32
      %get3A = arith.index_cast %add3A_28 : i32 to index
      %get3A_29 = tpu.vector_load %arg5[%get3A] {strides = array<i32>} : memref<5120xi32, #tpu.memory_space<vmem>>, vector<16xi32>,
      %get3A_30 = vector.shape_cast %get3A_29 : vector<16xi32> to vector<16xi32>
      %slice3A = vector.extract_strided_slice %get3A_30 {offsets = [0], sizes = [1], strides = [1]} : vector<16xi32> to vector<1xi32>
      %squeeze3A = vector.extract %slice3A[0] : i32 from vector<1xi32>
      %mul3A_31 = arith.constant 16 : i32
      %mul3A_32 = arith.muli %scan3A_23, %mul3A_31 : i32
      %add3A_33 = arith.constant 0 : i32
      %add3A_34 = arith.addi %mul3A_32, %add3A_33 : i32
      %dma_start3A = arith.constant 0 : i32
      %dma_start3A_35 = tpu.memref_slice %arg6[%add3A_34, %dma_start3A] : memref<256x64xf32, #tpu.memory_space<vmem>> -> memref<1x64xf32, #tpu.memory_space<vmem>>
      %dma_start3A_36 = arith.constant 0 : i32
      %dma_start3A_37 = tpu.memref_slice %arg2[%squeeze3A, %dma_start3A_36] : memref<1000000x64xf32, #tpu.memory_space<hbm>> -> memref<1x64xf32, #tpu.memory_space<hbm>>
      %dma_start3A_38 = arith.constant 0 : i32
      %dma_start3A_39 = tpu.memref_slice %arg6[%add3A_34, %dma_start3A_38] : memref<256x64xf32, #tpu.memory_space<vmem>> -> memref<1x64xf32, #tpu.memory_space<vmem>>
      %dma_start3A_40 = arith.constant 0 : i32
      %dma_start3A_41 = tpu.memref_slice %arg2[%squeeze3A, %dma_start3A_40] : memref<1000000x64xf32, #tpu.memory_space<hbm>> -> memref<1x64xf32, #tpu.memory_space<hbm>>
      tpu.enqueue_dma source(%dma_start3A_41 : memref<1x64xf32, #tpu.memory_space<hbm>>) target(%dma_start3A_39 : memref<1x64xf32, #tpu.memory_space<vmem>>) target_semaphore(%arg8 : memref<!tpu.dma_semaphore, #tpu.memory_space<semaphore_mem>>)
      %slice3A_42 = vector.extract_strided_slice %get3A_30 {offsets = [1], sizes = [1], strides = [1]} : vector<16xi32> to vector<1xi32>
      %squeeze3A_43 = vector.extract %slice3A_42[0] : i32 from vector<1xi32>
      %mul3A_44 = arith.constant 16 : i32
      %mul3A_45 = arith.muli %scan3A_23, %mul3A_44 : i32
      %add3A_46 = arith.constant 1 : i32
      %add3A_47 = arith.addi %mul3A_45, %add3A_46 : i32
      %dma_start3A_48 = arith.constant 0 : i32
      %dma_start3A_49 = tpu.memref_slice %arg6[%add3A_47, %dma_start3A_48] : memref<256x64xf32, #tpu.memory_space<vmem>> -> memref<1x64xf32, #tpu.memory_space<vmem>>
      %dma_start3A_50 = arith.constant 0 : i32
      %dma_start3A_51 = tpu.memref_slice %arg2[%squeeze3A_43, %dma_start3A_50] : memref<1000000x64xf32, #tpu.memory_space<hbm>> -> memref<1x64xf32, #tpu.memory_space<hbm>>
      %dma_start3A_52 = arith.constant 0 : i32
      %dma_start3A_53 = tpu.memref_slice %arg6[%add3A_47, %dma_start3A_52] : memref<256x64xf32, #tpu.memory_space<vmem>> -> memref<1x64xf32, #tpu.memory_space<vmem>>
      %dma_start3A_54 = arith.constant 0 : i32
      %dma_start3A_55 = tpu.memref_slice %arg2[%squeeze3A_43, %dma_start3A_54] : memref<1000000x64xf32, #tpu.memory_space<hbm>> -> memref<1x64xf32, #tpu.memory_space<hbm>>
      tpu.enqueue_dma source(%dma_start3A_55 : memref<1x64xf32, #tpu.memory_space<hbm>>) target(%dma_start3A_53 : memref<1x64xf32, #tpu.memory_space<vmem>>) target_semaphore(%arg8 : memref<!tpu.dma_semaphore, #tpu.memory_space<semaphore_mem>>)
      %slice3A_56 = vector.extract_strided_slice %get3A_30 {offsets = [2], sizes = [1], strides = [1]} : vector<16xi32> to vector<1xi32>
      %squeeze3A_57 = vector.extract %slice3A_56[0] : i32 from vector<1xi32>
      %mul3A_58 = arith.constant 16 : i32
      %mul3A_59 = arith.muli %scan3A_23, %mul3A_58 : i32
      %add3A_60 = arith.constant 2 : i32
      %add3A_61 = arith.addi %mul3A_59, %add3A_60 : i32
      %dma_start3A_62 = arith.constant 0 : i32
      %dma_start3A_63 = tpu.memref_slice %arg6[%add3A_61, %dma_start3A_62] : memref<256x64xf32, #tpu.memory_space<vmem>> -> memref<1x64xf32, #tpu.memory_space<vmem>>
      %dma_start3A_64 = arith.constant 0 : i32
      %dma_start3A_65 = tpu.memref_slice %arg2[%squeeze3A_57, %dma_start3A_64] : memref<1000000x64xf32, #tpu.memory_space<hbm>> -> memref<1x64xf32, #tpu.memory_space<hbm>>
      %dma_start3A_66 = arith.constant 0 : i32
      %dma_start3A_67 = tpu.memref_slice %arg6[%add3A_61, %dma_start3A_66] : memref<256x64xf32, #tpu.memory_space<vmem>> -> memref<1x64xf32, #tpu.memory_space<vmem>>
      %dma_start3A_68 = arith.constant 0 : i32
      %dma_start3A_69 = tpu.memref_slice %arg2[%squeeze3A_57, %dma_start3A_68] : memref<1000000x64xf32, #tpu.memory_space<hbm>> -> memref<1x64xf32, #tpu.memory_space<hbm>>
      tpu.enqueue_dma source(%dma_start3A_69 : memref<1x64xf32, #tpu.memory_space<hbm>>) target(%dma_start3A_67 : memref<1x64xf32, #tpu.memory_space<vmem>>) target_semaphore(%arg8 : memref<!tpu.dma_semaphore, #tpu.memory_space<semaphore_mem>>)
      %slice3A_70 = vector.extract_strided_slice %get3A_30 {offsets = [3], sizes = [1], strides = [1]} : vector<16xi32> to vector<1xi32>
      %squeeze3A_71 = vector.extract %slice3A_70[0] : i32 from vector<1xi32>
      %mul3A_72 = arith.constant 16 : i32
      %mul3A_73 = arith.muli %scan3A_23, %mul3A_72 : i32
      %add3A_74 = arith.constant 3 : i32
      %add3A_75 = arith.addi %mul3A_73, %add3A_74 : i32
      %dma_start3A_76 = arith.constant 0 : i32
      %dma_start3A_77 = tpu.memref_slice %arg6[%add3A_75, %dma_start3A_76] : memref<256x64xf32, #tpu.memory_space<vmem>> -> memref<1x64xf32, #tpu.memory_space<vmem>>
      %dma_start3A_78 = arith.constant 0 : i32
      %dma_start3A_79 = tpu.memref_slice %arg2[%squeeze3A_71, %dma_start3A_78] : memref<1000000x64xf32, #tpu.memory_space<hbm>> -> memref<1x64xf32, #tpu.memory_space<hbm>>
      %dma_start3A_80 = arith.constant 0 : i32
      %dma_start3A_81 = tpu.memref_slice %arg6[%add3A_75, %dma_start3A_80] : memref<256x64xf32, #tpu.memory_space<vmem>> -> memref<1x64xf32, #tpu.memory_space<vmem>>
      %dma_start3A_82 = arith.constant 0 : i32
      %dma_start3A_83 = tpu.memref_slice %arg2[%squeeze3A_71, %dma_start3A_82] : memref<1000000x64xf32, #tpu.memory_space<hbm>> -> memref<1x64xf32, #tpu.memory_space<hbm>>
      tpu.enqueue_dma source(%dma_start3A_83 : memref<1x64xf32, #tpu.memory_space<hbm>>) target(%dma_start3A_81 : memref<1x64xf32, #tpu.memory_space<vmem>>) target_semaphore(%arg8 : memref<!tpu.dma_semaphore, #tpu.memory_space<semaphore_mem>>)
      %slice3A_84 = vector.extract_strided_slice %get3A_30 {offsets = [4], sizes = [1], strides = [1]} : vector<16xi32> to vector<1xi32>
      %squeeze3A_85 = vector.extract %slice3A_84[0] : i32 from vector<1xi32>
      %mul3A_86 = arith.constant 16 : i32
      %mul3A_87 = arith.muli %scan3A_23, %mul3A_86 : i32
      %add3A_88 = arith.constant 4 : i32
      %add3A_89 = arith.addi %mul3A_87, %add3A_88 : i32
      %dma_start3A_90 = arith.constant 0 : i32
      %dma_start3A_91 = tpu.memref_slice %arg6[%add3A_89, %dma_start3A_90] : memref<256x64xf32, #tpu.memory_space<vmem>> -> memref<1x64xf32, #tpu.memory_space<vmem>>
      %dma_start3A_92 = arith.constant 0 : i32
      %dma_start3A_93 = tpu.memref_slice %arg2[%squeeze3A_85, %dma_start3A_92] : memref<1000000x64xf32, #tpu.memory_space<hbm>> -> memref<1x64xf32, #tpu.memory_space<hbm>>
      %dma_start3A_94 = arith.constant 0 : i32
      %dma_start3A_95 = tpu.memref_slice %arg6[%add3A_89, %dma_start3A_94] : memref<256x64xf32, #tpu.memory_space<vmem>> -> memref<1x64xf32, #tpu.memory_space<vmem>>
      %dma_start3A_96 = arith.constant 0 : i32
      %dma_start3A_97 = tpu.memref_slice %arg2[%squeeze3A_85, %dma_start3A_96] : memref<1000000x64xf32, #tpu.memory_space<hbm>> -> memref<1x64xf32, #tpu.memory_space<hbm>>
      tpu.enqueue_dma source(%dma_start3A_97 : memref<1x64xf32, #tpu.memory_space<hbm>>) target(%dma_start3A_95 : memref<1x64xf32, #tpu.memory_space<vmem>>) target_semaphore(%arg8 : memref<!tpu.dma_semaphore, #tpu.memory_space<semaphore_mem>>)
      %slice3A_98 = vector.extract_strided_slice %get3A_30 {offsets = [5], sizes = [1], strides = [1]} : vector<16xi32> to vector<1xi32>
      %squeeze3A_99 = vector.extract %slice3A_98[0] : i32 from vector<1xi32>
      %mul3A_100 = arith.constant 16 : i32
      %mul3A_101 = arith.muli %scan3A_23, %mul3A_100 : i32
      %add3A_102 = arith.constant 5 : i32
      %add3A_103 = arith.addi %mul3A_101, %add3A_102 : i32
      %dma_start3A_104 = arith.constant 0 : i32
      %dma_start3A_105 = tpu.memref_slice %arg6[%add3A_103, %dma_start3A_104] : memref<256x64xf32, #tpu.memory_space<vmem>> -> memref<1x64xf32, #tpu.memory_space<vmem>>
      %dma_start3A_106 = arith.constant 0 : i32
      %dma_start3A_107 = tpu.memref_slice %arg2[%squeeze3A_99, %dma_start3A_106] : memref<1000000x64xf32, #tpu.memory_space<hbm>> -> memref<1x64xf32, #tpu.memory_space<hbm>>
      %dma_start3A_108 = arith.constant 0 : i32
      %dma_start3A_109 = tpu.memref_slice %arg6[%add3A_103, %dma_start3A_108] : memref<256x64xf32, #tpu.memory_space<vmem>> -> memref<1x64xf32, #tpu.memory_space<vmem>>
      %dma_start3A_110 = arith.constant 0 : i32
      %dma_start3A_111 = tpu.memref_slice %arg2[%squeeze3A_99, %dma_start3A_110] : memref<1000000x64xf32, #tpu.memory_space<hbm>> -> memref<1x64xf32, #tpu.memory_space<hbm>>
      tpu.enqueue_dma source(%dma_start3A_111 : memref<1x64xf32, #tpu.memory_space<hbm>>) target(%dma_start3A_109 : memref<1x64xf32, #tpu.memory_space<vmem>>) target_semaphore(%arg8 : memref<!tpu.dma_semaphore, #tpu.memory_space<semaphore_mem>>)
      %slice3A_112 = vector.extract_strided_slice %get3A_30 {offsets = [6], sizes = [1], strides = [1]} : vector<16xi32> to vector<1xi32>
      %squeeze3A_113 = vector.extract %slice3A_112[0] : i32 from vector<1xi32>
      %mul3A_114 = arith.constant 16 : i32
      %mul3A_115 = arith.muli %scan3A_23, %mul3A_114 : i32
      %add3A_116 = arith.constant 6 : i32
      %add3A_117 = arith.addi %mul3A_115, %add3A_116 : i32
      %dma_start3A_118 = arith.constant 0 : i32
      %dma_start3A_119 = tpu.memref_slice %arg6[%add3A_117, %dma_start3A_118] : memref<256x64xf32, #tpu.memory_space<vmem>> -> memref<1x64xf32, #tpu.memory_space<vmem>>
      %dma_start3A_120 = arith.constant 0 : i32
      %dma_start3A_121 = tpu.memref_slice %arg2[%squeeze3A_113, %dma_start3A_120] : memref<1000000x64xf32, #tpu.memory_space<hbm>> -> memref<1x64xf32, #tpu.memory_space<hbm>>
      %dma_start3A_122 = arith.constant 0 : i32
      %dma_start3A_123 = tpu.memref_slice %arg6[%add3A_117, %dma_start3A_122] : memref<256x64xf32, #tpu.memory_space<vmem>> -> memref<1x64xf32, #tpu.memory_space<vmem>>
      %dma_start3A_124 = arith.constant 0 : i32
      %dma_start3A_125 = tpu.memref_slice %arg2[%squeeze3A_113, %dma_start3A_124] : memref<1000000x64xf32, #tpu.memory_space<hbm>> -> memref<1x64xf32, #tpu.memory_space<hbm>>
      tpu.enqueue_dma source(%dma_start3A_125 : memref<1x64xf32, #tpu.memory_space<hbm>>) target(%dma_start3A_123 : memref<1x64xf32, #tpu.memory_space<vmem>>) target_semaphore(%arg8 : memref<!tpu.dma_semaphore, #tpu.memory_space<semaphore_mem>>)
      %slice3A_126 = vector.extract_strided_slice %get3A_30 {offsets = [7], sizes = [1], strides = [1]} : vector<16xi32> to vector<1xi32>
      %squeeze3A_127 = vector.extract %slice3A_126[0] : i32 from vector<1xi32>
      %mul3A_128 = arith.constant 16 : i32
      %mul3A_129 = arith.muli %scan3A_23, %mul3A_128 : i32
      %add3A_130 = arith.constant 7 : i32
      %add3A_131 = arith.addi %mul3A_129, %add3A_130 : i32
      %dma_start3A_132 = arith.constant 0 : i32
      %dma_start3A_133 = tpu.memref_slice %arg6[%add3A_131, %dma_start3A_132] : memref<256x64xf32, #tpu.memory_space<vmem>> -> memref<1x64xf32, #tpu.memory_space<vmem>>
      %dma_start3A_134 = arith.constant 0 : i32
      %dma_start3A_135 = tpu.memref_slice %arg2[%squeeze3A_127, %dma_start3A_134] : memref<1000000x64xf32, #tpu.memory_space<hbm>> -> memref<1x64xf32, #tpu.memory_space<hbm>>
      %dma_start3A_136 = arith.constant 0 : i32
      %dma_start3A_137 = tpu.memref_slice %arg6[%add3A_131, %dma_start3A_136] : memref<256x64xf32, #tpu.memory_space<vmem>> -> memref<1x64xf32, #tpu.memory_space<vmem>>
      %dma_start3A_138 = arith.constant 0 : i32
      %dma_start3A_139 = tpu.memref_slice %arg2[%squeeze3A_127, %dma_start3A_138] : memref<1000000x64xf32, #tpu.memory_space<hbm>> -> memref<1x64xf32, #tpu.memory_space<hbm>>
      tpu.enqueue_dma source(%dma_start3A_139 : memref<1x64xf32, #tpu.memory_space<hbm>>) target(%dma_start3A_137 : memref<1x64xf32, #tpu.memory_space<vmem>>) target_semaphore(%arg8 : memref<!tpu.dma_semaphore, #tpu.memory_space<semaphore_mem>>)
      %slice3A_140 = vector.extract_strided_slice %get3A_30 {offsets = [8], sizes = [1], strides = [1]} : vector<16xi32> to vector<1xi32>
      %squeeze3A_141 = vector.extract %slice3A_140[0] : i32 from vector<1xi32>
      %mul3A_142 = arith.constant 16 : i32
      %mul3A_143 = arith.muli %scan3A_23, %mul3A_142 : i32
      %add3A_144 = arith.constant 8 : i32
      %add3A_145 = arith.addi %mul3A_143, %add3A_144 : i32
      %dma_start3A_146 = arith.constant 0 : i32
      %dma_start3A_147 = tpu.memref_slice %arg6[%add3A_145, %dma_start3A_146] : memref<256x64xf32, #tpu.memory_space<vmem>> -> memref<1x64xf32, #tpu.memory_space<vmem>>
      %dma_start3A_148 = arith.constant 0 : i32
      %dma_start3A_149 = tpu.memref_slice %arg2[%squeeze3A_141, %dma_start3A_148] : memref<1000000x64xf32, #tpu.memory_space<hbm>> -> memref<1x64xf32, #tpu.memory_space<hbm>>
      %dma_start3A_150 = arith.constant 0 : i32
      %dma_start3A_151 = tpu.memref_slice %arg6[%add3A_145, %dma_start3A_150] : memref<256x64xf32, #tpu.memory_space<vmem>> -> memref<1x64xf32, #tpu.memory_space<vmem>>
      %dma_start3A_152 = arith.constant 0 : i32
      %dma_start3A_153 = tpu.memref_slice %arg2[%squeeze3A_141, %dma_start3A_152] : memref<1000000x64xf32, #tpu.memory_space<hbm>> -> memref<1x64xf32, #tpu.memory_space<hbm>>
      tpu.enqueue_dma source(%dma_start3A_153 : memref<1x64xf32, #tpu.memory_space<hbm>>) target(%dma_start3A_151 : memref<1x64xf32, #tpu.memory_space<vmem>>) target_semaphore(%arg8 : memref<!tpu.dma_semaphore, #tpu.memory_space<semaphore_mem>>)
      %slice3A_154 = vector.extract_strided_slice %get3A_30 {offsets = [9], sizes = [1], strides = [1]} : vector<16xi32> to vector<1xi32>
      %squeeze3A_155 = vector.extract %slice3A_154[0] : i32 from vector<1xi32>
      %mul3A_156 = arith.constant 16 : i32
      %mul3A_157 = arith.muli %scan3A_23, %mul3A_156 : i32
      %add3A_158 = arith.constant 9 : i32
      %add3A_159 = arith.addi %mul3A_157, %add3A_158 : i32
      %dma_start3A_160 = arith.constant 0 : i32
      %dma_start3A_161 = tpu.memref_slice %arg6[%add3A_159, %dma_start3A_160] : memref<256x64xf32, #tpu.memory_space<vmem>> -> memref<1x64xf32, #tpu.memory_space<vmem>>
      %dma_start3A_162 = arith.constant 0 : i32
      %dma_start3A_163 = tpu.memref_slice %arg2[%squeeze3A_155, %dma_start3A_162] : memref<1000000x64xf32, #tpu.memory_space<hbm>> -> memref<1x64xf32, #tpu.memory_space<hbm>>
      %dma_start3A_164 = arith.constant 0 : i32
      %dma_start3A_165 = tpu.memref_slice %arg6[%add3A_159, %dma_start3A_164] : memref<256x64xf32, #tpu.memory_space<vmem>> -> memref<1x64xf32, #tpu.memory_space<vmem>>
      %dma_start3A_166 = arith.constant 0 : i32
      %dma_start3A_167 = tpu.memref_slice %arg2[%squeeze3A_155, %dma_start3A_166] : memref<1000000x64xf32, #tpu.memory_space<hbm>> -> memref<1x64xf32, #tpu.memory_space<hbm>>
      tpu.enqueue_dma source(%dma_start3A_167 : memref<1x64xf32, #tpu.memory_space<hbm>>) target(%dma_start3A_165 : memref<1x64xf32, #tpu.memory_space<vmem>>) target_semaphore(%arg8 : memref<!tpu.dma_semaphore, #tpu.memory_space<semaphore_mem>>)
      %slice3A_168 = vector.extract_strided_slice %get3A_30 {offsets = [10], sizes = [1], strides = [1]} : vector<16xi32> to vector<1xi32>
      %squeeze3A_169 = vector.extract %slice3A_168[0] : i32 from vector<1xi32>
      %mul3A_170 = arith.constant 16 : i32
      %mul3A_171 = arith.muli %scan3A_23, %mul3A_170 : i32
      %add3A_172 = arith.constant 10 : i32
      %add3A_173 = arith.addi %mul3A_171, %add3A_172 : i32
      %dma_start3A_174 = arith.constant 0 : i32
      %dma_start3A_175 = tpu.memref_slice %arg6[%add3A_173, %dma_start3A_174] : memref<256x64xf32, #tpu.memory_space<vmem>> -> memref<1x64xf32, #tpu.memory_space<vmem>>
      %dma_start3A_176 = arith.constant 0 : i32
      %dma_start3A_177 = tpu.memref_slice %arg2[%squeeze3A_169, %dma_start3A_176] : memref<1000000x64xf32, #tpu.memory_space<hbm>> -> memref<1x64xf32, #tpu.memory_space<hbm>>
      %dma_start3A_178 = arith.constant 0 : i32
      %dma_start3A_179 = tpu.memref_slice %arg6[%add3A_173, %dma_start3A_178] : memref<256x64xf32, #tpu.memory_space<vmem>> -> memref<1x64xf32, #tpu.memory_space<vmem>>
      %dma_start3A_180 = arith.constant 0 : i32
      %dma_start3A_181 = tpu.memref_slice %arg2[%squeeze3A_169, %dma_start3A_180] : memref<1000000x64xf32, #tpu.memory_space<hbm>> -> memref<1x64xf32, #tpu.memory_space<hbm>>
      tpu.enqueue_dma source(%dma_start3A_181 : memref<1x64xf32, #tpu.memory_space<hbm>>) target(%dma_start3A_179 : memref<1x64xf32, #tpu.memory_space<vmem>>) target_semaphore(%arg8 : memref<!tpu.dma_semaphore, #tpu.memory_space<semaphore_mem>>)
      %slice3A_182 = vector.extract_strided_slice %get3A_30 {offsets = [11], sizes = [1], strides = [1]} : vector<16xi32> to vector<1xi32>
      %squeeze3A_183 = vector.extract %slice3A_182[0] : i32 from vector<1xi32>
      %mul3A_184 = arith.constant 16 : i32
      %mul3A_185 = arith.muli %scan3A_23, %mul3A_184 : i32
      %add3A_186 = arith.constant 11 : i32
      %add3A_187 = arith.addi %mul3A_185, %add3A_186 : i32
      %dma_start3A_188 = arith.constant 0 : i32
      %dma_start3A_189 = tpu.memref_slice %arg6[%add3A_187, %dma_start3A_188] : memref<256x64xf32, #tpu.memory_space<vmem>> -> memref<1x64xf32, #tpu.memory_space<vmem>>
      %dma_start3A_190 = arith.constant 0 : i32
      %dma_start3A_191 = tpu.memref_slice %arg2[%squeeze3A_183, %dma_start3A_190] : memref<1000000x64xf32, #tpu.memory_space<hbm>> -> memref<1x64xf32, #tpu.memory_space<hbm>>
      %dma_start3A_192 = arith.constant 0 : i32
      %dma_start3A_193 = tpu.memref_slice %arg6[%add3A_187, %dma_start3A_192] : memref<256x64xf32, #tpu.memory_space<vmem>> -> memref<1x64xf32, #tpu.memory_space<vmem>>
      %dma_start3A_194 = arith.constant 0 : i32
      %dma_start3A_195 = tpu.memref_slice %arg2[%squeeze3A_183, %dma_start3A_194] : memref<1000000x64xf32, #tpu.memory_space<hbm>> -> memref<1x64xf32, #tpu.memory_space<hbm>>
      tpu.enqueue_dma source(%dma_start3A_195 : memref<1x64xf32, #tpu.memory_space<hbm>>) target(%dma_start3A_193 : memref<1x64xf32, #tpu.memory_space<vmem>>) target_semaphore(%arg8 : memref<!tpu.dma_semaphore, #tpu.memory_space<semaphore_mem>>)
      %slice3A_196 = vector.extract_strided_slice %get3A_30 {offsets = [12], sizes = [1], strides = [1]} : vector<16xi32> to vector<1xi32>
      %squeeze3A_197 = vector.extract %slice3A_196[0] : i32 from vector<1xi32>
      %mul3A_198 = arith.constant 16 : i32
      %mul3A_199 = arith.muli %scan3A_23, %mul3A_198 : i32
      %add3A_200 = arith.constant 12 : i32
      %add3A_201 = arith.addi %mul3A_199, %add3A_200 : i32
      %dma_start3A_202 = arith.constant 0 : i32
      %dma_start3A_203 = tpu.memref_slice %arg6[%add3A_201, %dma_start3A_202] : memref<256x64xf32, #tpu.memory_space<vmem>> -> memref<1x64xf32, #tpu.memory_space<vmem>>
      %dma_start3A_204 = arith.constant 0 : i32
      %dma_start3A_205 = tpu.memref_slice %arg2[%squeeze3A_197, %dma_start3A_204] : memref<1000000x64xf32, #tpu.memory_space<hbm>> -> memref<1x64xf32, #tpu.memory_space<hbm>>
      %dma_start3A_206 = arith.constant 0 : i32
      %dma_start3A_207 = tpu.memref_slice %arg6[%add3A_201, %dma_start3A_206] : memref<256x64xf32, #tpu.memory_space<vmem>> -> memref<1x64xf32, #tpu.memory_space<vmem>>
      %dma_start3A_208 = arith.constant 0 : i32
      %dma_start3A_209 = tpu.memref_slice %arg2[%squeeze3A_197, %dma_start3A_208] : memref<1000000x64xf32, #tpu.memory_space<hbm>> -> memref<1x64xf32, #tpu.memory_space<hbm>>
      tpu.enqueue_dma source(%dma_start3A_209 : memref<1x64xf32, #tpu.memory_space<hbm>>) target(%dma_start3A_207 : memref<1x64xf32, #tpu.memory_space<vmem>>) target_semaphore(%arg8 : memref<!tpu.dma_semaphore, #tpu.memory_space<semaphore_mem>>)
      %slice3A_210 = vector.extract_strided_slice %get3A_30 {offsets = [13], sizes = [1], strides = [1]} : vector<16xi32> to vector<1xi32>
      %squeeze3A_211 = vector.extract %slice3A_210[0] : i32 from vector<1xi32>
      %mul3A_212 = arith.constant 16 : i32
      %mul3A_213 = arith.muli %scan3A_23, %mul3A_212 : i32
      %add3A_214 = arith.constant 13 : i32
      %add3A_215 = arith.addi %mul3A_213, %add3A_214 : i32
      %dma_start3A_216 = arith.constant 0 : i32
      %dma_start3A_217 = tpu.memref_slice %arg6[%add3A_215, %dma_start3A_216] : memref<256x64xf32, #tpu.memory_space<vmem>> -> memref<1x64xf32, #tpu.memory_space<vmem>>
      %dma_start3A_218 = arith.constant 0 : i32
      %dma_start3A_219 = tpu.memref_slice %arg2[%squeeze3A_211, %dma_start3A_218] : memref<1000000x64xf32, #tpu.memory_space<hbm>> -> memref<1x64xf32, #tpu.memory_space<hbm>>
      %dma_start3A_220 = arith.constant 0 : i32
      %dma_start3A_221 = tpu.memref_slice %arg6[%add3A_215, %dma_start3A_220] : memref<256x64xf32, #tpu.memory_space<vmem>> -> memref<1x64xf32, #tpu.memory_space<vmem>>
      %dma_start3A_222 = arith.constant 0 : i32
      %dma_start3A_223 = tpu.memref_slice %arg2[%squeeze3A_211, %dma_start3A_222] : memref<1000000x64xf32, #tpu.memory_space<hbm>> -> memref<1x64xf32, #tpu.memory_space<hbm>>
      tpu.enqueue_dma source(%dma_start3A_223 : memref<1x64xf32, #tpu.memory_space<hbm>>) target(%dma_start3A_221 : memref<1x64xf32, #tpu.memory_space<vmem>>) target_semaphore(%arg8 : memref<!tpu.dma_semaphore, #tpu.memory_space<semaphore_mem>>)
      %slice3A_224 = vector.extract_strided_slice %get3A_30 {offsets = [14], sizes = [1], strides = [1]} : vector<16xi32> to vector<1xi32>
      %squeeze3A_225 = vector.extract %slice3A_224[0] : i32 from vector<1xi32>
      %mul3A_226 = arith.constant 16 : i32
      %mul3A_227 = arith.muli %scan3A_23, %mul3A_226 : i32
      %add3A_228 = arith.constant 14 : i32
      %add3A_229 = arith.addi %mul3A_227, %add3A_228 : i32
      %dma_start3A_230 = arith.constant 0 : i32
      %dma_start3A_231 = tpu.memref_slice %arg6[%add3A_229, %dma_start3A_230] : memref<256x64xf32, #tpu.memory_space<vmem>> -> memref<1x64xf32, #tpu.memory_space<vmem>>
      %dma_start3A_232 = arith.constant 0 : i32
      %dma_start3A_233 = tpu.memref_slice %arg2[%squeeze3A_225, %dma_start3A_232] : memref<1000000x64xf32, #tpu.memory_space<hbm>> -> memref<1x64xf32, #tpu.memory_space<hbm>>
      %dma_start3A_234 = arith.constant 0 : i32
      %dma_start3A_235 = tpu.memref_slice %arg6[%add3A_229, %dma_start3A_234] : memref<256x64xf32, #tpu.memory_space<vmem>> -> memref<1x64xf32, #tpu.memory_space<vmem>>
      %dma_start3A_236 = arith.constant 0 : i32
      %dma_start3A_237 = tpu.memref_slice %arg2[%squeeze3A_225, %dma_start3A_236] : memref<1000000x64xf32, #tpu.memory_space<hbm>> -> memref<1x64xf32, #tpu.memory_space<hbm>>
      tpu.enqueue_dma source(%dma_start3A_237 : memref<1x64xf32, #tpu.memory_space<hbm>>) target(%dma_start3A_235 : memref<1x64xf32, #tpu.memory_space<vmem>>) target_semaphore(%arg8 : memref<!tpu.dma_semaphore, #tpu.memory_space<semaphore_mem>>)
      %slice3A_238 = vector.extract_strided_slice %get3A_30 {offsets = [15], sizes = [1], strides = [1]} : vector<16xi32> to vector<1xi32>
      %squeeze3A_239 = vector.extract %slice3A_238[0] : i32 from vector<1xi32>
      %mul3A_240 = arith.constant 16 : i32
      %mul3A_241 = arith.muli %scan3A_23, %mul3A_240 : i32
      %add3A_242 = arith.constant 15 : i32
      %add3A_243 = arith.addi %mul3A_241, %add3A_242 : i32
      %dma_start3A_244 = arith.constant 0 : i32
      %dma_start3A_245 = tpu.memref_slice %arg6[%add3A_243, %dma_start3A_244] : memref<256x64xf32, #tpu.memory_space<vmem>> -> memref<1x64xf32, #tpu.memory_space<vmem>>
      %dma_start3A_246 = arith.constant 0 : i32
      %dma_start3A_247 = tpu.memref_slice %arg2[%squeeze3A_239, %dma_start3A_246] : memref<1000000x64xf32, #tpu.memory_space<hbm>> -> memref<1x64xf32, #tpu.memory_space<hbm>>
      %dma_start3A_248 = arith.constant 0 : i32
      %dma_start3A_249 = tpu.memref_slice %arg6[%add3A_243, %dma_start3A_248] : memref<256x64xf32, #tpu.memory_space<vmem>> -> memref<1x64xf32, #tpu.memory_space<vmem>>
      %dma_start3A_250 = arith.constant 0 : i32
      %dma_start3A_251 = tpu.memref_slice %arg2[%squeeze3A_239, %dma_start3A_250] : memref<1000000x64xf32, #tpu.memory_space<hbm>> -> memref<1x64xf32, #tpu.memory_space<hbm>>
      tpu.enqueue_dma source(%dma_start3A_251 : memref<1x64xf32, #tpu.memory_space<hbm>>) target(%dma_start3A_249 : memref<1x64xf32, #tpu.memory_space<vmem>>) target_semaphore(%arg8 : memref<!tpu.dma_semaphore, #tpu.memory_space<semaphore_mem>>)
      %scan3A_252 = arith.constant 0 : i32
      scf.yield %scan3A_252 : i32
    }
    %scan3A_8 = arith.constant 16 : i32
    %scan3A_9 = arith.constant 0 : i32
    %scan3A_10 = arith.constant 0 : i32
    %scan3A_11 = arith.constant 16 : i32
    %scan3A_12 = arith.addi %scan3A_10, %scan3A_11 : i32
    %scan3A_13 = arith.constant 1 : i32
    %scan3A_14 = scf.for %scan3A_23 = %scan3A_10 to %scan3A_12 step %scan3A_13 iter_args(%scan3A_24 = %scan3A_9) -> (i32)  : i32 {
      %mul3A_25 = arith.constant 16 : i32
      %mul3A_26 = arith.muli %scan3A_23, %mul3A_25 : i32
      %add3A_27 = arith.constant 256 : i32
      %add3A_28 = arith.addi %add3A_27, %mul3A_26 : i32
      %get3A = arith.index_cast %add3A_28 : i32 to index
      %get3A_29 = tpu.vector_load %arg5[%get3A] {strides = array<i32>} : memref<5120xi32, #tpu.memory_space<vmem>>, vector<16xi32>,
      %get3A_30 = vector.shape_cast %get3A_29 : vector<16xi32> to vector<16xi32>
      %slice3A = vector.extract_strided_slice %get3A_30 {offsets = [0], sizes = [1], strides = [1]} : vector<16xi32> to vector<1xi32>
      %squeeze3A = vector.extract %slice3A[0] : i32 from vector<1xi32>
      %mul3A_31 = arith.constant 16 : i32
      %mul3A_32 = arith.muli %scan3A_23, %mul3A_31 : i32
      %add3A_33 = arith.constant 0 : i32
      %add3A_34 = arith.addi %mul3A_32, %add3A_33 : i32
      %dma_start3A = arith.constant 0 : i32
      %dma_start3A_35 = tpu.memref_slice %arg7[%add3A_34, %dma_start3A] : memref<256x64xf32, #tpu.memory_space<vmem>> -> memref<1x64xf32, #tpu.memory_space<vmem>>
      %dma_start3A_36 = arith.constant 0 : i32
      %dma_start3A_37 = tpu.memref_slice %arg2[%squeeze3A, %dma_start3A_36] : memref<1000000x64xf32, #tpu.memory_space<hbm>> -> memref<1x64xf32, #tpu.memory_space<hbm>>
      %dma_start3A_38 = arith.constant 0 : i32
      %dma_start3A_39 = tpu.memref_slice %arg7[%add3A_34, %dma_start3A_38] : memref<256x64xf32, #tpu.memory_space<vmem>> -> memref<1x64xf32, #tpu.memory_space<vmem>>
      %dma_start3A_40 = arith.constant 0 : i32
      %dma_start3A_41 = tpu.memref_slice %arg2[%squeeze3A, %dma_start3A_40] : memref<1000000x64xf32, #tpu.memory_space<hbm>> -> memref<1x64xf32, #tpu.memory_space<hbm>>
      tpu.enqueue_dma source(%dma_start3A_41 : memref<1x64xf32, #tpu.memory_space<hbm>>) target(%dma_start3A_39 : memref<1x64xf32, #tpu.memory_space<vmem>>) target_semaphore(%arg9 : memref<!tpu.dma_semaphore, #tpu.memory_space<semaphore_mem>>)
      %slice3A_42 = vector.extract_strided_slice %get3A_30 {offsets = [1], sizes = [1], strides = [1]} : vector<16xi32> to vector<1xi32>
      %squeeze3A_43 = vector.extract %slice3A_42[0] : i32 from vector<1xi32>
      %mul3A_44 = arith.constant 16 : i32
      %mul3A_45 = arith.muli %scan3A_23, %mul3A_44 : i32
      %add3A_46 = arith.constant 1 : i32
      %add3A_47 = arith.addi %mul3A_45, %add3A_46 : i32
      %dma_start3A_48 = arith.constant 0 : i32
      %dma_start3A_49 = tpu.memref_slice %arg7[%add3A_47, %dma_start3A_48] : memref<256x64xf32, #tpu.memory_space<vmem>> -> memref<1x64xf32, #tpu.memory_space<vmem>>
      %dma_start3A_50 = arith.constant 0 : i32
      %dma_start3A_51 = tpu.memref_slice %arg2[%squeeze3A_43, %dma_start3A_50] : memref<1000000x64xf32, #tpu.memory_space<hbm>> -> memref<1x64xf32, #tpu.memory_space<hbm>>
      %dma_start3A_52 = arith.constant 0 : i32
      %dma_start3A_53 = tpu.memref_slice %arg7[%add3A_47, %dma_start3A_52] : memref<256x64xf32, #tpu.memory_space<vmem>> -> memref<1x64xf32, #tpu.memory_space<vmem>>
      %dma_start3A_54 = arith.constant 0 : i32
      %dma_start3A_55 = tpu.memref_slice %arg2[%squeeze3A_43, %dma_start3A_54] : memref<1000000x64xf32, #tpu.memory_space<hbm>> -> memref<1x64xf32, #tpu.memory_space<hbm>>
      tpu.enqueue_dma source(%dma_start3A_55 : memref<1x64xf32, #tpu.memory_space<hbm>>) target(%dma_start3A_53 : memref<1x64xf32, #tpu.memory_space<vmem>>) target_semaphore(%arg9 : memref<!tpu.dma_semaphore, #tpu.memory_space<semaphore_mem>>)
      %slice3A_56 = vector.extract_strided_slice %get3A_30 {offsets = [2], sizes = [1], strides = [1]} : vector<16xi32> to vector<1xi32>
      %squeeze3A_57 = vector.extract %slice3A_56[0] : i32 from vector<1xi32>
      %mul3A_58 = arith.constant 16 : i32
      %mul3A_59 = arith.muli %scan3A_23, %mul3A_58 : i32
      %add3A_60 = arith.constant 2 : i32
      %add3A_61 = arith.addi %mul3A_59, %add3A_60 : i32
      %dma_start3A_62 = arith.constant 0 : i32
      %dma_start3A_63 = tpu.memref_slice %arg7[%add3A_61, %dma_start3A_62] : memref<256x64xf32, #tpu.memory_space<vmem>> -> memref<1x64xf32, #tpu.memory_space<vmem>>
      %dma_start3A_64 = arith.constant 0 : i32
      %dma_start3A_65 = tpu.memref_slice %arg2[%squeeze3A_57, %dma_start3A_64] : memref<1000000x64xf32, #tpu.memory_space<hbm>> -> memref<1x64xf32, #tpu.memory_space<hbm>>
      %dma_start3A_66 = arith.constant 0 : i32
      %dma_start3A_67 = tpu.memref_slice %arg7[%add3A_61, %dma_start3A_66] : memref<256x64xf32, #tpu.memory_space<vmem>> -> memref<1x64xf32, #tpu.memory_space<vmem>>
      %dma_start3A_68 = arith.constant 0 : i32
      %dma_start3A_69 = tpu.memref_slice %arg2[%squeeze3A_57, %dma_start3A_68] : memref<1000000x64xf32, #tpu.memory_space<hbm>> -> memref<1x64xf32, #tpu.memory_space<hbm>>
      tpu.enqueue_dma source(%dma_start3A_69 : memref<1x64xf32, #tpu.memory_space<hbm>>) target(%dma_start3A_67 : memref<1x64xf32, #tpu.memory_space<vmem>>) target_semaphore(%arg9 : memref<!tpu.dma_semaphore, #tpu.memory_space<semaphore_mem>>)
      %slice3A_70 = vector.extract_strided_slice %get3A_30 {offsets = [3], sizes = [1], strides = [1]} : vector<16xi32> to vector<1xi32>
      %squeeze3A_71 = vector.extract %slice3A_70[0] : i32 from vector<1xi32>
      %mul3A_72 = arith.constant 16 : i32
      %mul3A_73 = arith.muli %scan3A_23, %mul3A_72 : i32
      %add3A_74 = arith.constant 3 : i32
      %add3A_75 = arith.addi %mul3A_73, %add3A_74 : i32
      %dma_start3A_76 = arith.constant 0 : i32
      %dma_start3A_77 = tpu.memref_slice %arg7[%add3A_75, %dma_start3A_76] : memref<256x64xf32, #tpu.memory_space<vmem>> -> memref<1x64xf32, #tpu.memory_space<vmem>>
      %dma_start3A_78 = arith.constant 0 : i32
      %dma_start3A_79 = tpu.memref_slice %arg2[%squeeze3A_71, %dma_start3A_78] : memref<1000000x64xf32, #tpu.memory_space<hbm>> -> memref<1x64xf32, #tpu.memory_space<hbm>>
      %dma_start3A_80 = arith.constant 0 : i32
      %dma_start3A_81 = tpu.memref_slice %arg7[%add3A_75, %dma_start3A_80] : memref<256x64xf32, #tpu.memory_space<vmem>> -> memref<1x64xf32, #tpu.memory_space<vmem>>
      %dma_start3A_82 = arith.constant 0 : i32
      %dma_start3A_83 = tpu.memref_slice %arg2[%squeeze3A_71, %dma_start3A_82] : memref<1000000x64xf32, #tpu.memory_space<hbm>> -> memref<1x64xf32, #tpu.memory_space<hbm>>
      tpu.enqueue_dma source(%dma_start3A_83 : memref<1x64xf32, #tpu.memory_space<hbm>>) target(%dma_start3A_81 : memref<1x64xf32, #tpu.memory_space<vmem>>) target_semaphore(%arg9 : memref<!tpu.dma_semaphore, #tpu.memory_space<semaphore_mem>>)
      %slice3A_84 = vector.extract_strided_slice %get3A_30 {offsets = [4], sizes = [1], strides = [1]} : vector<16xi32> to vector<1xi32>
      %squeeze3A_85 = vector.extract %slice3A_84[0] : i32 from vector<1xi32>
      %mul3A_86 = arith.constant 16 : i32
      %mul3A_87 = arith.muli %scan3A_23, %mul3A_86 : i32
      %add3A_88 = arith.constant 4 : i32
      %add3A_89 = arith.addi %mul3A_87, %add3A_88 : i32
      %dma_start3A_90 = arith.constant 0 : i32
      %dma_start3A_91 = tpu.memref_slice %arg7[%add3A_89, %dma_start3A_90] : memref<256x64xf32, #tpu.memory_space<vmem>> -> memref<1x64xf32, #tpu.memory_space<vmem>>
      %dma_start3A_92 = arith.constant 0 : i32
      %dma_start3A_93 = tpu.memref_slice %arg2[%squeeze3A_85, %dma_start3A_92] : memref<1000000x64xf32, #tpu.memory_space<hbm>> -> memref<1x64xf32, #tpu.memory_space<hbm>>
      %dma_start3A_94 = arith.constant 0 : i32
      %dma_start3A_95 = tpu.memref_slice %arg7[%add3A_89, %dma_start3A_94] : memref<256x64xf32, #tpu.memory_space<vmem>> -> memref<1x64xf32, #tpu.memory_space<vmem>>
      %dma_start3A_96 = arith.constant 0 : i32
      %dma_start3A_97 = tpu.memref_slice %arg2[%squeeze3A_85, %dma_start3A_96] : memref<1000000x64xf32, #tpu.memory_space<hbm>> -> memref<1x64xf32, #tpu.memory_space<hbm>>
      tpu.enqueue_dma source(%dma_start3A_97 : memref<1x64xf32, #tpu.memory_space<hbm>>) target(%dma_start3A_95 : memref<1x64xf32, #tpu.memory_space<vmem>>) target_semaphore(%arg9 : memref<!tpu.dma_semaphore, #tpu.memory_space<semaphore_mem>>)
      %slice3A_98 = vector.extract_strided_slice %get3A_30 {offsets = [5], sizes = [1], strides = [1]} : vector<16xi32> to vector<1xi32>
      %squeeze3A_99 = vector.extract %slice3A_98[0] : i32 from vector<1xi32>
      %mul3A_100 = arith.constant 16 : i32
      %mul3A_101 = arith.muli %scan3A_23, %mul3A_100 : i32
      %add3A_102 = arith.constant 5 : i32
      %add3A_103 = arith.addi %mul3A_101, %add3A_102 : i32
      %dma_start3A_104 = arith.constant 0 : i32
      %dma_start3A_105 = tpu.memref_slice %arg7[%add3A_103, %dma_start3A_104] : memref<256x64xf32, #tpu.memory_space<vmem>> -> memref<1x64xf32, #tpu.memory_space<vmem>>
      %dma_start3A_106 = arith.constant 0 : i32
      %dma_start3A_107 = tpu.memref_slice %arg2[%squeeze3A_99, %dma_start3A_106] : memref<1000000x64xf32, #tpu.memory_space<hbm>> -> memref<1x64xf32, #tpu.memory_space<hbm>>
      %dma_start3A_108 = arith.constant 0 : i32
      %dma_start3A_109 = tpu.memref_slice %arg7[%add3A_103, %dma_start3A_108] : memref<256x64xf32, #tpu.memory_space<vmem>> -> memref<1x64xf32, #tpu.memory_space<vmem>>
      %dma_start3A_110 = arith.constant 0 : i32
      %dma_start3A_111 = tpu.memref_slice %arg2[%squeeze3A_99, %dma_start3A_110] : memref<1000000x64xf32, #tpu.memory_space<hbm>> -> memref<1x64xf32, #tpu.memory_space<hbm>>
      tpu.enqueue_dma source(%dma_start3A_111 : memref<1x64xf32, #tpu.memory_space<hbm>>) target(%dma_start3A_109 : memref<1x64xf32, #tpu.memory_space<vmem>>) target_semaphore(%arg9 : memref<!tpu.dma_semaphore, #tpu.memory_space<semaphore_mem>>)
      %slice3A_112 = vector.extract_strided_slice %get3A_30 {offsets = [6], sizes = [1], strides = [1]} : vector<16xi32> to vector<1xi32>
      %squeeze3A_113 = vector.extract %slice3A_112[0] : i32 from vector<1xi32>
      %mul3A_114 = arith.constant 16 : i32
      %mul3A_115 = arith.muli %scan3A_23, %mul3A_114 : i32
      %add3A_116 = arith.constant 6 : i32
      %add3A_117 = arith.addi %mul3A_115, %add3A_116 : i32
      %dma_start3A_118 = arith.constant 0 : i32
      %dma_start3A_119 = tpu.memref_slice %arg7[%add3A_117, %dma_start3A_118] : memref<256x64xf32, #tpu.memory_space<vmem>> -> memref<1x64xf32, #tpu.memory_space<vmem>>
      %dma_start3A_120 = arith.constant 0 : i32
      %dma_start3A_121 = tpu.memref_slice %arg2[%squeeze3A_113, %dma_start3A_120] : memref<1000000x64xf32, #tpu.memory_space<hbm>> -> memref<1x64xf32, #tpu.memory_space<hbm>>
      %dma_start3A_122 = arith.constant 0 : i32
      %dma_start3A_123 = tpu.memref_slice %arg7[%add3A_117, %dma_start3A_122] : memref<256x64xf32, #tpu.memory_space<vmem>> -> memref<1x64xf32, #tpu.memory_space<vmem>>
      %dma_start3A_124 = arith.constant 0 : i32
      %dma_start3A_125 = tpu.memref_slice %arg2[%squeeze3A_113, %dma_start3A_124] : memref<1000000x64xf32, #tpu.memory_space<hbm>> -> memref<1x64xf32, #tpu.memory_space<hbm>>
      tpu.enqueue_dma source(%dma_start3A_125 : memref<1x64xf32, #tpu.memory_space<hbm>>) target(%dma_start3A_123 : memref<1x64xf32, #tpu.memory_space<vmem>>) target_semaphore(%arg9 : memref<!tpu.dma_semaphore, #tpu.memory_space<semaphore_mem>>)
      %slice3A_126 = vector.extract_strided_slice %get3A_30 {offsets = [7], sizes = [1], strides = [1]} : vector<16xi32> to vector<1xi32>
      %squeeze3A_127 = vector.extract %slice3A_126[0] : i32 from vector<1xi32>
      %mul3A_128 = arith.constant 16 : i32
      %mul3A_129 = arith.muli %scan3A_23, %mul3A_128 : i32
      %add3A_130 = arith.constant 7 : i32
      %add3A_131 = arith.addi %mul3A_129, %add3A_130 : i32
      %dma_start3A_132 = arith.constant 0 : i32
      %dma_start3A_133 = tpu.memref_slice %arg7[%add3A_131, %dma_start3A_132] : memref<256x64xf32, #tpu.memory_space<vmem>> -> memref<1x64xf32, #tpu.memory_space<vmem>>
      %dma_start3A_134 = arith.constant 0 : i32
      %dma_start3A_135 = tpu.memref_slice %arg2[%squeeze3A_127, %dma_start3A_134] : memref<1000000x64xf32, #tpu.memory_space<hbm>> -> memref<1x64xf32, #tpu.memory_space<hbm>>
      %dma_start3A_136 = arith.constant 0 : i32
      %dma_start3A_137 = tpu.memref_slice %arg7[%add3A_131, %dma_start3A_136] : memref<256x64xf32, #tpu.memory_space<vmem>> -> memref<1x64xf32, #tpu.memory_space<vmem>>
      %dma_start3A_138 = arith.constant 0 : i32
      %dma_start3A_139 = tpu.memref_slice %arg2[%squeeze3A_127, %dma_start3A_138] : memref<1000000x64xf32, #tpu.memory_space<hbm>> -> memref<1x64xf32, #tpu.memory_space<hbm>>
      tpu.enqueue_dma source(%dma_start3A_139 : memref<1x64xf32, #tpu.memory_space<hbm>>) target(%dma_start3A_137 : memref<1x64xf32, #tpu.memory_space<vmem>>) target_semaphore(%arg9 : memref<!tpu.dma_semaphore, #tpu.memory_space<semaphore_mem>>)
      %slice3A_140 = vector.extract_strided_slice %get3A_30 {offsets = [8], sizes = [1], strides = [1]} : vector<16xi32> to vector<1xi32>
      %squeeze3A_141 = vector.extract %slice3A_140[0] : i32 from vector<1xi32>
      %mul3A_142 = arith.constant 16 : i32
      %mul3A_143 = arith.muli %scan3A_23, %mul3A_142 : i32
      %add3A_144 = arith.constant 8 : i32
      %add3A_145 = arith.addi %mul3A_143, %add3A_144 : i32
      %dma_start3A_146 = arith.constant 0 : i32
      %dma_start3A_147 = tpu.memref_slice %arg7[%add3A_145, %dma_start3A_146] : memref<256x64xf32, #tpu.memory_space<vmem>> -> memref<1x64xf32, #tpu.memory_space<vmem>>
      %dma_start3A_148 = arith.constant 0 : i32
      %dma_start3A_149 = tpu.memref_slice %arg2[%squeeze3A_141, %dma_start3A_148] : memref<1000000x64xf32, #tpu.memory_space<hbm>> -> memref<1x64xf32, #tpu.memory_space<hbm>>
      %dma_start3A_150 = arith.constant 0 : i32
      %dma_start3A_151 = tpu.memref_slice %arg7[%add3A_145, %dma_start3A_150] : memref<256x64xf32, #tpu.memory_space<vmem>> -> memref<1x64xf32, #tpu.memory_space<vmem>>
      %dma_start3A_152 = arith.constant 0 : i32
      %dma_start3A_153 = tpu.memref_slice %arg2[%squeeze3A_141, %dma_start3A_152] : memref<1000000x64xf32, #tpu.memory_space<hbm>> -> memref<1x64xf32, #tpu.memory_space<hbm>>
      tpu.enqueue_dma source(%dma_start3A_153 : memref<1x64xf32, #tpu.memory_space<hbm>>) target(%dma_start3A_151 : memref<1x64xf32, #tpu.memory_space<vmem>>) target_semaphore(%arg9 : memref<!tpu.dma_semaphore, #tpu.memory_space<semaphore_mem>>)
      %slice3A_154 = vector.extract_strided_slice %get3A_30 {offsets = [9], sizes = [1], strides = [1]} : vector<16xi32> to vector<1xi32>
      %squeeze3A_155 = vector.extract %slice3A_154[0] : i32 from vector<1xi32>
      %mul3A_156 = arith.constant 16 : i32
      %mul3A_157 = arith.muli %scan3A_23, %mul3A_156 : i32
      %add3A_158 = arith.constant 9 : i32
      %add3A_159 = arith.addi %mul3A_157, %add3A_158 : i32
      %dma_start3A_160 = arith.constant 0 : i32
      %dma_start3A_161 = tpu.memref_slice %arg7[%add3A_159, %dma_start3A_160] : memref<256x64xf32, #tpu.memory_space<vmem>> -> memref<1x64xf32, #tpu.memory_space<vmem>>
      %dma_start3A_162 = arith.constant 0 : i32
      %dma_start3A_163 = tpu.memref_slice %arg2[%squeeze3A_155, %dma_start3A_162] : memref<1000000x64xf32, #tpu.memory_space<hbm>> -> memref<1x64xf32, #tpu.memory_space<hbm>>
      %dma_start3A_164 = arith.constant 0 : i32
      %dma_start3A_165 = tpu.memref_slice %arg7[%add3A_159, %dma_start3A_164] : memref<256x64xf32, #tpu.memory_space<vmem>> -> memref<1x64xf32, #tpu.memory_space<vmem>>
      %dma_start3A_166 = arith.constant 0 : i32
      %dma_start3A_167 = tpu.memref_slice %arg2[%squeeze3A_155, %dma_start3A_166] : memref<1000000x64xf32, #tpu.memory_space<hbm>> -> memref<1x64xf32, #tpu.memory_space<hbm>>
      tpu.enqueue_dma source(%dma_start3A_167 : memref<1x64xf32, #tpu.memory_space<hbm>>) target(%dma_start3A_165 : memref<1x64xf32, #tpu.memory_space<vmem>>) target_semaphore(%arg9 : memref<!tpu.dma_semaphore, #tpu.memory_space<semaphore_mem>>)
      %slice3A_168 = vector.extract_strided_slice %get3A_30 {offsets = [10], sizes = [1], strides = [1]} : vector<16xi32> to vector<1xi32>
      %squeeze3A_169 = vector.extract %slice3A_168[0] : i32 from vector<1xi32>
      %mul3A_170 = arith.constant 16 : i32
      %mul3A_171 = arith.muli %scan3A_23, %mul3A_170 : i32
      %add3A_172 = arith.constant 10 : i32
      %add3A_173 = arith.addi %mul3A_171, %add3A_172 : i32
      %dma_start3A_174 = arith.constant 0 : i32
      %dma_start3A_175 = tpu.memref_slice %arg7[%add3A_173, %dma_start3A_174] : memref<256x64xf32, #tpu.memory_space<vmem>> -> memref<1x64xf32, #tpu.memory_space<vmem>>
      %dma_start3A_176 = arith.constant 0 : i32
      %dma_start3A_177 = tpu.memref_slice %arg2[%squeeze3A_169, %dma_start3A_176] : memref<1000000x64xf32, #tpu.memory_space<hbm>> -> memref<1x64xf32, #tpu.memory_space<hbm>>
      %dma_start3A_178 = arith.constant 0 : i32
      %dma_start3A_179 = tpu.memref_slice %arg7[%add3A_173, %dma_start3A_178] : memref<256x64xf32, #tpu.memory_space<vmem>> -> memref<1x64xf32, #tpu.memory_space<vmem>>
      %dma_start3A_180 = arith.constant 0 : i32
      %dma_start3A_181 = tpu.memref_slice %arg2[%squeeze3A_169, %dma_start3A_180] : memref<1000000x64xf32, #tpu.memory_space<hbm>> -> memref<1x64xf32, #tpu.memory_space<hbm>>
      tpu.enqueue_dma source(%dma_start3A_181 : memref<1x64xf32, #tpu.memory_space<hbm>>) target(%dma_start3A_179 : memref<1x64xf32, #tpu.memory_space<vmem>>) target_semaphore(%arg9 : memref<!tpu.dma_semaphore, #tpu.memory_space<semaphore_mem>>)
      %slice3A_182 = vector.extract_strided_slice %get3A_30 {offsets = [11], sizes = [1], strides = [1]} : vector<16xi32> to vector<1xi32>
      %squeeze3A_183 = vector.extract %slice3A_182[0] : i32 from vector<1xi32>
      %mul3A_184 = arith.constant 16 : i32
      %mul3A_185 = arith.muli %scan3A_23, %mul3A_184 : i32
      %add3A_186 = arith.constant 11 : i32
      %add3A_187 = arith.addi %mul3A_185, %add3A_186 : i32
      %dma_start3A_188 = arith.constant 0 : i32
      %dma_start3A_189 = tpu.memref_slice %arg7[%add3A_187, %dma_start3A_188] : memref<256x64xf32, #tpu.memory_space<vmem>> -> memref<1x64xf32, #tpu.memory_space<vmem>>
      %dma_start3A_190 = arith.constant 0 : i32
      %dma_start3A_191 = tpu.memref_slice %arg2[%squeeze3A_183, %dma_start3A_190] : memref<1000000x64xf32, #tpu.memory_space<hbm>> -> memref<1x64xf32, #tpu.memory_space<hbm>>
      %dma_start3A_192 = arith.constant 0 : i32
      %dma_start3A_193 = tpu.memref_slice %arg7[%add3A_187, %dma_start3A_192] : memref<256x64xf32, #tpu.memory_space<vmem>> -> memref<1x64xf32, #tpu.memory_space<vmem>>
      %dma_start3A_194 = arith.constant 0 : i32
      %dma_start3A_195 = tpu.memref_slice %arg2[%squeeze3A_183, %dma_start3A_194] : memref<1000000x64xf32, #tpu.memory_space<hbm>> -> memref<1x64xf32, #tpu.memory_space<hbm>>
      tpu.enqueue_dma source(%dma_start3A_195 : memref<1x64xf32, #tpu.memory_space<hbm>>) target(%dma_start3A_193 : memref<1x64xf32, #tpu.memory_space<vmem>>) target_semaphore(%arg9 : memref<!tpu.dma_semaphore, #tpu.memory_space<semaphore_mem>>)
      %slice3A_196 = vector.extract_strided_slice %get3A_30 {offsets = [12], sizes = [1], strides = [1]} : vector<16xi32> to vector<1xi32>
      %squeeze3A_197 = vector.extract %slice3A_196[0] : i32 from vector<1xi32>
      %mul3A_198 = arith.constant 16 : i32
      %mul3A_199 = arith.muli %scan3A_23, %mul3A_198 : i32
      %add3A_200 = arith.constant 12 : i32
      %add3A_201 = arith.addi %mul3A_199, %add3A_200 : i32
      %dma_start3A_202 = arith.constant 0 : i32
      %dma_start3A_203 = tpu.memref_slice %arg7[%add3A_201, %dma_start3A_202] : memref<256x64xf32, #tpu.memory_space<vmem>> -> memref<1x64xf32, #tpu.memory_space<vmem>>
      %dma_start3A_204 = arith.constant 0 : i32
      %dma_start3A_205 = tpu.memref_slice %arg2[%squeeze3A_197, %dma_start3A_204] : memref<1000000x64xf32, #tpu.memory_space<hbm>> -> memref<1x64xf32, #tpu.memory_space<hbm>>
      %dma_start3A_206 = arith.constant 0 : i32
      %dma_start3A_207 = tpu.memref_slice %arg7[%add3A_201, %dma_start3A_206] : memref<256x64xf32, #tpu.memory_space<vmem>> -> memref<1x64xf32, #tpu.memory_space<vmem>>
      %dma_start3A_208 = arith.constant 0 : i32
      %dma_start3A_209 = tpu.memref_slice %arg2[%squeeze3A_197, %dma_start3A_208] : memref<1000000x64xf32, #tpu.memory_space<hbm>> -> memref<1x64xf32, #tpu.memory_space<hbm>>
      tpu.enqueue_dma source(%dma_start3A_209 : memref<1x64xf32, #tpu.memory_space<hbm>>) target(%dma_start3A_207 : memref<1x64xf32, #tpu.memory_space<vmem>>) target_semaphore(%arg9 : memref<!tpu.dma_semaphore, #tpu.memory_space<semaphore_mem>>)
      %slice3A_210 = vector.extract_strided_slice %get3A_30 {offsets = [13], sizes = [1], strides = [1]} : vector<16xi32> to vector<1xi32>
      %squeeze3A_211 = vector.extract %slice3A_210[0] : i32 from vector<1xi32>
      %mul3A_212 = arith.constant 16 : i32
      %mul3A_213 = arith.muli %scan3A_23, %mul3A_212 : i32
      %add3A_214 = arith.constant 13 : i32
      %add3A_215 = arith.addi %mul3A_213, %add3A_214 : i32
      %dma_start3A_216 = arith.constant 0 : i32
      %dma_start3A_217 = tpu.memref_slice %arg7[%add3A_215, %dma_start3A_216] : memref<256x64xf32, #tpu.memory_space<vmem>> -> memref<1x64xf32, #tpu.memory_space<vmem>>
      %dma_start3A_218 = arith.constant 0 : i32
      %dma_start3A_219 = tpu.memref_slice %arg2[%squeeze3A_211, %dma_start3A_218] : memref<1000000x64xf32, #tpu.memory_space<hbm>> -> memref<1x64xf32, #tpu.memory_space<hbm>>
      %dma_start3A_220 = arith.constant 0 : i32
      %dma_start3A_221 = tpu.memref_slice %arg7[%add3A_215, %dma_start3A_220] : memref<256x64xf32, #tpu.memory_space<vmem>> -> memref<1x64xf32, #tpu.memory_space<vmem>>
      %dma_start3A_222 = arith.constant 0 : i32
      %dma_start3A_223 = tpu.memref_slice %arg2[%squeeze3A_211, %dma_start3A_222] : memref<1000000x64xf32, #tpu.memory_space<hbm>> -> memref<1x64xf32, #tpu.memory_space<hbm>>
      tpu.enqueue_dma source(%dma_start3A_223 : memref<1x64xf32, #tpu.memory_space<hbm>>) target(%dma_start3A_221 : memref<1x64xf32, #tpu.memory_space<vmem>>) target_semaphore(%arg9 : memref<!tpu.dma_semaphore, #tpu.memory_space<semaphore_mem>>)
      %slice3A_224 = vector.extract_strided_slice %get3A_30 {offsets = [14], sizes = [1], strides = [1]} : vector<16xi32> to vector<1xi32>
      %squeeze3A_225 = vector.extract %slice3A_224[0] : i32 from vector<1xi32>
      %mul3A_226 = arith.constant 16 : i32
      %mul3A_227 = arith.muli %scan3A_23, %mul3A_226 : i32
      %add3A_228 = arith.constant 14 : i32
      %add3A_229 = arith.addi %mul3A_227, %add3A_228 : i32
      %dma_start3A_230 = arith.constant 0 : i32
      %dma_start3A_231 = tpu.memref_slice %arg7[%add3A_229, %dma_start3A_230] : memref<256x64xf32, #tpu.memory_space<vmem>> -> memref<1x64xf32, #tpu.memory_space<vmem>>
      %dma_start3A_232 = arith.constant 0 : i32
      %dma_start3A_233 = tpu.memref_slice %arg2[%squeeze3A_225, %dma_start3A_232] : memref<1000000x64xf32, #tpu.memory_space<hbm>> -> memref<1x64xf32, #tpu.memory_space<hbm>>
      %dma_start3A_234 = arith.constant 0 : i32
      %dma_start3A_235 = tpu.memref_slice %arg7[%add3A_229, %dma_start3A_234] : memref<256x64xf32, #tpu.memory_space<vmem>> -> memref<1x64xf32, #tpu.memory_space<vmem>>
      %dma_start3A_236 = arith.constant 0 : i32
      %dma_start3A_237 = tpu.memref_slice %arg2[%squeeze3A_225, %dma_start3A_236] : memref<1000000x64xf32, #tpu.memory_space<hbm>> -> memref<1x64xf32, #tpu.memory_space<hbm>>
      tpu.enqueue_dma source(%dma_start3A_237 : memref<1x64xf32, #tpu.memory_space<hbm>>) target(%dma_start3A_235 : memref<1x64xf32, #tpu.memory_space<vmem>>) target_semaphore(%arg9 : memref<!tpu.dma_semaphore, #tpu.memory_space<semaphore_mem>>)
      %slice3A_238 = vector.extract_strided_slice %get3A_30 {offsets = [15], sizes = [1], strides = [1]} : vector<16xi32> to vector<1xi32>
      %squeeze3A_239 = vector.extract %slice3A_238[0] : i32 from vector<1xi32>
      %mul3A_240 = arith.constant 16 : i32
      %mul3A_241 = arith.muli %scan3A_23, %mul3A_240 : i32
      %add3A_242 = arith.constant 15 : i32
      %add3A_243 = arith.addi %mul3A_241, %add3A_242 : i32
      %dma_start3A_244 = arith.constant 0 : i32
      %dma_start3A_245 = tpu.memref_slice %arg7[%add3A_243, %dma_start3A_244] : memref<256x64xf32, #tpu.memory_space<vmem>> -> memref<1x64xf32, #tpu.memory_space<vmem>>
      %dma_start3A_246 = arith.constant 0 : i32
      %dma_start3A_247 = tpu.memref_slice %arg2[%squeeze3A_239, %dma_start3A_246] : memref<1000000x64xf32, #tpu.memory_space<hbm>> -> memref<1x64xf32, #tpu.memory_space<hbm>>
      %dma_start3A_248 = arith.constant 0 : i32
      %dma_start3A_249 = tpu.memref_slice %arg7[%add3A_243, %dma_start3A_248] : memref<256x64xf32, #tpu.memory_space<vmem>> -> memref<1x64xf32, #tpu.memory_space<vmem>>
      %dma_start3A_250 = arith.constant 0 : i32
      %dma_start3A_251 = tpu.memref_slice %arg2[%squeeze3A_239, %dma_start3A_250] : memref<1000000x64xf32, #tpu.memory_space<hbm>> -> memref<1x64xf32, #tpu.memory_space<hbm>>
      tpu.enqueue_dma source(%dma_start3A_251 : memref<1x64xf32, #tpu.memory_space<hbm>>) target(%dma_start3A_249 : memref<1x64xf32, #tpu.memory_space<vmem>>) target_semaphore(%arg9 : memref<!tpu.dma_semaphore, #tpu.memory_space<semaphore_mem>>)
      %scan3A_252 = arith.constant 0 : i32
      scf.yield %scan3A_252 : i32
    }
    %scan3A_15 = arith.constant 16 : i32
    %scan3A_16 = arith.constant 0 : i32
    %scan3A_17 = arith.constant 0 : i32
    %scan3A_18 = arith.constant 10 : i32
    %scan3A_19 = arith.addi %scan3A_17, %scan3A_18 : i32
    %scan3A_20 = arith.constant 1 : i32
    %scan3A_21 = scf.for %scan3A_23 = %scan3A_17 to %scan3A_19 step %scan3A_20 iter_args(%scan3A_24 = %scan3A_16) -> (i32)  : i32 {
      %mul3A_25 = arith.constant 2 : i32
      %mul3A_26 = arith.muli %mul3A_25, %scan3A_23 : i32
      %dma_wait3A = arith.constant 0 : i32
      %dma_wait3A_27 = arith.constant 0 : i32
      %dma_wait3A_28 = tpu.memref_slice %arg4[%dma_wait3A, %dma_wait3A_27] : memref<163840x64xf32, #tpu.memory_space<hbm>> -> memref<256x64xf32, #tpu.memory_space<hbm>>
      %dma_wait3A_29 = arith.constant 0 : i32
      %dma_wait3A_30 = arith.constant 0 : i32
      %dma_wait3A_31 = tpu.memref_slice %arg4[%dma_wait3A_29, %dma_wait3A_30] : memref<163840x64xf32, #tpu.memory_space<hbm>> -> memref<256x64xf32, #tpu.memory_space<hbm>>
      tpu.wait_dma2 semaphore(%arg8 : memref<!tpu.dma_semaphore, #tpu.memory_space<semaphore_mem>>) src(%dma_wait3A_31 : memref<256x64xf32, #tpu.memory_space<hbm>>) dst(%arg6 : memref<256x64xf32, #tpu.memory_space<vmem>>)
      %mul3A_32 = arith.constant 256 : i32
      %mul3A_33 = arith.muli %mul3A_26, %mul3A_32 : i32
      %add3A_34 = arith.addi %mul3A_2, %mul3A_33 : i32
      %dma_start3A = arith.constant 0 : i32
      %dma_start3A_35 = tpu.memref_slice %arg4[%add3A_34, %dma_start3A] : memref<163840x64xf32, #tpu.memory_space<hbm>> -> memref<256x64xf32, #tpu.memory_space<hbm>>
      %dma_start3A_36 = arith.constant 0 : i32
      %dma_start3A_37 = tpu.memref_slice %arg4[%add3A_34, %dma_start3A_36] : memref<163840x64xf32, #tpu.memory_space<hbm>> -> memref<256x64xf32, #tpu.memory_space<hbm>>
      tpu.enqueue_dma source(%arg6 : memref<256x64xf32, #tpu.memory_space<vmem>>) target(%dma_start3A_37 : memref<256x64xf32, #tpu.memory_space<hbm>>) target_semaphore(%arg10 : memref<!tpu.dma_semaphore, #tpu.memory_space<semaphore_mem>>)
      %dma_wait3A_38 = arith.constant 0 : i32
      %dma_wait3A_39 = arith.constant 0 : i32
      %dma_wait3A_40 = tpu.memref_slice %arg4[%dma_wait3A_38, %dma_wait3A_39] : memref<163840x64xf32, #tpu.memory_space<hbm>> -> memref<256x64xf32, #tpu.memory_space<hbm>>
      %dma_wait3A_41 = arith.constant 0 : i32
      %dma_wait3A_42 = arith.constant 0 : i32
      %dma_wait3A_43 = tpu.memref_slice %arg4[%dma_wait3A_41, %dma_wait3A_42] : memref<163840x64xf32, #tpu.memory_space<hbm>> -> memref<256x64xf32, #tpu.memory_space<hbm>>
      tpu.wait_dma2 semaphore(%arg9 : memref<!tpu.dma_semaphore, #tpu.memory_space<semaphore_mem>>) src(%dma_wait3A_43 : memref<256x64xf32, #tpu.memory_space<hbm>>) dst(%arg7 : memref<256x64xf32, #tpu.memory_space<vmem>>)
      %add3A_44 = arith.constant 1 : i32
      %add3A_45 = arith.addi %mul3A_26, %add3A_44 : i32
      %mul3A_46 = arith.constant 256 : i32
      %mul3A_47 = arith.muli %add3A_45, %mul3A_46 : i32
      %add3A_48 = arith.addi %mul3A_2, %mul3A_47 : i32
      %dma_start3A_49 = arith.constant 0 : i32
      %dma_start3A_50 = tpu.memref_slice %arg4[%add3A_48, %dma_start3A_49] : memref<163840x64xf32, #tpu.memory_space<hbm>> -> memref<256x64xf32, #tpu.memory_space<hbm>>
      %dma_start3A_51 = arith.constant 0 : i32
      %dma_start3A_52 = tpu.memref_slice %arg4[%add3A_48, %dma_start3A_51] : memref<163840x64xf32, #tpu.memory_space<hbm>> -> memref<256x64xf32, #tpu.memory_space<hbm>>
      tpu.enqueue_dma source(%arg7 : memref<256x64xf32, #tpu.memory_space<vmem>>) target(%dma_start3A_52 : memref<256x64xf32, #tpu.memory_space<hbm>>) target_semaphore(%arg11 : memref<!tpu.dma_semaphore, #tpu.memory_space<semaphore_mem>>)
      %dma_wait3A_53 = arith.constant 0 : i32
      %dma_wait3A_54 = arith.constant 0 : i32
      %dma_wait3A_55 = tpu.memref_slice %arg4[%dma_wait3A_53, %dma_wait3A_54] : memref<163840x64xf32, #tpu.memory_space<hbm>> -> memref<256x64xf32, #tpu.memory_space<hbm>>
      %dma_wait3A_56 = arith.constant 0 : i32
      %dma_wait3A_57 = arith.constant 0 : i32
      %dma_wait3A_58 = tpu.memref_slice %arg4[%dma_wait3A_56, %dma_wait3A_57] : memref<163840x64xf32, #tpu.memory_space<hbm>> -> memref<256x64xf32, #tpu.memory_space<hbm>>
      tpu.wait_dma2 semaphore(%arg10 : memref<!tpu.dma_semaphore, #tpu.memory_space<semaphore_mem>>) src(%arg6 : memref<256x64xf32, #tpu.memory_space<vmem>>) dst(%dma_wait3A_58 : memref<256x64xf32, #tpu.memory_space<hbm>>)
      %add3A_59 = arith.constant 2 : i32
      %add3A_60 = arith.addi %mul3A_26, %add3A_59 : i32
      %lt3A = arith.constant 20 : i32
      %lt3A_61 = arith.cmpi slt, %add3A_60, %lt3A : i32
      %convert_element_type3A = arith.extui %lt3A_61 : i1 to i32
      %cond3A = arith.constant 0 : i32
      %cond3A_62 = arith.cmpi ne, %convert_element_type3A, %cond3A : i32
      scf.if %cond3A_62 {
        %add3A_77 = arith.constant 2 : i32
        %add3A_78 = arith.addi %mul3A_26, %add3A_77 : i32
        %scan3A_79 = arith.constant 0 : i32
        %scan3A_80 = arith.constant 0 : i32
        %scan3A_81 = arith.constant 16 : i32
        %scan3A_82 = arith.addi %scan3A_80, %scan3A_81 : i32
        %scan3A_83 = arith.constant 1 : i32
        %scan3A_84 = scf.for %scan3A_86 = %scan3A_80 to %scan3A_82 step %scan3A_83 iter_args(%scan3A_87 = %scan3A_79) -> (i32)  : i32 {
          %mul3A_88 = arith.constant 256 : i32
          %mul3A_89 = arith.muli %add3A_78, %mul3A_88 : i32
          %mul3A_90 = arith.constant 16 : i32
          %mul3A_91 = arith.muli %scan3A_86, %mul3A_90 : i32
          %add3A_92 = arith.addi %mul3A_89, %mul3A_91 : i32
          %get3A = arith.index_cast %add3A_92 : i32 to index
          %get3A_93 = tpu.vector_load %arg5[%get3A] {strides = array<i32>} : memref<5120xi32, #tpu.memory_space<vmem>>, vector<16xi32>,
          %get3A_94 = vector.shape_cast %get3A_93 : vector<16xi32> to vector<16xi32>
          %slice3A = vector.extract_strided_slice %get3A_94 {offsets = [0], sizes = [1], strides = [1]} : vector<16xi32> to vector<1xi32>
          %squeeze3A = vector.extract %slice3A[0] : i32 from vector<1xi32>
          %mul3A_95 = arith.constant 16 : i32
          %mul3A_96 = arith.muli %scan3A_86, %mul3A_95 : i32
          %add3A_97 = arith.constant 0 : i32
          %add3A_98 = arith.addi %mul3A_96, %add3A_97 : i32
          %dma_start3A_99 = arith.constant 0 : i32
          %dma_start3A_100 = tpu.memref_slice %arg6[%add3A_98, %dma_start3A_99] : memref<256x64xf32, #tpu.memory_space<vmem>> -> memref<1x64xf32, #tpu.memory_space<vmem>>
          %dma_start3A_101 = arith.constant 0 : i32
          %dma_start3A_102 = tpu.memref_slice %arg2[%squeeze3A, %dma_start3A_101] : memref<1000000x64xf32, #tpu.memory_space<hbm>> -> memref<1x64xf32, #tpu.memory_space<hbm>>
          %dma_start3A_103 = arith.constant 0 : i32
          %dma_start3A_104 = tpu.memref_slice %arg6[%add3A_98, %dma_start3A_103] : memref<256x64xf32, #tpu.memory_space<vmem>> -> memref<1x64xf32, #tpu.memory_space<vmem>>
          %dma_start3A_105 = arith.constant 0 : i32
          %dma_start3A_106 = tpu.memref_slice %arg2[%squeeze3A, %dma_start3A_105] : memref<1000000x64xf32, #tpu.memory_space<hbm>> -> memref<1x64xf32, #tpu.memory_space<hbm>>
          tpu.enqueue_dma source(%dma_start3A_106 : memref<1x64xf32, #tpu.memory_space<hbm>>) target(%dma_start3A_104 : memref<1x64xf32, #tpu.memory_space<vmem>>) target_semaphore(%arg8 : memref<!tpu.dma_semaphore, #tpu.memory_space<semaphore_mem>>)
          %slice3A_107 = vector.extract_strided_slice %get3A_94 {offsets = [1], sizes = [1], strides = [1]} : vector<16xi32> to vector<1xi32>
          %squeeze3A_108 = vector.extract %slice3A_107[0] : i32 from vector<1xi32>
          %mul3A_109 = arith.constant 16 : i32
          %mul3A_110 = arith.muli %scan3A_86, %mul3A_109 : i32
          %add3A_111 = arith.constant 1 : i32
          %add3A_112 = arith.addi %mul3A_110, %add3A_111 : i32
          %dma_start3A_113 = arith.constant 0 : i32
          %dma_start3A_114 = tpu.memref_slice %arg6[%add3A_112, %dma_start3A_113] : memref<256x64xf32, #tpu.memory_space<vmem>> -> memref<1x64xf32, #tpu.memory_space<vmem>>
          %dma_start3A_115 = arith.constant 0 : i32
          %dma_start3A_116 = tpu.memref_slice %arg2[%squeeze3A_108, %dma_start3A_115] : memref<1000000x64xf32, #tpu.memory_space<hbm>> -> memref<1x64xf32, #tpu.memory_space<hbm>>
          %dma_start3A_117 = arith.constant 0 : i32
          %dma_start3A_118 = tpu.memref_slice %arg6[%add3A_112, %dma_start3A_117] : memref<256x64xf32, #tpu.memory_space<vmem>> -> memref<1x64xf32, #tpu.memory_space<vmem>>
          %dma_start3A_119 = arith.constant 0 : i32
          %dma_start3A_120 = tpu.memref_slice %arg2[%squeeze3A_108, %dma_start3A_119] : memref<1000000x64xf32, #tpu.memory_space<hbm>> -> memref<1x64xf32, #tpu.memory_space<hbm>>
          tpu.enqueue_dma source(%dma_start3A_120 : memref<1x64xf32, #tpu.memory_space<hbm>>) target(%dma_start3A_118 : memref<1x64xf32, #tpu.memory_space<vmem>>) target_semaphore(%arg8 : memref<!tpu.dma_semaphore, #tpu.memory_space<semaphore_mem>>)
          %slice3A_121 = vector.extract_strided_slice %get3A_94 {offsets = [2], sizes = [1], strides = [1]} : vector<16xi32> to vector<1xi32>
          %squeeze3A_122 = vector.extract %slice3A_121[0] : i32 from vector<1xi32>
          %mul3A_123 = arith.constant 16 : i32
          %mul3A_124 = arith.muli %scan3A_86, %mul3A_123 : i32
          %add3A_125 = arith.constant 2 : i32
          %add3A_126 = arith.addi %mul3A_124, %add3A_125 : i32
          %dma_start3A_127 = arith.constant 0 : i32
          %dma_start3A_128 = tpu.memref_slice %arg6[%add3A_126, %dma_start3A_127] : memref<256x64xf32, #tpu.memory_space<vmem>> -> memref<1x64xf32, #tpu.memory_space<vmem>>
          %dma_start3A_129 = arith.constant 0 : i32
          %dma_start3A_130 = tpu.memref_slice %arg2[%squeeze3A_122, %dma_start3A_129] : memref<1000000x64xf32, #tpu.memory_space<hbm>> -> memref<1x64xf32, #tpu.memory_space<hbm>>
          %dma_start3A_131 = arith.constant 0 : i32
          %dma_start3A_132 = tpu.memref_slice %arg6[%add3A_126, %dma_start3A_131] : memref<256x64xf32, #tpu.memory_space<vmem>> -> memref<1x64xf32, #tpu.memory_space<vmem>>
          %dma_start3A_133 = arith.constant 0 : i32
          %dma_start3A_134 = tpu.memref_slice %arg2[%squeeze3A_122, %dma_start3A_133] : memref<1000000x64xf32, #tpu.memory_space<hbm>> -> memref<1x64xf32, #tpu.memory_space<hbm>>
          tpu.enqueue_dma source(%dma_start3A_134 : memref<1x64xf32, #tpu.memory_space<hbm>>) target(%dma_start3A_132 : memref<1x64xf32, #tpu.memory_space<vmem>>) target_semaphore(%arg8 : memref<!tpu.dma_semaphore, #tpu.memory_space<semaphore_mem>>)
          %slice3A_135 = vector.extract_strided_slice %get3A_94 {offsets = [3], sizes = [1], strides = [1]} : vector<16xi32> to vector<1xi32>
          %squeeze3A_136 = vector.extract %slice3A_135[0] : i32 from vector<1xi32>
          %mul3A_137 = arith.constant 16 : i32
          %mul3A_138 = arith.muli %scan3A_86, %mul3A_137 : i32
          %add3A_139 = arith.constant 3 : i32
          %add3A_140 = arith.addi %mul3A_138, %add3A_139 : i32
          %dma_start3A_141 = arith.constant 0 : i32
          %dma_start3A_142 = tpu.memref_slice %arg6[%add3A_140, %dma_start3A_141] : memref<256x64xf32, #tpu.memory_space<vmem>> -> memref<1x64xf32, #tpu.memory_space<vmem>>
          %dma_start3A_143 = arith.constant 0 : i32
          %dma_start3A_144 = tpu.memref_slice %arg2[%squeeze3A_136, %dma_start3A_143] : memref<1000000x64xf32, #tpu.memory_space<hbm>> -> memref<1x64xf32, #tpu.memory_space<hbm>>
          %dma_start3A_145 = arith.constant 0 : i32
          %dma_start3A_146 = tpu.memref_slice %arg6[%add3A_140, %dma_start3A_145] : memref<256x64xf32, #tpu.memory_space<vmem>> -> memref<1x64xf32, #tpu.memory_space<vmem>>
          %dma_start3A_147 = arith.constant 0 : i32
          %dma_start3A_148 = tpu.memref_slice %arg2[%squeeze3A_136, %dma_start3A_147] : memref<1000000x64xf32, #tpu.memory_space<hbm>> -> memref<1x64xf32, #tpu.memory_space<hbm>>
          tpu.enqueue_dma source(%dma_start3A_148 : memref<1x64xf32, #tpu.memory_space<hbm>>) target(%dma_start3A_146 : memref<1x64xf32, #tpu.memory_space<vmem>>) target_semaphore(%arg8 : memref<!tpu.dma_semaphore, #tpu.memory_space<semaphore_mem>>)
          %slice3A_149 = vector.extract_strided_slice %get3A_94 {offsets = [4], sizes = [1], strides = [1]} : vector<16xi32> to vector<1xi32>
          %squeeze3A_150 = vector.extract %slice3A_149[0] : i32 from vector<1xi32>
          %mul3A_151 = arith.constant 16 : i32
          %mul3A_152 = arith.muli %scan3A_86, %mul3A_151 : i32
          %add3A_153 = arith.constant 4 : i32
          %add3A_154 = arith.addi %mul3A_152, %add3A_153 : i32
          %dma_start3A_155 = arith.constant 0 : i32
          %dma_start3A_156 = tpu.memref_slice %arg6[%add3A_154, %dma_start3A_155] : memref<256x64xf32, #tpu.memory_space<vmem>> -> memref<1x64xf32, #tpu.memory_space<vmem>>
          %dma_start3A_157 = arith.constant 0 : i32
          %dma_start3A_158 = tpu.memref_slice %arg2[%squeeze3A_150, %dma_start3A_157] : memref<1000000x64xf32, #tpu.memory_space<hbm>> -> memref<1x64xf32, #tpu.memory_space<hbm>>
          %dma_start3A_159 = arith.constant 0 : i32
          %dma_start3A_160 = tpu.memref_slice %arg6[%add3A_154, %dma_start3A_159] : memref<256x64xf32, #tpu.memory_space<vmem>> -> memref<1x64xf32, #tpu.memory_space<vmem>>
          %dma_start3A_161 = arith.constant 0 : i32
          %dma_start3A_162 = tpu.memref_slice %arg2[%squeeze3A_150, %dma_start3A_161] : memref<1000000x64xf32, #tpu.memory_space<hbm>> -> memref<1x64xf32, #tpu.memory_space<hbm>>
          tpu.enqueue_dma source(%dma_start3A_162 : memref<1x64xf32, #tpu.memory_space<hbm>>) target(%dma_start3A_160 : memref<1x64xf32, #tpu.memory_space<vmem>>) target_semaphore(%arg8 : memref<!tpu.dma_semaphore, #tpu.memory_space<semaphore_mem>>)
          %slice3A_163 = vector.extract_strided_slice %get3A_94 {offsets = [5], sizes = [1], strides = [1]} : vector<16xi32> to vector<1xi32>
          %squeeze3A_164 = vector.extract %slice3A_163[0] : i32 from vector<1xi32>
          %mul3A_165 = arith.constant 16 : i32
          %mul3A_166 = arith.muli %scan3A_86, %mul3A_165 : i32
          %add3A_167 = arith.constant 5 : i32
          %add3A_168 = arith.addi %mul3A_166, %add3A_167 : i32
          %dma_start3A_169 = arith.constant 0 : i32
          %dma_start3A_170 = tpu.memref_slice %arg6[%add3A_168, %dma_start3A_169] : memref<256x64xf32, #tpu.memory_space<vmem>> -> memref<1x64xf32, #tpu.memory_space<vmem>>
          %dma_start3A_171 = arith.constant 0 : i32
          %dma_start3A_172 = tpu.memref_slice %arg2[%squeeze3A_164, %dma_start3A_171] : memref<1000000x64xf32, #tpu.memory_space<hbm>> -> memref<1x64xf32, #tpu.memory_space<hbm>>
          %dma_start3A_173 = arith.constant 0 : i32
          %dma_start3A_174 = tpu.memref_slice %arg6[%add3A_168, %dma_start3A_173] : memref<256x64xf32, #tpu.memory_space<vmem>> -> memref<1x64xf32, #tpu.memory_space<vmem>>
          %dma_start3A_175 = arith.constant 0 : i32
          %dma_start3A_176 = tpu.memref_slice %arg2[%squeeze3A_164, %dma_start3A_175] : memref<1000000x64xf32, #tpu.memory_space<hbm>> -> memref<1x64xf32, #tpu.memory_space<hbm>>
          tpu.enqueue_dma source(%dma_start3A_176 : memref<1x64xf32, #tpu.memory_space<hbm>>) target(%dma_start3A_174 : memref<1x64xf32, #tpu.memory_space<vmem>>) target_semaphore(%arg8 : memref<!tpu.dma_semaphore, #tpu.memory_space<semaphore_mem>>)
          %slice3A_177 = vector.extract_strided_slice %get3A_94 {offsets = [6], sizes = [1], strides = [1]} : vector<16xi32> to vector<1xi32>
          %squeeze3A_178 = vector.extract %slice3A_177[0] : i32 from vector<1xi32>
          %mul3A_179 = arith.constant 16 : i32
          %mul3A_180 = arith.muli %scan3A_86, %mul3A_179 : i32
          %add3A_181 = arith.constant 6 : i32
          %add3A_182 = arith.addi %mul3A_180, %add3A_181 : i32
          %dma_start3A_183 = arith.constant 0 : i32
          %dma_start3A_184 = tpu.memref_slice %arg6[%add3A_182, %dma_start3A_183] : memref<256x64xf32, #tpu.memory_space<vmem>> -> memref<1x64xf32, #tpu.memory_space<vmem>>
          %dma_start3A_185 = arith.constant 0 : i32
          %dma_start3A_186 = tpu.memref_slice %arg2[%squeeze3A_178, %dma_start3A_185] : memref<1000000x64xf32, #tpu.memory_space<hbm>> -> memref<1x64xf32, #tpu.memory_space<hbm>>
          %dma_start3A_187 = arith.constant 0 : i32
          %dma_start3A_188 = tpu.memref_slice %arg6[%add3A_182, %dma_start3A_187] : memref<256x64xf32, #tpu.memory_space<vmem>> -> memref<1x64xf32, #tpu.memory_space<vmem>>
          %dma_start3A_189 = arith.constant 0 : i32
          %dma_start3A_190 = tpu.memref_slice %arg2[%squeeze3A_178, %dma_start3A_189] : memref<1000000x64xf32, #tpu.memory_space<hbm>> -> memref<1x64xf32, #tpu.memory_space<hbm>>
          tpu.enqueue_dma source(%dma_start3A_190 : memref<1x64xf32, #tpu.memory_space<hbm>>) target(%dma_start3A_188 : memref<1x64xf32, #tpu.memory_space<vmem>>) target_semaphore(%arg8 : memref<!tpu.dma_semaphore, #tpu.memory_space<semaphore_mem>>)
          %slice3A_191 = vector.extract_strided_slice %get3A_94 {offsets = [7], sizes = [1], strides = [1]} : vector<16xi32> to vector<1xi32>
          %squeeze3A_192 = vector.extract %slice3A_191[0] : i32 from vector<1xi32>
          %mul3A_193 = arith.constant 16 : i32
          %mul3A_194 = arith.muli %scan3A_86, %mul3A_193 : i32
          %add3A_195 = arith.constant 7 : i32
          %add3A_196 = arith.addi %mul3A_194, %add3A_195 : i32
          %dma_start3A_197 = arith.constant 0 : i32
          %dma_start3A_198 = tpu.memref_slice %arg6[%add3A_196, %dma_start3A_197] : memref<256x64xf32, #tpu.memory_space<vmem>> -> memref<1x64xf32, #tpu.memory_space<vmem>>
          %dma_start3A_199 = arith.constant 0 : i32
          %dma_start3A_200 = tpu.memref_slice %arg2[%squeeze3A_192, %dma_start3A_199] : memref<1000000x64xf32, #tpu.memory_space<hbm>> -> memref<1x64xf32, #tpu.memory_space<hbm>>
          %dma_start3A_201 = arith.constant 0 : i32
          %dma_start3A_202 = tpu.memref_slice %arg6[%add3A_196, %dma_start3A_201] : memref<256x64xf32, #tpu.memory_space<vmem>> -> memref<1x64xf32, #tpu.memory_space<vmem>>
          %dma_start3A_203 = arith.constant 0 : i32
          %dma_start3A_204 = tpu.memref_slice %arg2[%squeeze3A_192, %dma_start3A_203] : memref<1000000x64xf32, #tpu.memory_space<hbm>> -> memref<1x64xf32, #tpu.memory_space<hbm>>
          tpu.enqueue_dma source(%dma_start3A_204 : memref<1x64xf32, #tpu.memory_space<hbm>>) target(%dma_start3A_202 : memref<1x64xf32, #tpu.memory_space<vmem>>) target_semaphore(%arg8 : memref<!tpu.dma_semaphore, #tpu.memory_space<semaphore_mem>>)
          %slice3A_205 = vector.extract_strided_slice %get3A_94 {offsets = [8], sizes = [1], strides = [1]} : vector<16xi32> to vector<1xi32>
          %squeeze3A_206 = vector.extract %slice3A_205[0] : i32 from vector<1xi32>
          %mul3A_207 = arith.constant 16 : i32
          %mul3A_208 = arith.muli %scan3A_86, %mul3A_207 : i32
          %add3A_209 = arith.constant 8 : i32
          %add3A_210 = arith.addi %mul3A_208, %add3A_209 : i32
          %dma_start3A_211 = arith.constant 0 : i32
          %dma_start3A_212 = tpu.memref_slice %arg6[%add3A_210, %dma_start3A_211] : memref<256x64xf32, #tpu.memory_space<vmem>> -> memref<1x64xf32, #tpu.memory_space<vmem>>
          %dma_start3A_213 = arith.constant 0 : i32
          %dma_start3A_214 = tpu.memref_slice %arg2[%squeeze3A_206, %dma_start3A_213] : memref<1000000x64xf32, #tpu.memory_space<hbm>> -> memref<1x64xf32, #tpu.memory_space<hbm>>
          %dma_start3A_215 = arith.constant 0 : i32
          %dma_start3A_216 = tpu.memref_slice %arg6[%add3A_210, %dma_start3A_215] : memref<256x64xf32, #tpu.memory_space<vmem>> -> memref<1x64xf32, #tpu.memory_space<vmem>>
          %dma_start3A_217 = arith.constant 0 : i32
          %dma_start3A_218 = tpu.memref_slice %arg2[%squeeze3A_206, %dma_start3A_217] : memref<1000000x64xf32, #tpu.memory_space<hbm>> -> memref<1x64xf32, #tpu.memory_space<hbm>>
          tpu.enqueue_dma source(%dma_start3A_218 : memref<1x64xf32, #tpu.memory_space<hbm>>) target(%dma_start3A_216 : memref<1x64xf32, #tpu.memory_space<vmem>>) target_semaphore(%arg8 : memref<!tpu.dma_semaphore, #tpu.memory_space<semaphore_mem>>)
          %slice3A_219 = vector.extract_strided_slice %get3A_94 {offsets = [9], sizes = [1], strides = [1]} : vector<16xi32> to vector<1xi32>
          %squeeze3A_220 = vector.extract %slice3A_219[0] : i32 from vector<1xi32>
          %mul3A_221 = arith.constant 16 : i32
          %mul3A_222 = arith.muli %scan3A_86, %mul3A_221 : i32
          %add3A_223 = arith.constant 9 : i32
          %add3A_224 = arith.addi %mul3A_222, %add3A_223 : i32
          %dma_start3A_225 = arith.constant 0 : i32
          %dma_start3A_226 = tpu.memref_slice %arg6[%add3A_224, %dma_start3A_225] : memref<256x64xf32, #tpu.memory_space<vmem>> -> memref<1x64xf32, #tpu.memory_space<vmem>>
          %dma_start3A_227 = arith.constant 0 : i32
          %dma_start3A_228 = tpu.memref_slice %arg2[%squeeze3A_220, %dma_start3A_227] : memref<1000000x64xf32, #tpu.memory_space<hbm>> -> memref<1x64xf32, #tpu.memory_space<hbm>>
          %dma_start3A_229 = arith.constant 0 : i32
          %dma_start3A_230 = tpu.memref_slice %arg6[%add3A_224, %dma_start3A_229] : memref<256x64xf32, #tpu.memory_space<vmem>> -> memref<1x64xf32, #tpu.memory_space<vmem>>
          %dma_start3A_231 = arith.constant 0 : i32
          %dma_start3A_232 = tpu.memref_slice %arg2[%squeeze3A_220, %dma_start3A_231] : memref<1000000x64xf32, #tpu.memory_space<hbm>> -> memref<1x64xf32, #tpu.memory_space<hbm>>
          tpu.enqueue_dma source(%dma_start3A_232 : memref<1x64xf32, #tpu.memory_space<hbm>>) target(%dma_start3A_230 : memref<1x64xf32, #tpu.memory_space<vmem>>) target_semaphore(%arg8 : memref<!tpu.dma_semaphore, #tpu.memory_space<semaphore_mem>>)
          %slice3A_233 = vector.extract_strided_slice %get3A_94 {offsets = [10], sizes = [1], strides = [1]} : vector<16xi32> to vector<1xi32>
          %squeeze3A_234 = vector.extract %slice3A_233[0] : i32 from vector<1xi32>
          %mul3A_235 = arith.constant 16 : i32
          %mul3A_236 = arith.muli %scan3A_86, %mul3A_235 : i32
          %add3A_237 = arith.constant 10 : i32
          %add3A_238 = arith.addi %mul3A_236, %add3A_237 : i32
          %dma_start3A_239 = arith.constant 0 : i32
          %dma_start3A_240 = tpu.memref_slice %arg6[%add3A_238, %dma_start3A_239] : memref<256x64xf32, #tpu.memory_space<vmem>> -> memref<1x64xf32, #tpu.memory_space<vmem>>
          %dma_start3A_241 = arith.constant 0 : i32
          %dma_start3A_242 = tpu.memref_slice %arg2[%squeeze3A_234, %dma_start3A_241] : memref<1000000x64xf32, #tpu.memory_space<hbm>> -> memref<1x64xf32, #tpu.memory_space<hbm>>
          %dma_start3A_243 = arith.constant 0 : i32
          %dma_start3A_244 = tpu.memref_slice %arg6[%add3A_238, %dma_start3A_243] : memref<256x64xf32, #tpu.memory_space<vmem>> -> memref<1x64xf32, #tpu.memory_space<vmem>>
          %dma_start3A_245 = arith.constant 0 : i32
          %dma_start3A_246 = tpu.memref_slice %arg2[%squeeze3A_234, %dma_start3A_245] : memref<1000000x64xf32, #tpu.memory_space<hbm>> -> memref<1x64xf32, #tpu.memory_space<hbm>>
          tpu.enqueue_dma source(%dma_start3A_246 : memref<1x64xf32, #tpu.memory_space<hbm>>) target(%dma_start3A_244 : memref<1x64xf32, #tpu.memory_space<vmem>>) target_semaphore(%arg8 : memref<!tpu.dma_semaphore, #tpu.memory_space<semaphore_mem>>)
          %slice3A_247 = vector.extract_strided_slice %get3A_94 {offsets = [11], sizes = [1], strides = [1]} : vector<16xi32> to vector<1xi32>
          %squeeze3A_248 = vector.extract %slice3A_247[0] : i32 from vector<1xi32>
          %mul3A_249 = arith.constant 16 : i32
          %mul3A_250 = arith.muli %scan3A_86, %mul3A_249 : i32
          %add3A_251 = arith.constant 11 : i32
          %add3A_252 = arith.addi %mul3A_250, %add3A_251 : i32
          %dma_start3A_253 = arith.constant 0 : i32
          %dma_start3A_254 = tpu.memref_slice %arg6[%add3A_252, %dma_start3A_253] : memref<256x64xf32, #tpu.memory_space<vmem>> -> memref<1x64xf32, #tpu.memory_space<vmem>>
          %dma_start3A_255 = arith.constant 0 : i32
          %dma_start3A_256 = tpu.memref_slice %arg2[%squeeze3A_248, %dma_start3A_255] : memref<1000000x64xf32, #tpu.memory_space<hbm>> -> memref<1x64xf32, #tpu.memory_space<hbm>>
          %dma_start3A_257 = arith.constant 0 : i32
          %dma_start3A_258 = tpu.memref_slice %arg6[%add3A_252, %dma_start3A_257] : memref<256x64xf32, #tpu.memory_space<vmem>> -> memref<1x64xf32, #tpu.memory_space<vmem>>
          %dma_start3A_259 = arith.constant 0 : i32
          %dma_start3A_260 = tpu.memref_slice %arg2[%squeeze3A_248, %dma_start3A_259] : memref<1000000x64xf32, #tpu.memory_space<hbm>> -> memref<1x64xf32, #tpu.memory_space<hbm>>
          tpu.enqueue_dma source(%dma_start3A_260 : memref<1x64xf32, #tpu.memory_space<hbm>>) target(%dma_start3A_258 : memref<1x64xf32, #tpu.memory_space<vmem>>) target_semaphore(%arg8 : memref<!tpu.dma_semaphore, #tpu.memory_space<semaphore_mem>>)
          %slice3A_261 = vector.extract_strided_slice %get3A_94 {offsets = [12], sizes = [1], strides = [1]} : vector<16xi32> to vector<1xi32>
          %squeeze3A_262 = vector.extract %slice3A_261[0] : i32 from vector<1xi32>
          %mul3A_263 = arith.constant 16 : i32
          %mul3A_264 = arith.muli %scan3A_86, %mul3A_263 : i32
          %add3A_265 = arith.constant 12 : i32
          %add3A_266 = arith.addi %mul3A_264, %add3A_265 : i32
          %dma_start3A_267 = arith.constant 0 : i32
          %dma_start3A_268 = tpu.memref_slice %arg6[%add3A_266, %dma_start3A_267] : memref<256x64xf32, #tpu.memory_space<vmem>> -> memref<1x64xf32, #tpu.memory_space<vmem>>
          %dma_start3A_269 = arith.constant 0 : i32
          %dma_start3A_270 = tpu.memref_slice %arg2[%squeeze3A_262, %dma_start3A_269] : memref<1000000x64xf32, #tpu.memory_space<hbm>> -> memref<1x64xf32, #tpu.memory_space<hbm>>
          %dma_start3A_271 = arith.constant 0 : i32
          %dma_start3A_272 = tpu.memref_slice %arg6[%add3A_266, %dma_start3A_271] : memref<256x64xf32, #tpu.memory_space<vmem>> -> memref<1x64xf32, #tpu.memory_space<vmem>>
          %dma_start3A_273 = arith.constant 0 : i32
          %dma_start3A_274 = tpu.memref_slice %arg2[%squeeze3A_262, %dma_start3A_273] : memref<1000000x64xf32, #tpu.memory_space<hbm>> -> memref<1x64xf32, #tpu.memory_space<hbm>>
          tpu.enqueue_dma source(%dma_start3A_274 : memref<1x64xf32, #tpu.memory_space<hbm>>) target(%dma_start3A_272 : memref<1x64xf32, #tpu.memory_space<vmem>>) target_semaphore(%arg8 : memref<!tpu.dma_semaphore, #tpu.memory_space<semaphore_mem>>)
          %slice3A_275 = vector.extract_strided_slice %get3A_94 {offsets = [13], sizes = [1], strides = [1]} : vector<16xi32> to vector<1xi32>
          %squeeze3A_276 = vector.extract %slice3A_275[0] : i32 from vector<1xi32>
          %mul3A_277 = arith.constant 16 : i32
          %mul3A_278 = arith.muli %scan3A_86, %mul3A_277 : i32
          %add3A_279 = arith.constant 13 : i32
          %add3A_280 = arith.addi %mul3A_278, %add3A_279 : i32
          %dma_start3A_281 = arith.constant 0 : i32
          %dma_start3A_282 = tpu.memref_slice %arg6[%add3A_280, %dma_start3A_281] : memref<256x64xf32, #tpu.memory_space<vmem>> -> memref<1x64xf32, #tpu.memory_space<vmem>>
          %dma_start3A_283 = arith.constant 0 : i32
          %dma_start3A_284 = tpu.memref_slice %arg2[%squeeze3A_276, %dma_start3A_283] : memref<1000000x64xf32, #tpu.memory_space<hbm>> -> memref<1x64xf32, #tpu.memory_space<hbm>>
          %dma_start3A_285 = arith.constant 0 : i32
          %dma_start3A_286 = tpu.memref_slice %arg6[%add3A_280, %dma_start3A_285] : memref<256x64xf32, #tpu.memory_space<vmem>> -> memref<1x64xf32, #tpu.memory_space<vmem>>
          %dma_start3A_287 = arith.constant 0 : i32
          %dma_start3A_288 = tpu.memref_slice %arg2[%squeeze3A_276, %dma_start3A_287] : memref<1000000x64xf32, #tpu.memory_space<hbm>> -> memref<1x64xf32, #tpu.memory_space<hbm>>
          tpu.enqueue_dma source(%dma_start3A_288 : memref<1x64xf32, #tpu.memory_space<hbm>>) target(%dma_start3A_286 : memref<1x64xf32, #tpu.memory_space<vmem>>) target_semaphore(%arg8 : memref<!tpu.dma_semaphore, #tpu.memory_space<semaphore_mem>>)
          %slice3A_289 = vector.extract_strided_slice %get3A_94 {offsets = [14], sizes = [1], strides = [1]} : vector<16xi32> to vector<1xi32>
          %squeeze3A_290 = vector.extract %slice3A_289[0] : i32 from vector<1xi32>
          %mul3A_291 = arith.constant 16 : i32
          %mul3A_292 = arith.muli %scan3A_86, %mul3A_291 : i32
          %add3A_293 = arith.constant 14 : i32
          %add3A_294 = arith.addi %mul3A_292, %add3A_293 : i32
          %dma_start3A_295 = arith.constant 0 : i32
          %dma_start3A_296 = tpu.memref_slice %arg6[%add3A_294, %dma_start3A_295] : memref<256x64xf32, #tpu.memory_space<vmem>> -> memref<1x64xf32, #tpu.memory_space<vmem>>
          %dma_start3A_297 = arith.constant 0 : i32
          %dma_start3A_298 = tpu.memref_slice %arg2[%squeeze3A_290, %dma_start3A_297] : memref<1000000x64xf32, #tpu.memory_space<hbm>> -> memref<1x64xf32, #tpu.memory_space<hbm>>
          %dma_start3A_299 = arith.constant 0 : i32
          %dma_start3A_300 = tpu.memref_slice %arg6[%add3A_294, %dma_start3A_299] : memref<256x64xf32, #tpu.memory_space<vmem>> -> memref<1x64xf32, #tpu.memory_space<vmem>>
          %dma_start3A_301 = arith.constant 0 : i32
          %dma_start3A_302 = tpu.memref_slice %arg2[%squeeze3A_290, %dma_start3A_301] : memref<1000000x64xf32, #tpu.memory_space<hbm>> -> memref<1x64xf32, #tpu.memory_space<hbm>>
          tpu.enqueue_dma source(%dma_start3A_302 : memref<1x64xf32, #tpu.memory_space<hbm>>) target(%dma_start3A_300 : memref<1x64xf32, #tpu.memory_space<vmem>>) target_semaphore(%arg8 : memref<!tpu.dma_semaphore, #tpu.memory_space<semaphore_mem>>)
          %slice3A_303 = vector.extract_strided_slice %get3A_94 {offsets = [15], sizes = [1], strides = [1]} : vector<16xi32> to vector<1xi32>
          %squeeze3A_304 = vector.extract %slice3A_303[0] : i32 from vector<1xi32>
          %mul3A_305 = arith.constant 16 : i32
          %mul3A_306 = arith.muli %scan3A_86, %mul3A_305 : i32
          %add3A_307 = arith.constant 15 : i32
          %add3A_308 = arith.addi %mul3A_306, %add3A_307 : i32
          %dma_start3A_309 = arith.constant 0 : i32
          %dma_start3A_310 = tpu.memref_slice %arg6[%add3A_308, %dma_start3A_309] : memref<256x64xf32, #tpu.memory_space<vmem>> -> memref<1x64xf32, #tpu.memory_space<vmem>>
          %dma_start3A_311 = arith.constant 0 : i32
          %dma_start3A_312 = tpu.memref_slice %arg2[%squeeze3A_304, %dma_start3A_311] : memref<1000000x64xf32, #tpu.memory_space<hbm>> -> memref<1x64xf32, #tpu.memory_space<hbm>>
          %dma_start3A_313 = arith.constant 0 : i32
          %dma_start3A_314 = tpu.memref_slice %arg6[%add3A_308, %dma_start3A_313] : memref<256x64xf32, #tpu.memory_space<vmem>> -> memref<1x64xf32, #tpu.memory_space<vmem>>
          %dma_start3A_315 = arith.constant 0 : i32
          %dma_start3A_316 = tpu.memref_slice %arg2[%squeeze3A_304, %dma_start3A_315] : memref<1000000x64xf32, #tpu.memory_space<hbm>> -> memref<1x64xf32, #tpu.memory_space<hbm>>
          tpu.enqueue_dma source(%dma_start3A_316 : memref<1x64xf32, #tpu.memory_space<hbm>>) target(%dma_start3A_314 : memref<1x64xf32, #tpu.memory_space<vmem>>) target_semaphore(%arg8 : memref<!tpu.dma_semaphore, #tpu.memory_space<semaphore_mem>>)
          %scan3A_317 = arith.constant 0 : i32
          scf.yield %scan3A_317 : i32
        }
        %scan3A_85 = arith.constant 16 : i32
      } else {
      }
      %dma_wait3A_63 = arith.constant 0 : i32
      %dma_wait3A_64 = arith.constant 0 : i32
      %dma_wait3A_65 = tpu.memref_slice %arg4[%dma_wait3A_63, %dma_wait3A_64] : memref<163840x64xf32, #tpu.memory_space<hbm>> -> memref<256x64xf32, #tpu.memory_space<hbm>>
      %dma_wait3A_66 = arith.constant 0 : i32
      %dma_wait3A_67 = arith.constant 0 : i32
      %dma_wait3A_68 = tpu.memref_slice %arg4[%dma_wait3A_66, %dma_wait3A_67] : memref<163840x64xf32, #tpu.memory_space<hbm>> -> memref<256x64xf32, #tpu.memory_space<hbm>>
      tpu.wait_dma2 semaphore(%arg11 : memref<!tpu.dma_semaphore, #tpu.memory_space<semaphore_mem>>) src(%arg7 : memref<256x64xf32, #tpu.memory_space<vmem>>) dst(%dma_wait3A_68 : memref<256x64xf32, #tpu.memory_space<hbm>>)
      %add3A_69 = arith.constant 3 : i32
      %add3A_70 = arith.addi %mul3A_26, %add3A_69 : i32
      %lt3A_71 = arith.constant 20 : i32
      %lt3A_72 = arith.cmpi slt, %add3A_70, %lt3A_71 : i32
      %convert_element_type3A_73 = arith.extui %lt3A_72 : i1 to i32
      %cond3A_74 = arith.constant 0 : i32
      %cond3A_75 = arith.cmpi ne, %convert_element_type3A_73, %cond3A_74 : i32
      scf.if %cond3A_75 {
        %add3A_77 = arith.constant 3 : i32
        %add3A_78 = arith.addi %mul3A_26, %add3A_77 : i32
        %scan3A_79 = arith.constant 0 : i32
        %scan3A_80 = arith.constant 0 : i32
        %scan3A_81 = arith.constant 16 : i32
        %scan3A_82 = arith.addi %scan3A_80, %scan3A_81 : i32
        %scan3A_83 = arith.constant 1 : i32
        %scan3A_84 = scf.for %scan3A_86 = %scan3A_80 to %scan3A_82 step %scan3A_83 iter_args(%scan3A_87 = %scan3A_79) -> (i32)  : i32 {
          %mul3A_88 = arith.constant 256 : i32
          %mul3A_89 = arith.muli %add3A_78, %mul3A_88 : i32
          %mul3A_90 = arith.constant 16 : i32
          %mul3A_91 = arith.muli %scan3A_86, %mul3A_90 : i32
          %add3A_92 = arith.addi %mul3A_89, %mul3A_91 : i32
          %get3A = arith.index_cast %add3A_92 : i32 to index
          %get3A_93 = tpu.vector_load %arg5[%get3A] {strides = array<i32>} : memref<5120xi32, #tpu.memory_space<vmem>>, vector<16xi32>,
          %get3A_94 = vector.shape_cast %get3A_93 : vector<16xi32> to vector<16xi32>
          %slice3A = vector.extract_strided_slice %get3A_94 {offsets = [0], sizes = [1], strides = [1]} : vector<16xi32> to vector<1xi32>
          %squeeze3A = vector.extract %slice3A[0] : i32 from vector<1xi32>
          %mul3A_95 = arith.constant 16 : i32
          %mul3A_96 = arith.muli %scan3A_86, %mul3A_95 : i32
          %add3A_97 = arith.constant 0 : i32
          %add3A_98 = arith.addi %mul3A_96, %add3A_97 : i32
          %dma_start3A_99 = arith.constant 0 : i32
          %dma_start3A_100 = tpu.memref_slice %arg7[%add3A_98, %dma_start3A_99] : memref<256x64xf32, #tpu.memory_space<vmem>> -> memref<1x64xf32, #tpu.memory_space<vmem>>
          %dma_start3A_101 = arith.constant 0 : i32
          %dma_start3A_102 = tpu.memref_slice %arg2[%squeeze3A, %dma_start3A_101] : memref<1000000x64xf32, #tpu.memory_space<hbm>> -> memref<1x64xf32, #tpu.memory_space<hbm>>
          %dma_start3A_103 = arith.constant 0 : i32
          %dma_start3A_104 = tpu.memref_slice %arg7[%add3A_98, %dma_start3A_103] : memref<256x64xf32, #tpu.memory_space<vmem>> -> memref<1x64xf32, #tpu.memory_space<vmem>>
          %dma_start3A_105 = arith.constant 0 : i32
          %dma_start3A_106 = tpu.memref_slice %arg2[%squeeze3A, %dma_start3A_105] : memref<1000000x64xf32, #tpu.memory_space<hbm>> -> memref<1x64xf32, #tpu.memory_space<hbm>>
          tpu.enqueue_dma source(%dma_start3A_106 : memref<1x64xf32, #tpu.memory_space<hbm>>) target(%dma_start3A_104 : memref<1x64xf32, #tpu.memory_space<vmem>>) target_semaphore(%arg9 : memref<!tpu.dma_semaphore, #tpu.memory_space<semaphore_mem>>)
          %slice3A_107 = vector.extract_strided_slice %get3A_94 {offsets = [1], sizes = [1], strides = [1]} : vector<16xi32> to vector<1xi32>
          %squeeze3A_108 = vector.extract %slice3A_107[0] : i32 from vector<1xi32>
          %mul3A_109 = arith.constant 16 : i32
          %mul3A_110 = arith.muli %scan3A_86, %mul3A_109 : i32
          %add3A_111 = arith.constant 1 : i32
          %add3A_112 = arith.addi %mul3A_110, %add3A_111 : i32
          %dma_start3A_113 = arith.constant 0 : i32
          %dma_start3A_114 = tpu.memref_slice %arg7[%add3A_112, %dma_start3A_113] : memref<256x64xf32, #tpu.memory_space<vmem>> -> memref<1x64xf32, #tpu.memory_space<vmem>>
          %dma_start3A_115 = arith.constant 0 : i32
          %dma_start3A_116 = tpu.memref_slice %arg2[%squeeze3A_108, %dma_start3A_115] : memref<1000000x64xf32, #tpu.memory_space<hbm>> -> memref<1x64xf32, #tpu.memory_space<hbm>>
          %dma_start3A_117 = arith.constant 0 : i32
          %dma_start3A_118 = tpu.memref_slice %arg7[%add3A_112, %dma_start3A_117] : memref<256x64xf32, #tpu.memory_space<vmem>> -> memref<1x64xf32, #tpu.memory_space<vmem>>
          %dma_start3A_119 = arith.constant 0 : i32
          %dma_start3A_120 = tpu.memref_slice %arg2[%squeeze3A_108, %dma_start3A_119] : memref<1000000x64xf32, #tpu.memory_space<hbm>> -> memref<1x64xf32, #tpu.memory_space<hbm>>
          tpu.enqueue_dma source(%dma_start3A_120 : memref<1x64xf32, #tpu.memory_space<hbm>>) target(%dma_start3A_118 : memref<1x64xf32, #tpu.memory_space<vmem>>) target_semaphore(%arg9 : memref<!tpu.dma_semaphore, #tpu.memory_space<semaphore_mem>>)
          %slice3A_121 = vector.extract_strided_slice %get3A_94 {offsets = [2], sizes = [1], strides = [1]} : vector<16xi32> to vector<1xi32>
          %squeeze3A_122 = vector.extract %slice3A_121[0] : i32 from vector<1xi32>
          %mul3A_123 = arith.constant 16 : i32
          %mul3A_124 = arith.muli %scan3A_86, %mul3A_123 : i32
          %add3A_125 = arith.constant 2 : i32
          %add3A_126 = arith.addi %mul3A_124, %add3A_125 : i32
          %dma_start3A_127 = arith.constant 0 : i32
          %dma_start3A_128 = tpu.memref_slice %arg7[%add3A_126, %dma_start3A_127] : memref<256x64xf32, #tpu.memory_space<vmem>> -> memref<1x64xf32, #tpu.memory_space<vmem>>
          %dma_start3A_129 = arith.constant 0 : i32
          %dma_start3A_130 = tpu.memref_slice %arg2[%squeeze3A_122, %dma_start3A_129] : memref<1000000x64xf32, #tpu.memory_space<hbm>> -> memref<1x64xf32, #tpu.memory_space<hbm>>
          %dma_start3A_131 = arith.constant 0 : i32
          %dma_start3A_132 = tpu.memref_slice %arg7[%add3A_126, %dma_start3A_131] : memref<256x64xf32, #tpu.memory_space<vmem>> -> memref<1x64xf32, #tpu.memory_space<vmem>>
          %dma_start3A_133 = arith.constant 0 : i32
          %dma_start3A_134 = tpu.memref_slice %arg2[%squeeze3A_122, %dma_start3A_133] : memref<1000000x64xf32, #tpu.memory_space<hbm>> -> memref<1x64xf32, #tpu.memory_space<hbm>>
          tpu.enqueue_dma source(%dma_start3A_134 : memref<1x64xf32, #tpu.memory_space<hbm>>) target(%dma_start3A_132 : memref<1x64xf32, #tpu.memory_space<vmem>>) target_semaphore(%arg9 : memref<!tpu.dma_semaphore, #tpu.memory_space<semaphore_mem>>)
          %slice3A_135 = vector.extract_strided_slice %get3A_94 {offsets = [3], sizes = [1], strides = [1]} : vector<16xi32> to vector<1xi32>
          %squeeze3A_136 = vector.extract %slice3A_135[0] : i32 from vector<1xi32>
          %mul3A_137 = arith.constant 16 : i32
          %mul3A_138 = arith.muli %scan3A_86, %mul3A_137 : i32
          %add3A_139 = arith.constant 3 : i32
          %add3A_140 = arith.addi %mul3A_138, %add3A_139 : i32
          %dma_start3A_141 = arith.constant 0 : i32
          %dma_start3A_142 = tpu.memref_slice %arg7[%add3A_140, %dma_start3A_141] : memref<256x64xf32, #tpu.memory_space<vmem>> -> memref<1x64xf32, #tpu.memory_space<vmem>>
          %dma_start3A_143 = arith.constant 0 : i32
          %dma_start3A_144 = tpu.memref_slice %arg2[%squeeze3A_136, %dma_start3A_143] : memref<1000000x64xf32, #tpu.memory_space<hbm>> -> memref<1x64xf32, #tpu.memory_space<hbm>>
          %dma_start3A_145 = arith.constant 0 : i32
          %dma_start3A_146 = tpu.memref_slice %arg7[%add3A_140, %dma_start3A_145] : memref<256x64xf32, #tpu.memory_space<vmem>> -> memref<1x64xf32, #tpu.memory_space<vmem>>
          %dma_start3A_147 = arith.constant 0 : i32
          %dma_start3A_148 = tpu.memref_slice %arg2[%squeeze3A_136, %dma_start3A_147] : memref<1000000x64xf32, #tpu.memory_space<hbm>> -> memref<1x64xf32, #tpu.memory_space<hbm>>
          tpu.enqueue_dma source(%dma_start3A_148 : memref<1x64xf32, #tpu.memory_space<hbm>>) target(%dma_start3A_146 : memref<1x64xf32, #tpu.memory_space<vmem>>) target_semaphore(%arg9 : memref<!tpu.dma_semaphore, #tpu.memory_space<semaphore_mem>>)
          %slice3A_149 = vector.extract_strided_slice %get3A_94 {offsets = [4], sizes = [1], strides = [1]} : vector<16xi32> to vector<1xi32>
          %squeeze3A_150 = vector.extract %slice3A_149[0] : i32 from vector<1xi32>
          %mul3A_151 = arith.constant 16 : i32
          %mul3A_152 = arith.muli %scan3A_86, %mul3A_151 : i32
          %add3A_153 = arith.constant 4 : i32
          %add3A_154 = arith.addi %mul3A_152, %add3A_153 : i32
          %dma_start3A_155 = arith.constant 0 : i32
          %dma_start3A_156 = tpu.memref_slice %arg7[%add3A_154, %dma_start3A_155] : memref<256x64xf32, #tpu.memory_space<vmem>> -> memref<1x64xf32, #tpu.memory_space<vmem>>
          %dma_start3A_157 = arith.constant 0 : i32
          %dma_start3A_158 = tpu.memref_slice %arg2[%squeeze3A_150, %dma_start3A_157] : memref<1000000x64xf32, #tpu.memory_space<hbm>> -> memref<1x64xf32, #tpu.memory_space<hbm>>
          %dma_start3A_159 = arith.constant 0 : i32
          %dma_start3A_160 = tpu.memref_slice %arg7[%add3A_154, %dma_start3A_159] : memref<256x64xf32, #tpu.memory_space<vmem>> -> memref<1x64xf32, #tpu.memory_space<vmem>>
          %dma_start3A_161 = arith.constant 0 : i32
          %dma_start3A_162 = tpu.memref_slice %arg2[%squeeze3A_150, %dma_start3A_161] : memref<1000000x64xf32, #tpu.memory_space<hbm>> -> memref<1x64xf32, #tpu.memory_space<hbm>>
          tpu.enqueue_dma source(%dma_start3A_162 : memref<1x64xf32, #tpu.memory_space<hbm>>) target(%dma_start3A_160 : memref<1x64xf32, #tpu.memory_space<vmem>>) target_semaphore(%arg9 : memref<!tpu.dma_semaphore, #tpu.memory_space<semaphore_mem>>)
          %slice3A_163 = vector.extract_strided_slice %get3A_94 {offsets = [5], sizes = [1], strides = [1]} : vector<16xi32> to vector<1xi32>
          %squeeze3A_164 = vector.extract %slice3A_163[0] : i32 from vector<1xi32>
          %mul3A_165 = arith.constant 16 : i32
          %mul3A_166 = arith.muli %scan3A_86, %mul3A_165 : i32
          %add3A_167 = arith.constant 5 : i32
          %add3A_168 = arith.addi %mul3A_166, %add3A_167 : i32
          %dma_start3A_169 = arith.constant 0 : i32
          %dma_start3A_170 = tpu.memref_slice %arg7[%add3A_168, %dma_start3A_169] : memref<256x64xf32, #tpu.memory_space<vmem>> -> memref<1x64xf32, #tpu.memory_space<vmem>>
          %dma_start3A_171 = arith.constant 0 : i32
          %dma_start3A_172 = tpu.memref_slice %arg2[%squeeze3A_164, %dma_start3A_171] : memref<1000000x64xf32, #tpu.memory_space<hbm>> -> memref<1x64xf32, #tpu.memory_space<hbm>>
          %dma_start3A_173 = arith.constant 0 : i32
          %dma_start3A_174 = tpu.memref_slice %arg7[%add3A_168, %dma_start3A_173] : memref<256x64xf32, #tpu.memory_space<vmem>> -> memref<1x64xf32, #tpu.memory_space<vmem>>
          %dma_start3A_175 = arith.constant 0 : i32
          %dma_start3A_176 = tpu.memref_slice %arg2[%squeeze3A_164, %dma_start3A_175] : memref<1000000x64xf32, #tpu.memory_space<hbm>> -> memref<1x64xf32, #tpu.memory_space<hbm>>
          tpu.enqueue_dma source(%dma_start3A_176 : memref<1x64xf32, #tpu.memory_space<hbm>>) target(%dma_start3A_174 : memref<1x64xf32, #tpu.memory_space<vmem>>) target_semaphore(%arg9 : memref<!tpu.dma_semaphore, #tpu.memory_space<semaphore_mem>>)
          %slice3A_177 = vector.extract_strided_slice %get3A_94 {offsets = [6], sizes = [1], strides = [1]} : vector<16xi32> to vector<1xi32>
          %squeeze3A_178 = vector.extract %slice3A_177[0] : i32 from vector<1xi32>
          %mul3A_179 = arith.constant 16 : i32
          %mul3A_180 = arith.muli %scan3A_86, %mul3A_179 : i32
          %add3A_181 = arith.constant 6 : i32
          %add3A_182 = arith.addi %mul3A_180, %add3A_181 : i32
          %dma_start3A_183 = arith.constant 0 : i32
          %dma_start3A_184 = tpu.memref_slice %arg7[%add3A_182, %dma_start3A_183] : memref<256x64xf32, #tpu.memory_space<vmem>> -> memref<1x64xf32, #tpu.memory_space<vmem>>
          %dma_start3A_185 = arith.constant 0 : i32
          %dma_start3A_186 = tpu.memref_slice %arg2[%squeeze3A_178, %dma_start3A_185] : memref<1000000x64xf32, #tpu.memory_space<hbm>> -> memref<1x64xf32, #tpu.memory_space<hbm>>
          %dma_start3A_187 = arith.constant 0 : i32
          %dma_start3A_188 = tpu.memref_slice %arg7[%add3A_182, %dma_start3A_187] : memref<256x64xf32, #tpu.memory_space<vmem>> -> memref<1x64xf32, #tpu.memory_space<vmem>>
          %dma_start3A_189 = arith.constant 0 : i32
          %dma_start3A_190 = tpu.memref_slice %arg2[%squeeze3A_178, %dma_start3A_189] : memref<1000000x64xf32, #tpu.memory_space<hbm>> -> memref<1x64xf32, #tpu.memory_space<hbm>>
          tpu.enqueue_dma source(%dma_start3A_190 : memref<1x64xf32, #tpu.memory_space<hbm>>) target(%dma_start3A_188 : memref<1x64xf32, #tpu.memory_space<vmem>>) target_semaphore(%arg9 : memref<!tpu.dma_semaphore, #tpu.memory_space<semaphore_mem>>)
          %slice3A_191 = vector.extract_strided_slice %get3A_94 {offsets = [7], sizes = [1], strides = [1]} : vector<16xi32> to vector<1xi32>
          %squeeze3A_192 = vector.extract %slice3A_191[0] : i32 from vector<1xi32>
          %mul3A_193 = arith.constant 16 : i32
          %mul3A_194 = arith.muli %scan3A_86, %mul3A_193 : i32
          %add3A_195 = arith.constant 7 : i32
          %add3A_196 = arith.addi %mul3A_194, %add3A_195 : i32
          %dma_start3A_197 = arith.constant 0 : i32
          %dma_start3A_198 = tpu.memref_slice %arg7[%add3A_196, %dma_start3A_197] : memref<256x64xf32, #tpu.memory_space<vmem>> -> memref<1x64xf32, #tpu.memory_space<vmem>>
          %dma_start3A_199 = arith.constant 0 : i32
          %dma_start3A_200 = tpu.memref_slice %arg2[%squeeze3A_192, %dma_start3A_199] : memref<1000000x64xf32, #tpu.memory_space<hbm>> -> memref<1x64xf32, #tpu.memory_space<hbm>>
          %dma_start3A_201 = arith.constant 0 : i32
          %dma_start3A_202 = tpu.memref_slice %arg7[%add3A_196, %dma_start3A_201] : memref<256x64xf32, #tpu.memory_space<vmem>> -> memref<1x64xf32, #tpu.memory_space<vmem>>
          %dma_start3A_203 = arith.constant 0 : i32
          %dma_start3A_204 = tpu.memref_slice %arg2[%squeeze3A_192, %dma_start3A_203] : memref<1000000x64xf32, #tpu.memory_space<hbm>> -> memref<1x64xf32, #tpu.memory_space<hbm>>
          tpu.enqueue_dma source(%dma_start3A_204 : memref<1x64xf32, #tpu.memory_space<hbm>>) target(%dma_start3A_202 : memref<1x64xf32, #tpu.memory_space<vmem>>) target_semaphore(%arg9 : memref<!tpu.dma_semaphore, #tpu.memory_space<semaphore_mem>>)
          %slice3A_205 = vector.extract_strided_slice %get3A_94 {offsets = [8], sizes = [1], strides = [1]} : vector<16xi32> to vector<1xi32>
          %squeeze3A_206 = vector.extract %slice3A_205[0] : i32 from vector<1xi32>
          %mul3A_207 = arith.constant 16 : i32
          %mul3A_208 = arith.muli %scan3A_86, %mul3A_207 : i32
          %add3A_209 = arith.constant 8 : i32
          %add3A_210 = arith.addi %mul3A_208, %add3A_209 : i32
          %dma_start3A_211 = arith.constant 0 : i32
          %dma_start3A_212 = tpu.memref_slice %arg7[%add3A_210, %dma_start3A_211] : memref<256x64xf32, #tpu.memory_space<vmem>> -> memref<1x64xf32, #tpu.memory_space<vmem>>
          %dma_start3A_213 = arith.constant 0 : i32
          %dma_start3A_214 = tpu.memref_slice %arg2[%squeeze3A_206, %dma_start3A_213] : memref<1000000x64xf32, #tpu.memory_space<hbm>> -> memref<1x64xf32, #tpu.memory_space<hbm>>
          %dma_start3A_215 = arith.constant 0 : i32
          %dma_start3A_216 = tpu.memref_slice %arg7[%add3A_210, %dma_start3A_215] : memref<256x64xf32, #tpu.memory_space<vmem>> -> memref<1x64xf32, #tpu.memory_space<vmem>>
          %dma_start3A_217 = arith.constant 0 : i32
          %dma_start3A_218 = tpu.memref_slice %arg2[%squeeze3A_206, %dma_start3A_217] : memref<1000000x64xf32, #tpu.memory_space<hbm>> -> memref<1x64xf32, #tpu.memory_space<hbm>>
          tpu.enqueue_dma source(%dma_start3A_218 : memref<1x64xf32, #tpu.memory_space<hbm>>) target(%dma_start3A_216 : memref<1x64xf32, #tpu.memory_space<vmem>>) target_semaphore(%arg9 : memref<!tpu.dma_semaphore, #tpu.memory_space<semaphore_mem>>)
          %slice3A_219 = vector.extract_strided_slice %get3A_94 {offsets = [9], sizes = [1], strides = [1]} : vector<16xi32> to vector<1xi32>
          %squeeze3A_220 = vector.extract %slice3A_219[0] : i32 from vector<1xi32>
          %mul3A_221 = arith.constant 16 : i32
          %mul3A_222 = arith.muli %scan3A_86, %mul3A_221 : i32
          %add3A_223 = arith.constant 9 : i32
          %add3A_224 = arith.addi %mul3A_222, %add3A_223 : i32
          %dma_start3A_225 = arith.constant 0 : i32
          %dma_start3A_226 = tpu.memref_slice %arg7[%add3A_224, %dma_start3A_225] : memref<256x64xf32, #tpu.memory_space<vmem>> -> memref<1x64xf32, #tpu.memory_space<vmem>>
          %dma_start3A_227 = arith.constant 0 : i32
          %dma_start3A_228 = tpu.memref_slice %arg2[%squeeze3A_220, %dma_start3A_227] : memref<1000000x64xf32, #tpu.memory_space<hbm>> -> memref<1x64xf32, #tpu.memory_space<hbm>>
          %dma_start3A_229 = arith.constant 0 : i32
          %dma_start3A_230 = tpu.memref_slice %arg7[%add3A_224, %dma_start3A_229] : memref<256x64xf32, #tpu.memory_space<vmem>> -> memref<1x64xf32, #tpu.memory_space<vmem>>
          %dma_start3A_231 = arith.constant 0 : i32
          %dma_start3A_232 = tpu.memref_slice %arg2[%squeeze3A_220, %dma_start3A_231] : memref<1000000x64xf32, #tpu.memory_space<hbm>> -> memref<1x64xf32, #tpu.memory_space<hbm>>
          tpu.enqueue_dma source(%dma_start3A_232 : memref<1x64xf32, #tpu.memory_space<hbm>>) target(%dma_start3A_230 : memref<1x64xf32, #tpu.memory_space<vmem>>) target_semaphore(%arg9 : memref<!tpu.dma_semaphore, #tpu.memory_space<semaphore_mem>>)
          %slice3A_233 = vector.extract_strided_slice %get3A_94 {offsets = [10], sizes = [1], strides = [1]} : vector<16xi32> to vector<1xi32>
          %squeeze3A_234 = vector.extract %slice3A_233[0] : i32 from vector<1xi32>
          %mul3A_235 = arith.constant 16 : i32
          %mul3A_236 = arith.muli %scan3A_86, %mul3A_235 : i32
          %add3A_237 = arith.constant 10 : i32
          %add3A_238 = arith.addi %mul3A_236, %add3A_237 : i32
          %dma_start3A_239 = arith.constant 0 : i32
          %dma_start3A_240 = tpu.memref_slice %arg7[%add3A_238, %dma_start3A_239] : memref<256x64xf32, #tpu.memory_space<vmem>> -> memref<1x64xf32, #tpu.memory_space<vmem>>
          %dma_start3A_241 = arith.constant 0 : i32
          %dma_start3A_242 = tpu.memref_slice %arg2[%squeeze3A_234, %dma_start3A_241] : memref<1000000x64xf32, #tpu.memory_space<hbm>> -> memref<1x64xf32, #tpu.memory_space<hbm>>
          %dma_start3A_243 = arith.constant 0 : i32
          %dma_start3A_244 = tpu.memref_slice %arg7[%add3A_238, %dma_start3A_243] : memref<256x64xf32, #tpu.memory_space<vmem>> -> memref<1x64xf32, #tpu.memory_space<vmem>>
          %dma_start3A_245 = arith.constant 0 : i32
          %dma_start3A_246 = tpu.memref_slice %arg2[%squeeze3A_234, %dma_start3A_245] : memref<1000000x64xf32, #tpu.memory_space<hbm>> -> memref<1x64xf32, #tpu.memory_space<hbm>>
          tpu.enqueue_dma source(%dma_start3A_246 : memref<1x64xf32, #tpu.memory_space<hbm>>) target(%dma_start3A_244 : memref<1x64xf32, #tpu.memory_space<vmem>>) target_semaphore(%arg9 : memref<!tpu.dma_semaphore, #tpu.memory_space<semaphore_mem>>)
          %slice3A_247 = vector.extract_strided_slice %get3A_94 {offsets = [11], sizes = [1], strides = [1]} : vector<16xi32> to vector<1xi32>
          %squeeze3A_248 = vector.extract %slice3A_247[0] : i32 from vector<1xi32>
          %mul3A_249 = arith.constant 16 : i32
          %mul3A_250 = arith.muli %scan3A_86, %mul3A_249 : i32
          %add3A_251 = arith.constant 11 : i32
          %add3A_252 = arith.addi %mul3A_250, %add3A_251 : i32
          %dma_start3A_253 = arith.constant 0 : i32
          %dma_start3A_254 = tpu.memref_slice %arg7[%add3A_252, %dma_start3A_253] : memref<256x64xf32, #tpu.memory_space<vmem>> -> memref<1x64xf32, #tpu.memory_space<vmem>>
          %dma_start3A_255 = arith.constant 0 : i32
          %dma_start3A_256 = tpu.memref_slice %arg2[%squeeze3A_248, %dma_start3A_255] : memref<1000000x64xf32, #tpu.memory_space<hbm>> -> memref<1x64xf32, #tpu.memory_space<hbm>>
          %dma_start3A_257 = arith.constant 0 : i32
          %dma_start3A_258 = tpu.memref_slice %arg7[%add3A_252, %dma_start3A_257] : memref<256x64xf32, #tpu.memory_space<vmem>> -> memref<1x64xf32, #tpu.memory_space<vmem>>
          %dma_start3A_259 = arith.constant 0 : i32
          %dma_start3A_260 = tpu.memref_slice %arg2[%squeeze3A_248, %dma_start3A_259] : memref<1000000x64xf32, #tpu.memory_space<hbm>> -> memref<1x64xf32, #tpu.memory_space<hbm>>
          tpu.enqueue_dma source(%dma_start3A_260 : memref<1x64xf32, #tpu.memory_space<hbm>>) target(%dma_start3A_258 : memref<1x64xf32, #tpu.memory_space<vmem>>) target_semaphore(%arg9 : memref<!tpu.dma_semaphore, #tpu.memory_space<semaphore_mem>>)
          %slice3A_261 = vector.extract_strided_slice %get3A_94 {offsets = [12], sizes = [1], strides = [1]} : vector<16xi32> to vector<1xi32>
          %squeeze3A_262 = vector.extract %slice3A_261[0] : i32 from vector<1xi32>
          %mul3A_263 = arith.constant 16 : i32
          %mul3A_264 = arith.muli %scan3A_86, %mul3A_263 : i32
          %add3A_265 = arith.constant 12 : i32
          %add3A_266 = arith.addi %mul3A_264, %add3A_265 : i32
          %dma_start3A_267 = arith.constant 0 : i32
          %dma_start3A_268 = tpu.memref_slice %arg7[%add3A_266, %dma_start3A_267] : memref<256x64xf32, #tpu.memory_space<vmem>> -> memref<1x64xf32, #tpu.memory_space<vmem>>
          %dma_start3A_269 = arith.constant 0 : i32
          %dma_start3A_270 = tpu.memref_slice %arg2[%squeeze3A_262, %dma_start3A_269] : memref<1000000x64xf32, #tpu.memory_space<hbm>> -> memref<1x64xf32, #tpu.memory_space<hbm>>
          %dma_start3A_271 = arith.constant 0 : i32
          %dma_start3A_272 = tpu.memref_slice %arg7[%add3A_266, %dma_start3A_271] : memref<256x64xf32, #tpu.memory_space<vmem>> -> memref<1x64xf32, #tpu.memory_space<vmem>>
          %dma_start3A_273 = arith.constant 0 : i32
          %dma_start3A_274 = tpu.memref_slice %arg2[%squeeze3A_262, %dma_start3A_273] : memref<1000000x64xf32, #tpu.memory_space<hbm>> -> memref<1x64xf32, #tpu.memory_space<hbm>>
          tpu.enqueue_dma source(%dma_start3A_274 : memref<1x64xf32, #tpu.memory_space<hbm>>) target(%dma_start3A_272 : memref<1x64xf32, #tpu.memory_space<vmem>>) target_semaphore(%arg9 : memref<!tpu.dma_semaphore, #tpu.memory_space<semaphore_mem>>)
          %slice3A_275 = vector.extract_strided_slice %get3A_94 {offsets = [13], sizes = [1], strides = [1]} : vector<16xi32> to vector<1xi32>
          %squeeze3A_276 = vector.extract %slice3A_275[0] : i32 from vector<1xi32>
          %mul3A_277 = arith.constant 16 : i32
          %mul3A_278 = arith.muli %scan3A_86, %mul3A_277 : i32
          %add3A_279 = arith.constant 13 : i32
          %add3A_280 = arith.addi %mul3A_278, %add3A_279 : i32
          %dma_start3A_281 = arith.constant 0 : i32
          %dma_start3A_282 = tpu.memref_slice %arg7[%add3A_280, %dma_start3A_281] : memref<256x64xf32, #tpu.memory_space<vmem>> -> memref<1x64xf32, #tpu.memory_space<vmem>>
          %dma_start3A_283 = arith.constant 0 : i32
          %dma_start3A_284 = tpu.memref_slice %arg2[%squeeze3A_276, %dma_start3A_283] : memref<1000000x64xf32, #tpu.memory_space<hbm>> -> memref<1x64xf32, #tpu.memory_space<hbm>>
          %dma_start3A_285 = arith.constant 0 : i32
          %dma_start3A_286 = tpu.memref_slice %arg7[%add3A_280, %dma_start3A_285] : memref<256x64xf32, #tpu.memory_space<vmem>> -> memref<1x64xf32, #tpu.memory_space<vmem>>
          %dma_start3A_287 = arith.constant 0 : i32
          %dma_start3A_288 = tpu.memref_slice %arg2[%squeeze3A_276, %dma_start3A_287] : memref<1000000x64xf32, #tpu.memory_space<hbm>> -> memref<1x64xf32, #tpu.memory_space<hbm>>
          tpu.enqueue_dma source(%dma_start3A_288 : memref<1x64xf32, #tpu.memory_space<hbm>>) target(%dma_start3A_286 : memref<1x64xf32, #tpu.memory_space<vmem>>) target_semaphore(%arg9 : memref<!tpu.dma_semaphore, #tpu.memory_space<semaphore_mem>>)
          %slice3A_289 = vector.extract_strided_slice %get3A_94 {offsets = [14], sizes = [1], strides = [1]} : vector<16xi32> to vector<1xi32>
          %squeeze3A_290 = vector.extract %slice3A_289[0] : i32 from vector<1xi32>
          %mul3A_291 = arith.constant 16 : i32
          %mul3A_292 = arith.muli %scan3A_86, %mul3A_291 : i32
          %add3A_293 = arith.constant 14 : i32
          %add3A_294 = arith.addi %mul3A_292, %add3A_293 : i32
          %dma_start3A_295 = arith.constant 0 : i32
          %dma_start3A_296 = tpu.memref_slice %arg7[%add3A_294, %dma_start3A_295] : memref<256x64xf32, #tpu.memory_space<vmem>> -> memref<1x64xf32, #tpu.memory_space<vmem>>
          %dma_start3A_297 = arith.constant 0 : i32
          %dma_start3A_298 = tpu.memref_slice %arg2[%squeeze3A_290, %dma_start3A_297] : memref<1000000x64xf32, #tpu.memory_space<hbm>> -> memref<1x64xf32, #tpu.memory_space<hbm>>
          %dma_start3A_299 = arith.constant 0 : i32
          %dma_start3A_300 = tpu.memref_slice %arg7[%add3A_294, %dma_start3A_299] : memref<256x64xf32, #tpu.memory_space<vmem>> -> memref<1x64xf32, #tpu.memory_space<vmem>>
          %dma_start3A_301 = arith.constant 0 : i32
          %dma_start3A_302 = tpu.memref_slice %arg2[%squeeze3A_290, %dma_start3A_301] : memref<1000000x64xf32, #tpu.memory_space<hbm>> -> memref<1x64xf32, #tpu.memory_space<hbm>>
          tpu.enqueue_dma source(%dma_start3A_302 : memref<1x64xf32, #tpu.memory_space<hbm>>) target(%dma_start3A_300 : memref<1x64xf32, #tpu.memory_space<vmem>>) target_semaphore(%arg9 : memref<!tpu.dma_semaphore, #tpu.memory_space<semaphore_mem>>)
          %slice3A_303 = vector.extract_strided_slice %get3A_94 {offsets = [15], sizes = [1], strides = [1]} : vector<16xi32> to vector<1xi32>
          %squeeze3A_304 = vector.extract %slice3A_303[0] : i32 from vector<1xi32>
          %mul3A_305 = arith.constant 16 : i32
          %mul3A_306 = arith.muli %scan3A_86, %mul3A_305 : i32
          %add3A_307 = arith.constant 15 : i32
          %add3A_308 = arith.addi %mul3A_306, %add3A_307 : i32
          %dma_start3A_309 = arith.constant 0 : i32
          %dma_start3A_310 = tpu.memref_slice %arg7[%add3A_308, %dma_start3A_309] : memref<256x64xf32, #tpu.memory_space<vmem>> -> memref<1x64xf32, #tpu.memory_space<vmem>>
          %dma_start3A_311 = arith.constant 0 : i32
          %dma_start3A_312 = tpu.memref_slice %arg2[%squeeze3A_304, %dma_start3A_311] : memref<1000000x64xf32, #tpu.memory_space<hbm>> -> memref<1x64xf32, #tpu.memory_space<hbm>>
          %dma_start3A_313 = arith.constant 0 : i32
          %dma_start3A_314 = tpu.memref_slice %arg7[%add3A_308, %dma_start3A_313] : memref<256x64xf32, #tpu.memory_space<vmem>> -> memref<1x64xf32, #tpu.memory_space<vmem>>
          %dma_start3A_315 = arith.constant 0 : i32
          %dma_start3A_316 = tpu.memref_slice %arg2[%squeeze3A_304, %dma_start3A_315] : memref<1000000x64xf32, #tpu.memory_space<hbm>> -> memref<1x64xf32, #tpu.memory_space<hbm>>
          tpu.enqueue_dma source(%dma_start3A_316 : memref<1x64xf32, #tpu.memory_space<hbm>>) target(%dma_start3A_314 : memref<1x64xf32, #tpu.memory_space<vmem>>) target_semaphore(%arg9 : memref<!tpu.dma_semaphore, #tpu.memory_space<semaphore_mem>>)
          %scan3A_317 = arith.constant 0 : i32
          scf.yield %scan3A_317 : i32
        }
        %scan3A_85 = arith.constant 16 : i32
      } else {
      }
      %scan3A_76 = arith.constant 0 : i32
      scf.yield %scan3A_76 : i32
    }
    %scan3A_22 = arith.constant 10 : i32
    return
  }
}

#map = affine_map<(d0, d1) -> (0, 0)>
#map1 = affine_map<(d0, d1) -> (0)>
module attributes {stable_mosaic.version = 14 : i64} {
  func.func @_gather_body(%arg0: i32, %arg1: i32, %arg2: memref<1000000x64xf32, #tpu.memory_space<hbm>>, %arg3: memref<163840xi32, #tpu.memory_space<hbm>>, %arg4: memref<163840x64xf32, #tpu.memory_space<hbm>>, %arg5: memref<5120xi32, #tpu.memory_space<vmem>>, %arg6: memref<256x64xf32, #tpu.memory_space<vmem>>, %arg7: memref<256x64xf32, #tpu.memory_space<vmem>>, %arg8: memref<!tpu.dma_semaphore, #tpu.memory_space<semaphore_mem>>, %arg9: memref<!tpu.dma_semaphore, #tpu.memory_space<semaphore_mem>>, %arg10: memref<!tpu.dma_semaphore, #tpu.memory_space<semaphore_mem>>, %arg11: memref<!tpu.dma_semaphore, #tpu.memory_space<semaphore_mem>>) attributes {dimension_semantics = [#tpu.dimension_semantics<core_parallel>, #tpu.dimension_semantics<subcore_parallel>], iteration_bounds = array<i64: 2, 16>, scalar_prefetch = 0 : i64, scratch_operands = 7 : i64, tpu.core_type = #tpu.core_type<sc_vector_subcore>, window_params = [{transform_indices = #map}, {transform_indices = #map1}, {transform_indices = #map}]} {
    %mul3A = arith.constant 2 : i32
    %mul3A_0 = arith.muli %arg1, %mul3A : i32
    %add3A = arith.addi %mul3A_0, %arg0 : i32
    %mul3A_1 = arith.constant 5120 : i32
    %mul3A_2 = arith.muli %add3A, %mul3A_1 : i32
    "tpu.region"() ({
      %run_scoped3A = tpu.sem_alloc : memref<!tpu.dma_semaphore, #tpu.memory_space<semaphore_mem>>
      %dma_start3A = tpu.memref_slice %arg3[%mul3A_2] : memref<163840xi32, #tpu.memory_space<hbm>> -> memref<5120xi32, #tpu.memory_space<hbm>>
      %dma_start3A_23 = tpu.memref_slice %arg3[%mul3A_2] : memref<163840xi32, #tpu.memory_space<hbm>> -> memref<5120xi32, #tpu.memory_space<hbm>>
      tpu.enqueue_dma source(%dma_start3A_23 : memref<5120xi32, #tpu.memory_space<hbm>>) target(%arg5 : memref<5120xi32, #tpu.memory_space<vmem>>) target_semaphore(%run_scoped3A : memref<!tpu.dma_semaphore, #tpu.memory_space<semaphore_mem>>)
      %dma_wait3A = tpu.memref_slice %arg3[%mul3A_2] : memref<163840xi32, #tpu.memory_space<hbm>> -> memref<5120xi32, #tpu.memory_space<hbm>>
      %dma_wait3A_24 = tpu.memref_slice %arg3[%mul3A_2] : memref<163840xi32, #tpu.memory_space<hbm>> -> memref<5120xi32, #tpu.memory_space<hbm>>
      tpu.wait_dma2 semaphore(%run_scoped3A : memref<!tpu.dma_semaphore, #tpu.memory_space<semaphore_mem>>) src(%dma_wait3A_24 : memref<5120xi32, #tpu.memory_space<hbm>>) dst(%arg5 : memref<5120xi32, #tpu.memory_space<vmem>>)
      tpu.yield
    }) : () -> ()
    %scan3A = arith.constant 0 : i32
    %scan3A_3 = arith.constant 0 : i32
    %scan3A_4 = arith.constant 16 : i32
    %scan3A_5 = arith.addi %scan3A_3, %scan3A_4 : i32
    %scan3A_6 = arith.constant 1 : i32
    %scan3A_7 = scf.for %scan3A_23 = %scan3A_3 to %scan3A_5 step %scan3A_6 iter_args(%scan3A_24 = %scan3A) -> (i32)  : i32 {
      %mul3A_25 = arith.constant 16 : i32
      %mul3A_26 = arith.muli %scan3A_23, %mul3A_25 : i32
      %add3A_27 = arith.constant 0 : i32
      %add3A_28 = arith.addi %add3A_27, %mul3A_26 : i32
      %get3A = arith.index_cast %add3A_28 : i32 to index
      %get3A_29 = tpu.vector_load %arg5[%get3A] {strides = array<i32>} : memref<5120xi32, #tpu.memory_space<vmem>>, vector<16xi32>,
      %get3A_30 = vector.shape_cast %get3A_29 : vector<16xi32> to vector<16xi32>
      %slice3A = vector.extract_strided_slice %get3A_30 {offsets = [0], sizes = [1], strides = [1]} : vector<16xi32> to vector<1xi32>
      %squeeze3A = vector.extract %slice3A[0] : i32 from vector<1xi32>
      %mul3A_31 = arith.constant 16 : i32
      %mul3A_32 = arith.muli %scan3A_23, %mul3A_31 : i32
      %add3A_33 = arith.constant 0 : i32
      %add3A_34 = arith.addi %mul3A_32, %add3A_33 : i32
      %dma_start3A = arith.constant 0 : i32
      %dma_start3A_35 = tpu.memref_slice %arg6[%add3A_34, %dma_start3A] : memref<256x64xf32, #tpu.memory_space<vmem>> -> memref<1x64xf32, #tpu.memory_space<vmem>>
      %dma_start3A_36 = arith.constant 0 : i32
      %dma_start3A_37 = tpu.memref_slice %arg2[%squeeze3A, %dma_start3A_36] : memref<1000000x64xf32, #tpu.memory_space<hbm>> -> memref<1x64xf32, #tpu.memory_space<hbm>>
      %dma_start3A_38 = arith.constant 0 : i32
      %dma_start3A_39 = tpu.memref_slice %arg6[%add3A_34, %dma_start3A_38] : memref<256x64xf32, #tpu.memory_space<vmem>> -> memref<1x64xf32, #tpu.memory_space<vmem>>
      %dma_start3A_40 = arith.constant 0 : i32
      %dma_start3A_41 = tpu.memref_slice %arg2[%squeeze3A, %dma_start3A_40] : memref<1000000x64xf32, #tpu.memory_space<hbm>> -> memref<1x64xf32, #tpu.memory_space<hbm>>
      tpu.enqueue_dma source(%dma_start3A_41 : memref<1x64xf32, #tpu.memory_space<hbm>>) target(%dma_start3A_39 : memref<1x64xf32, #tpu.memory_space<vmem>>) target_semaphore(%arg8 : memref<!tpu.dma_semaphore, #tpu.memory_space<semaphore_mem>>)
      %slice3A_42 = vector.extract_strided_slice %get3A_30 {offsets = [1], sizes = [1], strides = [1]} : vector<16xi32> to vector<1xi32>
      %squeeze3A_43 = vector.extract %slice3A_42[0] : i32 from vector<1xi32>
      %mul3A_44 = arith.constant 16 : i32
      %mul3A_45 = arith.muli %scan3A_23, %mul3A_44 : i32
      %add3A_46 = arith.constant 1 : i32
      %add3A_47 = arith.addi %mul3A_45, %add3A_46 : i32
      %dma_start3A_48 = arith.constant 0 : i32
      %dma_start3A_49 = tpu.memref_slice %arg6[%add3A_47, %dma_start3A_48] : memref<256x64xf32, #tpu.memory_space<vmem>> -> memref<1x64xf32, #tpu.memory_space<vmem>>
      %dma_start3A_50 = arith.constant 0 : i32
      %dma_start3A_51 = tpu.memref_slice %arg2[%squeeze3A_43, %dma_start3A_50] : memref<1000000x64xf32, #tpu.memory_space<hbm>> -> memref<1x64xf32, #tpu.memory_space<hbm>>
      %dma_start3A_52 = arith.constant 0 : i32
      %dma_start3A_53 = tpu.memref_slice %arg6[%add3A_47, %dma_start3A_52] : memref<256x64xf32, #tpu.memory_space<vmem>> -> memref<1x64xf32, #tpu.memory_space<vmem>>
      %dma_start3A_54 = arith.constant 0 : i32
      %dma_start3A_55 = tpu.memref_slice %arg2[%squeeze3A_43, %dma_start3A_54] : memref<1000000x64xf32, #tpu.memory_space<hbm>> -> memref<1x64xf32, #tpu.memory_space<hbm>>
      tpu.enqueue_dma source(%dma_start3A_55 : memref<1x64xf32, #tpu.memory_space<hbm>>) target(%dma_start3A_53 : memref<1x64xf32, #tpu.memory_space<vmem>>) target_semaphore(%arg8 : memref<!tpu.dma_semaphore, #tpu.memory_space<semaphore_mem>>)
      %slice3A_56 = vector.extract_strided_slice %get3A_30 {offsets = [2], sizes = [1], strides = [1]} : vector<16xi32> to vector<1xi32>
      %squeeze3A_57 = vector.extract %slice3A_56[0] : i32 from vector<1xi32>
      %mul3A_58 = arith.constant 16 : i32
      %mul3A_59 = arith.muli %scan3A_23, %mul3A_58 : i32
      %add3A_60 = arith.constant 2 : i32
      %add3A_61 = arith.addi %mul3A_59, %add3A_60 : i32
      %dma_start3A_62 = arith.constant 0 : i32
      %dma_start3A_63 = tpu.memref_slice %arg6[%add3A_61, %dma_start3A_62] : memref<256x64xf32, #tpu.memory_space<vmem>> -> memref<1x64xf32, #tpu.memory_space<vmem>>
      %dma_start3A_64 = arith.constant 0 : i32
      %dma_start3A_65 = tpu.memref_slice %arg2[%squeeze3A_57, %dma_start3A_64] : memref<1000000x64xf32, #tpu.memory_space<hbm>> -> memref<1x64xf32, #tpu.memory_space<hbm>>
      %dma_start3A_66 = arith.constant 0 : i32
      %dma_start3A_67 = tpu.memref_slice %arg6[%add3A_61, %dma_start3A_66] : memref<256x64xf32, #tpu.memory_space<vmem>> -> memref<1x64xf32, #tpu.memory_space<vmem>>
      %dma_start3A_68 = arith.constant 0 : i32
      %dma_start3A_69 = tpu.memref_slice %arg2[%squeeze3A_57, %dma_start3A_68] : memref<1000000x64xf32, #tpu.memory_space<hbm>> -> memref<1x64xf32, #tpu.memory_space<hbm>>
      tpu.enqueue_dma source(%dma_start3A_69 : memref<1x64xf32, #tpu.memory_space<hbm>>) target(%dma_start3A_67 : memref<1x64xf32, #tpu.memory_space<vmem>>) target_semaphore(%arg8 : memref<!tpu.dma_semaphore, #tpu.memory_space<semaphore_mem>>)
      %slice3A_70 = vector.extract_strided_slice %get3A_30 {offsets = [3], sizes = [1], strides = [1]} : vector<16xi32> to vector<1xi32>
      %squeeze3A_71 = vector.extract %slice3A_70[0] : i32 from vector<1xi32>
      %mul3A_72 = arith.constant 16 : i32
      %mul3A_73 = arith.muli %scan3A_23, %mul3A_72 : i32
      %add3A_74 = arith.constant 3 : i32
      %add3A_75 = arith.addi %mul3A_73, %add3A_74 : i32
      %dma_start3A_76 = arith.constant 0 : i32
      %dma_start3A_77 = tpu.memref_slice %arg6[%add3A_75, %dma_start3A_76] : memref<256x64xf32, #tpu.memory_space<vmem>> -> memref<1x64xf32, #tpu.memory_space<vmem>>
      %dma_start3A_78 = arith.constant 0 : i32
      %dma_start3A_79 = tpu.memref_slice %arg2[%squeeze3A_71, %dma_start3A_78] : memref<1000000x64xf32, #tpu.memory_space<hbm>> -> memref<1x64xf32, #tpu.memory_space<hbm>>
      %dma_start3A_80 = arith.constant 0 : i32
      %dma_start3A_81 = tpu.memref_slice %arg6[%add3A_75, %dma_start3A_80] : memref<256x64xf32, #tpu.memory_space<vmem>> -> memref<1x64xf32, #tpu.memory_space<vmem>>
      %dma_start3A_82 = arith.constant 0 : i32
      %dma_start3A_83 = tpu.memref_slice %arg2[%squeeze3A_71, %dma_start3A_82] : memref<1000000x64xf32, #tpu.memory_space<hbm>> -> memref<1x64xf32, #tpu.memory_space<hbm>>
      tpu.enqueue_dma source(%dma_start3A_83 : memref<1x64xf32, #tpu.memory_space<hbm>>) target(%dma_start3A_81 : memref<1x64xf32, #tpu.memory_space<vmem>>) target_semaphore(%arg8 : memref<!tpu.dma_semaphore, #tpu.memory_space<semaphore_mem>>)
      %slice3A_84 = vector.extract_strided_slice %get3A_30 {offsets = [4], sizes = [1], strides = [1]} : vector<16xi32> to vector<1xi32>
      %squeeze3A_85 = vector.extract %slice3A_84[0] : i32 from vector<1xi32>
      %mul3A_86 = arith.constant 16 : i32
      %mul3A_87 = arith.muli %scan3A_23, %mul3A_86 : i32
      %add3A_88 = arith.constant 4 : i32
      %add3A_89 = arith.addi %mul3A_87, %add3A_88 : i32
      %dma_start3A_90 = arith.constant 0 : i32
      %dma_start3A_91 = tpu.memref_slice %arg6[%add3A_89, %dma_start3A_90] : memref<256x64xf32, #tpu.memory_space<vmem>> -> memref<1x64xf32, #tpu.memory_space<vmem>>
      %dma_start3A_92 = arith.constant 0 : i32
      %dma_start3A_93 = tpu.memref_slice %arg2[%squeeze3A_85, %dma_start3A_92] : memref<1000000x64xf32, #tpu.memory_space<hbm>> -> memref<1x64xf32, #tpu.memory_space<hbm>>
      %dma_start3A_94 = arith.constant 0 : i32
      %dma_start3A_95 = tpu.memref_slice %arg6[%add3A_89, %dma_start3A_94] : memref<256x64xf32, #tpu.memory_space<vmem>> -> memref<1x64xf32, #tpu.memory_space<vmem>>
      %dma_start3A_96 = arith.constant 0 : i32
      %dma_start3A_97 = tpu.memref_slice %arg2[%squeeze3A_85, %dma_start3A_96] : memref<1000000x64xf32, #tpu.memory_space<hbm>> -> memref<1x64xf32, #tpu.memory_space<hbm>>
      tpu.enqueue_dma source(%dma_start3A_97 : memref<1x64xf32, #tpu.memory_space<hbm>>) target(%dma_start3A_95 : memref<1x64xf32, #tpu.memory_space<vmem>>) target_semaphore(%arg8 : memref<!tpu.dma_semaphore, #tpu.memory_space<semaphore_mem>>)
      %slice3A_98 = vector.extract_strided_slice %get3A_30 {offsets = [5], sizes = [1], strides = [1]} : vector<16xi32> to vector<1xi32>
      %squeeze3A_99 = vector.extract %slice3A_98[0] : i32 from vector<1xi32>
      %mul3A_100 = arith.constant 16 : i32
      %mul3A_101 = arith.muli %scan3A_23, %mul3A_100 : i32
      %add3A_102 = arith.constant 5 : i32
      %add3A_103 = arith.addi %mul3A_101, %add3A_102 : i32
      %dma_start3A_104 = arith.constant 0 : i32
      %dma_start3A_105 = tpu.memref_slice %arg6[%add3A_103, %dma_start3A_104] : memref<256x64xf32, #tpu.memory_space<vmem>> -> memref<1x64xf32, #tpu.memory_space<vmem>>
      %dma_start3A_106 = arith.constant 0 : i32
      %dma_start3A_107 = tpu.memref_slice %arg2[%squeeze3A_99, %dma_start3A_106] : memref<1000000x64xf32, #tpu.memory_space<hbm>> -> memref<1x64xf32, #tpu.memory_space<hbm>>
      %dma_start3A_108 = arith.constant 0 : i32
      %dma_start3A_109 = tpu.memref_slice %arg6[%add3A_103, %dma_start3A_108] : memref<256x64xf32, #tpu.memory_space<vmem>> -> memref<1x64xf32, #tpu.memory_space<vmem>>
      %dma_start3A_110 = arith.constant 0 : i32
      %dma_start3A_111 = tpu.memref_slice %arg2[%squeeze3A_99, %dma_start3A_110] : memref<1000000x64xf32, #tpu.memory_space<hbm>> -> memref<1x64xf32, #tpu.memory_space<hbm>>
      tpu.enqueue_dma source(%dma_start3A_111 : memref<1x64xf32, #tpu.memory_space<hbm>>) target(%dma_start3A_109 : memref<1x64xf32, #tpu.memory_space<vmem>>) target_semaphore(%arg8 : memref<!tpu.dma_semaphore, #tpu.memory_space<semaphore_mem>>)
      %slice3A_112 = vector.extract_strided_slice %get3A_30 {offsets = [6], sizes = [1], strides = [1]} : vector<16xi32> to vector<1xi32>
      %squeeze3A_113 = vector.extract %slice3A_112[0] : i32 from vector<1xi32>
      %mul3A_114 = arith.constant 16 : i32
      %mul3A_115 = arith.muli %scan3A_23, %mul3A_114 : i32
      %add3A_116 = arith.constant 6 : i32
      %add3A_117 = arith.addi %mul3A_115, %add3A_116 : i32
      %dma_start3A_118 = arith.constant 0 : i32
      %dma_start3A_119 = tpu.memref_slice %arg6[%add3A_117, %dma_start3A_118] : memref<256x64xf32, #tpu.memory_space<vmem>> -> memref<1x64xf32, #tpu.memory_space<vmem>>
      %dma_start3A_120 = arith.constant 0 : i32
      %dma_start3A_121 = tpu.memref_slice %arg2[%squeeze3A_113, %dma_start3A_120] : memref<1000000x64xf32, #tpu.memory_space<hbm>> -> memref<1x64xf32, #tpu.memory_space<hbm>>
      %dma_start3A_122 = arith.constant 0 : i32
      %dma_start3A_123 = tpu.memref_slice %arg6[%add3A_117, %dma_start3A_122] : memref<256x64xf32, #tpu.memory_space<vmem>> -> memref<1x64xf32, #tpu.memory_space<vmem>>
      %dma_start3A_124 = arith.constant 0 : i32
      %dma_start3A_125 = tpu.memref_slice %arg2[%squeeze3A_113, %dma_start3A_124] : memref<1000000x64xf32, #tpu.memory_space<hbm>> -> memref<1x64xf32, #tpu.memory_space<hbm>>
      tpu.enqueue_dma source(%dma_start3A_125 : memref<1x64xf32, #tpu.memory_space<hbm>>) target(%dma_start3A_123 : memref<1x64xf32, #tpu.memory_space<vmem>>) target_semaphore(%arg8 : memref<!tpu.dma_semaphore, #tpu.memory_space<semaphore_mem>>)
      %slice3A_126 = vector.extract_strided_slice %get3A_30 {offsets = [7], sizes = [1], strides = [1]} : vector<16xi32> to vector<1xi32>
      %squeeze3A_127 = vector.extract %slice3A_126[0] : i32 from vector<1xi32>
      %mul3A_128 = arith.constant 16 : i32
      %mul3A_129 = arith.muli %scan3A_23, %mul3A_128 : i32
      %add3A_130 = arith.constant 7 : i32
      %add3A_131 = arith.addi %mul3A_129, %add3A_130 : i32
      %dma_start3A_132 = arith.constant 0 : i32
      %dma_start3A_133 = tpu.memref_slice %arg6[%add3A_131, %dma_start3A_132] : memref<256x64xf32, #tpu.memory_space<vmem>> -> memref<1x64xf32, #tpu.memory_space<vmem>>
      %dma_start3A_134 = arith.constant 0 : i32
      %dma_start3A_135 = tpu.memref_slice %arg2[%squeeze3A_127, %dma_start3A_134] : memref<1000000x64xf32, #tpu.memory_space<hbm>> -> memref<1x64xf32, #tpu.memory_space<hbm>>
      %dma_start3A_136 = arith.constant 0 : i32
      %dma_start3A_137 = tpu.memref_slice %arg6[%add3A_131, %dma_start3A_136] : memref<256x64xf32, #tpu.memory_space<vmem>> -> memref<1x64xf32, #tpu.memory_space<vmem>>
      %dma_start3A_138 = arith.constant 0 : i32
      %dma_start3A_139 = tpu.memref_slice %arg2[%squeeze3A_127, %dma_start3A_138] : memref<1000000x64xf32, #tpu.memory_space<hbm>> -> memref<1x64xf32, #tpu.memory_space<hbm>>
      tpu.enqueue_dma source(%dma_start3A_139 : memref<1x64xf32, #tpu.memory_space<hbm>>) target(%dma_start3A_137 : memref<1x64xf32, #tpu.memory_space<vmem>>) target_semaphore(%arg8 : memref<!tpu.dma_semaphore, #tpu.memory_space<semaphore_mem>>)
      %slice3A_140 = vector.extract_strided_slice %get3A_30 {offsets = [8], sizes = [1], strides = [1]} : vector<16xi32> to vector<1xi32>
      %squeeze3A_141 = vector.extract %slice3A_140[0] : i32 from vector<1xi32>
      %mul3A_142 = arith.constant 16 : i32
      %mul3A_143 = arith.muli %scan3A_23, %mul3A_142 : i32
      %add3A_144 = arith.constant 8 : i32
      %add3A_145 = arith.addi %mul3A_143, %add3A_144 : i32
      %dma_start3A_146 = arith.constant 0 : i32
      %dma_start3A_147 = tpu.memref_slice %arg6[%add3A_145, %dma_start3A_146] : memref<256x64xf32, #tpu.memory_space<vmem>> -> memref<1x64xf32, #tpu.memory_space<vmem>>
      %dma_start3A_148 = arith.constant 0 : i32
      %dma_start3A_149 = tpu.memref_slice %arg2[%squeeze3A_141, %dma_start3A_148] : memref<1000000x64xf32, #tpu.memory_space<hbm>> -> memref<1x64xf32, #tpu.memory_space<hbm>>
      %dma_start3A_150 = arith.constant 0 : i32
      %dma_start3A_151 = tpu.memref_slice %arg6[%add3A_145, %dma_start3A_150] : memref<256x64xf32, #tpu.memory_space<vmem>> -> memref<1x64xf32, #tpu.memory_space<vmem>>
      %dma_start3A_152 = arith.constant 0 : i32
      %dma_start3A_153 = tpu.memref_slice %arg2[%squeeze3A_141, %dma_start3A_152] : memref<1000000x64xf32, #tpu.memory_space<hbm>> -> memref<1x64xf32, #tpu.memory_space<hbm>>
      tpu.enqueue_dma source(%dma_start3A_153 : memref<1x64xf32, #tpu.memory_space<hbm>>) target(%dma_start3A_151 : memref<1x64xf32, #tpu.memory_space<vmem>>) target_semaphore(%arg8 : memref<!tpu.dma_semaphore, #tpu.memory_space<semaphore_mem>>)
      %slice3A_154 = vector.extract_strided_slice %get3A_30 {offsets = [9], sizes = [1], strides = [1]} : vector<16xi32> to vector<1xi32>
      %squeeze3A_155 = vector.extract %slice3A_154[0] : i32 from vector<1xi32>
      %mul3A_156 = arith.constant 16 : i32
      %mul3A_157 = arith.muli %scan3A_23, %mul3A_156 : i32
      %add3A_158 = arith.constant 9 : i32
      %add3A_159 = arith.addi %mul3A_157, %add3A_158 : i32
      %dma_start3A_160 = arith.constant 0 : i32
      %dma_start3A_161 = tpu.memref_slice %arg6[%add3A_159, %dma_start3A_160] : memref<256x64xf32, #tpu.memory_space<vmem>> -> memref<1x64xf32, #tpu.memory_space<vmem>>
      %dma_start3A_162 = arith.constant 0 : i32
      %dma_start3A_163 = tpu.memref_slice %arg2[%squeeze3A_155, %dma_start3A_162] : memref<1000000x64xf32, #tpu.memory_space<hbm>> -> memref<1x64xf32, #tpu.memory_space<hbm>>
      %dma_start3A_164 = arith.constant 0 : i32
      %dma_start3A_165 = tpu.memref_slice %arg6[%add3A_159, %dma_start3A_164] : memref<256x64xf32, #tpu.memory_space<vmem>> -> memref<1x64xf32, #tpu.memory_space<vmem>>
      %dma_start3A_166 = arith.constant 0 : i32
      %dma_start3A_167 = tpu.memref_slice %arg2[%squeeze3A_155, %dma_start3A_166] : memref<1000000x64xf32, #tpu.memory_space<hbm>> -> memref<1x64xf32, #tpu.memory_space<hbm>>
      tpu.enqueue_dma source(%dma_start3A_167 : memref<1x64xf32, #tpu.memory_space<hbm>>) target(%dma_start3A_165 : memref<1x64xf32, #tpu.memory_space<vmem>>) target_semaphore(%arg8 : memref<!tpu.dma_semaphore, #tpu.memory_space<semaphore_mem>>)
      %slice3A_168 = vector.extract_strided_slice %get3A_30 {offsets = [10], sizes = [1], strides = [1]} : vector<16xi32> to vector<1xi32>
      %squeeze3A_169 = vector.extract %slice3A_168[0] : i32 from vector<1xi32>
      %mul3A_170 = arith.constant 16 : i32
      %mul3A_171 = arith.muli %scan3A_23, %mul3A_170 : i32
      %add3A_172 = arith.constant 10 : i32
      %add3A_173 = arith.addi %mul3A_171, %add3A_172 : i32
      %dma_start3A_174 = arith.constant 0 : i32
      %dma_start3A_175 = tpu.memref_slice %arg6[%add3A_173, %dma_start3A_174] : memref<256x64xf32, #tpu.memory_space<vmem>> -> memref<1x64xf32, #tpu.memory_space<vmem>>
      %dma_start3A_176 = arith.constant 0 : i32
      %dma_start3A_177 = tpu.memref_slice %arg2[%squeeze3A_169, %dma_start3A_176] : memref<1000000x64xf32, #tpu.memory_space<hbm>> -> memref<1x64xf32, #tpu.memory_space<hbm>>
      %dma_start3A_178 = arith.constant 0 : i32
      %dma_start3A_179 = tpu.memref_slice %arg6[%add3A_173, %dma_start3A_178] : memref<256x64xf32, #tpu.memory_space<vmem>> -> memref<1x64xf32, #tpu.memory_space<vmem>>
      %dma_start3A_180 = arith.constant 0 : i32
      %dma_start3A_181 = tpu.memref_slice %arg2[%squeeze3A_169, %dma_start3A_180] : memref<1000000x64xf32, #tpu.memory_space<hbm>> -> memref<1x64xf32, #tpu.memory_space<hbm>>
      tpu.enqueue_dma source(%dma_start3A_181 : memref<1x64xf32, #tpu.memory_space<hbm>>) target(%dma_start3A_179 : memref<1x64xf32, #tpu.memory_space<vmem>>) target_semaphore(%arg8 : memref<!tpu.dma_semaphore, #tpu.memory_space<semaphore_mem>>)
      %slice3A_182 = vector.extract_strided_slice %get3A_30 {offsets = [11], sizes = [1], strides = [1]} : vector<16xi32> to vector<1xi32>
      %squeeze3A_183 = vector.extract %slice3A_182[0] : i32 from vector<1xi32>
      %mul3A_184 = arith.constant 16 : i32
      %mul3A_185 = arith.muli %scan3A_23, %mul3A_184 : i32
      %add3A_186 = arith.constant 11 : i32
      %add3A_187 = arith.addi %mul3A_185, %add3A_186 : i32
      %dma_start3A_188 = arith.constant 0 : i32
      %dma_start3A_189 = tpu.memref_slice %arg6[%add3A_187, %dma_start3A_188] : memref<256x64xf32, #tpu.memory_space<vmem>> -> memref<1x64xf32, #tpu.memory_space<vmem>>
      %dma_start3A_190 = arith.constant 0 : i32
      %dma_start3A_191 = tpu.memref_slice %arg2[%squeeze3A_183, %dma_start3A_190] : memref<1000000x64xf32, #tpu.memory_space<hbm>> -> memref<1x64xf32, #tpu.memory_space<hbm>>
      %dma_start3A_192 = arith.constant 0 : i32
      %dma_start3A_193 = tpu.memref_slice %arg6[%add3A_187, %dma_start3A_192] : memref<256x64xf32, #tpu.memory_space<vmem>> -> memref<1x64xf32, #tpu.memory_space<vmem>>
      %dma_start3A_194 = arith.constant 0 : i32
      %dma_start3A_195 = tpu.memref_slice %arg2[%squeeze3A_183, %dma_start3A_194] : memref<1000000x64xf32, #tpu.memory_space<hbm>> -> memref<1x64xf32, #tpu.memory_space<hbm>>
      tpu.enqueue_dma source(%dma_start3A_195 : memref<1x64xf32, #tpu.memory_space<hbm>>) target(%dma_start3A_193 : memref<1x64xf32, #tpu.memory_space<vmem>>) target_semaphore(%arg8 : memref<!tpu.dma_semaphore, #tpu.memory_space<semaphore_mem>>)
      %slice3A_196 = vector.extract_strided_slice %get3A_30 {offsets = [12], sizes = [1], strides = [1]} : vector<16xi32> to vector<1xi32>
      %squeeze3A_197 = vector.extract %slice3A_196[0] : i32 from vector<1xi32>
      %mul3A_198 = arith.constant 16 : i32
      %mul3A_199 = arith.muli %scan3A_23, %mul3A_198 : i32
      %add3A_200 = arith.constant 12 : i32
      %add3A_201 = arith.addi %mul3A_199, %add3A_200 : i32
      %dma_start3A_202 = arith.constant 0 : i32
      %dma_start3A_203 = tpu.memref_slice %arg6[%add3A_201, %dma_start3A_202] : memref<256x64xf32, #tpu.memory_space<vmem>> -> memref<1x64xf32, #tpu.memory_space<vmem>>
      %dma_start3A_204 = arith.constant 0 : i32
      %dma_start3A_205 = tpu.memref_slice %arg2[%squeeze3A_197, %dma_start3A_204] : memref<1000000x64xf32, #tpu.memory_space<hbm>> -> memref<1x64xf32, #tpu.memory_space<hbm>>
      %dma_start3A_206 = arith.constant 0 : i32
      %dma_start3A_207 = tpu.memref_slice %arg6[%add3A_201, %dma_start3A_206] : memref<256x64xf32, #tpu.memory_space<vmem>> -> memref<1x64xf32, #tpu.memory_space<vmem>>
      %dma_start3A_208 = arith.constant 0 : i32
      %dma_start3A_209 = tpu.memref_slice %arg2[%squeeze3A_197, %dma_start3A_208] : memref<1000000x64xf32, #tpu.memory_space<hbm>> -> memref<1x64xf32, #tpu.memory_space<hbm>>
      tpu.enqueue_dma source(%dma_start3A_209 : memref<1x64xf32, #tpu.memory_space<hbm>>) target(%dma_start3A_207 : memref<1x64xf32, #tpu.memory_space<vmem>>) target_semaphore(%arg8 : memref<!tpu.dma_semaphore, #tpu.memory_space<semaphore_mem>>)
      %slice3A_210 = vector.extract_strided_slice %get3A_30 {offsets = [13], sizes = [1], strides = [1]} : vector<16xi32> to vector<1xi32>
      %squeeze3A_211 = vector.extract %slice3A_210[0] : i32 from vector<1xi32>
      %mul3A_212 = arith.constant 16 : i32
      %mul3A_213 = arith.muli %scan3A_23, %mul3A_212 : i32
      %add3A_214 = arith.constant 13 : i32
      %add3A_215 = arith.addi %mul3A_213, %add3A_214 : i32
      %dma_start3A_216 = arith.constant 0 : i32
      %dma_start3A_217 = tpu.memref_slice %arg6[%add3A_215, %dma_start3A_216] : memref<256x64xf32, #tpu.memory_space<vmem>> -> memref<1x64xf32, #tpu.memory_space<vmem>>
      %dma_start3A_218 = arith.constant 0 : i32
      %dma_start3A_219 = tpu.memref_slice %arg2[%squeeze3A_211, %dma_start3A_218] : memref<1000000x64xf32, #tpu.memory_space<hbm>> -> memref<1x64xf32, #tpu.memory_space<hbm>>
      %dma_start3A_220 = arith.constant 0 : i32
      %dma_start3A_221 = tpu.memref_slice %arg6[%add3A_215, %dma_start3A_220] : memref<256x64xf32, #tpu.memory_space<vmem>> -> memref<1x64xf32, #tpu.memory_space<vmem>>
      %dma_start3A_222 = arith.constant 0 : i32
      %dma_start3A_223 = tpu.memref_slice %arg2[%squeeze3A_211, %dma_start3A_222] : memref<1000000x64xf32, #tpu.memory_space<hbm>> -> memref<1x64xf32, #tpu.memory_space<hbm>>
      tpu.enqueue_dma source(%dma_start3A_223 : memref<1x64xf32, #tpu.memory_space<hbm>>) target(%dma_start3A_221 : memref<1x64xf32, #tpu.memory_space<vmem>>) target_semaphore(%arg8 : memref<!tpu.dma_semaphore, #tpu.memory_space<semaphore_mem>>)
      %slice3A_224 = vector.extract_strided_slice %get3A_30 {offsets = [14], sizes = [1], strides = [1]} : vector<16xi32> to vector<1xi32>
      %squeeze3A_225 = vector.extract %slice3A_224[0] : i32 from vector<1xi32>
      %mul3A_226 = arith.constant 16 : i32
      %mul3A_227 = arith.muli %scan3A_23, %mul3A_226 : i32
      %add3A_228 = arith.constant 14 : i32
      %add3A_229 = arith.addi %mul3A_227, %add3A_228 : i32
      %dma_start3A_230 = arith.constant 0 : i32
      %dma_start3A_231 = tpu.memref_slice %arg6[%add3A_229, %dma_start3A_230] : memref<256x64xf32, #tpu.memory_space<vmem>> -> memref<1x64xf32, #tpu.memory_space<vmem>>
      %dma_start3A_232 = arith.constant 0 : i32
      %dma_start3A_233 = tpu.memref_slice %arg2[%squeeze3A_225, %dma_start3A_232] : memref<1000000x64xf32, #tpu.memory_space<hbm>> -> memref<1x64xf32, #tpu.memory_space<hbm>>
      %dma_start3A_234 = arith.constant 0 : i32
      %dma_start3A_235 = tpu.memref_slice %arg6[%add3A_229, %dma_start3A_234] : memref<256x64xf32, #tpu.memory_space<vmem>> -> memref<1x64xf32, #tpu.memory_space<vmem>>
      %dma_start3A_236 = arith.constant 0 : i32
      %dma_start3A_237 = tpu.memref_slice %arg2[%squeeze3A_225, %dma_start3A_236] : memref<1000000x64xf32, #tpu.memory_space<hbm>> -> memref<1x64xf32, #tpu.memory_space<hbm>>
      tpu.enqueue_dma source(%dma_start3A_237 : memref<1x64xf32, #tpu.memory_space<hbm>>) target(%dma_start3A_235 : memref<1x64xf32, #tpu.memory_space<vmem>>) target_semaphore(%arg8 : memref<!tpu.dma_semaphore, #tpu.memory_space<semaphore_mem>>)
      %slice3A_238 = vector.extract_strided_slice %get3A_30 {offsets = [15], sizes = [1], strides = [1]} : vector<16xi32> to vector<1xi32>
      %squeeze3A_239 = vector.extract %slice3A_238[0] : i32 from vector<1xi32>
      %mul3A_240 = arith.constant 16 : i32
      %mul3A_241 = arith.muli %scan3A_23, %mul3A_240 : i32
      %add3A_242 = arith.constant 15 : i32
      %add3A_243 = arith.addi %mul3A_241, %add3A_242 : i32
      %dma_start3A_244 = arith.constant 0 : i32
      %dma_start3A_245 = tpu.memref_slice %arg6[%add3A_243, %dma_start3A_244] : memref<256x64xf32, #tpu.memory_space<vmem>> -> memref<1x64xf32, #tpu.memory_space<vmem>>
      %dma_start3A_246 = arith.constant 0 : i32
      %dma_start3A_247 = tpu.memref_slice %arg2[%squeeze3A_239, %dma_start3A_246] : memref<1000000x64xf32, #tpu.memory_space<hbm>> -> memref<1x64xf32, #tpu.memory_space<hbm>>
      %dma_start3A_248 = arith.constant 0 : i32
      %dma_start3A_249 = tpu.memref_slice %arg6[%add3A_243, %dma_start3A_248] : memref<256x64xf32, #tpu.memory_space<vmem>> -> memref<1x64xf32, #tpu.memory_space<vmem>>
      %dma_start3A_250 = arith.constant 0 : i32
      %dma_start3A_251 = tpu.memref_slice %arg2[%squeeze3A_239, %dma_start3A_250] : memref<1000000x64xf32, #tpu.memory_space<hbm>> -> memref<1x64xf32, #tpu.memory_space<hbm>>
      tpu.enqueue_dma source(%dma_start3A_251 : memref<1x64xf32, #tpu.memory_space<hbm>>) target(%dma_start3A_249 : memref<1x64xf32, #tpu.memory_space<vmem>>) target_semaphore(%arg8 : memref<!tpu.dma_semaphore, #tpu.memory_space<semaphore_mem>>)
      %scan3A_252 = arith.constant 0 : i32
      scf.yield %scan3A_252 : i32
    }
    %scan3A_8 = arith.constant 16 : i32
    %scan3A_9 = arith.constant 0 : i32
    %scan3A_10 = arith.constant 0 : i32
    %scan3A_11 = arith.constant 16 : i32
    %scan3A_12 = arith.addi %scan3A_10, %scan3A_11 : i32
    %scan3A_13 = arith.constant 1 : i32
    %scan3A_14 = scf.for %scan3A_23 = %scan3A_10 to %scan3A_12 step %scan3A_13 iter_args(%scan3A_24 = %scan3A_9) -> (i32)  : i32 {
      %mul3A_25 = arith.constant 16 : i32
      %mul3A_26 = arith.muli %scan3A_23, %mul3A_25 : i32
      %add3A_27 = arith.constant 256 : i32
      %add3A_28 = arith.addi %add3A_27, %mul3A_26 : i32
      %get3A = arith.index_cast %add3A_28 : i32 to index
      %get3A_29 = tpu.vector_load %arg5[%get3A] {strides = array<i32>} : memref<5120xi32, #tpu.memory_space<vmem>>, vector<16xi32>,
      %get3A_30 = vector.shape_cast %get3A_29 : vector<16xi32> to vector<16xi32>
      %slice3A = vector.extract_strided_slice %get3A_30 {offsets = [0], sizes = [1], strides = [1]} : vector<16xi32> to vector<1xi32>
      %squeeze3A = vector.extract %slice3A[0] : i32 from vector<1xi32>
      %mul3A_31 = arith.constant 16 : i32
      %mul3A_32 = arith.muli %scan3A_23, %mul3A_31 : i32
      %add3A_33 = arith.constant 0 : i32
      %add3A_34 = arith.addi %mul3A_32, %add3A_33 : i32
      %dma_start3A = arith.constant 0 : i32
      %dma_start3A_35 = tpu.memref_slice %arg7[%add3A_34, %dma_start3A] : memref<256x64xf32, #tpu.memory_space<vmem>> -> memref<1x64xf32, #tpu.memory_space<vmem>>
      %dma_start3A_36 = arith.constant 0 : i32
      %dma_start3A_37 = tpu.memref_slice %arg2[%squeeze3A, %dma_start3A_36] : memref<1000000x64xf32, #tpu.memory_space<hbm>> -> memref<1x64xf32, #tpu.memory_space<hbm>>
      %dma_start3A_38 = arith.constant 0 : i32
      %dma_start3A_39 = tpu.memref_slice %arg7[%add3A_34, %dma_start3A_38] : memref<256x64xf32, #tpu.memory_space<vmem>> -> memref<1x64xf32, #tpu.memory_space<vmem>>
      %dma_start3A_40 = arith.constant 0 : i32
      %dma_start3A_41 = tpu.memref_slice %arg2[%squeeze3A, %dma_start3A_40] : memref<1000000x64xf32, #tpu.memory_space<hbm>> -> memref<1x64xf32, #tpu.memory_space<hbm>>
      tpu.enqueue_dma source(%dma_start3A_41 : memref<1x64xf32, #tpu.memory_space<hbm>>) target(%dma_start3A_39 : memref<1x64xf32, #tpu.memory_space<vmem>>) target_semaphore(%arg9 : memref<!tpu.dma_semaphore, #tpu.memory_space<semaphore_mem>>)
      %slice3A_42 = vector.extract_strided_slice %get3A_30 {offsets = [1], sizes = [1], strides = [1]} : vector<16xi32> to vector<1xi32>
      %squeeze3A_43 = vector.extract %slice3A_42[0] : i32 from vector<1xi32>
      %mul3A_44 = arith.constant 16 : i32
      %mul3A_45 = arith.muli %scan3A_23, %mul3A_44 : i32
      %add3A_46 = arith.constant 1 : i32
      %add3A_47 = arith.addi %mul3A_45, %add3A_46 : i32
      %dma_start3A_48 = arith.constant 0 : i32
      %dma_start3A_49 = tpu.memref_slice %arg7[%add3A_47, %dma_start3A_48] : memref<256x64xf32, #tpu.memory_space<vmem>> -> memref<1x64xf32, #tpu.memory_space<vmem>>
      %dma_start3A_50 = arith.constant 0 : i32
      %dma_start3A_51 = tpu.memref_slice %arg2[%squeeze3A_43, %dma_start3A_50] : memref<1000000x64xf32, #tpu.memory_space<hbm>> -> memref<1x64xf32, #tpu.memory_space<hbm>>
      %dma_start3A_52 = arith.constant 0 : i32
      %dma_start3A_53 = tpu.memref_slice %arg7[%add3A_47, %dma_start3A_52] : memref<256x64xf32, #tpu.memory_space<vmem>> -> memref<1x64xf32, #tpu.memory_space<vmem>>
      %dma_start3A_54 = arith.constant 0 : i32
      %dma_start3A_55 = tpu.memref_slice %arg2[%squeeze3A_43, %dma_start3A_54] : memref<1000000x64xf32, #tpu.memory_space<hbm>> -> memref<1x64xf32, #tpu.memory_space<hbm>>
      tpu.enqueue_dma source(%dma_start3A_55 : memref<1x64xf32, #tpu.memory_space<hbm>>) target(%dma_start3A_53 : memref<1x64xf32, #tpu.memory_space<vmem>>) target_semaphore(%arg9 : memref<!tpu.dma_semaphore, #tpu.memory_space<semaphore_mem>>)
      %slice3A_56 = vector.extract_strided_slice %get3A_30 {offsets = [2], sizes = [1], strides = [1]} : vector<16xi32> to vector<1xi32>
      %squeeze3A_57 = vector.extract %slice3A_56[0] : i32 from vector<1xi32>
      %mul3A_58 = arith.constant 16 : i32
      %mul3A_59 = arith.muli %scan3A_23, %mul3A_58 : i32
      %add3A_60 = arith.constant 2 : i32
      %add3A_61 = arith.addi %mul3A_59, %add3A_60 : i32
      %dma_start3A_62 = arith.constant 0 : i32
      %dma_start3A_63 = tpu.memref_slice %arg7[%add3A_61, %dma_start3A_62] : memref<256x64xf32, #tpu.memory_space<vmem>> -> memref<1x64xf32, #tpu.memory_space<vmem>>
      %dma_start3A_64 = arith.constant 0 : i32
      %dma_start3A_65 = tpu.memref_slice %arg2[%squeeze3A_57, %dma_start3A_64] : memref<1000000x64xf32, #tpu.memory_space<hbm>> -> memref<1x64xf32, #tpu.memory_space<hbm>>
      %dma_start3A_66 = arith.constant 0 : i32
      %dma_start3A_67 = tpu.memref_slice %arg7[%add3A_61, %dma_start3A_66] : memref<256x64xf32, #tpu.memory_space<vmem>> -> memref<1x64xf32, #tpu.memory_space<vmem>>
      %dma_start3A_68 = arith.constant 0 : i32
      %dma_start3A_69 = tpu.memref_slice %arg2[%squeeze3A_57, %dma_start3A_68] : memref<1000000x64xf32, #tpu.memory_space<hbm>> -> memref<1x64xf32, #tpu.memory_space<hbm>>
      tpu.enqueue_dma source(%dma_start3A_69 : memref<1x64xf32, #tpu.memory_space<hbm>>) target(%dma_start3A_67 : memref<1x64xf32, #tpu.memory_space<vmem>>) target_semaphore(%arg9 : memref<!tpu.dma_semaphore, #tpu.memory_space<semaphore_mem>>)
      %slice3A_70 = vector.extract_strided_slice %get3A_30 {offsets = [3], sizes = [1], strides = [1]} : vector<16xi32> to vector<1xi32>
      %squeeze3A_71 = vector.extract %slice3A_70[0] : i32 from vector<1xi32>
      %mul3A_72 = arith.constant 16 : i32
      %mul3A_73 = arith.muli %scan3A_23, %mul3A_72 : i32
      %add3A_74 = arith.constant 3 : i32
      %add3A_75 = arith.addi %mul3A_73, %add3A_74 : i32
      %dma_start3A_76 = arith.constant 0 : i32
      %dma_start3A_77 = tpu.memref_slice %arg7[%add3A_75, %dma_start3A_76] : memref<256x64xf32, #tpu.memory_space<vmem>> -> memref<1x64xf32, #tpu.memory_space<vmem>>
      %dma_start3A_78 = arith.constant 0 : i32
      %dma_start3A_79 = tpu.memref_slice %arg2[%squeeze3A_71, %dma_start3A_78] : memref<1000000x64xf32, #tpu.memory_space<hbm>> -> memref<1x64xf32, #tpu.memory_space<hbm>>
      %dma_start3A_80 = arith.constant 0 : i32
      %dma_start3A_81 = tpu.memref_slice %arg7[%add3A_75, %dma_start3A_80] : memref<256x64xf32, #tpu.memory_space<vmem>> -> memref<1x64xf32, #tpu.memory_space<vmem>>
      %dma_start3A_82 = arith.constant 0 : i32
      %dma_start3A_83 = tpu.memref_slice %arg2[%squeeze3A_71, %dma_start3A_82] : memref<1000000x64xf32, #tpu.memory_space<hbm>> -> memref<1x64xf32, #tpu.memory_space<hbm>>
      tpu.enqueue_dma source(%dma_start3A_83 : memref<1x64xf32, #tpu.memory_space<hbm>>) target(%dma_start3A_81 : memref<1x64xf32, #tpu.memory_space<vmem>>) target_semaphore(%arg9 : memref<!tpu.dma_semaphore, #tpu.memory_space<semaphore_mem>>)
      %slice3A_84 = vector.extract_strided_slice %get3A_30 {offsets = [4], sizes = [1], strides = [1]} : vector<16xi32> to vector<1xi32>
      %squeeze3A_85 = vector.extract %slice3A_84[0] : i32 from vector<1xi32>
      %mul3A_86 = arith.constant 16 : i32
      %mul3A_87 = arith.muli %scan3A_23, %mul3A_86 : i32
      %add3A_88 = arith.constant 4 : i32
      %add3A_89 = arith.addi %mul3A_87, %add3A_88 : i32
      %dma_start3A_90 = arith.constant 0 : i32
      %dma_start3A_91 = tpu.memref_slice %arg7[%add3A_89, %dma_start3A_90] : memref<256x64xf32, #tpu.memory_space<vmem>> -> memref<1x64xf32, #tpu.memory_space<vmem>>
      %dma_start3A_92 = arith.constant 0 : i32
      %dma_start3A_93 = tpu.memref_slice %arg2[%squeeze3A_85, %dma_start3A_92] : memref<1000000x64xf32, #tpu.memory_space<hbm>> -> memref<1x64xf32, #tpu.memory_space<hbm>>
      %dma_start3A_94 = arith.constant 0 : i32
      %dma_start3A_95 = tpu.memref_slice %arg7[%add3A_89, %dma_start3A_94] : memref<256x64xf32, #tpu.memory_space<vmem>> -> memref<1x64xf32, #tpu.memory_space<vmem>>
      %dma_start3A_96 = arith.constant 0 : i32
      %dma_start3A_97 = tpu.memref_slice %arg2[%squeeze3A_85, %dma_start3A_96] : memref<1000000x64xf32, #tpu.memory_space<hbm>> -> memref<1x64xf32, #tpu.memory_space<hbm>>
      tpu.enqueue_dma source(%dma_start3A_97 : memref<1x64xf32, #tpu.memory_space<hbm>>) target(%dma_start3A_95 : memref<1x64xf32, #tpu.memory_space<vmem>>) target_semaphore(%arg9 : memref<!tpu.dma_semaphore, #tpu.memory_space<semaphore_mem>>)
      %slice3A_98 = vector.extract_strided_slice %get3A_30 {offsets = [5], sizes = [1], strides = [1]} : vector<16xi32> to vector<1xi32>
      %squeeze3A_99 = vector.extract %slice3A_98[0] : i32 from vector<1xi32>
      %mul3A_100 = arith.constant 16 : i32
      %mul3A_101 = arith.muli %scan3A_23, %mul3A_100 : i32
      %add3A_102 = arith.constant 5 : i32
      %add3A_103 = arith.addi %mul3A_101, %add3A_102 : i32
      %dma_start3A_104 = arith.constant 0 : i32
      %dma_start3A_105 = tpu.memref_slice %arg7[%add3A_103, %dma_start3A_104] : memref<256x64xf32, #tpu.memory_space<vmem>> -> memref<1x64xf32, #tpu.memory_space<vmem>>
      %dma_start3A_106 = arith.constant 0 : i32
      %dma_start3A_107 = tpu.memref_slice %arg2[%squeeze3A_99, %dma_start3A_106] : memref<1000000x64xf32, #tpu.memory_space<hbm>> -> memref<1x64xf32, #tpu.memory_space<hbm>>
      %dma_start3A_108 = arith.constant 0 : i32
      %dma_start3A_109 = tpu.memref_slice %arg7[%add3A_103, %dma_start3A_108] : memref<256x64xf32, #tpu.memory_space<vmem>> -> memref<1x64xf32, #tpu.memory_space<vmem>>
      %dma_start3A_110 = arith.constant 0 : i32
      %dma_start3A_111 = tpu.memref_slice %arg2[%squeeze3A_99, %dma_start3A_110] : memref<1000000x64xf32, #tpu.memory_space<hbm>> -> memref<1x64xf32, #tpu.memory_space<hbm>>
      tpu.enqueue_dma source(%dma_start3A_111 : memref<1x64xf32, #tpu.memory_space<hbm>>) target(%dma_start3A_109 : memref<1x64xf32, #tpu.memory_space<vmem>>) target_semaphore(%arg9 : memref<!tpu.dma_semaphore, #tpu.memory_space<semaphore_mem>>)
      %slice3A_112 = vector.extract_strided_slice %get3A_30 {offsets = [6], sizes = [1], strides = [1]} : vector<16xi32> to vector<1xi32>
      %squeeze3A_113 = vector.extract %slice3A_112[0] : i32 from vector<1xi32>
      %mul3A_114 = arith.constant 16 : i32
      %mul3A_115 = arith.muli %scan3A_23, %mul3A_114 : i32
      %add3A_116 = arith.constant 6 : i32
      %add3A_117 = arith.addi %mul3A_115, %add3A_116 : i32
      %dma_start3A_118 = arith.constant 0 : i32
      %dma_start3A_119 = tpu.memref_slice %arg7[%add3A_117, %dma_start3A_118] : memref<256x64xf32, #tpu.memory_space<vmem>> -> memref<1x64xf32, #tpu.memory_space<vmem>>
      %dma_start3A_120 = arith.constant 0 : i32
      %dma_start3A_121 = tpu.memref_slice %arg2[%squeeze3A_113, %dma_start3A_120] : memref<1000000x64xf32, #tpu.memory_space<hbm>> -> memref<1x64xf32, #tpu.memory_space<hbm>>
      %dma_start3A_122 = arith.constant 0 : i32
      %dma_start3A_123 = tpu.memref_slice %arg7[%add3A_117, %dma_start3A_122] : memref<256x64xf32, #tpu.memory_space<vmem>> -> memref<1x64xf32, #tpu.memory_space<vmem>>
      %dma_start3A_124 = arith.constant 0 : i32
      %dma_start3A_125 = tpu.memref_slice %arg2[%squeeze3A_113, %dma_start3A_124] : memref<1000000x64xf32, #tpu.memory_space<hbm>> -> memref<1x64xf32, #tpu.memory_space<hbm>>
      tpu.enqueue_dma source(%dma_start3A_125 : memref<1x64xf32, #tpu.memory_space<hbm>>) target(%dma_start3A_123 : memref<1x64xf32, #tpu.memory_space<vmem>>) target_semaphore(%arg9 : memref<!tpu.dma_semaphore, #tpu.memory_space<semaphore_mem>>)
      %slice3A_126 = vector.extract_strided_slice %get3A_30 {offsets = [7], sizes = [1], strides = [1]} : vector<16xi32> to vector<1xi32>
      %squeeze3A_127 = vector.extract %slice3A_126[0] : i32 from vector<1xi32>
      %mul3A_128 = arith.constant 16 : i32
      %mul3A_129 = arith.muli %scan3A_23, %mul3A_128 : i32
      %add3A_130 = arith.constant 7 : i32
      %add3A_131 = arith.addi %mul3A_129, %add3A_130 : i32
      %dma_start3A_132 = arith.constant 0 : i32
      %dma_start3A_133 = tpu.memref_slice %arg7[%add3A_131, %dma_start3A_132] : memref<256x64xf32, #tpu.memory_space<vmem>> -> memref<1x64xf32, #tpu.memory_space<vmem>>
      %dma_start3A_134 = arith.constant 0 : i32
      %dma_start3A_135 = tpu.memref_slice %arg2[%squeeze3A_127, %dma_start3A_134] : memref<1000000x64xf32, #tpu.memory_space<hbm>> -> memref<1x64xf32, #tpu.memory_space<hbm>>
      %dma_start3A_136 = arith.constant 0 : i32
      %dma_start3A_137 = tpu.memref_slice %arg7[%add3A_131, %dma_start3A_136] : memref<256x64xf32, #tpu.memory_space<vmem>> -> memref<1x64xf32, #tpu.memory_space<vmem>>
      %dma_start3A_138 = arith.constant 0 : i32
      %dma_start3A_139 = tpu.memref_slice %arg2[%squeeze3A_127, %dma_start3A_138] : memref<1000000x64xf32, #tpu.memory_space<hbm>> -> memref<1x64xf32, #tpu.memory_space<hbm>>
      tpu.enqueue_dma source(%dma_start3A_139 : memref<1x64xf32, #tpu.memory_space<hbm>>) target(%dma_start3A_137 : memref<1x64xf32, #tpu.memory_space<vmem>>) target_semaphore(%arg9 : memref<!tpu.dma_semaphore, #tpu.memory_space<semaphore_mem>>)
      %slice3A_140 = vector.extract_strided_slice %get3A_30 {offsets = [8], sizes = [1], strides = [1]} : vector<16xi32> to vector<1xi32>
      %squeeze3A_141 = vector.extract %slice3A_140[0] : i32 from vector<1xi32>
      %mul3A_142 = arith.constant 16 : i32
      %mul3A_143 = arith.muli %scan3A_23, %mul3A_142 : i32
      %add3A_144 = arith.constant 8 : i32
      %add3A_145 = arith.addi %mul3A_143, %add3A_144 : i32
      %dma_start3A_146 = arith.constant 0 : i32
      %dma_start3A_147 = tpu.memref_slice %arg7[%add3A_145, %dma_start3A_146] : memref<256x64xf32, #tpu.memory_space<vmem>> -> memref<1x64xf32, #tpu.memory_space<vmem>>
      %dma_start3A_148 = arith.constant 0 : i32
      %dma_start3A_149 = tpu.memref_slice %arg2[%squeeze3A_141, %dma_start3A_148] : memref<1000000x64xf32, #tpu.memory_space<hbm>> -> memref<1x64xf32, #tpu.memory_space<hbm>>
      %dma_start3A_150 = arith.constant 0 : i32
      %dma_start3A_151 = tpu.memref_slice %arg7[%add3A_145, %dma_start3A_150] : memref<256x64xf32, #tpu.memory_space<vmem>> -> memref<1x64xf32, #tpu.memory_space<vmem>>
      %dma_start3A_152 = arith.constant 0 : i32
      %dma_start3A_153 = tpu.memref_slice %arg2[%squeeze3A_141, %dma_start3A_152] : memref<1000000x64xf32, #tpu.memory_space<hbm>> -> memref<1x64xf32, #tpu.memory_space<hbm>>
      tpu.enqueue_dma source(%dma_start3A_153 : memref<1x64xf32, #tpu.memory_space<hbm>>) target(%dma_start3A_151 : memref<1x64xf32, #tpu.memory_space<vmem>>) target_semaphore(%arg9 : memref<!tpu.dma_semaphore, #tpu.memory_space<semaphore_mem>>)
      %slice3A_154 = vector.extract_strided_slice %get3A_30 {offsets = [9], sizes = [1], strides = [1]} : vector<16xi32> to vector<1xi32>
      %squeeze3A_155 = vector.extract %slice3A_154[0] : i32 from vector<1xi32>
      %mul3A_156 = arith.constant 16 : i32
      %mul3A_157 = arith.muli %scan3A_23, %mul3A_156 : i32
      %add3A_158 = arith.constant 9 : i32
      %add3A_159 = arith.addi %mul3A_157, %add3A_158 : i32
      %dma_start3A_160 = arith.constant 0 : i32
      %dma_start3A_161 = tpu.memref_slice %arg7[%add3A_159, %dma_start3A_160] : memref<256x64xf32, #tpu.memory_space<vmem>> -> memref<1x64xf32, #tpu.memory_space<vmem>>
      %dma_start3A_162 = arith.constant 0 : i32
      %dma_start3A_163 = tpu.memref_slice %arg2[%squeeze3A_155, %dma_start3A_162] : memref<1000000x64xf32, #tpu.memory_space<hbm>> -> memref<1x64xf32, #tpu.memory_space<hbm>>
      %dma_start3A_164 = arith.constant 0 : i32
      %dma_start3A_165 = tpu.memref_slice %arg7[%add3A_159, %dma_start3A_164] : memref<256x64xf32, #tpu.memory_space<vmem>> -> memref<1x64xf32, #tpu.memory_space<vmem>>
      %dma_start3A_166 = arith.constant 0 : i32
      %dma_start3A_167 = tpu.memref_slice %arg2[%squeeze3A_155, %dma_start3A_166] : memref<1000000x64xf32, #tpu.memory_space<hbm>> -> memref<1x64xf32, #tpu.memory_space<hbm>>
      tpu.enqueue_dma source(%dma_start3A_167 : memref<1x64xf32, #tpu.memory_space<hbm>>) target(%dma_start3A_165 : memref<1x64xf32, #tpu.memory_space<vmem>>) target_semaphore(%arg9 : memref<!tpu.dma_semaphore, #tpu.memory_space<semaphore_mem>>)
      %slice3A_168 = vector.extract_strided_slice %get3A_30 {offsets = [10], sizes = [1], strides = [1]} : vector<16xi32> to vector<1xi32>
      %squeeze3A_169 = vector.extract %slice3A_168[0] : i32 from vector<1xi32>
      %mul3A_170 = arith.constant 16 : i32
      %mul3A_171 = arith.muli %scan3A_23, %mul3A_170 : i32
      %add3A_172 = arith.constant 10 : i32
      %add3A_173 = arith.addi %mul3A_171, %add3A_172 : i32
      %dma_start3A_174 = arith.constant 0 : i32
      %dma_start3A_175 = tpu.memref_slice %arg7[%add3A_173, %dma_start3A_174] : memref<256x64xf32, #tpu.memory_space<vmem>> -> memref<1x64xf32, #tpu.memory_space<vmem>>
      %dma_start3A_176 = arith.constant 0 : i32
      %dma_start3A_177 = tpu.memref_slice %arg2[%squeeze3A_169, %dma_start3A_176] : memref<1000000x64xf32, #tpu.memory_space<hbm>> -> memref<1x64xf32, #tpu.memory_space<hbm>>
      %dma_start3A_178 = arith.constant 0 : i32
      %dma_start3A_179 = tpu.memref_slice %arg7[%add3A_173, %dma_start3A_178] : memref<256x64xf32, #tpu.memory_space<vmem>> -> memref<1x64xf32, #tpu.memory_space<vmem>>
      %dma_start3A_180 = arith.constant 0 : i32
      %dma_start3A_181 = tpu.memref_slice %arg2[%squeeze3A_169, %dma_start3A_180] : memref<1000000x64xf32, #tpu.memory_space<hbm>> -> memref<1x64xf32, #tpu.memory_space<hbm>>
      tpu.enqueue_dma source(%dma_start3A_181 : memref<1x64xf32, #tpu.memory_space<hbm>>) target(%dma_start3A_179 : memref<1x64xf32, #tpu.memory_space<vmem>>) target_semaphore(%arg9 : memref<!tpu.dma_semaphore, #tpu.memory_space<semaphore_mem>>)
      %slice3A_182 = vector.extract_strided_slice %get3A_30 {offsets = [11], sizes = [1], strides = [1]} : vector<16xi32> to vector<1xi32>
      %squeeze3A_183 = vector.extract %slice3A_182[0] : i32 from vector<1xi32>
      %mul3A_184 = arith.constant 16 : i32
      %mul3A_185 = arith.muli %scan3A_23, %mul3A_184 : i32
      %add3A_186 = arith.constant 11 : i32
      %add3A_187 = arith.addi %mul3A_185, %add3A_186 : i32
      %dma_start3A_188 = arith.constant 0 : i32
      %dma_start3A_189 = tpu.memref_slice %arg7[%add3A_187, %dma_start3A_188] : memref<256x64xf32, #tpu.memory_space<vmem>> -> memref<1x64xf32, #tpu.memory_space<vmem>>
      %dma_start3A_190 = arith.constant 0 : i32
      %dma_start3A_191 = tpu.memref_slice %arg2[%squeeze3A_183, %dma_start3A_190] : memref<1000000x64xf32, #tpu.memory_space<hbm>> -> memref<1x64xf32, #tpu.memory_space<hbm>>
      %dma_start3A_192 = arith.constant 0 : i32
      %dma_start3A_193 = tpu.memref_slice %arg7[%add3A_187, %dma_start3A_192] : memref<256x64xf32, #tpu.memory_space<vmem>> -> memref<1x64xf32, #tpu.memory_space<vmem>>
      %dma_start3A_194 = arith.constant 0 : i32
      %dma_start3A_195 = tpu.memref_slice %arg2[%squeeze3A_183, %dma_start3A_194] : memref<1000000x64xf32, #tpu.memory_space<hbm>> -> memref<1x64xf32, #tpu.memory_space<hbm>>
      tpu.enqueue_dma source(%dma_start3A_195 : memref<1x64xf32, #tpu.memory_space<hbm>>) target(%dma_start3A_193 : memref<1x64xf32, #tpu.memory_space<vmem>>) target_semaphore(%arg9 : memref<!tpu.dma_semaphore, #tpu.memory_space<semaphore_mem>>)
      %slice3A_196 = vector.extract_strided_slice %get3A_30 {offsets = [12], sizes = [1], strides = [1]} : vector<16xi32> to vector<1xi32>
      %squeeze3A_197 = vector.extract %slice3A_196[0] : i32 from vector<1xi32>
      %mul3A_198 = arith.constant 16 : i32
      %mul3A_199 = arith.muli %scan3A_23, %mul3A_198 : i32
      %add3A_200 = arith.constant 12 : i32
      %add3A_201 = arith.addi %mul3A_199, %add3A_200 : i32
      %dma_start3A_202 = arith.constant 0 : i32
      %dma_start3A_203 = tpu.memref_slice %arg7[%add3A_201, %dma_start3A_202] : memref<256x64xf32, #tpu.memory_space<vmem>> -> memref<1x64xf32, #tpu.memory_space<vmem>>
      %dma_start3A_204 = arith.constant 0 : i32
      %dma_start3A_205 = tpu.memref_slice %arg2[%squeeze3A_197, %dma_start3A_204] : memref<1000000x64xf32, #tpu.memory_space<hbm>> -> memref<1x64xf32, #tpu.memory_space<hbm>>
      %dma_start3A_206 = arith.constant 0 : i32
      %dma_start3A_207 = tpu.memref_slice %arg7[%add3A_201, %dma_start3A_206] : memref<256x64xf32, #tpu.memory_space<vmem>> -> memref<1x64xf32, #tpu.memory_space<vmem>>
      %dma_start3A_208 = arith.constant 0 : i32
      %dma_start3A_209 = tpu.memref_slice %arg2[%squeeze3A_197, %dma_start3A_208] : memref<1000000x64xf32, #tpu.memory_space<hbm>> -> memref<1x64xf32, #tpu.memory_space<hbm>>
      tpu.enqueue_dma source(%dma_start3A_209 : memref<1x64xf32, #tpu.memory_space<hbm>>) target(%dma_start3A_207 : memref<1x64xf32, #tpu.memory_space<vmem>>) target_semaphore(%arg9 : memref<!tpu.dma_semaphore, #tpu.memory_space<semaphore_mem>>)
      %slice3A_210 = vector.extract_strided_slice %get3A_30 {offsets = [13], sizes = [1], strides = [1]} : vector<16xi32> to vector<1xi32>
      %squeeze3A_211 = vector.extract %slice3A_210[0] : i32 from vector<1xi32>
      %mul3A_212 = arith.constant 16 : i32
      %mul3A_213 = arith.muli %scan3A_23, %mul3A_212 : i32
      %add3A_214 = arith.constant 13 : i32
      %add3A_215 = arith.addi %mul3A_213, %add3A_214 : i32
      %dma_start3A_216 = arith.constant 0 : i32
      %dma_start3A_217 = tpu.memref_slice %arg7[%add3A_215, %dma_start3A_216] : memref<256x64xf32, #tpu.memory_space<vmem>> -> memref<1x64xf32, #tpu.memory_space<vmem>>
      %dma_start3A_218 = arith.constant 0 : i32
      %dma_start3A_219 = tpu.memref_slice %arg2[%squeeze3A_211, %dma_start3A_218] : memref<1000000x64xf32, #tpu.memory_space<hbm>> -> memref<1x64xf32, #tpu.memory_space<hbm>>
      %dma_start3A_220 = arith.constant 0 : i32
      %dma_start3A_221 = tpu.memref_slice %arg7[%add3A_215, %dma_start3A_220] : memref<256x64xf32, #tpu.memory_space<vmem>> -> memref<1x64xf32, #tpu.memory_space<vmem>>
      %dma_start3A_222 = arith.constant 0 : i32
      %dma_start3A_223 = tpu.memref_slice %arg2[%squeeze3A_211, %dma_start3A_222] : memref<1000000x64xf32, #tpu.memory_space<hbm>> -> memref<1x64xf32, #tpu.memory_space<hbm>>
      tpu.enqueue_dma source(%dma_start3A_223 : memref<1x64xf32, #tpu.memory_space<hbm>>) target(%dma_start3A_221 : memref<1x64xf32, #tpu.memory_space<vmem>>) target_semaphore(%arg9 : memref<!tpu.dma_semaphore, #tpu.memory_space<semaphore_mem>>)
      %slice3A_224 = vector.extract_strided_slice %get3A_30 {offsets = [14], sizes = [1], strides = [1]} : vector<16xi32> to vector<1xi32>
      %squeeze3A_225 = vector.extract %slice3A_224[0] : i32 from vector<1xi32>
      %mul3A_226 = arith.constant 16 : i32
      %mul3A_227 = arith.muli %scan3A_23, %mul3A_226 : i32
      %add3A_228 = arith.constant 14 : i32
      %add3A_229 = arith.addi %mul3A_227, %add3A_228 : i32
      %dma_start3A_230 = arith.constant 0 : i32
      %dma_start3A_231 = tpu.memref_slice %arg7[%add3A_229, %dma_start3A_230] : memref<256x64xf32, #tpu.memory_space<vmem>> -> memref<1x64xf32, #tpu.memory_space<vmem>>
      %dma_start3A_232 = arith.constant 0 : i32
      %dma_start3A_233 = tpu.memref_slice %arg2[%squeeze3A_225, %dma_start3A_232] : memref<1000000x64xf32, #tpu.memory_space<hbm>> -> memref<1x64xf32, #tpu.memory_space<hbm>>
      %dma_start3A_234 = arith.constant 0 : i32
      %dma_start3A_235 = tpu.memref_slice %arg7[%add3A_229, %dma_start3A_234] : memref<256x64xf32, #tpu.memory_space<vmem>> -> memref<1x64xf32, #tpu.memory_space<vmem>>
      %dma_start3A_236 = arith.constant 0 : i32
      %dma_start3A_237 = tpu.memref_slice %arg2[%squeeze3A_225, %dma_start3A_236] : memref<1000000x64xf32, #tpu.memory_space<hbm>> -> memref<1x64xf32, #tpu.memory_space<hbm>>
      tpu.enqueue_dma source(%dma_start3A_237 : memref<1x64xf32, #tpu.memory_space<hbm>>) target(%dma_start3A_235 : memref<1x64xf32, #tpu.memory_space<vmem>>) target_semaphore(%arg9 : memref<!tpu.dma_semaphore, #tpu.memory_space<semaphore_mem>>)
      %slice3A_238 = vector.extract_strided_slice %get3A_30 {offsets = [15], sizes = [1], strides = [1]} : vector<16xi32> to vector<1xi32>
      %squeeze3A_239 = vector.extract %slice3A_238[0] : i32 from vector<1xi32>
      %mul3A_240 = arith.constant 16 : i32
      %mul3A_241 = arith.muli %scan3A_23, %mul3A_240 : i32
      %add3A_242 = arith.constant 15 : i32
      %add3A_243 = arith.addi %mul3A_241, %add3A_242 : i32
      %dma_start3A_244 = arith.constant 0 : i32
      %dma_start3A_245 = tpu.memref_slice %arg7[%add3A_243, %dma_start3A_244] : memref<256x64xf32, #tpu.memory_space<vmem>> -> memref<1x64xf32, #tpu.memory_space<vmem>>
      %dma_start3A_246 = arith.constant 0 : i32
      %dma_start3A_247 = tpu.memref_slice %arg2[%squeeze3A_239, %dma_start3A_246] : memref<1000000x64xf32, #tpu.memory_space<hbm>> -> memref<1x64xf32, #tpu.memory_space<hbm>>
      %dma_start3A_248 = arith.constant 0 : i32
      %dma_start3A_249 = tpu.memref_slice %arg7[%add3A_243, %dma_start3A_248] : memref<256x64xf32, #tpu.memory_space<vmem>> -> memref<1x64xf32, #tpu.memory_space<vmem>>
      %dma_start3A_250 = arith.constant 0 : i32
      %dma_start3A_251 = tpu.memref_slice %arg2[%squeeze3A_239, %dma_start3A_250] : memref<1000000x64xf32, #tpu.memory_space<hbm>> -> memref<1x64xf32, #tpu.memory_space<hbm>>
      tpu.enqueue_dma source(%dma_start3A_251 : memref<1x64xf32, #tpu.memory_space<hbm>>) target(%dma_start3A_249 : memref<1x64xf32, #tpu.memory_space<vmem>>) target_semaphore(%arg9 : memref<!tpu.dma_semaphore, #tpu.memory_space<semaphore_mem>>)
      %scan3A_252 = arith.constant 0 : i32
      scf.yield %scan3A_252 : i32
    }
    %scan3A_15 = arith.constant 16 : i32
    %scan3A_16 = arith.constant 0 : i32
    %scan3A_17 = arith.constant 0 : i32
    %scan3A_18 = arith.constant 10 : i32
    %scan3A_19 = arith.addi %scan3A_17, %scan3A_18 : i32
    %scan3A_20 = arith.constant 1 : i32
    %scan3A_21 = scf.for %scan3A_23 = %scan3A_17 to %scan3A_19 step %scan3A_20 iter_args(%scan3A_24 = %scan3A_16) -> (i32)  : i32 {
      %mul3A_25 = arith.constant 2 : i32
      %mul3A_26 = arith.muli %mul3A_25, %scan3A_23 : i32
      %dma_wait3A = arith.constant 0 : i32
      %dma_wait3A_27 = arith.constant 0 : i32
      %dma_wait3A_28 = tpu.memref_slice %arg4[%dma_wait3A, %dma_wait3A_27] : memref<163840x64xf32, #tpu.memory_space<hbm>> -> memref<256x64xf32, #tpu.memory_space<hbm>>
      %dma_wait3A_29 = arith.constant 0 : i32
      %dma_wait3A_30 = arith.constant 0 : i32
      %dma_wait3A_31 = tpu.memref_slice %arg4[%dma_wait3A_29, %dma_wait3A_30] : memref<163840x64xf32, #tpu.memory_space<hbm>> -> memref<256x64xf32, #tpu.memory_space<hbm>>
      tpu.wait_dma2 semaphore(%arg8 : memref<!tpu.dma_semaphore, #tpu.memory_space<semaphore_mem>>) src(%dma_wait3A_31 : memref<256x64xf32, #tpu.memory_space<hbm>>) dst(%arg6 : memref<256x64xf32, #tpu.memory_space<vmem>>)
      %mul3A_32 = arith.constant 256 : i32
      %mul3A_33 = arith.muli %mul3A_26, %mul3A_32 : i32
      %add3A_34 = arith.addi %mul3A_2, %mul3A_33 : i32
      %dma_start3A = arith.constant 0 : i32
      %dma_start3A_35 = tpu.memref_slice %arg4[%add3A_34, %dma_start3A] : memref<163840x64xf32, #tpu.memory_space<hbm>> -> memref<256x64xf32, #tpu.memory_space<hbm>>
      %dma_start3A_36 = arith.constant 0 : i32
      %dma_start3A_37 = tpu.memref_slice %arg4[%add3A_34, %dma_start3A_36] : memref<163840x64xf32, #tpu.memory_space<hbm>> -> memref<256x64xf32, #tpu.memory_space<hbm>>
      tpu.enqueue_dma source(%arg6 : memref<256x64xf32, #tpu.memory_space<vmem>>) target(%dma_start3A_37 : memref<256x64xf32, #tpu.memory_space<hbm>>) target_semaphore(%arg10 : memref<!tpu.dma_semaphore, #tpu.memory_space<semaphore_mem>>)
      %dma_wait3A_38 = arith.constant 0 : i32
      %dma_wait3A_39 = arith.constant 0 : i32
      %dma_wait3A_40 = tpu.memref_slice %arg4[%dma_wait3A_38, %dma_wait3A_39] : memref<163840x64xf32, #tpu.memory_space<hbm>> -> memref<256x64xf32, #tpu.memory_space<hbm>>
      %dma_wait3A_41 = arith.constant 0 : i32
      %dma_wait3A_42 = arith.constant 0 : i32
      %dma_wait3A_43 = tpu.memref_slice %arg4[%dma_wait3A_41, %dma_wait3A_42] : memref<163840x64xf32, #tpu.memory_space<hbm>> -> memref<256x64xf32, #tpu.memory_space<hbm>>
      tpu.wait_dma2 semaphore(%arg9 : memref<!tpu.dma_semaphore, #tpu.memory_space<semaphore_mem>>) src(%dma_wait3A_43 : memref<256x64xf32, #tpu.memory_space<hbm>>) dst(%arg7 : memref<256x64xf32, #tpu.memory_space<vmem>>)
      %add3A_44 = arith.constant 1 : i32
      %add3A_45 = arith.addi %mul3A_26, %add3A_44 : i32
      %mul3A_46 = arith.constant 256 : i32
      %mul3A_47 = arith.muli %add3A_45, %mul3A_46 : i32
      %add3A_48 = arith.addi %mul3A_2, %mul3A_47 : i32
      %dma_start3A_49 = arith.constant 0 : i32
      %dma_start3A_50 = tpu.memref_slice %arg4[%add3A_48, %dma_start3A_49] : memref<163840x64xf32, #tpu.memory_space<hbm>> -> memref<256x64xf32, #tpu.memory_space<hbm>>
      %dma_start3A_51 = arith.constant 0 : i32
      %dma_start3A_52 = tpu.memref_slice %arg4[%add3A_48, %dma_start3A_51] : memref<163840x64xf32, #tpu.memory_space<hbm>> -> memref<256x64xf32, #tpu.memory_space<hbm>>
      tpu.enqueue_dma source(%arg7 : memref<256x64xf32, #tpu.memory_space<vmem>>) target(%dma_start3A_52 : memref<256x64xf32, #tpu.memory_space<hbm>>) target_semaphore(%arg11 : memref<!tpu.dma_semaphore, #tpu.memory_space<semaphore_mem>>)
      %dma_wait3A_53 = arith.constant 0 : i32
      %dma_wait3A_54 = arith.constant 0 : i32
      %dma_wait3A_55 = tpu.memref_slice %arg4[%dma_wait3A_53, %dma_wait3A_54] : memref<163840x64xf32, #tpu.memory_space<hbm>> -> memref<256x64xf32, #tpu.memory_space<hbm>>
      %dma_wait3A_56 = arith.constant 0 : i32
      %dma_wait3A_57 = arith.constant 0 : i32
      %dma_wait3A_58 = tpu.memref_slice %arg4[%dma_wait3A_56, %dma_wait3A_57] : memref<163840x64xf32, #tpu.memory_space<hbm>> -> memref<256x64xf32, #tpu.memory_space<hbm>>
      tpu.wait_dma2 semaphore(%arg10 : memref<!tpu.dma_semaphore, #tpu.memory_space<semaphore_mem>>) src(%arg6 : memref<256x64xf32, #tpu.memory_space<vmem>>) dst(%dma_wait3A_58 : memref<256x64xf32, #tpu.memory_space<hbm>>)
      %add3A_59 = arith.constant 2 : i32
      %add3A_60 = arith.addi %mul3A_26, %add3A_59 : i32
      %lt3A = arith.constant 20 : i32
      %lt3A_61 = arith.cmpi slt, %add3A_60, %lt3A : i32
      %convert_element_type3A = arith.extui %lt3A_61 : i1 to i32
      %cond3A = arith.constant 0 : i32
      %cond3A_62 = arith.cmpi ne, %convert_element_type3A, %cond3A : i32
      scf.if %cond3A_62 {
        %add3A_77 = arith.constant 2 : i32
        %add3A_78 = arith.addi %mul3A_26, %add3A_77 : i32
        %scan3A_79 = arith.constant 0 : i32
        %scan3A_80 = arith.constant 0 : i32
        %scan3A_81 = arith.constant 16 : i32
        %scan3A_82 = arith.addi %scan3A_80, %scan3A_81 : i32
        %scan3A_83 = arith.constant 1 : i32
        %scan3A_84 = scf.for %scan3A_86 = %scan3A_80 to %scan3A_82 step %scan3A_83 iter_args(%scan3A_87 = %scan3A_79) -> (i32)  : i32 {
          %mul3A_88 = arith.constant 256 : i32
          %mul3A_89 = arith.muli %add3A_78, %mul3A_88 : i32
          %mul3A_90 = arith.constant 16 : i32
          %mul3A_91 = arith.muli %scan3A_86, %mul3A_90 : i32
          %add3A_92 = arith.addi %mul3A_89, %mul3A_91 : i32
          %get3A = arith.index_cast %add3A_92 : i32 to index
          %get3A_93 = tpu.vector_load %arg5[%get3A] {strides = array<i32>} : memref<5120xi32, #tpu.memory_space<vmem>>, vector<16xi32>,
          %get3A_94 = vector.shape_cast %get3A_93 : vector<16xi32> to vector<16xi32>
          %slice3A = vector.extract_strided_slice %get3A_94 {offsets = [0], sizes = [1], strides = [1]} : vector<16xi32> to vector<1xi32>
          %squeeze3A = vector.extract %slice3A[0] : i32 from vector<1xi32>
          %mul3A_95 = arith.constant 16 : i32
          %mul3A_96 = arith.muli %scan3A_86, %mul3A_95 : i32
          %add3A_97 = arith.constant 0 : i32
          %add3A_98 = arith.addi %mul3A_96, %add3A_97 : i32
          %dma_start3A_99 = arith.constant 0 : i32
          %dma_start3A_100 = tpu.memref_slice %arg6[%add3A_98, %dma_start3A_99] : memref<256x64xf32, #tpu.memory_space<vmem>> -> memref<1x64xf32, #tpu.memory_space<vmem>>
          %dma_start3A_101 = arith.constant 0 : i32
          %dma_start3A_102 = tpu.memref_slice %arg2[%squeeze3A, %dma_start3A_101] : memref<1000000x64xf32, #tpu.memory_space<hbm>> -> memref<1x64xf32, #tpu.memory_space<hbm>>
          %dma_start3A_103 = arith.constant 0 : i32
          %dma_start3A_104 = tpu.memref_slice %arg6[%add3A_98, %dma_start3A_103] : memref<256x64xf32, #tpu.memory_space<vmem>> -> memref<1x64xf32, #tpu.memory_space<vmem>>
          %dma_start3A_105 = arith.constant 0 : i32
          %dma_start3A_106 = tpu.memref_slice %arg2[%squeeze3A, %dma_start3A_105] : memref<1000000x64xf32, #tpu.memory_space<hbm>> -> memref<1x64xf32, #tpu.memory_space<hbm>>
          tpu.enqueue_dma source(%dma_start3A_106 : memref<1x64xf32, #tpu.memory_space<hbm>>) target(%dma_start3A_104 : memref<1x64xf32, #tpu.memory_space<vmem>>) target_semaphore(%arg8 : memref<!tpu.dma_semaphore, #tpu.memory_space<semaphore_mem>>)
          %slice3A_107 = vector.extract_strided_slice %get3A_94 {offsets = [1], sizes = [1], strides = [1]} : vector<16xi32> to vector<1xi32>
          %squeeze3A_108 = vector.extract %slice3A_107[0] : i32 from vector<1xi32>
          %mul3A_109 = arith.constant 16 : i32
          %mul3A_110 = arith.muli %scan3A_86, %mul3A_109 : i32
          %add3A_111 = arith.constant 1 : i32
          %add3A_112 = arith.addi %mul3A_110, %add3A_111 : i32
          %dma_start3A_113 = arith.constant 0 : i32
          %dma_start3A_114 = tpu.memref_slice %arg6[%add3A_112, %dma_start3A_113] : memref<256x64xf32, #tpu.memory_space<vmem>> -> memref<1x64xf32, #tpu.memory_space<vmem>>
          %dma_start3A_115 = arith.constant 0 : i32
          %dma_start3A_116 = tpu.memref_slice %arg2[%squeeze3A_108, %dma_start3A_115] : memref<1000000x64xf32, #tpu.memory_space<hbm>> -> memref<1x64xf32, #tpu.memory_space<hbm>>
          %dma_start3A_117 = arith.constant 0 : i32
          %dma_start3A_118 = tpu.memref_slice %arg6[%add3A_112, %dma_start3A_117] : memref<256x64xf32, #tpu.memory_space<vmem>> -> memref<1x64xf32, #tpu.memory_space<vmem>>
          %dma_start3A_119 = arith.constant 0 : i32
          %dma_start3A_120 = tpu.memref_slice %arg2[%squeeze3A_108, %dma_start3A_119] : memref<1000000x64xf32, #tpu.memory_space<hbm>> -> memref<1x64xf32, #tpu.memory_space<hbm>>
          tpu.enqueue_dma source(%dma_start3A_120 : memref<1x64xf32, #tpu.memory_space<hbm>>) target(%dma_start3A_118 : memref<1x64xf32, #tpu.memory_space<vmem>>) target_semaphore(%arg8 : memref<!tpu.dma_semaphore, #tpu.memory_space<semaphore_mem>>)
          %slice3A_121 = vector.extract_strided_slice %get3A_94 {offsets = [2], sizes = [1], strides = [1]} : vector<16xi32> to vector<1xi32>
          %squeeze3A_122 = vector.extract %slice3A_121[0] : i32 from vector<1xi32>
          %mul3A_123 = arith.constant 16 : i32
          %mul3A_124 = arith.muli %scan3A_86, %mul3A_123 : i32
          %add3A_125 = arith.constant 2 : i32
          %add3A_126 = arith.addi %mul3A_124, %add3A_125 : i32
          %dma_start3A_127 = arith.constant 0 : i32
          %dma_start3A_128 = tpu.memref_slice %arg6[%add3A_126, %dma_start3A_127] : memref<256x64xf32, #tpu.memory_space<vmem>> -> memref<1x64xf32, #tpu.memory_space<vmem>>
          %dma_start3A_129 = arith.constant 0 : i32
          %dma_start3A_130 = tpu.memref_slice %arg2[%squeeze3A_122, %dma_start3A_129] : memref<1000000x64xf32, #tpu.memory_space<hbm>> -> memref<1x64xf32, #tpu.memory_space<hbm>>
          %dma_start3A_131 = arith.constant 0 : i32
          %dma_start3A_132 = tpu.memref_slice %arg6[%add3A_126, %dma_start3A_131] : memref<256x64xf32, #tpu.memory_space<vmem>> -> memref<1x64xf32, #tpu.memory_space<vmem>>
          %dma_start3A_133 = arith.constant 0 : i32
          %dma_start3A_134 = tpu.memref_slice %arg2[%squeeze3A_122, %dma_start3A_133] : memref<1000000x64xf32, #tpu.memory_space<hbm>> -> memref<1x64xf32, #tpu.memory_space<hbm>>
          tpu.enqueue_dma source(%dma_start3A_134 : memref<1x64xf32, #tpu.memory_space<hbm>>) target(%dma_start3A_132 : memref<1x64xf32, #tpu.memory_space<vmem>>) target_semaphore(%arg8 : memref<!tpu.dma_semaphore, #tpu.memory_space<semaphore_mem>>)
          %slice3A_135 = vector.extract_strided_slice %get3A_94 {offsets = [3], sizes = [1], strides = [1]} : vector<16xi32> to vector<1xi32>
          %squeeze3A_136 = vector.extract %slice3A_135[0] : i32 from vector<1xi32>
          %mul3A_137 = arith.constant 16 : i32
          %mul3A_138 = arith.muli %scan3A_86, %mul3A_137 : i32
          %add3A_139 = arith.constant 3 : i32
          %add3A_140 = arith.addi %mul3A_138, %add3A_139 : i32
          %dma_start3A_141 = arith.constant 0 : i32
          %dma_start3A_142 = tpu.memref_slice %arg6[%add3A_140, %dma_start3A_141] : memref<256x64xf32, #tpu.memory_space<vmem>> -> memref<1x64xf32, #tpu.memory_space<vmem>>
          %dma_start3A_143 = arith.constant 0 : i32
          %dma_start3A_144 = tpu.memref_slice %arg2[%squeeze3A_136, %dma_start3A_143] : memref<1000000x64xf32, #tpu.memory_space<hbm>> -> memref<1x64xf32, #tpu.memory_space<hbm>>
          %dma_start3A_145 = arith.constant 0 : i32
          %dma_start3A_146 = tpu.memref_slice %arg6[%add3A_140, %dma_start3A_145] : memref<256x64xf32, #tpu.memory_space<vmem>> -> memref<1x64xf32, #tpu.memory_space<vmem>>
          %dma_start3A_147 = arith.constant 0 : i32
          %dma_start3A_148 = tpu.memref_slice %arg2[%squeeze3A_136, %dma_start3A_147] : memref<1000000x64xf32, #tpu.memory_space<hbm>> -> memref<1x64xf32, #tpu.memory_space<hbm>>
          tpu.enqueue_dma source(%dma_start3A_148 : memref<1x64xf32, #tpu.memory_space<hbm>>) target(%dma_start3A_146 : memref<1x64xf32, #tpu.memory_space<vmem>>) target_semaphore(%arg8 : memref<!tpu.dma_semaphore, #tpu.memory_space<semaphore_mem>>)
          %slice3A_149 = vector.extract_strided_slice %get3A_94 {offsets = [4], sizes = [1], strides = [1]} : vector<16xi32> to vector<1xi32>
          %squeeze3A_150 = vector.extract %slice3A_149[0] : i32 from vector<1xi32>
          %mul3A_151 = arith.constant 16 : i32
          %mul3A_152 = arith.muli %scan3A_86, %mul3A_151 : i32
          %add3A_153 = arith.constant 4 : i32
          %add3A_154 = arith.addi %mul3A_152, %add3A_153 : i32
          %dma_start3A_155 = arith.constant 0 : i32
          %dma_start3A_156 = tpu.memref_slice %arg6[%add3A_154, %dma_start3A_155] : memref<256x64xf32, #tpu.memory_space<vmem>> -> memref<1x64xf32, #tpu.memory_space<vmem>>
          %dma_start3A_157 = arith.constant 0 : i32
          %dma_start3A_158 = tpu.memref_slice %arg2[%squeeze3A_150, %dma_start3A_157] : memref<1000000x64xf32, #tpu.memory_space<hbm>> -> memref<1x64xf32, #tpu.memory_space<hbm>>
          %dma_start3A_159 = arith.constant 0 : i32
          %dma_start3A_160 = tpu.memref_slice %arg6[%add3A_154, %dma_start3A_159] : memref<256x64xf32, #tpu.memory_space<vmem>> -> memref<1x64xf32, #tpu.memory_space<vmem>>
          %dma_start3A_161 = arith.constant 0 : i32
          %dma_start3A_162 = tpu.memref_slice %arg2[%squeeze3A_150, %dma_start3A_161] : memref<1000000x64xf32, #tpu.memory_space<hbm>> -> memref<1x64xf32, #tpu.memory_space<hbm>>
          tpu.enqueue_dma source(%dma_start3A_162 : memref<1x64xf32, #tpu.memory_space<hbm>>) target(%dma_start3A_160 : memref<1x64xf32, #tpu.memory_space<vmem>>) target_semaphore(%arg8 : memref<!tpu.dma_semaphore, #tpu.memory_space<semaphore_mem>>)
          %slice3A_163 = vector.extract_strided_slice %get3A_94 {offsets = [5], sizes = [1], strides = [1]} : vector<16xi32> to vector<1xi32>
          %squeeze3A_164 = vector.extract %slice3A_163[0] : i32 from vector<1xi32>
          %mul3A_165 = arith.constant 16 : i32
          %mul3A_166 = arith.muli %scan3A_86, %mul3A_165 : i32
          %add3A_167 = arith.constant 5 : i32
          %add3A_168 = arith.addi %mul3A_166, %add3A_167 : i32
          %dma_start3A_169 = arith.constant 0 : i32
          %dma_start3A_170 = tpu.memref_slice %arg6[%add3A_168, %dma_start3A_169] : memref<256x64xf32, #tpu.memory_space<vmem>> -> memref<1x64xf32, #tpu.memory_space<vmem>>
          %dma_start3A_171 = arith.constant 0 : i32
          %dma_start3A_172 = tpu.memref_slice %arg2[%squeeze3A_164, %dma_start3A_171] : memref<1000000x64xf32, #tpu.memory_space<hbm>> -> memref<1x64xf32, #tpu.memory_space<hbm>>
          %dma_start3A_173 = arith.constant 0 : i32
          %dma_start3A_174 = tpu.memref_slice %arg6[%add3A_168, %dma_start3A_173] : memref<256x64xf32, #tpu.memory_space<vmem>> -> memref<1x64xf32, #tpu.memory_space<vmem>>
          %dma_start3A_175 = arith.constant 0 : i32
          %dma_start3A_176 = tpu.memref_slice %arg2[%squeeze3A_164, %dma_start3A_175] : memref<1000000x64xf32, #tpu.memory_space<hbm>> -> memref<1x64xf32, #tpu.memory_space<hbm>>
          tpu.enqueue_dma source(%dma_start3A_176 : memref<1x64xf32, #tpu.memory_space<hbm>>) target(%dma_start3A_174 : memref<1x64xf32, #tpu.memory_space<vmem>>) target_semaphore(%arg8 : memref<!tpu.dma_semaphore, #tpu.memory_space<semaphore_mem>>)
          %slice3A_177 = vector.extract_strided_slice %get3A_94 {offsets = [6], sizes = [1], strides = [1]} : vector<16xi32> to vector<1xi32>
          %squeeze3A_178 = vector.extract %slice3A_177[0] : i32 from vector<1xi32>
          %mul3A_179 = arith.constant 16 : i32
          %mul3A_180 = arith.muli %scan3A_86, %mul3A_179 : i32
          %add3A_181 = arith.constant 6 : i32
          %add3A_182 = arith.addi %mul3A_180, %add3A_181 : i32
          %dma_start3A_183 = arith.constant 0 : i32
          %dma_start3A_184 = tpu.memref_slice %arg6[%add3A_182, %dma_start3A_183] : memref<256x64xf32, #tpu.memory_space<vmem>> -> memref<1x64xf32, #tpu.memory_space<vmem>>
          %dma_start3A_185 = arith.constant 0 : i32
          %dma_start3A_186 = tpu.memref_slice %arg2[%squeeze3A_178, %dma_start3A_185] : memref<1000000x64xf32, #tpu.memory_space<hbm>> -> memref<1x64xf32, #tpu.memory_space<hbm>>
          %dma_start3A_187 = arith.constant 0 : i32
          %dma_start3A_188 = tpu.memref_slice %arg6[%add3A_182, %dma_start3A_187] : memref<256x64xf32, #tpu.memory_space<vmem>> -> memref<1x64xf32, #tpu.memory_space<vmem>>
          %dma_start3A_189 = arith.constant 0 : i32
          %dma_start3A_190 = tpu.memref_slice %arg2[%squeeze3A_178, %dma_start3A_189] : memref<1000000x64xf32, #tpu.memory_space<hbm>> -> memref<1x64xf32, #tpu.memory_space<hbm>>
          tpu.enqueue_dma source(%dma_start3A_190 : memref<1x64xf32, #tpu.memory_space<hbm>>) target(%dma_start3A_188 : memref<1x64xf32, #tpu.memory_space<vmem>>) target_semaphore(%arg8 : memref<!tpu.dma_semaphore, #tpu.memory_space<semaphore_mem>>)
          %slice3A_191 = vector.extract_strided_slice %get3A_94 {offsets = [7], sizes = [1], strides = [1]} : vector<16xi32> to vector<1xi32>
          %squeeze3A_192 = vector.extract %slice3A_191[0] : i32 from vector<1xi32>
          %mul3A_193 = arith.constant 16 : i32
          %mul3A_194 = arith.muli %scan3A_86, %mul3A_193 : i32
          %add3A_195 = arith.constant 7 : i32
          %add3A_196 = arith.addi %mul3A_194, %add3A_195 : i32
          %dma_start3A_197 = arith.constant 0 : i32
          %dma_start3A_198 = tpu.memref_slice %arg6[%add3A_196, %dma_start3A_197] : memref<256x64xf32, #tpu.memory_space<vmem>> -> memref<1x64xf32, #tpu.memory_space<vmem>>
          %dma_start3A_199 = arith.constant 0 : i32
          %dma_start3A_200 = tpu.memref_slice %arg2[%squeeze3A_192, %dma_start3A_199] : memref<1000000x64xf32, #tpu.memory_space<hbm>> -> memref<1x64xf32, #tpu.memory_space<hbm>>
          %dma_start3A_201 = arith.constant 0 : i32
          %dma_start3A_202 = tpu.memref_slice %arg6[%add3A_196, %dma_start3A_201] : memref<256x64xf32, #tpu.memory_space<vmem>> -> memref<1x64xf32, #tpu.memory_space<vmem>>
          %dma_start3A_203 = arith.constant 0 : i32
          %dma_start3A_204 = tpu.memref_slice %arg2[%squeeze3A_192, %dma_start3A_203] : memref<1000000x64xf32, #tpu.memory_space<hbm>> -> memref<1x64xf32, #tpu.memory_space<hbm>>
          tpu.enqueue_dma source(%dma_start3A_204 : memref<1x64xf32, #tpu.memory_space<hbm>>) target(%dma_start3A_202 : memref<1x64xf32, #tpu.memory_space<vmem>>) target_semaphore(%arg8 : memref<!tpu.dma_semaphore, #tpu.memory_space<semaphore_mem>>)
          %slice3A_205 = vector.extract_strided_slice %get3A_94 {offsets = [8], sizes = [1], strides = [1]} : vector<16xi32> to vector<1xi32>
          %squeeze3A_206 = vector.extract %slice3A_205[0] : i32 from vector<1xi32>
          %mul3A_207 = arith.constant 16 : i32
          %mul3A_208 = arith.muli %scan3A_86, %mul3A_207 : i32
          %add3A_209 = arith.constant 8 : i32
          %add3A_210 = arith.addi %mul3A_208, %add3A_209 : i32
          %dma_start3A_211 = arith.constant 0 : i32
          %dma_start3A_212 = tpu.memref_slice %arg6[%add3A_210, %dma_start3A_211] : memref<256x64xf32, #tpu.memory_space<vmem>> -> memref<1x64xf32, #tpu.memory_space<vmem>>
          %dma_start3A_213 = arith.constant 0 : i32
          %dma_start3A_214 = tpu.memref_slice %arg2[%squeeze3A_206, %dma_start3A_213] : memref<1000000x64xf32, #tpu.memory_space<hbm>> -> memref<1x64xf32, #tpu.memory_space<hbm>>
          %dma_start3A_215 = arith.constant 0 : i32
          %dma_start3A_216 = tpu.memref_slice %arg6[%add3A_210, %dma_start3A_215] : memref<256x64xf32, #tpu.memory_space<vmem>> -> memref<1x64xf32, #tpu.memory_space<vmem>>
          %dma_start3A_217 = arith.constant 0 : i32
          %dma_start3A_218 = tpu.memref_slice %arg2[%squeeze3A_206, %dma_start3A_217] : memref<1000000x64xf32, #tpu.memory_space<hbm>> -> memref<1x64xf32, #tpu.memory_space<hbm>>
          tpu.enqueue_dma source(%dma_start3A_218 : memref<1x64xf32, #tpu.memory_space<hbm>>) target(%dma_start3A_216 : memref<1x64xf32, #tpu.memory_space<vmem>>) target_semaphore(%arg8 : memref<!tpu.dma_semaphore, #tpu.memory_space<semaphore_mem>>)
          %slice3A_219 = vector.extract_strided_slice %get3A_94 {offsets = [9], sizes = [1], strides = [1]} : vector<16xi32> to vector<1xi32>
          %squeeze3A_220 = vector.extract %slice3A_219[0] : i32 from vector<1xi32>
          %mul3A_221 = arith.constant 16 : i32
          %mul3A_222 = arith.muli %scan3A_86, %mul3A_221 : i32
          %add3A_223 = arith.constant 9 : i32
          %add3A_224 = arith.addi %mul3A_222, %add3A_223 : i32
          %dma_start3A_225 = arith.constant 0 : i32
          %dma_start3A_226 = tpu.memref_slice %arg6[%add3A_224, %dma_start3A_225] : memref<256x64xf32, #tpu.memory_space<vmem>> -> memref<1x64xf32, #tpu.memory_space<vmem>>
          %dma_start3A_227 = arith.constant 0 : i32
          %dma_start3A_228 = tpu.memref_slice %arg2[%squeeze3A_220, %dma_start3A_227] : memref<1000000x64xf32, #tpu.memory_space<hbm>> -> memref<1x64xf32, #tpu.memory_space<hbm>>
          %dma_start3A_229 = arith.constant 0 : i32
          %dma_start3A_230 = tpu.memref_slice %arg6[%add3A_224, %dma_start3A_229] : memref<256x64xf32, #tpu.memory_space<vmem>> -> memref<1x64xf32, #tpu.memory_space<vmem>>
          %dma_start3A_231 = arith.constant 0 : i32
          %dma_start3A_232 = tpu.memref_slice %arg2[%squeeze3A_220, %dma_start3A_231] : memref<1000000x64xf32, #tpu.memory_space<hbm>> -> memref<1x64xf32, #tpu.memory_space<hbm>>
          tpu.enqueue_dma source(%dma_start3A_232 : memref<1x64xf32, #tpu.memory_space<hbm>>) target(%dma_start3A_230 : memref<1x64xf32, #tpu.memory_space<vmem>>) target_semaphore(%arg8 : memref<!tpu.dma_semaphore, #tpu.memory_space<semaphore_mem>>)
          %slice3A_233 = vector.extract_strided_slice %get3A_94 {offsets = [10], sizes = [1], strides = [1]} : vector<16xi32> to vector<1xi32>
          %squeeze3A_234 = vector.extract %slice3A_233[0] : i32 from vector<1xi32>
          %mul3A_235 = arith.constant 16 : i32
          %mul3A_236 = arith.muli %scan3A_86, %mul3A_235 : i32
          %add3A_237 = arith.constant 10 : i32
          %add3A_238 = arith.addi %mul3A_236, %add3A_237 : i32
          %dma_start3A_239 = arith.constant 0 : i32
          %dma_start3A_240 = tpu.memref_slice %arg6[%add3A_238, %dma_start3A_239] : memref<256x64xf32, #tpu.memory_space<vmem>> -> memref<1x64xf32, #tpu.memory_space<vmem>>
          %dma_start3A_241 = arith.constant 0 : i32
          %dma_start3A_242 = tpu.memref_slice %arg2[%squeeze3A_234, %dma_start3A_241] : memref<1000000x64xf32, #tpu.memory_space<hbm>> -> memref<1x64xf32, #tpu.memory_space<hbm>>
          %dma_start3A_243 = arith.constant 0 : i32
          %dma_start3A_244 = tpu.memref_slice %arg6[%add3A_238, %dma_start3A_243] : memref<256x64xf32, #tpu.memory_space<vmem>> -> memref<1x64xf32, #tpu.memory_space<vmem>>
          %dma_start3A_245 = arith.constant 0 : i32
          %dma_start3A_246 = tpu.memref_slice %arg2[%squeeze3A_234, %dma_start3A_245] : memref<1000000x64xf32, #tpu.memory_space<hbm>> -> memref<1x64xf32, #tpu.memory_space<hbm>>
          tpu.enqueue_dma source(%dma_start3A_246 : memref<1x64xf32, #tpu.memory_space<hbm>>) target(%dma_start3A_244 : memref<1x64xf32, #tpu.memory_space<vmem>>) target_semaphore(%arg8 : memref<!tpu.dma_semaphore, #tpu.memory_space<semaphore_mem>>)
          %slice3A_247 = vector.extract_strided_slice %get3A_94 {offsets = [11], sizes = [1], strides = [1]} : vector<16xi32> to vector<1xi32>
          %squeeze3A_248 = vector.extract %slice3A_247[0] : i32 from vector<1xi32>
          %mul3A_249 = arith.constant 16 : i32
          %mul3A_250 = arith.muli %scan3A_86, %mul3A_249 : i32
          %add3A_251 = arith.constant 11 : i32
          %add3A_252 = arith.addi %mul3A_250, %add3A_251 : i32
          %dma_start3A_253 = arith.constant 0 : i32
          %dma_start3A_254 = tpu.memref_slice %arg6[%add3A_252, %dma_start3A_253] : memref<256x64xf32, #tpu.memory_space<vmem>> -> memref<1x64xf32, #tpu.memory_space<vmem>>
          %dma_start3A_255 = arith.constant 0 : i32
          %dma_start3A_256 = tpu.memref_slice %arg2[%squeeze3A_248, %dma_start3A_255] : memref<1000000x64xf32, #tpu.memory_space<hbm>> -> memref<1x64xf32, #tpu.memory_space<hbm>>
          %dma_start3A_257 = arith.constant 0 : i32
          %dma_start3A_258 = tpu.memref_slice %arg6[%add3A_252, %dma_start3A_257] : memref<256x64xf32, #tpu.memory_space<vmem>> -> memref<1x64xf32, #tpu.memory_space<vmem>>
          %dma_start3A_259 = arith.constant 0 : i32
          %dma_start3A_260 = tpu.memref_slice %arg2[%squeeze3A_248, %dma_start3A_259] : memref<1000000x64xf32, #tpu.memory_space<hbm>> -> memref<1x64xf32, #tpu.memory_space<hbm>>
          tpu.enqueue_dma source(%dma_start3A_260 : memref<1x64xf32, #tpu.memory_space<hbm>>) target(%dma_start3A_258 : memref<1x64xf32, #tpu.memory_space<vmem>>) target_semaphore(%arg8 : memref<!tpu.dma_semaphore, #tpu.memory_space<semaphore_mem>>)
          %slice3A_261 = vector.extract_strided_slice %get3A_94 {offsets = [12], sizes = [1], strides = [1]} : vector<16xi32> to vector<1xi32>
          %squeeze3A_262 = vector.extract %slice3A_261[0] : i32 from vector<1xi32>
          %mul3A_263 = arith.constant 16 : i32
          %mul3A_264 = arith.muli %scan3A_86, %mul3A_263 : i32
          %add3A_265 = arith.constant 12 : i32
          %add3A_266 = arith.addi %mul3A_264, %add3A_265 : i32
          %dma_start3A_267 = arith.constant 0 : i32
          %dma_start3A_268 = tpu.memref_slice %arg6[%add3A_266, %dma_start3A_267] : memref<256x64xf32, #tpu.memory_space<vmem>> -> memref<1x64xf32, #tpu.memory_space<vmem>>
          %dma_start3A_269 = arith.constant 0 : i32
          %dma_start3A_270 = tpu.memref_slice %arg2[%squeeze3A_262, %dma_start3A_269] : memref<1000000x64xf32, #tpu.memory_space<hbm>> -> memref<1x64xf32, #tpu.memory_space<hbm>>
          %dma_start3A_271 = arith.constant 0 : i32
          %dma_start3A_272 = tpu.memref_slice %arg6[%add3A_266, %dma_start3A_271] : memref<256x64xf32, #tpu.memory_space<vmem>> -> memref<1x64xf32, #tpu.memory_space<vmem>>
          %dma_start3A_273 = arith.constant 0 : i32
          %dma_start3A_274 = tpu.memref_slice %arg2[%squeeze3A_262, %dma_start3A_273] : memref<1000000x64xf32, #tpu.memory_space<hbm>> -> memref<1x64xf32, #tpu.memory_space<hbm>>
          tpu.enqueue_dma source(%dma_start3A_274 : memref<1x64xf32, #tpu.memory_space<hbm>>) target(%dma_start3A_272 : memref<1x64xf32, #tpu.memory_space<vmem>>) target_semaphore(%arg8 : memref<!tpu.dma_semaphore, #tpu.memory_space<semaphore_mem>>)
          %slice3A_275 = vector.extract_strided_slice %get3A_94 {offsets = [13], sizes = [1], strides = [1]} : vector<16xi32> to vector<1xi32>
          %squeeze3A_276 = vector.extract %slice3A_275[0] : i32 from vector<1xi32>
          %mul3A_277 = arith.constant 16 : i32
          %mul3A_278 = arith.muli %scan3A_86, %mul3A_277 : i32
          %add3A_279 = arith.constant 13 : i32
          %add3A_280 = arith.addi %mul3A_278, %add3A_279 : i32
          %dma_start3A_281 = arith.constant 0 : i32
          %dma_start3A_282 = tpu.memref_slice %arg6[%add3A_280, %dma_start3A_281] : memref<256x64xf32, #tpu.memory_space<vmem>> -> memref<1x64xf32, #tpu.memory_space<vmem>>
          %dma_start3A_283 = arith.constant 0 : i32
          %dma_start3A_284 = tpu.memref_slice %arg2[%squeeze3A_276, %dma_start3A_283] : memref<1000000x64xf32, #tpu.memory_space<hbm>> -> memref<1x64xf32, #tpu.memory_space<hbm>>
          %dma_start3A_285 = arith.constant 0 : i32
          %dma_start3A_286 = tpu.memref_slice %arg6[%add3A_280, %dma_start3A_285] : memref<256x64xf32, #tpu.memory_space<vmem>> -> memref<1x64xf32, #tpu.memory_space<vmem>>
          %dma_start3A_287 = arith.constant 0 : i32
          %dma_start3A_288 = tpu.memref_slice %arg2[%squeeze3A_276, %dma_start3A_287] : memref<1000000x64xf32, #tpu.memory_space<hbm>> -> memref<1x64xf32, #tpu.memory_space<hbm>>
          tpu.enqueue_dma source(%dma_start3A_288 : memref<1x64xf32, #tpu.memory_space<hbm>>) target(%dma_start3A_286 : memref<1x64xf32, #tpu.memory_space<vmem>>) target_semaphore(%arg8 : memref<!tpu.dma_semaphore, #tpu.memory_space<semaphore_mem>>)
          %slice3A_289 = vector.extract_strided_slice %get3A_94 {offsets = [14], sizes = [1], strides = [1]} : vector<16xi32> to vector<1xi32>
          %squeeze3A_290 = vector.extract %slice3A_289[0] : i32 from vector<1xi32>
          %mul3A_291 = arith.constant 16 : i32
          %mul3A_292 = arith.muli %scan3A_86, %mul3A_291 : i32
          %add3A_293 = arith.constant 14 : i32
          %add3A_294 = arith.addi %mul3A_292, %add3A_293 : i32
          %dma_start3A_295 = arith.constant 0 : i32
          %dma_start3A_296 = tpu.memref_slice %arg6[%add3A_294, %dma_start3A_295] : memref<256x64xf32, #tpu.memory_space<vmem>> -> memref<1x64xf32, #tpu.memory_space<vmem>>
          %dma_start3A_297 = arith.constant 0 : i32
          %dma_start3A_298 = tpu.memref_slice %arg2[%squeeze3A_290, %dma_start3A_297] : memref<1000000x64xf32, #tpu.memory_space<hbm>> -> memref<1x64xf32, #tpu.memory_space<hbm>>
          %dma_start3A_299 = arith.constant 0 : i32
          %dma_start3A_300 = tpu.memref_slice %arg6[%add3A_294, %dma_start3A_299] : memref<256x64xf32, #tpu.memory_space<vmem>> -> memref<1x64xf32, #tpu.memory_space<vmem>>
          %dma_start3A_301 = arith.constant 0 : i32
          %dma_start3A_302 = tpu.memref_slice %arg2[%squeeze3A_290, %dma_start3A_301] : memref<1000000x64xf32, #tpu.memory_space<hbm>> -> memref<1x64xf32, #tpu.memory_space<hbm>>
          tpu.enqueue_dma source(%dma_start3A_302 : memref<1x64xf32, #tpu.memory_space<hbm>>) target(%dma_start3A_300 : memref<1x64xf32, #tpu.memory_space<vmem>>) target_semaphore(%arg8 : memref<!tpu.dma_semaphore, #tpu.memory_space<semaphore_mem>>)
          %slice3A_303 = vector.extract_strided_slice %get3A_94 {offsets = [15], sizes = [1], strides = [1]} : vector<16xi32> to vector<1xi32>
          %squeeze3A_304 = vector.extract %slice3A_303[0] : i32 from vector<1xi32>
          %mul3A_305 = arith.constant 16 : i32
          %mul3A_306 = arith.muli %scan3A_86, %mul3A_305 : i32
          %add3A_307 = arith.constant 15 : i32
          %add3A_308 = arith.addi %mul3A_306, %add3A_307 : i32
          %dma_start3A_309 = arith.constant 0 : i32
          %dma_start3A_310 = tpu.memref_slice %arg6[%add3A_308, %dma_start3A_309] : memref<256x64xf32, #tpu.memory_space<vmem>> -> memref<1x64xf32, #tpu.memory_space<vmem>>
          %dma_start3A_311 = arith.constant 0 : i32
          %dma_start3A_312 = tpu.memref_slice %arg2[%squeeze3A_304, %dma_start3A_311] : memref<1000000x64xf32, #tpu.memory_space<hbm>> -> memref<1x64xf32, #tpu.memory_space<hbm>>
          %dma_start3A_313 = arith.constant 0 : i32
          %dma_start3A_314 = tpu.memref_slice %arg6[%add3A_308, %dma_start3A_313] : memref<256x64xf32, #tpu.memory_space<vmem>> -> memref<1x64xf32, #tpu.memory_space<vmem>>
          %dma_start3A_315 = arith.constant 0 : i32
          %dma_start3A_316 = tpu.memref_slice %arg2[%squeeze3A_304, %dma_start3A_315] : memref<1000000x64xf32, #tpu.memory_space<hbm>> -> memref<1x64xf32, #tpu.memory_space<hbm>>
          tpu.enqueue_dma source(%dma_start3A_316 : memref<1x64xf32, #tpu.memory_space<hbm>>) target(%dma_start3A_314 : memref<1x64xf32, #tpu.memory_space<vmem>>) target_semaphore(%arg8 : memref<!tpu.dma_semaphore, #tpu.memory_space<semaphore_mem>>)
          %scan3A_317 = arith.constant 0 : i32
          scf.yield %scan3A_317 : i32
        }
        %scan3A_85 = arith.constant 16 : i32
      } else {
      }
      %dma_wait3A_63 = arith.constant 0 : i32
      %dma_wait3A_64 = arith.constant 0 : i32
      %dma_wait3A_65 = tpu.memref_slice %arg4[%dma_wait3A_63, %dma_wait3A_64] : memref<163840x64xf32, #tpu.memory_space<hbm>> -> memref<256x64xf32, #tpu.memory_space<hbm>>
      %dma_wait3A_66 = arith.constant 0 : i32
      %dma_wait3A_67 = arith.constant 0 : i32
      %dma_wait3A_68 = tpu.memref_slice %arg4[%dma_wait3A_66, %dma_wait3A_67] : memref<163840x64xf32, #tpu.memory_space<hbm>> -> memref<256x64xf32, #tpu.memory_space<hbm>>
      tpu.wait_dma2 semaphore(%arg11 : memref<!tpu.dma_semaphore, #tpu.memory_space<semaphore_mem>>) src(%arg7 : memref<256x64xf32, #tpu.memory_space<vmem>>) dst(%dma_wait3A_68 : memref<256x64xf32, #tpu.memory_space<hbm>>)
      %add3A_69 = arith.constant 3 : i32
      %add3A_70 = arith.addi %mul3A_26, %add3A_69 : i32
      %lt3A_71 = arith.constant 20 : i32
      %lt3A_72 = arith.cmpi slt, %add3A_70, %lt3A_71 : i32
      %convert_element_type3A_73 = arith.extui %lt3A_72 : i1 to i32
      %cond3A_74 = arith.constant 0 : i32
      %cond3A_75 = arith.cmpi ne, %convert_element_type3A_73, %cond3A_74 : i32
      scf.if %cond3A_75 {
        %add3A_77 = arith.constant 3 : i32
        %add3A_78 = arith.addi %mul3A_26, %add3A_77 : i32
        %scan3A_79 = arith.constant 0 : i32
        %scan3A_80 = arith.constant 0 : i32
        %scan3A_81 = arith.constant 16 : i32
        %scan3A_82 = arith.addi %scan3A_80, %scan3A_81 : i32
        %scan3A_83 = arith.constant 1 : i32
        %scan3A_84 = scf.for %scan3A_86 = %scan3A_80 to %scan3A_82 step %scan3A_83 iter_args(%scan3A_87 = %scan3A_79) -> (i32)  : i32 {
          %mul3A_88 = arith.constant 256 : i32
          %mul3A_89 = arith.muli %add3A_78, %mul3A_88 : i32
          %mul3A_90 = arith.constant 16 : i32
          %mul3A_91 = arith.muli %scan3A_86, %mul3A_90 : i32
          %add3A_92 = arith.addi %mul3A_89, %mul3A_91 : i32
          %get3A = arith.index_cast %add3A_92 : i32 to index
          %get3A_93 = tpu.vector_load %arg5[%get3A] {strides = array<i32>} : memref<5120xi32, #tpu.memory_space<vmem>>, vector<16xi32>,
          %get3A_94 = vector.shape_cast %get3A_93 : vector<16xi32> to vector<16xi32>
          %slice3A = vector.extract_strided_slice %get3A_94 {offsets = [0], sizes = [1], strides = [1]} : vector<16xi32> to vector<1xi32>
          %squeeze3A = vector.extract %slice3A[0] : i32 from vector<1xi32>
          %mul3A_95 = arith.constant 16 : i32
          %mul3A_96 = arith.muli %scan3A_86, %mul3A_95 : i32
          %add3A_97 = arith.constant 0 : i32
          %add3A_98 = arith.addi %mul3A_96, %add3A_97 : i32
          %dma_start3A_99 = arith.constant 0 : i32
          %dma_start3A_100 = tpu.memref_slice %arg7[%add3A_98, %dma_start3A_99] : memref<256x64xf32, #tpu.memory_space<vmem>> -> memref<1x64xf32, #tpu.memory_space<vmem>>
          %dma_start3A_101 = arith.constant 0 : i32
          %dma_start3A_102 = tpu.memref_slice %arg2[%squeeze3A, %dma_start3A_101] : memref<1000000x64xf32, #tpu.memory_space<hbm>> -> memref<1x64xf32, #tpu.memory_space<hbm>>
          %dma_start3A_103 = arith.constant 0 : i32
          %dma_start3A_104 = tpu.memref_slice %arg7[%add3A_98, %dma_start3A_103] : memref<256x64xf32, #tpu.memory_space<vmem>> -> memref<1x64xf32, #tpu.memory_space<vmem>>
          %dma_start3A_105 = arith.constant 0 : i32
          %dma_start3A_106 = tpu.memref_slice %arg2[%squeeze3A, %dma_start3A_105] : memref<1000000x64xf32, #tpu.memory_space<hbm>> -> memref<1x64xf32, #tpu.memory_space<hbm>>
          tpu.enqueue_dma source(%dma_start3A_106 : memref<1x64xf32, #tpu.memory_space<hbm>>) target(%dma_start3A_104 : memref<1x64xf32, #tpu.memory_space<vmem>>) target_semaphore(%arg9 : memref<!tpu.dma_semaphore, #tpu.memory_space<semaphore_mem>>)
          %slice3A_107 = vector.extract_strided_slice %get3A_94 {offsets = [1], sizes = [1], strides = [1]} : vector<16xi32> to vector<1xi32>
          %squeeze3A_108 = vector.extract %slice3A_107[0] : i32 from vector<1xi32>
          %mul3A_109 = arith.constant 16 : i32
          %mul3A_110 = arith.muli %scan3A_86, %mul3A_109 : i32
          %add3A_111 = arith.constant 1 : i32
          %add3A_112 = arith.addi %mul3A_110, %add3A_111 : i32
          %dma_start3A_113 = arith.constant 0 : i32
          %dma_start3A_114 = tpu.memref_slice %arg7[%add3A_112, %dma_start3A_113] : memref<256x64xf32, #tpu.memory_space<vmem>> -> memref<1x64xf32, #tpu.memory_space<vmem>>
          %dma_start3A_115 = arith.constant 0 : i32
          %dma_start3A_116 = tpu.memref_slice %arg2[%squeeze3A_108, %dma_start3A_115] : memref<1000000x64xf32, #tpu.memory_space<hbm>> -> memref<1x64xf32, #tpu.memory_space<hbm>>
          %dma_start3A_117 = arith.constant 0 : i32
          %dma_start3A_118 = tpu.memref_slice %arg7[%add3A_112, %dma_start3A_117] : memref<256x64xf32, #tpu.memory_space<vmem>> -> memref<1x64xf32, #tpu.memory_space<vmem>>
          %dma_start3A_119 = arith.constant 0 : i32
          %dma_start3A_120 = tpu.memref_slice %arg2[%squeeze3A_108, %dma_start3A_119] : memref<1000000x64xf32, #tpu.memory_space<hbm>> -> memref<1x64xf32, #tpu.memory_space<hbm>>
          tpu.enqueue_dma source(%dma_start3A_120 : memref<1x64xf32, #tpu.memory_space<hbm>>) target(%dma_start3A_118 : memref<1x64xf32, #tpu.memory_space<vmem>>) target_semaphore(%arg9 : memref<!tpu.dma_semaphore, #tpu.memory_space<semaphore_mem>>)
          %slice3A_121 = vector.extract_strided_slice %get3A_94 {offsets = [2], sizes = [1], strides = [1]} : vector<16xi32> to vector<1xi32>
          %squeeze3A_122 = vector.extract %slice3A_121[0] : i32 from vector<1xi32>
          %mul3A_123 = arith.constant 16 : i32
          %mul3A_124 = arith.muli %scan3A_86, %mul3A_123 : i32
          %add3A_125 = arith.constant 2 : i32
          %add3A_126 = arith.addi %mul3A_124, %add3A_125 : i32
          %dma_start3A_127 = arith.constant 0 : i32
          %dma_start3A_128 = tpu.memref_slice %arg7[%add3A_126, %dma_start3A_127] : memref<256x64xf32, #tpu.memory_space<vmem>> -> memref<1x64xf32, #tpu.memory_space<vmem>>
          %dma_start3A_129 = arith.constant 0 : i32
          %dma_start3A_130 = tpu.memref_slice %arg2[%squeeze3A_122, %dma_start3A_129] : memref<1000000x64xf32, #tpu.memory_space<hbm>> -> memref<1x64xf32, #tpu.memory_space<hbm>>
          %dma_start3A_131 = arith.constant 0 : i32
          %dma_start3A_132 = tpu.memref_slice %arg7[%add3A_126, %dma_start3A_131] : memref<256x64xf32, #tpu.memory_space<vmem>> -> memref<1x64xf32, #tpu.memory_space<vmem>>
          %dma_start3A_133 = arith.constant 0 : i32
          %dma_start3A_134 = tpu.memref_slice %arg2[%squeeze3A_122, %dma_start3A_133] : memref<1000000x64xf32, #tpu.memory_space<hbm>> -> memref<1x64xf32, #tpu.memory_space<hbm>>
          tpu.enqueue_dma source(%dma_start3A_134 : memref<1x64xf32, #tpu.memory_space<hbm>>) target(%dma_start3A_132 : memref<1x64xf32, #tpu.memory_space<vmem>>) target_semaphore(%arg9 : memref<!tpu.dma_semaphore, #tpu.memory_space<semaphore_mem>>)
          %slice3A_135 = vector.extract_strided_slice %get3A_94 {offsets = [3], sizes = [1], strides = [1]} : vector<16xi32> to vector<1xi32>
          %squeeze3A_136 = vector.extract %slice3A_135[0] : i32 from vector<1xi32>
          %mul3A_137 = arith.constant 16 : i32
          %mul3A_138 = arith.muli %scan3A_86, %mul3A_137 : i32
          %add3A_139 = arith.constant 3 : i32
          %add3A_140 = arith.addi %mul3A_138, %add3A_139 : i32
          %dma_start3A_141 = arith.constant 0 : i32
          %dma_start3A_142 = tpu.memref_slice %arg7[%add3A_140, %dma_start3A_141] : memref<256x64xf32, #tpu.memory_space<vmem>> -> memref<1x64xf32, #tpu.memory_space<vmem>>
          %dma_start3A_143 = arith.constant 0 : i32
          %dma_start3A_144 = tpu.memref_slice %arg2[%squeeze3A_136, %dma_start3A_143] : memref<1000000x64xf32, #tpu.memory_space<hbm>> -> memref<1x64xf32, #tpu.memory_space<hbm>>
          %dma_start3A_145 = arith.constant 0 : i32
          %dma_start3A_146 = tpu.memref_slice %arg7[%add3A_140, %dma_start3A_145] : memref<256x64xf32, #tpu.memory_space<vmem>> -> memref<1x64xf32, #tpu.memory_space<vmem>>
          %dma_start3A_147 = arith.constant 0 : i32
          %dma_start3A_148 = tpu.memref_slice %arg2[%squeeze3A_136, %dma_start3A_147] : memref<1000000x64xf32, #tpu.memory_space<hbm>> -> memref<1x64xf32, #tpu.memory_space<hbm>>
          tpu.enqueue_dma source(%dma_start3A_148 : memref<1x64xf32, #tpu.memory_space<hbm>>) target(%dma_start3A_146 : memref<1x64xf32, #tpu.memory_space<vmem>>) target_semaphore(%arg9 : memref<!tpu.dma_semaphore, #tpu.memory_space<semaphore_mem>>)
          %slice3A_149 = vector.extract_strided_slice %get3A_94 {offsets = [4], sizes = [1], strides = [1]} : vector<16xi32> to vector<1xi32>
          %squeeze3A_150 = vector.extract %slice3A_149[0] : i32 from vector<1xi32>
          %mul3A_151 = arith.constant 16 : i32
          %mul3A_152 = arith.muli %scan3A_86, %mul3A_151 : i32
          %add3A_153 = arith.constant 4 : i32
          %add3A_154 = arith.addi %mul3A_152, %add3A_153 : i32
          %dma_start3A_155 = arith.constant 0 : i32
          %dma_start3A_156 = tpu.memref_slice %arg7[%add3A_154, %dma_start3A_155] : memref<256x64xf32, #tpu.memory_space<vmem>> -> memref<1x64xf32, #tpu.memory_space<vmem>>
          %dma_start3A_157 = arith.constant 0 : i32
          %dma_start3A_158 = tpu.memref_slice %arg2[%squeeze3A_150, %dma_start3A_157] : memref<1000000x64xf32, #tpu.memory_space<hbm>> -> memref<1x64xf32, #tpu.memory_space<hbm>>
          %dma_start3A_159 = arith.constant 0 : i32
          %dma_start3A_160 = tpu.memref_slice %arg7[%add3A_154, %dma_start3A_159] : memref<256x64xf32, #tpu.memory_space<vmem>> -> memref<1x64xf32, #tpu.memory_space<vmem>>
          %dma_start3A_161 = arith.constant 0 : i32
          %dma_start3A_162 = tpu.memref_slice %arg2[%squeeze3A_150, %dma_start3A_161] : memref<1000000x64xf32, #tpu.memory_space<hbm>> -> memref<1x64xf32, #tpu.memory_space<hbm>>
          tpu.enqueue_dma source(%dma_start3A_162 : memref<1x64xf32, #tpu.memory_space<hbm>>) target(%dma_start3A_160 : memref<1x64xf32, #tpu.memory_space<vmem>>) target_semaphore(%arg9 : memref<!tpu.dma_semaphore, #tpu.memory_space<semaphore_mem>>)
          %slice3A_163 = vector.extract_strided_slice %get3A_94 {offsets = [5], sizes = [1], strides = [1]} : vector<16xi32> to vector<1xi32>
          %squeeze3A_164 = vector.extract %slice3A_163[0] : i32 from vector<1xi32>
          %mul3A_165 = arith.constant 16 : i32
          %mul3A_166 = arith.muli %scan3A_86, %mul3A_165 : i32
          %add3A_167 = arith.constant 5 : i32
          %add3A_168 = arith.addi %mul3A_166, %add3A_167 : i32
          %dma_start3A_169 = arith.constant 0 : i32
          %dma_start3A_170 = tpu.memref_slice %arg7[%add3A_168, %dma_start3A_169] : memref<256x64xf32, #tpu.memory_space<vmem>> -> memref<1x64xf32, #tpu.memory_space<vmem>>
          %dma_start3A_171 = arith.constant 0 : i32
          %dma_start3A_172 = tpu.memref_slice %arg2[%squeeze3A_164, %dma_start3A_171] : memref<1000000x64xf32, #tpu.memory_space<hbm>> -> memref<1x64xf32, #tpu.memory_space<hbm>>
          %dma_start3A_173 = arith.constant 0 : i32
          %dma_start3A_174 = tpu.memref_slice %arg7[%add3A_168, %dma_start3A_173] : memref<256x64xf32, #tpu.memory_space<vmem>> -> memref<1x64xf32, #tpu.memory_space<vmem>>
          %dma_start3A_175 = arith.constant 0 : i32
          %dma_start3A_176 = tpu.memref_slice %arg2[%squeeze3A_164, %dma_start3A_175] : memref<1000000x64xf32, #tpu.memory_space<hbm>> -> memref<1x64xf32, #tpu.memory_space<hbm>>
          tpu.enqueue_dma source(%dma_start3A_176 : memref<1x64xf32, #tpu.memory_space<hbm>>) target(%dma_start3A_174 : memref<1x64xf32, #tpu.memory_space<vmem>>) target_semaphore(%arg9 : memref<!tpu.dma_semaphore, #tpu.memory_space<semaphore_mem>>)
          %slice3A_177 = vector.extract_strided_slice %get3A_94 {offsets = [6], sizes = [1], strides = [1]} : vector<16xi32> to vector<1xi32>
          %squeeze3A_178 = vector.extract %slice3A_177[0] : i32 from vector<1xi32>
          %mul3A_179 = arith.constant 16 : i32
          %mul3A_180 = arith.muli %scan3A_86, %mul3A_179 : i32
          %add3A_181 = arith.constant 6 : i32
          %add3A_182 = arith.addi %mul3A_180, %add3A_181 : i32
          %dma_start3A_183 = arith.constant 0 : i32
          %dma_start3A_184 = tpu.memref_slice %arg7[%add3A_182, %dma_start3A_183] : memref<256x64xf32, #tpu.memory_space<vmem>> -> memref<1x64xf32, #tpu.memory_space<vmem>>
          %dma_start3A_185 = arith.constant 0 : i32
          %dma_start3A_186 = tpu.memref_slice %arg2[%squeeze3A_178, %dma_start3A_185] : memref<1000000x64xf32, #tpu.memory_space<hbm>> -> memref<1x64xf32, #tpu.memory_space<hbm>>
          %dma_start3A_187 = arith.constant 0 : i32
          %dma_start3A_188 = tpu.memref_slice %arg7[%add3A_182, %dma_start3A_187] : memref<256x64xf32, #tpu.memory_space<vmem>> -> memref<1x64xf32, #tpu.memory_space<vmem>>
          %dma_start3A_189 = arith.constant 0 : i32
          %dma_start3A_190 = tpu.memref_slice %arg2[%squeeze3A_178, %dma_start3A_189] : memref<1000000x64xf32, #tpu.memory_space<hbm>> -> memref<1x64xf32, #tpu.memory_space<hbm>>
          tpu.enqueue_dma source(%dma_start3A_190 : memref<1x64xf32, #tpu.memory_space<hbm>>) target(%dma_start3A_188 : memref<1x64xf32, #tpu.memory_space<vmem>>) target_semaphore(%arg9 : memref<!tpu.dma_semaphore, #tpu.memory_space<semaphore_mem>>)
          %slice3A_191 = vector.extract_strided_slice %get3A_94 {offsets = [7], sizes = [1], strides = [1]} : vector<16xi32> to vector<1xi32>
          %squeeze3A_192 = vector.extract %slice3A_191[0] : i32 from vector<1xi32>
          %mul3A_193 = arith.constant 16 : i32
          %mul3A_194 = arith.muli %scan3A_86, %mul3A_193 : i32
          %add3A_195 = arith.constant 7 : i32
          %add3A_196 = arith.addi %mul3A_194, %add3A_195 : i32
          %dma_start3A_197 = arith.constant 0 : i32
          %dma_start3A_198 = tpu.memref_slice %arg7[%add3A_196, %dma_start3A_197] : memref<256x64xf32, #tpu.memory_space<vmem>> -> memref<1x64xf32, #tpu.memory_space<vmem>>
          %dma_start3A_199 = arith.constant 0 : i32
          %dma_start3A_200 = tpu.memref_slice %arg2[%squeeze3A_192, %dma_start3A_199] : memref<1000000x64xf32, #tpu.memory_space<hbm>> -> memref<1x64xf32, #tpu.memory_space<hbm>>
          %dma_start3A_201 = arith.constant 0 : i32
          %dma_start3A_202 = tpu.memref_slice %arg7[%add3A_196, %dma_start3A_201] : memref<256x64xf32, #tpu.memory_space<vmem>> -> memref<1x64xf32, #tpu.memory_space<vmem>>
          %dma_start3A_203 = arith.constant 0 : i32
          %dma_start3A_204 = tpu.memref_slice %arg2[%squeeze3A_192, %dma_start3A_203] : memref<1000000x64xf32, #tpu.memory_space<hbm>> -> memref<1x64xf32, #tpu.memory_space<hbm>>
          tpu.enqueue_dma source(%dma_start3A_204 : memref<1x64xf32, #tpu.memory_space<hbm>>) target(%dma_start3A_202 : memref<1x64xf32, #tpu.memory_space<vmem>>) target_semaphore(%arg9 : memref<!tpu.dma_semaphore, #tpu.memory_space<semaphore_mem>>)
          %slice3A_205 = vector.extract_strided_slice %get3A_94 {offsets = [8], sizes = [1], strides = [1]} : vector<16xi32> to vector<1xi32>
          %squeeze3A_206 = vector.extract %slice3A_205[0] : i32 from vector<1xi32>
          %mul3A_207 = arith.constant 16 : i32
          %mul3A_208 = arith.muli %scan3A_86, %mul3A_207 : i32
          %add3A_209 = arith.constant 8 : i32
          %add3A_210 = arith.addi %mul3A_208, %add3A_209 : i32
          %dma_start3A_211 = arith.constant 0 : i32
          %dma_start3A_212 = tpu.memref_slice %arg7[%add3A_210, %dma_start3A_211] : memref<256x64xf32, #tpu.memory_space<vmem>> -> memref<1x64xf32, #tpu.memory_space<vmem>>
          %dma_start3A_213 = arith.constant 0 : i32
          %dma_start3A_214 = tpu.memref_slice %arg2[%squeeze3A_206, %dma_start3A_213] : memref<1000000x64xf32, #tpu.memory_space<hbm>> -> memref<1x64xf32, #tpu.memory_space<hbm>>
          %dma_start3A_215 = arith.constant 0 : i32
          %dma_start3A_216 = tpu.memref_slice %arg7[%add3A_210, %dma_start3A_215] : memref<256x64xf32, #tpu.memory_space<vmem>> -> memref<1x64xf32, #tpu.memory_space<vmem>>
          %dma_start3A_217 = arith.constant 0 : i32
          %dma_start3A_218 = tpu.memref_slice %arg2[%squeeze3A_206, %dma_start3A_217] : memref<1000000x64xf32, #tpu.memory_space<hbm>> -> memref<1x64xf32, #tpu.memory_space<hbm>>
          tpu.enqueue_dma source(%dma_start3A_218 : memref<1x64xf32, #tpu.memory_space<hbm>>) target(%dma_start3A_216 : memref<1x64xf32, #tpu.memory_space<vmem>>) target_semaphore(%arg9 : memref<!tpu.dma_semaphore, #tpu.memory_space<semaphore_mem>>)
          %slice3A_219 = vector.extract_strided_slice %get3A_94 {offsets = [9], sizes = [1], strides = [1]} : vector<16xi32> to vector<1xi32>
          %squeeze3A_220 = vector.extract %slice3A_219[0] : i32 from vector<1xi32>
          %mul3A_221 = arith.constant 16 : i32
          %mul3A_222 = arith.muli %scan3A_86, %mul3A_221 : i32
          %add3A_223 = arith.constant 9 : i32
          %add3A_224 = arith.addi %mul3A_222, %add3A_223 : i32
          %dma_start3A_225 = arith.constant 0 : i32
          %dma_start3A_226 = tpu.memref_slice %arg7[%add3A_224, %dma_start3A_225] : memref<256x64xf32, #tpu.memory_space<vmem>> -> memref<1x64xf32, #tpu.memory_space<vmem>>
          %dma_start3A_227 = arith.constant 0 : i32
          %dma_start3A_228 = tpu.memref_slice %arg2[%squeeze3A_220, %dma_start3A_227] : memref<1000000x64xf32, #tpu.memory_space<hbm>> -> memref<1x64xf32, #tpu.memory_space<hbm>>
          %dma_start3A_229 = arith.constant 0 : i32
          %dma_start3A_230 = tpu.memref_slice %arg7[%add3A_224, %dma_start3A_229] : memref<256x64xf32, #tpu.memory_space<vmem>> -> memref<1x64xf32, #tpu.memory_space<vmem>>
          %dma_start3A_231 = arith.constant 0 : i32
          %dma_start3A_232 = tpu.memref_slice %arg2[%squeeze3A_220, %dma_start3A_231] : memref<1000000x64xf32, #tpu.memory_space<hbm>> -> memref<1x64xf32, #tpu.memory_space<hbm>>
          tpu.enqueue_dma source(%dma_start3A_232 : memref<1x64xf32, #tpu.memory_space<hbm>>) target(%dma_start3A_230 : memref<1x64xf32, #tpu.memory_space<vmem>>) target_semaphore(%arg9 : memref<!tpu.dma_semaphore, #tpu.memory_space<semaphore_mem>>)
          %slice3A_233 = vector.extract_strided_slice %get3A_94 {offsets = [10], sizes = [1], strides = [1]} : vector<16xi32> to vector<1xi32>
          %squeeze3A_234 = vector.extract %slice3A_233[0] : i32 from vector<1xi32>
          %mul3A_235 = arith.constant 16 : i32
          %mul3A_236 = arith.muli %scan3A_86, %mul3A_235 : i32
          %add3A_237 = arith.constant 10 : i32
          %add3A_238 = arith.addi %mul3A_236, %add3A_237 : i32
          %dma_start3A_239 = arith.constant 0 : i32
          %dma_start3A_240 = tpu.memref_slice %arg7[%add3A_238, %dma_start3A_239] : memref<256x64xf32, #tpu.memory_space<vmem>> -> memref<1x64xf32, #tpu.memory_space<vmem>>
          %dma_start3A_241 = arith.constant 0 : i32
          %dma_start3A_242 = tpu.memref_slice %arg2[%squeeze3A_234, %dma_start3A_241] : memref<1000000x64xf32, #tpu.memory_space<hbm>> -> memref<1x64xf32, #tpu.memory_space<hbm>>
          %dma_start3A_243 = arith.constant 0 : i32
          %dma_start3A_244 = tpu.memref_slice %arg7[%add3A_238, %dma_start3A_243] : memref<256x64xf32, #tpu.memory_space<vmem>> -> memref<1x64xf32, #tpu.memory_space<vmem>>
          %dma_start3A_245 = arith.constant 0 : i32
          %dma_start3A_246 = tpu.memref_slice %arg2[%squeeze3A_234, %dma_start3A_245] : memref<1000000x64xf32, #tpu.memory_space<hbm>> -> memref<1x64xf32, #tpu.memory_space<hbm>>
          tpu.enqueue_dma source(%dma_start3A_246 : memref<1x64xf32, #tpu.memory_space<hbm>>) target(%dma_start3A_244 : memref<1x64xf32, #tpu.memory_space<vmem>>) target_semaphore(%arg9 : memref<!tpu.dma_semaphore, #tpu.memory_space<semaphore_mem>>)
          %slice3A_247 = vector.extract_strided_slice %get3A_94 {offsets = [11], sizes = [1], strides = [1]} : vector<16xi32> to vector<1xi32>
          %squeeze3A_248 = vector.extract %slice3A_247[0] : i32 from vector<1xi32>
          %mul3A_249 = arith.constant 16 : i32
          %mul3A_250 = arith.muli %scan3A_86, %mul3A_249 : i32
          %add3A_251 = arith.constant 11 : i32
          %add3A_252 = arith.addi %mul3A_250, %add3A_251 : i32
          %dma_start3A_253 = arith.constant 0 : i32
          %dma_start3A_254 = tpu.memref_slice %arg7[%add3A_252, %dma_start3A_253] : memref<256x64xf32, #tpu.memory_space<vmem>> -> memref<1x64xf32, #tpu.memory_space<vmem>>
          %dma_start3A_255 = arith.constant 0 : i32
          %dma_start3A_256 = tpu.memref_slice %arg2[%squeeze3A_248, %dma_start3A_255] : memref<1000000x64xf32, #tpu.memory_space<hbm>> -> memref<1x64xf32, #tpu.memory_space<hbm>>
          %dma_start3A_257 = arith.constant 0 : i32
          %dma_start3A_258 = tpu.memref_slice %arg7[%add3A_252, %dma_start3A_257] : memref<256x64xf32, #tpu.memory_space<vmem>> -> memref<1x64xf32, #tpu.memory_space<vmem>>
          %dma_start3A_259 = arith.constant 0 : i32
          %dma_start3A_260 = tpu.memref_slice %arg2[%squeeze3A_248, %dma_start3A_259] : memref<1000000x64xf32, #tpu.memory_space<hbm>> -> memref<1x64xf32, #tpu.memory_space<hbm>>
          tpu.enqueue_dma source(%dma_start3A_260 : memref<1x64xf32, #tpu.memory_space<hbm>>) target(%dma_start3A_258 : memref<1x64xf32, #tpu.memory_space<vmem>>) target_semaphore(%arg9 : memref<!tpu.dma_semaphore, #tpu.memory_space<semaphore_mem>>)
          %slice3A_261 = vector.extract_strided_slice %get3A_94 {offsets = [12], sizes = [1], strides = [1]} : vector<16xi32> to vector<1xi32>
          %squeeze3A_262 = vector.extract %slice3A_261[0] : i32 from vector<1xi32>
          %mul3A_263 = arith.constant 16 : i32
          %mul3A_264 = arith.muli %scan3A_86, %mul3A_263 : i32
          %add3A_265 = arith.constant 12 : i32
          %add3A_266 = arith.addi %mul3A_264, %add3A_265 : i32
          %dma_start3A_267 = arith.constant 0 : i32
          %dma_start3A_268 = tpu.memref_slice %arg7[%add3A_266, %dma_start3A_267] : memref<256x64xf32, #tpu.memory_space<vmem>> -> memref<1x64xf32, #tpu.memory_space<vmem>>
          %dma_start3A_269 = arith.constant 0 : i32
          %dma_start3A_270 = tpu.memref_slice %arg2[%squeeze3A_262, %dma_start3A_269] : memref<1000000x64xf32, #tpu.memory_space<hbm>> -> memref<1x64xf32, #tpu.memory_space<hbm>>
          %dma_start3A_271 = arith.constant 0 : i32
          %dma_start3A_272 = tpu.memref_slice %arg7[%add3A_266, %dma_start3A_271] : memref<256x64xf32, #tpu.memory_space<vmem>> -> memref<1x64xf32, #tpu.memory_space<vmem>>
          %dma_start3A_273 = arith.constant 0 : i32
          %dma_start3A_274 = tpu.memref_slice %arg2[%squeeze3A_262, %dma_start3A_273] : memref<1000000x64xf32, #tpu.memory_space<hbm>> -> memref<1x64xf32, #tpu.memory_space<hbm>>
          tpu.enqueue_dma source(%dma_start3A_274 : memref<1x64xf32, #tpu.memory_space<hbm>>) target(%dma_start3A_272 : memref<1x64xf32, #tpu.memory_space<vmem>>) target_semaphore(%arg9 : memref<!tpu.dma_semaphore, #tpu.memory_space<semaphore_mem>>)
          %slice3A_275 = vector.extract_strided_slice %get3A_94 {offsets = [13], sizes = [1], strides = [1]} : vector<16xi32> to vector<1xi32>
          %squeeze3A_276 = vector.extract %slice3A_275[0] : i32 from vector<1xi32>
          %mul3A_277 = arith.constant 16 : i32
          %mul3A_278 = arith.muli %scan3A_86, %mul3A_277 : i32
          %add3A_279 = arith.constant 13 : i32
          %add3A_280 = arith.addi %mul3A_278, %add3A_279 : i32
          %dma_start3A_281 = arith.constant 0 : i32
          %dma_start3A_282 = tpu.memref_slice %arg7[%add3A_280, %dma_start3A_281] : memref<256x64xf32, #tpu.memory_space<vmem>> -> memref<1x64xf32, #tpu.memory_space<vmem>>
          %dma_start3A_283 = arith.constant 0 : i32
          %dma_start3A_284 = tpu.memref_slice %arg2[%squeeze3A_276, %dma_start3A_283] : memref<1000000x64xf32, #tpu.memory_space<hbm>> -> memref<1x64xf32, #tpu.memory_space<hbm>>
          %dma_start3A_285 = arith.constant 0 : i32
          %dma_start3A_286 = tpu.memref_slice %arg7[%add3A_280, %dma_start3A_285] : memref<256x64xf32, #tpu.memory_space<vmem>> -> memref<1x64xf32, #tpu.memory_space<vmem>>
          %dma_start3A_287 = arith.constant 0 : i32
          %dma_start3A_288 = tpu.memref_slice %arg2[%squeeze3A_276, %dma_start3A_287] : memref<1000000x64xf32, #tpu.memory_space<hbm>> -> memref<1x64xf32, #tpu.memory_space<hbm>>
          tpu.enqueue_dma source(%dma_start3A_288 : memref<1x64xf32, #tpu.memory_space<hbm>>) target(%dma_start3A_286 : memref<1x64xf32, #tpu.memory_space<vmem>>) target_semaphore(%arg9 : memref<!tpu.dma_semaphore, #tpu.memory_space<semaphore_mem>>)
          %slice3A_289 = vector.extract_strided_slice %get3A_94 {offsets = [14], sizes = [1], strides = [1]} : vector<16xi32> to vector<1xi32>
          %squeeze3A_290 = vector.extract %slice3A_289[0] : i32 from vector<1xi32>
          %mul3A_291 = arith.constant 16 : i32
          %mul3A_292 = arith.muli %scan3A_86, %mul3A_291 : i32
          %add3A_293 = arith.constant 14 : i32
          %add3A_294 = arith.addi %mul3A_292, %add3A_293 : i32
          %dma_start3A_295 = arith.constant 0 : i32
          %dma_start3A_296 = tpu.memref_slice %arg7[%add3A_294, %dma_start3A_295] : memref<256x64xf32, #tpu.memory_space<vmem>> -> memref<1x64xf32, #tpu.memory_space<vmem>>
          %dma_start3A_297 = arith.constant 0 : i32
          %dma_start3A_298 = tpu.memref_slice %arg2[%squeeze3A_290, %dma_start3A_297] : memref<1000000x64xf32, #tpu.memory_space<hbm>> -> memref<1x64xf32, #tpu.memory_space<hbm>>
          %dma_start3A_299 = arith.constant 0 : i32
          %dma_start3A_300 = tpu.memref_slice %arg7[%add3A_294, %dma_start3A_299] : memref<256x64xf32, #tpu.memory_space<vmem>> -> memref<1x64xf32, #tpu.memory_space<vmem>>
          %dma_start3A_301 = arith.constant 0 : i32
          %dma_start3A_302 = tpu.memref_slice %arg2[%squeeze3A_290, %dma_start3A_301] : memref<1000000x64xf32, #tpu.memory_space<hbm>> -> memref<1x64xf32, #tpu.memory_space<hbm>>
          tpu.enqueue_dma source(%dma_start3A_302 : memref<1x64xf32, #tpu.memory_space<hbm>>) target(%dma_start3A_300 : memref<1x64xf32, #tpu.memory_space<vmem>>) target_semaphore(%arg9 : memref<!tpu.dma_semaphore, #tpu.memory_space<semaphore_mem>>)
          %slice3A_303 = vector.extract_strided_slice %get3A_94 {offsets = [15], sizes = [1], strides = [1]} : vector<16xi32> to vector<1xi32>
          %squeeze3A_304 = vector.extract %slice3A_303[0] : i32 from vector<1xi32>
          %mul3A_305 = arith.constant 16 : i32
          %mul3A_306 = arith.muli %scan3A_86, %mul3A_305 : i32
          %add3A_307 = arith.constant 15 : i32
          %add3A_308 = arith.addi %mul3A_306, %add3A_307 : i32
          %dma_start3A_309 = arith.constant 0 : i32
          %dma_start3A_310 = tpu.memref_slice %arg7[%add3A_308, %dma_start3A_309] : memref<256x64xf32, #tpu.memory_space<vmem>> -> memref<1x64xf32, #tpu.memory_space<vmem>>
          %dma_start3A_311 = arith.constant 0 : i32
          %dma_start3A_312 = tpu.memref_slice %arg2[%squeeze3A_304, %dma_start3A_311] : memref<1000000x64xf32, #tpu.memory_space<hbm>> -> memref<1x64xf32, #tpu.memory_space<hbm>>
          %dma_start3A_313 = arith.constant 0 : i32
          %dma_start3A_314 = tpu.memref_slice %arg7[%add3A_308, %dma_start3A_313] : memref<256x64xf32, #tpu.memory_space<vmem>> -> memref<1x64xf32, #tpu.memory_space<vmem>>
          %dma_start3A_315 = arith.constant 0 : i32
          %dma_start3A_316 = tpu.memref_slice %arg2[%squeeze3A_304, %dma_start3A_315] : memref<1000000x64xf32, #tpu.memory_space<hbm>> -> memref<1x64xf32, #tpu.memory_space<hbm>>
          tpu.enqueue_dma source(%dma_start3A_316 : memref<1x64xf32, #tpu.memory_space<hbm>>) target(%dma_start3A_314 : memref<1x64xf32, #tpu.memory_space<vmem>>) target_semaphore(%arg9 : memref<!tpu.dma_semaphore, #tpu.memory_space<semaphore_mem>>)
          %scan3A_317 = arith.constant 0 : i32
          scf.yield %scan3A_317 : i32
        }
        %scan3A_85 = arith.constant 16 : i32
      } else {
      }
      %scan3A_76 = arith.constant 0 : i32
      scf.yield %scan3A_76 : i32
    }
    %scan3A_22 = arith.constant 10 : i32
    return
  }
}

module attributes {stable_mosaic.version = 14 : i64} {
  func.func @_mlp_body(%arg0: i32, %arg1: memref<5120x64xf32, #tpu.memory_space<vmem>>, %arg2: memref<64x128xf32, #tpu.memory_space<vmem>>, %arg3: memref<1x128xf32, #tpu.memory_space<vmem>>, %arg4: memref<256x20x128xf32, #tpu.memory_space<vmem>>) attributes {dimension_semantics = [#tpu.dimension_semantics<arbitrary>], iteration_bounds = array<i64: 32>, scalar_prefetch = 0 : i64, scratch_operands = 0 : i64, tpu.core_type = #tpu.core_type<tc>, window_params = [{transform_indices = @transform_0, window_bounds = array<i64: 5120, 64>}, {pipeline_mode = #tpu.pipeline_mode<synchronous>, transform_indices = @transform_1, window_bounds = array<i64: 64, 128>}, {pipeline_mode = #tpu.pipeline_mode<synchronous>, transform_indices = @transform_2, window_bounds = array<i64: 1, 128>}, {transform_indices = @transform_3, window_bounds = array<i64: 256, 20, 128>}]} {
    %get3A = arith.constant 0 : index
    %get3A_0 = arith.constant 0 : index
    %get3A_1 = vector.load %arg1[%get3A, %get3A_0] : memref<5120x64xf32, #tpu.memory_space<vmem>>, vector<5120x64xf32>
    %get3A_2 = arith.constant 0 : index
    %get3A_3 = arith.constant 0 : index
    %get3A_4 = vector.load %arg2[%get3A_2, %get3A_3] : memref<64x128xf32, #tpu.memory_space<vmem>>, vector<64x128xf32>
    %dot_general3A = arith.constant dense<0.000000e+00> : vector<5120x128xf32>
    %dot_general3A_5 = tpu.matmul %get3A_1, %get3A_4, %dot_general3A {dimension_numbers = #tpu.dot_dimension_numbers<[1], [0], [0], [1], [0, 0, 1, 1], [], []>, transpose_lhs_hint = false} : vector<5120x64xf32>, vector<64x128xf32>, vector<5120x128xf32> -> vector<5120x128xf32>
    %get3A_6 = arith.constant 0 : index
    %get3A_7 = arith.constant 0 : index
    %get3A_8 = vector.load %arg3[%get3A_6, %get3A_7] : memref<1x128xf32, #tpu.memory_space<vmem>>, vector<1x128xf32>
    %add3A = vector.broadcast %get3A_8 : vector<1x128xf32> to vector<5120x128xf32>
    %add3A_9 = arith.addf %dot_general3A_5, %add3A : vector<5120x128xf32>
    %max3A = arith.constant 0.000000e+00 : f32
    %max3A_10 = vector.broadcast %max3A : f32 to vector<5120x128xf32>
    %max3A_11 = arith.maximumf %add3A_9, %max3A_10 : vector<5120x128xf32>
    %reshape3A = vector.shape_cast %max3A_11 : vector<5120x128xf32> to vector<256x20x128xf32>
    %swap3A = arith.constant 0 : index
    %swap3A_12 = arith.constant 0 : index
    %swap3A_13 = arith.constant 0 : index
    %swap3A_14 = vector.load %arg4[%swap3A, %swap3A_12, %swap3A_13] : memref<256x20x128xf32, #tpu.memory_space<vmem>>, vector<256x20x128xf32>
    tpu.vector_store %arg4[%swap3A, %swap3A_12, %swap3A_13], %reshape3A {strides = array<i32>} : memref<256x20x128xf32, #tpu.memory_space<vmem>>, vector<256x20x128xf32>,
    return
  }
  func.func @transform_0(%arg0: i32) -> (i32, i32) {
    %c0_i32 = arith.constant 0 : i32
    %c0_i32_0 = arith.constant 0 : i32
    return %arg0, %c0_i32 : i32, i32
  }
  func.func @transform_1(%arg0: i32) -> (i32, i32) {
    %c0_i32 = arith.constant 0 : i32
    %c0_i32_0 = arith.constant 0 : i32
    %c0_i32_1 = arith.constant 0 : i32
    return %c0_i32, %c0_i32_0 : i32, i32
  }
  func.func @transform_2(%arg0: i32) -> (i32, i32) {
    %c0_i32 = arith.constant 0 : i32
    %c0_i32_0 = arith.constant 0 : i32
    %c0_i32_1 = arith.constant 0 : i32
    return %c0_i32, %c0_i32_0 : i32, i32
  }
  func.func @transform_3(%arg0: i32) -> (i32, i32, i32) {
    %add3A = arith.constant 0 : i32
    %add3A_0 = arith.addi %arg0, %add3A : i32
    %c0_i32 = arith.constant 0 : i32
    %c0_i32_1 = arith.constant 0 : i32
    %c0_i32_2 = arith.constant 0 : i32
    return %add3A_0, %c0_i32, %c0_i32_1 : i32, i32, i32
  }
}

module attributes {stable_mosaic.version = 14 : i64} {
  func.func @_mlp_body_alias(%arg0: i32, %arg1: memref<5120x64xf32, #tpu.memory_space<vmem>>, %arg2: memref<64x128xf32, #tpu.memory_space<vmem>>, %arg3: memref<1x128xf32, #tpu.memory_space<vmem>>, %arg4: memref<16384x20x128xf32, #tpu.memory_space<any>>, %arg5: memref<256x20x128xf32, #tpu.memory_space<vmem>>) attributes {dimension_semantics = [#tpu.dimension_semantics<arbitrary>], iteration_bounds = array<i64: 32>, scalar_prefetch = 0 : i64, scratch_operands = 0 : i64, tpu.core_type = #tpu.core_type<tc>, window_params = [{transform_indices = @transform_0, window_bounds = array<i64: 5120, 64>}, {pipeline_mode = #tpu.pipeline_mode<synchronous>, transform_indices = @transform_1, window_bounds = array<i64: 64, 128>}, {pipeline_mode = #tpu.pipeline_mode<synchronous>, transform_indices = @transform_2, window_bounds = array<i64: 1, 128>}, {}, {transform_indices = @transform_4, window_bounds = array<i64: 256, 20, 128>}]} {
    %get3A = arith.constant 0 : index
    %get3A_0 = arith.constant 0 : index
    %get3A_1 = vector.load %arg1[%get3A, %get3A_0] : memref<5120x64xf32, #tpu.memory_space<vmem>>, vector<5120x64xf32>
    %get3A_2 = arith.constant 0 : index
    %get3A_3 = arith.constant 0 : index
    %get3A_4 = vector.load %arg2[%get3A_2, %get3A_3] : memref<64x128xf32, #tpu.memory_space<vmem>>, vector<64x128xf32>
    %dot_general3A = arith.constant dense<0.000000e+00> : vector<5120x128xf32>
    %dot_general3A_5 = tpu.matmul %get3A_1, %get3A_4, %dot_general3A {dimension_numbers = #tpu.dot_dimension_numbers<[1], [0], [0], [1], [0, 0, 1, 1], [], []>, transpose_lhs_hint = false} : vector<5120x64xf32>, vector<64x128xf32>, vector<5120x128xf32> -> vector<5120x128xf32>
    %get3A_6 = arith.constant 0 : index
    %get3A_7 = arith.constant 0 : index
    %get3A_8 = vector.load %arg3[%get3A_6, %get3A_7] : memref<1x128xf32, #tpu.memory_space<vmem>>, vector<1x128xf32>
    %add3A = vector.broadcast %get3A_8 : vector<1x128xf32> to vector<5120x128xf32>
    %add3A_9 = arith.addf %dot_general3A_5, %add3A : vector<5120x128xf32>
    %max3A = arith.constant 0.000000e+00 : f32
    %max3A_10 = vector.broadcast %max3A : f32 to vector<5120x128xf32>
    %max3A_11 = arith.maximumf %add3A_9, %max3A_10 : vector<5120x128xf32>
    %reshape3A = vector.shape_cast %max3A_11 : vector<5120x128xf32> to vector<256x20x128xf32>
    %swap3A = arith.constant 0 : index
    %swap3A_12 = arith.constant 0 : index
    %swap3A_13 = arith.constant 0 : index
    %swap3A_14 = vector.load %arg5[%swap3A, %swap3A_12, %swap3A_13] : memref<256x20x128xf32, #tpu.memory_space<vmem>>, vector<256x20x128xf32>
    tpu.vector_store %arg5[%swap3A, %swap3A_12, %swap3A_13], %reshape3A {strides = array<i32>} : memref<256x20x128xf32, #tpu.memory_space<vmem>>, vector<256x20x128xf32>,
    return
  }
  func.func @transform_0(%arg0: i32) -> (i32, i32) {
    %c0_i32 = arith.constant 0 : i32
    %c0_i32_0 = arith.constant 0 : i32
    return %arg0, %c0_i32 : i32, i32
  }
  func.func @transform_1(%arg0: i32) -> (i32, i32) {
    %c0_i32 = arith.constant 0 : i32
    %c0_i32_0 = arith.constant 0 : i32
    %c0_i32_1 = arith.constant 0 : i32
    return %c0_i32, %c0_i32_0 : i32, i32
  }
  func.func @transform_2(%arg0: i32) -> (i32, i32) {
    %c0_i32 = arith.constant 0 : i32
    %c0_i32_0 = arith.constant 0 : i32
    %c0_i32_1 = arith.constant 0 : i32
    return %c0_i32, %c0_i32_0 : i32, i32
  }
  func.func @transform_4(%arg0: i32) -> (i32, i32, i32) {
    %add3A = arith.constant 32 : i32
    %add3A_0 = arith.addi %arg0, %add3A : i32
    %c0_i32 = arith.constant 0 : i32
    %c0_i32_1 = arith.constant 0 : i32
    %c0_i32_2 = arith.constant 0 : i32
    return %add3A_0, %c0_i32, %c0_i32_1 : i32, i32, i32
  }
}

</mosaic_0001>

<sc_bundles>
// kernel: kernel.6.cloned.1.call-start
scs
__scs_entry_jumppad:
0x0: {  	(pc) =	sbr.rel $0x88, $3  }
0x1: {  	(tag) =	ssettag $0x0;
	lr =	simm.s32 $0x1  }
0x2: {  	[smem:$0x3F9D] =	sst lr;
	_ =	strace $0xD0000000  }
0x3: {  	_ = 	snop  }
0x4: {  	_ = 	snop  }
0x5: {  	_ = 	snop  }
0x6: {  	_ = 	snop  }
0x7: {  	_ = 	snop  }
__scs_overlays_trampoline_lowered:
0x8: {  	[smem:$0x3FAC] =	sst s0  }
0x9: {  	[smem:$0x3FAD] =	sst s1  }
0xa: {  	[smem:$0x3FAE] =	sst s2  }
0xb: {  	[smem:$0x3FAF] =	sst s3  }
0xc: {  	[smem:$0x3FB0] =	sst s4  }
0xd: {  	[smem:$0x3FB1] =	sst s5  }
0xe: {  	[smem:$0x3FB2] =	sst s6  }
0xf: {  	[smem:$0x3FB3] =	sst s7  }
0x10: {  	[smem:$0x3FB4] =	sst s8  }
0x11: {  	[smem:$0x3FB5] =	sst s9;
	s0 =	simm.s32 @!p0 $0x0  }
0x12: {  	s1 =	sld [smem:$0x3F9B];
	s0 =	simm.s32 @p0 $0x1  }
0x13: {  	[smem:$0x3FB6] =	sst s0;
	s0 =	simm.s32 @!p1 $0x0  }
0x14: {  	s2 =	sld [smem:$0x3F9A];
	s0 =	simm.s32 @p1 $0x1  }
0x15: {  	[smem:$0x3FB7] =	sst s0;
	s0 =	simm.s32 @!p2 $0x0  }
0x16: {  	s3 =	sld [smem:$0x3FDB];
	s0 =	simm.s32 @p2 $0x1  }
0x17: {  	s4 =	simm.s32 $0x1BF5;
	[smem:$0x3FB9] =	sst s0  }
0x18: {  	s0 =	sld [smem:$0x3F9C];
	_ =	swait.ge [sflag:s4], $0x0  }
0x19: {  	s7 =	sld [smem:$0x3F9D]  }
0x1a: {  	s8 =	sadd.s32 $0xFFFFE003, lr  }
0x1b: {  	s9 =	sadd.s32 $0xFFFFFEF7, lr;
	s5 =	simm.s32 $0xFFFFFFFF;
	p2 =	slt.u32 s8, $0xFFFFF086  }
0x1c: {  	p1 =	slt.u32 s9, $0xF7A;
	s5 =	simm.s32 @!p2 $0x0  }
0x1d: {  	s5 =	simm.s32 @p1 $0x1;
	p0 =	seq.s32 s7, s2  }
0x1e: {  	s7 =	smul.u32 @!p0 $0xF7A, s2;
	p2 =	seq.s32 @!p0 s5, $0x0  }
0x1f: {  	s9 =	smul.u32 $0xF7A, s1;
	s8 =	simm.s32 @!p0 $0x1BF5;
	p2 =	por !p2, p0  }
0x20: {  	[sflag:s8] =	ssyncset.s32 @!p0 $0xFFFFF086;
	s6 =	sadd.s32 @!p0 s3, s7;
	s7 =	simm.s32 @!p0 $0x108  }
0x21: {  	s3 =	sadd.s32 s3, s9;
	s6 =	sadd.s32 @!p0 $0x88, s6;
	s7 =	simm.s32 @p2 $0x1082  }
0x22: {  	[simem:s7], [sflag:s8] =	dma.local @!p0 [hbm:s6], $0xF7A  }
0x23: {  	s9 =	sor.u32 $0xD0000000, s2;
	s6 =	simm.s32 $0x108;
	_ =	swait.ge @!p0 [sflag:s8], $0x0  }
0x24: {  	s3 =	sadd.s32 $0x88, s3;
	s6 =	simm.s32 @!p1 $0x1082;
	[sflag:s4] =	ssyncset.s32 $0xFFFFF086  }
0x25: {  	[simem:s6], [sflag:s4] =	dma.local [hbm:s3], $0xF7A  }
0x26: {  	[smem:$0x3F9D] =	sst s1;
	(tag) =	ssettag s2;
	_ =	strace s9  }
0x27: {  	s1 =	sld [smem:$0x3FAD]  }
0x28: {  	s2 =	sld [smem:$0x3FAE]  }
0x29: {  	s4 =	sld [smem:$0x3FB0]  }
0x2a: {  	p0 =	seq.s32 s5, $0x0;
	s5 =	sld [smem:$0x3FB1]  }
0x2b: {  	s6 =	sld [smem:$0x3FB2]  }
0x2c: {  	s7 =	sld [smem:$0x3FB3]  }
0x2d: {  	s3 =	simm.s32 $0x108;
	s8 =	sld [smem:$0x3FB4]  }
0x2e: {  	s3 =	simm.s32 @!p0 $0x1082;
	s9 =	sld [smem:$0x3FB5]  }
0x2f: {  	lr =	sadd.s32 s0, s3;
	s0 =	sld [smem:$0x3FAC]  }
0x30: {  	s3 =	sld [smem:$0x3FAF]  }
0x31: {  	[smem:$0x3FB8] =	sst s10  }
0x32: {  	s10 =	sld [smem:$0x3FB6];
	_ =	sdelay $0x3  }
0x33: {  	p0 =	seq.s32 s10, $0x1;
	s10 =	sld [smem:$0x3FB8];
	_ =	sdelay $0x3  }
0x34: {  	[smem:$0x3FB8] =	sst s10  }
0x35: {  	s10 =	sld [smem:$0x3FB7];
	_ =	sdelay $0x3  }
0x36: {  	p1 =	seq.s32 s10, $0x1;
	s10 =	sld [smem:$0x3FB8];
	_ =	sdelay $0x3  }
0x37: {  	[smem:$0x3FB8] =	sst s10  }
0x38: {  	s10 =	sld [smem:$0x3FB9]  }
0x39: {  	_ = 	snop;
	(pc) =	sbr.ind lr, $3  }
0x3a: {  	_ = 	snop  }
0x3b: {  	_ = 	snop  }
0x3c: {  	p2 =	seq.s32 s10, $0x1;
	s10 =	sld [smem:$0x3FB8]  }
0x3d: {  	_ =	shalt  }
0x3e: {  	_ =	shalt  }
0x3f: {  	_ =	shalt  }
0x40: {  	_ =	shalt  }
0x41: {  	_ =	shalt  }
0x42: {  	_ =	shalt  }
0x43: {  	_ =	shalt  }
0x44: {  	_ =	shalt  }
0x45: {  	_ =	shalt  }
0x46: {  	_ =	shalt  }
0x47: {  	_ =	shalt  }
0x48: {  	_ =	shalt  }
0x49: {  	_ =	shalt  }
0x4a: {  	_ =	shalt  }
0x4b: {  	_ =	shalt  }
0x4c: {  	_ =	shalt  }
0x4d: {  	_ =	shalt  }
0x4e: {  	_ =	shalt  }
0x4f: {  	_ =	shalt  }
0x50: {  	_ =	shalt  }
0x51: {  	_ =	shalt  }
0x52: {  	_ =	shalt  }
0x53: {  	_ =	shalt  }
0x54: {  	_ =	shalt  }
0x55: {  	_ =	shalt  }
0x56: {  	_ =	shalt  }
0x57: {  	_ =	shalt  }
0x58: {  	_ =	shalt  }
0x59: {  	_ =	shalt  }
0x5a: {  	_ =	shalt  }
0x5b: {  	_ =	shalt  }
0x5c: {  	_ =	shalt  }
0x5d: {  	_ =	shalt  }
0x5e: {  	_ =	shalt  }
0x5f: {  	_ =	shalt  }
0x60: {  	_ =	shalt  }
0x61: {  	_ =	shalt  }
0x62: {  	_ =	shalt  }
0x63: {  	_ =	shalt  }
0x64: {  	_ =	shalt  }
0x65: {  	_ =	shalt  }
0x66: {  	_ =	shalt  }
0x67: {  	_ =	shalt  }
0x68: {  	_ =	shalt  }
0x69: {  	_ =	shalt  }
0x6a: {  	_ =	shalt  }
0x6b: {  	_ =	shalt  }
0x6c: {  	_ =	shalt  }
0x6d: {  	_ =	shalt  }
0x6e: {  	_ =	shalt  }
0x6f: {  	_ =	shalt  }
0x70: {  	_ =	shalt  }
0x71: {  	_ =	shalt  }
0x72: {  	_ =	shalt  }
0x73: {  	_ =	shalt  }
0x74: {  	_ =	shalt  }
0x75: {  	_ =	shalt  }
0x76: {  	_ =	shalt  }
0x77: {  	_ =	shalt  }
0x78: {  	_ =	shalt  }
0x79: {  	_ =	shalt  }
0x7a: {  	_ =	shalt  }
0x7b: {  	_ =	shalt  }
0x7c: {  	_ =	shalt  }
0x7d: {  	_ =	shalt  }
0x7e: {  	_ =	shalt  }
0x7f: {  	_ =	shalt  }
0x80: {  	_ =	shalt  }
0x81: {  	_ =	shalt  }
0x82: {  	_ =	shalt  }
0x83: {  	_ =	shalt  }
0x84: {  	_ =	shalt  }
0x85: {  	_ =	shalt  }
0x86: {  	_ =	shalt  }
0x87: {  	_ =	shalt  }
.Lfunc_end0:
.L_simem_size_0:
called_computation_lowered:
.L_overlay_start_0:
0x88: {  	s2 =	sld [smem:$0x3FD9]  }
0x89: {  	s3 =	sld [smem:$0x3FFE];
	_ =	sdelay $0x1  }
0x8a: {  	s1 =	srdreg.scid  }
0x8b: {  	s0 =	sand.u32 $0x1, s1  }
0x8c: {  	s16 =	sshll.u32 s0, $0xA;
	s2 =	sadd.s32 s3, s2  }
0x8d: {  	s2 =	sadd.s32 s2, s16  }
0x8e: {  	[smem:$0x3FC4] =	sst s2  }
0x8f: {  	_ = 	snop  }
0x90: {  	(tm) =	ssettm $0x1  }
0x91: {  	s17 =	sld [smem:$0x3FFB];
	_ =	sdelay $0x3  }
0x92: {  	_ =	strace s17  }
0x93: {  	s2 =	sld [smem:$0x3FFC];
	_ =	sdelay $0x3  }
0x94: {  	_ =	strace s2  }
0x95: {  	s2 =	sld [smem:$0x3FFD];
	_ =	sdelay $0x3  }
0x96: {  	_ =	strace s2  }
0x97: {  	_ =	strace $0x8FFFFFFF  }
0x98: {  	s18 =	sld [smem:$0x3FDB];
	_ =	sdelay $0x1  }
0x99: {  	s19 =	simm.s32 $_scs_section_size  }
0x9a: {  	s4 =	simm.s32 $_size__tile_overlayer_lowered;
	s5 =	simm.s32 $_tile_overlayer_lowered  }
0x9b: {  	s22 =	simm.s32 $0x1BFF;
	s21 =	sshll.u32 s5, $0x1;
	s2 =	sadd.s32 s19, s18  }
0x9c: {  	s6 =	simm.s32 $0x0;
	s20 =	sshll.u32 s4, $0x1;
	s4 =	sadd.s32 s21, s2  }
0x9d: {  	[timem:s6], [sflag:s22] =	dma.local [hbm:s4], s20  }
0x9e: {  	_ =	swait.ge [sflag:s22], s20  }
0x9f: {  	s3 =	ssub.s32 $0x0, s20;
	[sflag:s22] =	ssyncset.done $0x0  }
0xa0: {  	[sflag:s22] =	ssyncadd.s32 s3;
	_ =	sdelay $0x1  }
0xa1: {  	s23 =	simm.s32 $0x1B8B  }
0xa2: {  	_ =	swait.ge [sflag:s23], $0x1  }
0xa3: {  	[sflag:s23] =	ssyncset.done $0x0  }
0xa4: {  	s25 =	simm.s32 $0x1B8E;
	s24 =	sld [smem:$0x3FFE];
	[sflag:s23] =	ssyncadd.s32 $0xFFFFFFFF  }
0xa5: {  	s26 =	simm.s32 $execute0_lowered;
	[smem:$0x3FD2] =	sst s25  }
0xa6: {  	s4 =	sshll.u32 s26, $0x1;
	_ =	strace $0x80000046;
	[dreg:$0x1] =	wrdreg $0xFFFFFFFF  }
0xa7: {  	s28 =	simm.s32 $_size_execute0_lowered;
	s2 =	sadd.s32 s2, s4;
	[dreg:$0x0] =	wrdreg $0x0  }
0xa8: {  	s4 =	sshll.u32 s28, $0x1;
	[dreg:$0x2] =	wrdreg s2  }
0xa9: {  	[dreg:$0x3] =	wrdreg s4  }
0xaa: {  	[dreg:$0x4] =	wrdreg $0xC0  }
0xab: {  	_ =	task [dreg:s6], $0x5FFFF  }
0xac: {  	[dreg:$0x1] =	wrdreg $0xFFFFFFFF  }
0xad: {  	[dreg:$0x0] =	wrdreg $0x60  }
0xae: {  	[dreg:$0x2] =	wrdreg s24  }
0xaf: {  	[dreg:$0x3] =	wrdreg $0x9  }
0xb0: {  	_ =	task.clear_ibuf [dreg:s6], $0x4FFFF;
	_ =	strace $0x90000046  }
0xb1: {  	s29 =	simm.s32 $0x9;
	_ =	strace $0x80000048  }
0xb2: {  	_ =	swait.ge [sflag:s29], $0x1  }
0xb3: {  	[sflag:s29] =	ssyncadd.s32 $0xFFFFFFFF  }
0xb4: {  	_ =	strace $0x90000048  }
0xb5: {  	_ =	sfence  }
0xb6: {  	s30 =	sld [smem:$0x0];
	_ =	sdelay $0x2  }
0xb7: {  	s31 =	sshll.u32 s1, $0xD;
	s1 =	sshrl.u32 s1, $0x2  }
0xb8: {  	s3 =	sand.u32 $0x4000, s31;
	s1 =	sadd.s32 s1, s30  }
0xb9: {  	s0 =	sor.u32 s3, s0;
	s1 =	sshll.u32 s1, $0x11  }
0xba: {  	s0 =	sor.u32 s1, s0  }
0xbb: {  	s0 =	sadd.s32 $0x8F2B, s0  }
0xbc: {  	[sflag:s0] =	ssyncadd.remote.s32 $0x1  }
0xbd: {  	_ =	sfence.sel $0xFFFF  }
0xbe: {  	[dreg:$0x0] =	wrdreg $0xFFFFFFFF;
	(pc) =	sbr.abs _section_cstart, $3  }
0xbf: {  	[dreg:$0x1] =	wrdreg $0xFFFFFFFF  }
0xc0: {  	_ =	task.clear_ibuf [dreg:s6], $0x2FFFF;
	_ =	strace $0x9FFFFFFF  }
0xc1: {  	(tm) =	ssettm $0x7FFFFFFF  }
tec
execute0_lowered:
.L_overlay_start_1:
0x0: {  	(tag) =	ssettag $0x1  }
0x1: {  	s0 =	srdreg.scid;
	s2 =	stileid.u32  }
0x2: {  	s1 =	rddreg [dreg:$0x0];
	s0 =	sand.u32 $0x1, s0;
	s3 =	sshll.u32 s2, $0x1  }
0x3: {  	s12 =	simm.s32 $0x2;
	s2 =	simm.s32 $0x0;
	s5 =	sor.u32 s0, s3  }
0x4: {  	[smem:$0x7FF] =	sst s2;
	s0 =	ssub.s32 $0x2, s0;
	s4 =	smul.u32 $0x280, s5  }
0x5: {  	s3 =	sadd.s32 $0x5E00, s1;
	s7 =	sshrl.u32 s0, $0x1;
	s30 =	smul.u32 $0xA0000, s5  }
0x6: {  	_ =	strace $0x80000047;
	s8 =	smul.u32 $0x14000, s5;
	s0 =	ssub.s32 s0, s7  }
.Ltmp0:
0x7: {  	[dreg:$0x6] =	wrdreg s30;
	s0 =	smax.u32 s0, $0x1;
	(pc) =	sbr.rel .LBB2_1-.Ltmp0, $4  }
0x8: {  	s6 =	sadd.s32 s4, s1;
	s1 =	sadd.s32 $0xF48200, s1;
	[dreg:$0x7] =	wrdreg s0  }
0x9: {  	s4 =	sadd.s32 $0xE00, s6;
	[dreg:$0x4] =	wrdreg s1;
	s31 =	sadd.s32 s8, s1  }
0xa: {  	s14 =	simm.s32 $0x3;
	[dreg:$0x5] =	wrdreg s4;
	s0 =	sadd.s32 $0x1000, s31  }
0xb: {  	s15 =	simm.s32 $0x4;
	s1 =	simm.s32 $0x0;
	[dreg:$0x8] =	wrdreg s0  }
.LBB2_12:
0xc: {  	_ =	swait.ge [sflag:s15], $0x8000  }
0xd: {  	s1 =	rddreg [dreg:$0x9]  }
0xe: {  	s0 =	rddreg [dreg:$0x7];
	s1 =	sadd.s32 $0x1, s1  }
0xf: {  	p0 =	sne.s32 s1, s0  }
.Ltmp1:
0x10: {  	_ = 	snop;
	(pc) =	sbr.rel @!p0 .LBB2_13-.Ltmp1, $3  }
0x11: {  	_ =	sdelay $0x1  }
0x12: {  	[sflag:s15] =	ssyncset.done $0x0  }
0x13: {  	[sflag:s15] =	ssyncadd.s32 $0xFFFF8000  }
.LBB2_1:
0x14: {  	[dreg:$0x9] =	wrdreg s1  }
0x15: {  	s0 =	rddreg [dreg:$0x5];
	s31 =	simm.s32 $0x5  }
0x16: {  	[tilespmem:s2], [sflag:$0x5] =	stream.linear.gather [hbm4b:s0+s2], $0x1400, $0x38;
	[tilespmem:$0x11400] =	vst v63  }
0x17: {  	_ =	swait.ge [sflag:s31], $0x1400  }
0x18: {  	[sflag:s31] =	ssyncset.done $0x0  }
0x19: {  	[sflag:s31] =	ssyncadd.s32 $0xFFFFEC00  }
0x1a: {  	v0 =	vld [tilespmem:s2+$0x0];
	_ =	sdelay $0x4  }
0x1b: {  	v0 =	vshll.u32 v0, $0x4  }
0x1c: {  	(v2sf) =	vpush v0, $0x0  }
0x1d: {  	(v2sf) =	vpush v0, $0x1  }
0x1e: {  	(v2sf) =	vpush v0, $0x2;
	_ =	sdelay $0x1  }
0x1f: {  	(v2sf) =	vpush v0, $0x4;
	_ =	sdelay $0x1  }
0x20: {  	(v2sf) =	vpush v0, $0x3  }
0x21: {  	(v2sf) =	vpush v0, $0x5  }
0x22: {  	s19 =	simm.s32 $0x2000;
	s18 =	simm.s32 $0x0;
	s20 =	simm.s32 $0x0;
	(v2sf) =	vpush v0, $0x6  }
.LBB2_2:
0x23: {  	p0 =	sne.s32 s19, $0x1E000  }
0x24: {  	s7 =	sadd.s32 $0x1480, s18;
	s24 =	sadd.s32 $0x1980, s18;
	s21 =	smov.u32 s19  }
0x25: {  	s19 =	sadd.s32 $0x2000, s19;
	s26 =	sadd.s32 $0x1780, s18;
	s22 =	sadd.s32 $0x1A00, s18;
	(v2sf) =	vpush v0, $0x7  }
0x26: {  	s5 =	sadd.s32 $0x1680, s18;
	s1 =	sadd.s32 $0x1800, s18;
	s23 =	sadd.s32 $0x1A80, s18  }
0x27: {  	s9 =	sadd.s32 $0x1400, s18;
	s28 =	sadd.s32 $0x1600, s18;
	(v2sf) =	vpush v0, $0x8  }
0x28: {  	s17 =	simm.s32 $0x0;
	s29 =	sadd.s32 $0x1700, s18;
	s20 =	sadd.s32 $0x10, s20  }
0x29: {  	s30 =	sadd.s32 $0x1500, s18;
	s25 =	sadd.s32 $0x1900, s18;
	s0 =	spop (v2sf);
	(v2sf) =	vpush v0, $0x9  }
0x2a: {  	s31 =	sand.u32 $0x1FFFFFF0, s0;
	s0 =	sadd.s32 $0x1880, s18;
	s16 =	spop (v2sf)  }
0x2b: {  	s31 =	sadd.s32 s3, s31;
	s16 =	sand.u32 $0x1FFFFFF0, s16;
	s11 =	spop (v2sf);
	(v2sf) =	vpush v0, $0xA  }
0x2c: {  	[tilespmem:s9], [sflag:$0x1] =	stream.linear.gather [hbm4b:s31+s17], $0x80, $0x38;
	[tilespmem:$0x11400] =	vst v63  }
0x2d: {  	s9 =	sadd.s32 s3, s16;
	s16 =	sadd.s32 $0x1580, s18;
	s31 =	spop (v2sf);
	(v2sf) =	vpush v0, $0xB  }
0x2e: {  	[tilespmem:s7], [sflag:$0x1] =	stream.linear.gather [hbm4b:s9+s17], $0x80, $0x38;
	[tilespmem:$0x11400] =	vst v63  }
0x2f: {  	s7 =	sand.u32 $0x1FFFFFF0, s11;
	s9 =	sand.u32 $0x1FFFFFF0, s31;
	s11 =	spop (v2sf);
	(v2sf) =	vpush v0, $0xC  }
0x30: {  	s7 =	sadd.s32 s3, s7;
	s11 =	sand.u32 $0x1FFFFFF0, s11;
	s31 =	spop (v2sf)  }
0x31: {  	[tilespmem:s30], [sflag:$0x1] =	stream.linear.gather [hbm4b:s7+s17], $0x80, $0x38;
	(v2sf) =	vpush v0, $0xD;
	[tilespmem:$0x11400] =	vst v63  }
0x32: {  	s7 =	sadd.s32 s3, s11;
	s11 =	sand.u32 $0x1FFFFFF0, s31;
	s30 =	spop (v2sf)  }
0x33: {  	[tilespmem:s16], [sflag:$0x1] =	stream.linear.gather [hbm4b:s7+s17], $0x80, $0x38;
	(v2sf) =	vpush v0, $0xE;
	[tilespmem:$0x11400] =	vst v63  }
0x34: {  	s7 =	sadd.s32 s3, s9;
	s9 =	sand.u32 $0x1FFFFFF0, s30;
	s16 =	spop (v2sf)  }
0x35: {  	[tilespmem:s28], [sflag:$0x1] =	stream.linear.gather [hbm4b:s7+s17], $0x80, $0x38;
	(v2sf) =	vpush v0, $0xF;
	[tilespmem:$0x11400] =	vst v63  }
0x36: {  	s7 =	sadd.s32 s3, s11;
	s11 =	sand.u32 $0x1FFFFFF0, s16;
	s16 =	spop (v2sf)  }
0x37: {  	[tilespmem:s5], [sflag:$0x1] =	stream.linear.gather [hbm4b:s7+s17], $0x80, $0x38;
	[tilespmem:$0x11400] =	vst v63  }
0x38: {  	s5 =	sadd.s32 s3, s9;
	s7 =	sand.u32 $0x1FFFFFF0, s16;
	s9 =	spop (v2sf)  }
0x39: {  	[tilespmem:s29], [sflag:$0x1] =	stream.linear.gather [hbm4b:s5+s17], $0x80, $0x38;
	[tilespmem:$0x11400] =	vst v63  }
0x3a: {  	s5 =	sadd.s32 s3, s11;
	s9 =	sand.u32 $0x1FFFFFF0, s9;
	s11 =	spop (v2sf)  }
0x3b: {  	[tilespmem:s26], [sflag:$0x1] =	stream.linear.gather [hbm4b:s5+s17], $0x80, $0x38;
	[tilespmem:$0x11400] =	vst v63  }
0x3c: {  	s5 =	sadd.s32 s3, s7;
	s7 =	sand.u32 $0x1FFFFFF0, s11;
	s11 =	spop (v2sf)  }
0x3d: {  	[tilespmem:s1], [sflag:$0x1] =	stream.linear.gather [hbm4b:s5+s17], $0x80, $0x38;
	[tilespmem:$0x11400] =	vst v63  }
0x3e: {  	s1 =	sadd.s32 s3, s9;
	s5 =	sand.u32 $0x1FFFFFF0, s11;
	s9 =	spop (v2sf)  }
0x3f: {  	[tilespmem:s0], [sflag:$0x1] =	stream.linear.gather [hbm4b:s1+s17], $0x80, $0x38;
	[tilespmem:$0x11400] =	vst v63  }
0x40: {  	s0 =	sadd.s32 s3, s7;
	s1 =	sand.u32 $0x1FFFFFF0, s9;
	s7 =	spop (v2sf)  }
0x41: {  	[tilespmem:s25], [sflag:$0x1] =	stream.linear.gather [hbm4b:s0+s17], $0x80, $0x38;
	[tilespmem:$0x11400] =	vst v63  }
0x42: {  	s0 =	sadd.s32 s3, s5;
	s5 =	sand.u32 $0x1FFFFFF0, s7;
	s7 =	spop (v2sf)  }
0x43: {  	[tilespmem:s24], [sflag:$0x1] =	stream.linear.gather [hbm4b:s0+s17], $0x80, $0x38;
	[tilespmem:$0x11400] =	vst v63  }
0x44: {  	s0 =	sadd.s32 s3, s1;
	s1 =	sand.u32 $0x1FFFFFF0, s7;
	s7 =	spop (v2sf)  }
0x45: {  	[tilespmem:s22], [sflag:$0x1] =	stream.linear.gather [hbm4b:s0+s17], $0x80, $0x38;
	[tilespmem:$0x11400] =	vst v63  }
0x46: {  	s0 =	sadd.s32 s3, s5;
	s5 =	sand.u32 $0x1FFFFFF0, s7  }
0x47: {  	[tilespmem:s23], [sflag:$0x1] =	stream.linear.gather [hbm4b:s0+s17], $0x80, $0x38;
	[tilespmem:$0x11400] =	vst v63  }
0x48: {  	s1 =	sadd.s32 s3, s1;
	s0 =	sadd.s32 $0x1B00, s18  }
0x49: {  	[tilespmem:s0], [sflag:$0x1] =	stream.linear.gather [hbm4b:s1+s17], $0x80, $0x38;
	[tilespmem:$0x11400] =	vst v63  }
0x4a: {  	s0 =	sadd.s32 $0x1B80, s18;
	s1 =	sadd.s32 s3, s5  }
0x4b: {  	[tilespmem:s0], [sflag:$0x1] =	stream.linear.gather [hbm4b:s1+s17], $0x80, $0x38;
	[tilespmem:$0x11400] =	vst v63  }
0x4c: {  	v0 =	vld [tilespmem:s20+$0x0];
	_ =	sdelay $0x4  }
0x4d: {  	v0 =	vshll.u32 v0, $0x4  }
0x4e: {  	(v2sf) =	vpush v0, $0x0  }
0x4f: {  	(v2sf) =	vpush v0, $0x1  }
0x50: {  	(v2sf) =	vpush v0, $0x2;
	_ =	sdelay $0x1  }
0x51: {  	(v2sf) =	vpush v0, $0x4  }
.Ltmp2:
0x52: {  	(pc) =	sbr.rel @p0 .LBB2_2-.Ltmp2, $3  }
0x53: {  	(v2sf) =	vpush v0, $0x3  }
0x54: {  	(v2sf) =	vpush v0, $0x5;
	_ =	sdelay $0x1  }
0x55: {  	s18 =	sshra.s32 s21, $0x2;
	(v2sf) =	vpush v0, $0x6  }
0x56: {  	_ =	sdelay $0x1  }
0x57: {  	s7 =	sadd.s32 $0x1480, s18;
	s5 =	sadd.s32 $0x1980, s18  }
0x58: {  	s9 =	sadd.s32 $0x1780, s18;
	s0 =	sadd.s32 $0x1A00, s18;
	(v2sf) =	vpush v0, $0x7;
	s11 =	sadd.s32 $0x1680, s18  }
0x59: {  	s16 =	sadd.s32 $0x1800, s18;
	s1 =	sadd.s32 $0x1A80, s18;
	s19 =	sadd.s32 $0x1400, s18  }
0x5a: {  	s20 =	sadd.s32 $0x1600, s18;
	s21 =	sadd.s32 $0x1700, s18;
	(v2sf) =	vpush v0, $0x8;
	s22 =	spop (v2sf)  }
0x5b: {  	s23 =	sadd.s32 $0x1500, s18;
	s22 =	sand.u32 $0x1FFFFFF0, s22;
	s24 =	spop (v2sf)  }
0x5c: {  	(v2sf) =	vpush v0, $0x9;
	s22 =	sadd.s32 s3, s22;
	s24 =	sand.u32 $0x1FFFFFF0, s24;
	s25 =	spop (v2sf)  }
0x5d: {  	[tilespmem:s19], [sflag:$0x1] =	stream.linear.gather [hbm4b:s22+s17], $0x80, $0x38;
	[tilespmem:$0x11400] =	vst v63  }
0x5e: {  	s26 =	sadd.s32 $0x1580, s18;
	(v2sf) =	vpush v0, $0xA;
	s31 =	sadd.s32 s3, s24;
	s4 =	spop (v2sf)  }
0x5f: {  	[tilespmem:s7], [sflag:$0x1] =	stream.linear.gather [hbm4b:s31+s17], $0x80, $0x38;
	[tilespmem:$0x11400] =	vst v63  }
0x60: {  	s19 =	sadd.s32 $0x1900, s18;
	s6 =	sand.u32 $0x1FFFFFF0, s25;
	(v2sf) =	vpush v0, $0xB;
	s8 =	spop (v2sf)  }
0x61: {  	s22 =	sadd.s32 s3, s6;
	s7 =	sadd.s32 $0x1880, s18;
	s25 =	sand.u32 $0x1FFFFFF0, s8  }
0x62: {  	(v2sf) =	vpush v0, $0xC;
	[tilespmem:s23], [sflag:$0x1] =	stream.linear.gather [hbm4b:s22+s17], $0x80, $0x38;
	[tilespmem:$0x11400] =	vst v63  }
0x63: {  	s10 =	sand.u32 $0x1FFFFFF0, s4;
	s13 =	spop (v2sf);
	s25 =	sadd.s32 s3, s25  }
0x64: {  	(v2sf) =	vpush v0, $0xD;
	[tilespmem:s26], [sflag:$0x1] =	stream.linear.gather [hbm4b:s25+s17], $0x80, $0x38;
	[tilespmem:$0x11400] =	vst v63  }
0x65: {  	s22 =	sadd.s32 s3, s10;
	s23 =	sand.u32 $0x1FFFFFF0, s13;
	s26 =	spop (v2sf)  }
0x66: {  	(v2sf) =	vpush v0, $0xE;
	[tilespmem:s20], [sflag:$0x1] =	stream.linear.gather [hbm4b:s22+s17], $0x80, $0x38;
	[tilespmem:$0x11400] =	vst v63  }
0x67: {  	s23 =	sadd.s32 s3, s23;
	s28 =	sand.u32 $0x1FFFFFF0, s26;
	s29 =	spop (v2sf)  }
0x68: {  	(v2sf) =	vpush v0, $0xF;
	[tilespmem:s11], [sflag:$0x1] =	stream.linear.gather [hbm4b:s23+s17], $0x80, $0x38;
	[tilespmem:$0x11400] =	vst v63  }
0x69: {  	s30 =	sand.u32 $0x1FFFFFF0, s29;
	s31 =	spop (v2sf);
	s20 =	sadd.s32 s3, s28  }
0x6a: {  	[tilespmem:s21], [sflag:$0x1] =	stream.linear.gather [hbm4b:s20+s17], $0x80, $0x38;
	[tilespmem:$0x11400] =	vst v63  }
0x6b: {  	s4 =	sand.u32 $0x1FFFFFF0, s31;
	s11 =	sadd.s32 s3, s30;
	s6 =	spop (v2sf)  }
0x6c: {  	[tilespmem:s9], [sflag:$0x1] =	stream.linear.gather [hbm4b:s11+s17], $0x80, $0x38;
	[tilespmem:$0x11400] =	vst v63  }
0x6d: {  	s20 =	sadd.s32 s3, s4;
	s8 =	sand.u32 $0x1FFFFFF0, s6;
	s10 =	spop (v2sf)  }
0x6e: {  	[tilespmem:s16], [sflag:$0x1] =	stream.linear.gather [hbm4b:s20+s17], $0x80, $0x38;
	[tilespmem:$0x11400] =	vst v63  }
0x6f: {  	s11 =	sand.u32 $0x1FFFFFF0, s10;
	s9 =	sadd.s32 s3, s8;
	s13 =	spop (v2sf)  }
0x70: {  	[tilespmem:s7], [sflag:$0x1] =	stream.linear.gather [hbm4b:s9+s17], $0x80, $0x38;
	[tilespmem:$0x11400] =	vst v63  }
0x71: {  	s11 =	sadd.s32 s3, s11;
	s20 =	sand.u32 $0x1FFFFFF0, s13;
	s21 =	spop (v2sf)  }
0x72: {  	[tilespmem:s19], [sflag:$0x1] =	stream.linear.gather [hbm4b:s11+s17], $0x80, $0x38;
	[tilespmem:$0x11400] =	vst v63  }
0x73: {  	s7 =	sadd.s32 s3, s20;
	s9 =	sand.u32 $0x1FFFFFF0, s21;
	s22 =	spop (v2sf)  }
0x74: {  	[tilespmem:s5], [sflag:$0x1] =	stream.linear.gather [hbm4b:s7+s17], $0x80, $0x38;
	[tilespmem:$0x11400] =	vst v63  }
0x75: {  	s23 =	sand.u32 $0x1FFFFFF0, s22;
	s9 =	sadd.s32 s3, s9;
	s24 =	spop (v2sf)  }
0x76: {  	[tilespmem:s0], [sflag:$0x1] =	stream.linear.gather [hbm4b:s9+s17], $0x80, $0x38;
	[tilespmem:$0x11400] =	vst v63  }
0x77: {  	s25 =	sand.u32 $0x1FFFFFF0, s24;
	s26 =	spop (v2sf);
	s5 =	sadd.s32 s3, s23  }
0x78: {  	[tilespmem:s1], [sflag:$0x1] =	stream.linear.gather [hbm4b:s5+s17], $0x80, $0x38;
	[tilespmem:$0x11400] =	vst v63  }
0x79: {  	s29 =	sadd.s32 $0x1B00, s18;
	s28 =	sand.u32 $0x1FFFFFF0, s26;
	s0 =	sadd.s32 s3, s25  }
0x7a: {  	[tilespmem:s29], [sflag:$0x1] =	stream.linear.gather [hbm4b:s0+s17], $0x80, $0x38;
	[tilespmem:$0x11400] =	vst v63  }
0x7b: {  	s31 =	sand.u32 $0xF0, s17;
	s30 =	sadd.s32 $0x1B80, s18;
	s1 =	sadd.s32 s3, s28  }
0x7c: {  	[tilespmem:s30], [sflag:$0x1] =	stream.linear.gather [hbm4b:s1+s17], $0x80, $0x38;
	[tilespmem:$0x11400] =	vst v63  }
0x7d: {  	v0 =	vld [tilespmem:s31+$0x100];
	_ =	sdelay $0x4  }
0x7e: {  	v0 =	vshll.u32 v0, $0x4  }
0x7f: {  	(v2sf) =	vpush v0, $0x0  }
0x80: {  	(v2sf) =	vpush v0, $0x2  }
0x81: {  	(v2sf) =	vpush v0, $0x1;
	_ =	sdelay $0x1  }
0x82: {  	(v2sf) =	vpush v0, $0x3  }
0x83: {  	(v2sf) =	vpush v0, $0x4;
	_ =	sdelay $0x2  }
0x84: {  	s18 =	simm.s32 $0x2000;
	s20 =	simm.s32 $0x10;
	s19 =	simm.s32 $0x0  }
.LBB2_4:
0x85: {  	p0 =	sne.s32 s18, $0x1E000;
	(v2sf) =	vpush v0, $0x5;
	s0 =	smov.u32 s18;
	s18 =	sadd.s32 $0x2000, s18  }
0x86: {  	s21 =	sshra.s32 s19, $0x2;
	s19 =	smov.u32 s0  }
0x87: {  	s7 =	sadd.s32 $0x9480, s21;
	(v2sf) =	vpush v0, $0x6  }
0x88: {  	s9 =	sadd.s32 $0x9400, s21  }
0x89: {  	s24 =	sadd.s32 $0x9980, s21;
	s23 =	sadd.s32 $0x9A00, s21;
	s22 =	sadd.s32 $0x9A80, s21;
	(v2sf) =	vpush v0, $0x7  }
0x8a: {  	s0 =	sadd.s32 $0x9800, s21;
	s1 =	sadd.s32 $0x9880, s21;
	s25 =	sadd.s32 $0x9900, s21  }
0x8b: {  	s11 =	sadd.s32 $0x9700, s21;
	s5 =	sadd.s32 $0x9780, s21;
	s16 =	spop (v2sf);
	(v2sf) =	vpush v0, $0x8  }
0x8c: {  	s26 =	sadd.s32 $0x9500, s21;
	s16 =	sand.u32 $0x1FFFFFF0, s16;
	s28 =	spop (v2sf)  }
0x8d: {  	s29 =	sadd.s32 $0x9680, s21;
	s16 =	sadd.s32 s3, s16;
	s30 =	spop (v2sf);
	(v2sf) =	vpush v0, $0x9  }
0x8e: {  	[tilespmem:s9], [sflag:$0x2] =	stream.linear.gather [hbm4b:s16+s17], $0x80, $0x38;
	[tilespmem:$0x11400] =	vst v63  }
0x8f: {  	s9 =	sand.u32 $0x1FFFFFF0, s30;
	s16 =	sand.u32 $0x1FFFFFF0, s28;
	s28 =	spop (v2sf);
	(v2sf) =	vpush v0, $0xA  }
0x90: {  	s30 =	sadd.s32 $0x9600, s21;
	s9 =	sadd.s32 s3, s9;
	s31 =	spop (v2sf)  }
0x91: {  	[tilespmem:s7], [sflag:$0x2] =	stream.linear.gather [hbm4b:s9+s17], $0x80, $0x38;
	(v2sf) =	vpush v0, $0xB;
	[tilespmem:$0x11400] =	vst v63  }
0x92: {  	s7 =	sadd.s32 s3, s16;
	s9 =	sand.u32 $0x1FFFFFF0, s28;
	s16 =	sand.u32 $0x1FFFFFF0, s31  }
0x93: {  	[tilespmem:s26], [sflag:$0x2] =	stream.linear.gather [hbm4b:s7+s17], $0x80, $0x38;
	(v2sf) =	vpush v0, $0xC;
	[tilespmem:$0x11400] =	vst v63  }
0x94: {  	s9 =	sadd.s32 s3, s9;
	s7 =	sadd.s32 $0x9580, s21;
	s26 =	spop (v2sf)  }
0x95: {  	[tilespmem:s7], [sflag:$0x2] =	stream.linear.gather [hbm4b:s9+s17], $0x80, $0x38;
	(v2sf) =	vpush v0, $0xD;
	[tilespmem:$0x11400] =	vst v63  }
0x96: {  	s7 =	sadd.s32 s3, s16;
	s9 =	sand.u32 $0x1FFFFFF0, s26;
	s16 =	spop (v2sf)  }
0x97: {  	[tilespmem:s30], [sflag:$0x2] =	stream.linear.gather [hbm4b:s7+s17], $0x80, $0x38;
	(v2sf) =	vpush v0, $0xE;
	[tilespmem:$0x11400] =	vst v63  }
0x98: {  	s7 =	sadd.s32 s3, s9;
	s9 =	sand.u32 $0x1FFFFFF0, s16;
	s16 =	spop (v2sf)  }
0x99: {  	[tilespmem:s29], [sflag:$0x2] =	stream.linear.gather [hbm4b:s7+s17], $0x80, $0x38;
	(v2sf) =	vpush v0, $0xF;
	[tilespmem:$0x11400] =	vst v63  }
0x9a: {  	s7 =	sadd.s32 s3, s9;
	s9 =	sand.u32 $0x1FFFFFF0, s16;
	s16 =	spop (v2sf)  }
0x9b: {  	[tilespmem:s11], [sflag:$0x2] =	stream.linear.gather [hbm4b:s7+s17], $0x80, $0x38;
	[tilespmem:$0x11400] =	vst v63  }
0x9c: {  	s7 =	sadd.s32 s3, s9;
	s9 =	sand.u32 $0x1FFFFFF0, s16;
	s11 =	spop (v2sf)  }
0x9d: {  	[tilespmem:s5], [sflag:$0x2] =	stream.linear.gather [hbm4b:s7+s17], $0x80, $0x38;
	[tilespmem:$0x11400] =	vst v63  }
0x9e: {  	s5 =	sadd.s32 s3, s9;
	s7 =	sand.u32 $0x1FFFFFF0, s11;
	s9 =	spop (v2sf)  }
0x9f: {  	[tilespmem:s0], [sflag:$0x2] =	stream.linear.gather [hbm4b:s5+s17], $0x80, $0x38;
	[tilespmem:$0x11400] =	vst v63  }
0xa0: {  	s0 =	sadd.s32 s3, s7;
	s5 =	sand.u32 $0x1FFFFFF0, s9;
	s7 =	spop (v2sf)  }
0xa1: {  	[tilespmem:s1], [sflag:$0x2] =	stream.linear.gather [hbm4b:s0+s17], $0x80, $0x38;
	[tilespmem:$0x11400] =	vst v63  }
0xa2: {  	s0 =	sadd.s32 s3, s5;
	s1 =	sand.u32 $0x1FFFFFF0, s7;
	s5 =	spop (v2sf)  }
0xa3: {  	[tilespmem:s25], [sflag:$0x2] =	stream.linear.gather [hbm4b:s0+s17], $0x80, $0x38;
	[tilespmem:$0x11400] =	vst v63  }
0xa4: {  	s0 =	sadd.s32 s3, s1;
	s1 =	sand.u32 $0x1FFFFFF0, s5;
	s5 =	spop (v2sf)  }
0xa5: {  	[tilespmem:s24], [sflag:$0x2] =	stream.linear.gather [hbm4b:s0+s17], $0x80, $0x38;
	[tilespmem:$0x11400] =	vst v63  }
0xa6: {  	s0 =	sadd.s32 s3, s1;
	s1 =	sand.u32 $0x1FFFFFF0, s5;
	s5 =	spop (v2sf)  }
0xa7: {  	[tilespmem:s23], [sflag:$0x2] =	stream.linear.gather [hbm4b:s0+s17], $0x80, $0x38;
	[tilespmem:$0x11400] =	vst v63  }
0xa8: {  	s0 =	sadd.s32 s3, s1;
	s1 =	sand.u32 $0x1FFFFFF0, s5;
	s5 =	spop (v2sf)  }
0xa9: {  	[tilespmem:s22], [sflag:$0x2] =	stream.linear.gather [hbm4b:s0+s17], $0x80, $0x38;
	[tilespmem:$0x11400] =	vst v63  }
0xaa: {  	s1 =	sadd.s32 s3, s1;
	s0 =	sadd.s32 $0x9B00, s21;
	s5 =	sand.u32 $0x1FFFFFF0, s5  }
0xab: {  	[tilespmem:s0], [sflag:$0x2] =	stream.linear.gather [hbm4b:s1+s17], $0x80, $0x38;
	[tilespmem:$0x11400] =	vst v63  }
0xac: {  	s5 =	sadd.s32 s3, s5;
	s0 =	sand.u32 $0xF0, s20;
	s1 =	sadd.s32 $0x9B80, s21  }
0xad: {  	[tilespmem:s1], [sflag:$0x2] =	stream.linear.gather [hbm4b:s5+s17], $0x80, $0x38;
	[tilespmem:$0x11400] =	vst v63  }
0xae: {  	v0 =	vld [tilespmem:s0+$0x100];
	_ =	sdelay $0x4  }
0xaf: {  	v0 =	vshll.u32 v0, $0x4  }
0xb0: {  	(v2sf) =	vpush v0, $0x0  }
0xb1: {  	(v2sf) =	vpush v0, $0x2  }
0xb2: {  	(v2sf) =	vpush v0, $0x1;
	_ =	sdelay $0x1  }
.Ltmp3:
0xb3: {  	(v2sf) =	vpush v0, $0x3;
	(pc) =	sbr.rel @p0 .LBB2_4-.Ltmp3, $2  }
0xb4: {  	(v2sf) =	vpush v0, $0x4;
	_ =	sdelay $0x2  }
0xb5: {  	s20 =	sadd.s32 $0x10, s20  }
0xb6: {  	(v2sf) =	vpush v0, $0x5;
	_ =	sdelay $0x1  }
0xb7: {  	s18 =	sshra.s32 s19, $0x2;
	(v2sf) =	vpush v0, $0x6  }
0xb8: {  	s7 =	sadd.s32 $0x9480, s18;
	s9 =	sadd.s32 $0x9400, s18  }
0xb9: {  	s5 =	sadd.s32 $0x9980, s18;
	s1 =	sadd.s32 $0x9A00, s18;
	s0 =	sadd.s32 $0x9A80, s18;
	(v2sf) =	vpush v0, $0x7  }
0xba: {  	s11 =	sadd.s32 $0x9800, s18;
	s16 =	sadd.s32 $0x9880, s18;
	s19 =	sadd.s32 $0x9900, s18  }
0xbb: {  	s20 =	sadd.s32 $0x9700, s18;
	s21 =	sadd.s32 $0x9780, s18;
	s22 =	spop (v2sf);
	(v2sf) =	vpush v0, $0x8  }
0xbc: {  	s23 =	sadd.s32 $0x9500, s18;
	s22 =	sand.u32 $0x1FFFFFF0, s22;
	s24 =	spop (v2sf)  }
0xbd: {  	s25 =	sadd.s32 $0x9680, s18;
	s22 =	sadd.s32 s3, s22;
	s26 =	spop (v2sf);
	(v2sf) =	vpush v0, $0x9  }
0xbe: {  	[tilespmem:s9], [sflag:$0x2] =	stream.linear.gather [hbm4b:s22+s17], $0x80, $0x38;
	[tilespmem:$0x11400] =	vst v63  }
0xbf: {  	s8 =	sadd.s32 $0x9600, s18;
	s31 =	sand.u32 $0x1FFFFFF0, s26;
	s6 =	spop (v2sf);
	(v2sf) =	vpush v0, $0xA  }
0xc0: {  	s4 =	sand.u32 $0x1FFFFFF0, s24;
	s9 =	sadd.s32 s3, s31;
	s28 =	spop (v2sf)  }
0xc1: {  	[tilespmem:s7], [sflag:$0x2] =	stream.linear.gather [hbm4b:s9+s17], $0x80, $0x38;
	(v2sf) =	vpush v0, $0xB;
	[tilespmem:$0x11400] =	vst v63  }
0xc2: {  	s24 =	sadd.s32 $0x9580, s18;
	s9 =	sadd.s32 s3, s4;
	s10 =	sand.u32 $0x1FFFFFF0, s6  }
0xc3: {  	(v2sf) =	vpush v0, $0xC;
	[tilespmem:s23], [sflag:$0x2] =	stream.linear.gather [hbm4b:s9+s17], $0x80, $0x38;
	[tilespmem:$0x11400] =	vst v63  }
0xc4: {  	s13 =	sand.u32 $0x1FFFFFF0, s28;
	s9 =	sadd.s32 s3, s10;
	s28 =	spop (v2sf)  }
0xc5: {  	[tilespmem:s24], [sflag:$0x2] =	stream.linear.gather [hbm4b:s9+s17], $0x80, $0x38;
	(v2sf) =	vpush v0, $0xD;
	[tilespmem:$0x11400] =	vst v63  }
0xc6: {  	s29 =	sadd.s32 s3, s13;
	s30 =	sand.u32 $0x1FFFFFF0, s28;
	s31 =	spop (v2sf)  }
0xc7: {  	(v2sf) =	vpush v0, $0xE;
	[tilespmem:s8], [sflag:$0x2] =	stream.linear.gather [hbm4b:s29+s17], $0x80, $0x38;
	[tilespmem:$0x11400] =	vst v63  }
0xc8: {  	s4 =	sadd.s32 s3, s30;
	s6 =	sand.u32 $0x1FFFFFF0, s31;
	s8 =	spop (v2sf)  }
0xc9: {  	(v2sf) =	vpush v0, $0xF;
	[tilespmem:s25], [sflag:$0x2] =	stream.linear.gather [hbm4b:s4+s17], $0x80, $0x38;
	[tilespmem:$0x11400] =	vst v63  }
0xca: {  	s9 =	sadd.s32 s3, s6;
	s10 =	sand.u32 $0x1FFFFFF0, s8;
	s13 =	spop (v2sf)  }
0xcb: {  	[tilespmem:s20], [sflag:$0x2] =	stream.linear.gather [hbm4b:s9+s17], $0x80, $0x38;
	[tilespmem:$0x11400] =	vst v63  }
0xcc: {  	s23 =	sadd.s32 s3, s10;
	s24 =	sand.u32 $0x1FFFFFF0, s13;
	s25 =	spop (v2sf)  }
0xcd: {  	[tilespmem:s21], [sflag:$0x2] =	stream.linear.gather [hbm4b:s23+s17], $0x80, $0x38;
	[tilespmem:$0x11400] =	vst v63  }
0xce: {  	s26 =	sadd.s32 s3, s24;
	s28 =	sand.u32 $0x1FFFFFF0, s25;
	s29 =	spop (v2sf)  }
0xcf: {  	[tilespmem:s11], [sflag:$0x2] =	stream.linear.gather [hbm4b:s26+s17], $0x80, $0x38;
	[tilespmem:$0x11400] =	vst v63  }
0xd0: {  	s30 =	sadd.s32 s3, s28;
	s31 =	sand.u32 $0x1FFFFFF0, s29;
	s4 =	spop (v2sf)  }
0xd1: {  	[tilespmem:s16], [sflag:$0x2] =	stream.linear.gather [hbm4b:s30+s17], $0x80, $0x38;
	[tilespmem:$0x11400] =	vst v63  }
0xd2: {  	s6 =	sadd.s32 s3, s31;
	s8 =	sand.u32 $0x1FFFFFF0, s4;
	s10 =	spop (v2sf)  }
0xd3: {  	[tilespmem:s19], [sflag:$0x2] =	stream.linear.gather [hbm4b:s6+s17], $0x80, $0x38;
	[tilespmem:$0x11400] =	vst v63  }
0xd4: {  	s13 =	sadd.s32 s3, s8;
	s16 =	sand.u32 $0x1FFFFFF0, s10;
	s19 =	spop (v2sf)  }
0xd5: {  	[tilespmem:s5], [sflag:$0x2] =	stream.linear.gather [hbm4b:s13+s17], $0x80, $0x38;
	[tilespmem:$0x11400] =	vst v63  }
0xd6: {  	s20 =	sadd.s32 s3, s16;
	s21 =	sand.u32 $0x1FFFFFF0, s19;
	s22 =	spop (v2sf)  }
0xd7: {  	[tilespmem:s1], [sflag:$0x2] =	stream.linear.gather [hbm4b:s20+s17], $0x80, $0x38;
	[tilespmem:$0x11400] =	vst v63  }
0xd8: {  	s23 =	sadd.s32 s3, s21;
	s24 =	sand.u32 $0x1FFFFFF0, s22;
	s25 =	spop (v2sf)  }
0xd9: {  	[tilespmem:s0], [sflag:$0x2] =	stream.linear.gather [hbm4b:s23+s17], $0x80, $0x38;
	[tilespmem:$0x11400] =	vst v63  }
0xda: {  	s26 =	sadd.s32 $0x9B00, s18;
	s28 =	sadd.s32 s3, s24;
	s29 =	sand.u32 $0x1FFFFFF0, s25  }
0xdb: {  	[tilespmem:s26], [sflag:$0x2] =	stream.linear.gather [hbm4b:s28+s17], $0x80, $0x38;
	[tilespmem:$0x11400] =	vst v63  }
0xdc: {  	s30 =	sadd.s32 $0x9B80, s18;
	s31 =	sadd.s32 s3, s29  }
0xdd: {  	[tilespmem:s30], [sflag:$0x2] =	stream.linear.gather [hbm4b:s31+s17], $0x80, $0x38;
	[tilespmem:$0x11400] =	vst v63  }
.LBB2_6:
0xde: {  	s4 =	simm.s32 $0x1  }
0xdf: {  	_ =	swait.ge [sflag:s4], $0x8000  }
0xe0: {  	s0 =	sshll.u32 s17, $0x10;
	s1 =	rddreg [dreg:$0x6]  }
0xe1: {  	s0 =	sadd.s32 s1, s0  }
0xe2: {  	[sflag:s4] =	ssyncset.done $0x0;
	s26 =	rddreg [dreg:$0x4];
	s0 =	sshrl.u32 s0, $0x3  }
0xe3: {  	s28 =	simm.s32 $0x1400;
	[sflag:s4] =	ssyncadd.s32 $0xFFFF8000;
	s0 =	sadd.s32 s26, s0  }
0xe4: {  	[hbm4b:s0+s2] =	stream.linear.scatter [tilespmem:s28], [sflag:$0x3], $0x8000, $0x38;
	[tilespmem:$0x11400] =	vst v63  }
0xe5: {  	s29 =	sshll.u32 s17, $0xD;
	s31 =	simm.s32 $0x9400;
	_ =	swait.ge [sflag:s12], $0x8000  }
0xe6: {  	p0 =	seq.s32 s17, $0x9;
	[sflag:s12] =	ssyncset.done $0x0;
	s30 =	rddreg [dreg:$0x8]  }
.Ltmp4:
0xe7: {  	[sflag:s12] =	ssyncadd.s32 $0xFFFF8000;
	s0 =	sadd.s32 s30, s29;
	(pc) =	sbr.rel @p0 .LBB2_12-.Ltmp4, $4  }
0xe8: {  	[hbm4b:s0+s2] =	stream.linear.scatter [tilespmem:s31], [sflag:$0x4], $0x8000, $0x38;
	[tilespmem:$0x11400] =	vst v63  }
0xe9: {  	_ =	swait.ge [sflag:s14], $0x8000  }
0xea: {  	[sflag:s14] =	ssyncset.done $0x0  }
0xeb: {  	[sflag:s14] =	ssyncadd.s32 $0xFFFF8000  }
0xec: {  	s0 =	sshll.u32 s17, $0x9  }
0xed: {  	s18 =	sand.u32 $0x3FFFFE00, s0  }
0xee: {  	s0 =	sadd.s32 $0x200, s18  }
0xef: {  	s1 =	simm.s32 $0x0;
	[dreg:$0x2] =	wrdreg s0  }
0xf0: {  	s5 =	sand.u32 $0x80, s1;
	s0 =	rddreg [dreg:$0x2]  }
0xf1: {  	s1 =	sand.u32 $0x70, s1;
	s0 =	sadd.s32 s5, s0  }
0xf2: {  	s0 =	sadd.s32 s1, s0  }
0xf3: {  	v0 =	vld [tilespmem:s0+$0x0];
	_ =	sdelay $0x4  }
0xf4: {  	v0 =	vshll.u32 v0, $0x4  }
0xf5: {  	(v2sf) =	vpush v0, $0x0  }
0xf6: {  	(v2sf) =	vpush v0, $0x1  }
0xf7: {  	(v2sf) =	vpush v0, $0x2;
	_ =	sdelay $0x2  }
0xf8: {  	(v2sf) =	vpush v0, $0x3;
	_ =	sdelay $0x1  }
0xf9: {  	(v2sf) =	vpush v0, $0x4;
	_ =	sdelay $0x1  }
0xfa: {  	(v2sf) =	vpush v0, $0x5;
	_ =	sdelay $0x2  }
0xfb: {  	s19 =	simm.s32 $0x2000;
	s21 =	simm.s32 $0x4000;
	s20 =	simm.s32 $0x10  }
0xfc: {  	s22 =	simm.s32 $0x0;
	s24 =	simm.s32 $0x1600;
	s7 =	simm.s32 $0x1880;
	(v2sf) =	vpush v0, $0x6  }
0xfd: {  	s11 =	simm.s32 $0x1400;
	s25 =	simm.s32 $0x1480;
	s30 =	simm.s32 $0x1500  }
0xfe: {  	s4 =	simm.s32 $0x1580;
	s28 =	simm.s32 $0x1980;
	s9 =	spop (v2sf)  }
0xff: {  	s29 =	simm.s32 $0x1A00;
	(v2sf) =	vpush v0, $0x7;
	s9 =	sand.u32 $0x1FFFFFF0, s9;
	s16 =	spop (v2sf)  }
0x100: {  	s1 =	rddreg [dreg:$0x2];
	s23 =	spop (v2sf);
	s9 =	sadd.s32 s3, s9  }
0x101: {  	(v2sf) =	vpush v0, $0x8;
	[tilespmem:s11], [sflag:$0x1] =	stream.linear.gather [hbm4b:s9+s2], $0x80, $0x38;
	[tilespmem:$0x11400] =	vst v63  }
0x102: {  	s0 =	sand.u32 $0x80, s20;
	(v2sf) =	vpush v0, $0x9;
	s16 =	sand.u32 $0x1FFFFFF0, s16;
	s26 =	sand.u32 $0x1FFFFFF0, s23  }
0x103: {  	s16 =	sadd.s32 s3, s16;
	s31 =	spop (v2sf);
	s23 =	simm.s32 $0x1680  }
0x104: {  	(v2sf) =	vpush v0, $0xA;
	[tilespmem:s25], [sflag:$0x1] =	stream.linear.gather [hbm4b:s16+s2], $0x80, $0x38;
	[tilespmem:$0x11400] =	vst v63  }
0x105: {  	s11 =	sadd.s32 s3, s26;
	s6 =	sand.u32 $0x1FFFFFF0, s31;
	s8 =	spop (v2sf)  }
0x106: {  	(v2sf) =	vpush v0, $0xB;
	[tilespmem:s30], [sflag:$0x1] =	stream.linear.gather [hbm4b:s11+s2], $0x80, $0x38;
	[tilespmem:$0x11400] =	vst v63  }
0x107: {  	s16 =	sand.u32 $0x1FFFFFF0, s8;
	s10 =	spop (v2sf);
	s11 =	sadd.s32 s3, s6  }
0x108: {  	[tilespmem:s4], [sflag:$0x1] =	stream.linear.gather [hbm4b:s11+s2], $0x80, $0x38;
	[tilespmem:$0x11400] =	vst v63  }
0x109: {  	s26 =	simm.s32 $0x1700;
	s13 =	sand.u32 $0x1FFFFFF0, s10;
	s16 =	sadd.s32 s3, s16  }
0x10a: {  	[tilespmem:s24], [sflag:$0x1] =	stream.linear.gather [hbm4b:s16+s2], $0x80, $0x38;
	[tilespmem:$0x11400] =	vst v63  }
0x10b: {  	s25 =	simm.s32 $0x1900;
	s9 =	sadd.s32 s3, s13;
	s24 =	spop (v2sf)  }
0x10c: {  	s6 =	simm.s32 $0x1800;
	s4 =	simm.s32 $0x1780;
	s30 =	sand.u32 $0x1FFFFFF0, s24  }
0x10d: {  	[tilespmem:s23], [sflag:$0x1] =	stream.linear.gather [hbm4b:s9+s2], $0x80, $0x38;
	[tilespmem:$0x11400] =	vst v63  }
0x10e: {  	s31 =	spop (v2sf);
	s24 =	sadd.s32 s0, s1;
	s9 =	sadd.s32 s3, s30  }
0x10f: {  	[tilespmem:s26], [sflag:$0x1] =	stream.linear.gather [hbm4b:s9+s2], $0x80, $0x38;
	[tilespmem:$0x11400] =	vst v63  }
0x110: {  	s11 =	sand.u32 $0x1FFFFFF0, s31;
	s23 =	simm.s32 $0x1B80;
	s8 =	spop (v2sf)  }
0x111: {  	s11 =	sadd.s32 s3, s11;
	s9 =	sand.u32 $0x1FFFFFF0, s8;
	s10 =	spop (v2sf)  }
0x112: {  	[tilespmem:s4], [sflag:$0x1] =	stream.linear.gather [hbm4b:s11+s2], $0x80, $0x38;
	[tilespmem:$0x11400] =	vst v63  }
0x113: {  	s11 =	sand.u32 $0x1FFFFFF0, s10;
	s13 =	sadd.s32 s3, s9;
	s16 =	spop (v2sf)  }
0x114: {  	(v2sf) =	vpush v0, $0xC;
	[tilespmem:s6], [sflag:$0x1] =	stream.linear.gather [hbm4b:s13+s2], $0x80, $0x38;
	[tilespmem:$0x11400] =	vst v63  }
0x115: {  	(v2sf) =	vpush v0, $0xD;
	s0 =	sadd.s32 s3, s11;
	s30 =	sand.u32 $0x1FFFFFF0, s16;
	s31 =	spop (v2sf)  }
0x116: {  	(v2sf) =	vpush v0, $0xE;
	[tilespmem:s7], [sflag:$0x1] =	stream.linear.gather [hbm4b:s0+s2], $0x80, $0x38;
	[tilespmem:$0x11400] =	vst v63  }
0x117: {  	s26 =	simm.s32 $0x1A80;
	(v2sf) =	vpush v0, $0xF;
	s5 =	sadd.s32 s3, s30;
	s0 =	sand.u32 $0x1FFFFFF0, s31  }
.LBB2_8:
0x118: {  	_ =	sdelay $0x7  }
0x119: {  	[tilespmem:s25], [sflag:$0x1] =	stream.linear.gather [hbm4b:s5+s2], $0x80, $0x38;
	[tilespmem:$0x11400] =	vst v63  }
0x11a: {  	s0 =	sadd.s32 s3, s0  }
0x11b: {  	[tilespmem:s28], [sflag:$0x1] =	stream.linear.gather [hbm4b:s0+s2], $0x80, $0x38;
	[tilespmem:$0x11400] =	vst v63  }
0x11c: {  	s9 =	spop (v2sf)  }
0x11d: {  	s7 =	sand.u32 $0x70, s20;
	s10 =	sand.u32 $0x1FFFFFF0, s9;
	s11 =	spop (v2sf)  }
0x11e: {  	s13 =	sadd.s32 s3, s10;
	s16 =	sand.u32 $0x1FFFFFF0, s11;
	s25 =	spop (v2sf)  }
0x11f: {  	[tilespmem:s29], [sflag:$0x1] =	stream.linear.gather [hbm4b:s13+s2], $0x80, $0x38;
	[tilespmem:$0x11400] =	vst v63  }
0x120: {  	s30 =	sadd.s32 s3, s16;
	s31 =	sand.u32 $0x1FFFFFF0, s25;
	s4 =	spop (v2sf)  }
0x121: {  	[tilespmem:s26], [sflag:$0x1] =	stream.linear.gather [hbm4b:s30+s2], $0x80, $0x38;
	[tilespmem:$0x11400] =	vst v63  }
0x122: {  	s6 =	sadd.s32 $0x1B00, s22;
	s5 =	sadd.s32 s3, s31;
	s9 =	sand.u32 $0x1FFFFFF0, s4  }
0x123: {  	[tilespmem:s6], [sflag:$0x1] =	stream.linear.gather [hbm4b:s5+s2], $0x80, $0x38;
	[tilespmem:$0x11400] =	vst v63  }
0x124: {  	s8 =	sadd.s32 s7, s24;
	s9 =	sadd.s32 s3, s9  }
0x125: {  	[tilespmem:s23], [sflag:$0x1] =	stream.linear.gather [hbm4b:s9+s2], $0x80, $0x38;
	[tilespmem:$0x11400] =	vst v63  }
0x126: {  	v0 =	vld [tilespmem:s8+$0x0];
	_ =	sdelay $0x4  }
0x127: {  	v0 =	vshll.u32 v0, $0x4  }
0x128: {  	(v2sf) =	vpush v0, $0x0  }
0x129: {  	(v2sf) =	vpush v0, $0x1  }
0x12a: {  	(v2sf) =	vpush v0, $0x2;
	_ =	sdelay $0x1  }
0x12b: {  	(v2sf) =	vpush v0, $0x3;
	_ =	sdelay $0x1  }
0x12c: {  	(v2sf) =	vpush v0, $0x4;
	_ =	sdelay $0x1  }
0x12d: {  	p0 =	sne.s32 s21, $0x1E000;
	s1 =	smov.u32 s21;
	s22 =	sshra.s32 s19, $0x2;
	(v2sf) =	vpush v0, $0x5  }
0x12e: {  	s21 =	sadd.s32 $0x2000, s21;
	s20 =	sadd.s32 $0x10, s20;
	s7 =	sadd.s32 $0x1600, s22  }
0x12f: {  	s19 =	smov.u32 s1;
	s0 =	sadd.s32 $0x1780, s22;
	s28 =	sadd.s32 $0x1980, s22;
	(v2sf) =	vpush v0, $0x6  }
0x130: {  	s11 =	sand.u32 $0x80, s20;
	s16 =	rddreg [dreg:$0x2];
	s25 =	sadd.s32 $0x1900, s22  }
0x131: {  	s13 =	sadd.s32 $0x1400, s22;
	s29 =	sadd.s32 $0x1A00, s22;
	s31 =	sadd.s32 $0x1800, s22;
	(v2sf) =	vpush v0, $0x7  }
0x132: {  	s24 =	sadd.s32 s11, s16;
	s11 =	sadd.s32 $0x1580, s22;
	s16 =	sadd.s32 $0x1480, s22  }
0x133: {  	s30 =	sadd.s32 $0x1880, s22;
	s26 =	sadd.s32 $0x1A80, s22;
	s5 =	sadd.s32 $0x1700, s22;
	(v2sf) =	vpush v0, $0x8  }
0x134: {  	s6 =	sadd.s32 $0x1500, s22;
	s9 =	sadd.s32 $0x1680, s22;
	s10 =	spop (v2sf)  }
0x135: {  	s23 =	sadd.s32 $0x1B80, s22;
	(v2sf) =	vpush v0, $0x9;
	s1 =	sand.u32 $0x1FFFFFF0, s10;
	s4 =	spop (v2sf)  }
0x136: {  	s4 =	sand.u32 $0x1FFFFFF0, s4;
	s8 =	spop (v2sf);
	s1 =	sadd.s32 s3, s1  }
0x137: {  	(v2sf) =	vpush v0, $0xA;
	[tilespmem:s13], [sflag:$0x1] =	stream.linear.gather [hbm4b:s1+s2], $0x80, $0x38;
	[tilespmem:$0x11400] =	vst v63  }
0x138: {  	s8 =	sand.u32 $0x1FFFFFF0, s8;
	s10 =	spop (v2sf);
	(v2sf) =	vpush v0, $0xB;
	s1 =	sadd.s32 s3, s4  }
0x139: {  	[tilespmem:s16], [sflag:$0x1] =	stream.linear.gather [hbm4b:s1+s2], $0x80, $0x38;
	[tilespmem:$0x11400] =	vst v63  }
0x13a: {  	s4 =	sand.u32 $0x1FFFFFF0, s10;
	s13 =	spop (v2sf);
	s8 =	sadd.s32 s3, s8  }
0x13b: {  	[tilespmem:s6], [sflag:$0x1] =	stream.linear.gather [hbm4b:s8+s2], $0x80, $0x38;
	[tilespmem:$0x11400] =	vst v63  }
0x13c: {  	s13 =	sand.u32 $0x1FFFFFF0, s13;
	s16 =	spop (v2sf);
	s6 =	sadd.s32 s3, s4  }
0x13d: {  	[tilespmem:s11], [sflag:$0x1] =	stream.linear.gather [hbm4b:s6+s2], $0x80, $0x38;
	[tilespmem:$0x11400] =	vst v63  }
0x13e: {  	s10 =	spop (v2sf);
	s13 =	sadd.s32 s3, s13;
	s4 =	sand.u32 $0x1FFFFFF0, s16  }
0x13f: {  	[tilespmem:s7], [sflag:$0x1] =	stream.linear.gather [hbm4b:s13+s2], $0x80, $0x38;
	[tilespmem:$0x11400] =	vst v63  }
0x140: {  	s16 =	spop (v2sf);
	s6 =	sand.u32 $0x1FFFFFF0, s10;
	s7 =	sadd.s32 s3, s4  }
0x141: {  	[tilespmem:s9], [sflag:$0x1] =	stream.linear.gather [hbm4b:s7+s2], $0x80, $0x38;
	[tilespmem:$0x11400] =	vst v63  }
0x142: {  	s8 =	sand.u32 $0x1FFFFFF0, s16;
	s10 =	spop (v2sf);
	s11 =	sadd.s32 s3, s6  }
0x143: {  	[tilespmem:s5], [sflag:$0x1] =	stream.linear.gather [hbm4b:s11+s2], $0x80, $0x38;
	[tilespmem:$0x11400] =	vst v63  }
0x144: {  	s8 =	sadd.s32 s3, s8;
	s13 =	sand.u32 $0x1FFFFFF0, s10;
	s16 =	spop (v2sf)  }
0x145: {  	[tilespmem:s0], [sflag:$0x1] =	stream.linear.gather [hbm4b:s8+s2], $0x80, $0x38;
	[tilespmem:$0x11400] =	vst v63  }
.Ltmp5:
0x146: {  	s11 =	sadd.s32 s3, s13;
	s10 =	spop (v2sf);
	(pc) =	sbr.rel @p0 .LBB2_8-.Ltmp5, $4  }
0x147: {  	(v2sf) =	vpush v0, $0xC;
	s9 =	sand.u32 $0x1FFFFFF0, s16;
	s13 =	sand.u32 $0x1FFFFFF0, s10;
	s16 =	spop (v2sf)  }
0x148: {  	(v2sf) =	vpush v0, $0xD;
	[tilespmem:s31], [sflag:$0x1] =	stream.linear.gather [hbm4b:s11+s2], $0x80, $0x38;
	[tilespmem:$0x11400] =	vst v63  }
0x149: {  	(v2sf) =	vpush v0, $0xE;
	s4 =	sadd.s32 s3, s9;
	s5 =	sadd.s32 s3, s13;
	s0 =	sand.u32 $0x1FFFFFF0, s16  }
0x14a: {  	(v2sf) =	vpush v0, $0xF;
	[tilespmem:s30], [sflag:$0x1] =	stream.linear.gather [hbm4b:s4+s2], $0x80, $0x38;
	[tilespmem:$0x11400] =	vst v63  }
0x14b: {  	_ =	sdelay $0x7  }
0x14c: {  	[tilespmem:s25], [sflag:$0x1] =	stream.linear.gather [hbm4b:s5+s2], $0x80, $0x38;
	[tilespmem:$0x11400] =	vst v63  }
0x14d: {  	s0 =	sadd.s32 s3, s0  }
0x14e: {  	[tilespmem:s28], [sflag:$0x1] =	stream.linear.gather [hbm4b:s0+s2], $0x80, $0x38;
	[tilespmem:$0x11400] =	vst v63  }
0x14f: {  	s4 =	spop (v2sf)  }
0x150: {  	s1 =	sand.u32 $0x70, s20;
	s4 =	sand.u32 $0x1FFFFFF0, s4;
	s9 =	spop (v2sf)  }
0x151: {  	s10 =	sadd.s32 s3, s4;
	s11 =	sand.u32 $0x1FFFFFF0, s9;
	s13 =	spop (v2sf)  }
0x152: {  	[tilespmem:s29], [sflag:$0x1] =	stream.linear.gather [hbm4b:s10+s2], $0x80, $0x38;
	[tilespmem:$0x11400] =	vst v63  }
0x153: {  	s16 =	sadd.s32 s3, s11;
	s20 =	sand.u32 $0x1FFFFFF0, s13;
	s21 =	spop (v2sf)  }
0x154: {  	[tilespmem:s26], [sflag:$0x1] =	stream.linear.gather [hbm4b:s16+s2], $0x80, $0x38;
	[tilespmem:$0x11400] =	vst v63  }
0x155: {  	s25 =	sadd.s32 $0x1B00, s22;
	s4 =	sadd.s32 s3, s20;
	s5 =	sand.u32 $0x1FFFFFF0, s21  }
0x156: {  	[tilespmem:s25], [sflag:$0x1] =	stream.linear.gather [hbm4b:s4+s2], $0x80, $0x38;
	[tilespmem:$0x11400] =	vst v63  }
0x157: {  	s26 =	sadd.s32 s1, s24;
	s29 =	sadd.s32 s3, s5  }
0x158: {  	[tilespmem:s23], [sflag:$0x1] =	stream.linear.gather [hbm4b:s29+s2], $0x80, $0x38;
	[tilespmem:$0x11400] =	vst v63  }
0x159: {  	v0 =	vld [tilespmem:s26+$0x0];
	_ =	sdelay $0x4  }
0x15a: {  	v0 =	vshll.u32 v0, $0x4  }
0x15b: {  	(v2sf) =	vpush v0, $0x0  }
0x15c: {  	(v2sf) =	vpush v0, $0x1  }
0x15d: {  	(v2sf) =	vpush v0, $0x2;
	_ =	sdelay $0x1  }
0x15e: {  	(v2sf) =	vpush v0, $0x3;
	_ =	sdelay $0x1  }
0x15f: {  	(v2sf) =	vpush v0, $0x4;
	_ =	sdelay $0x1  }
0x160: {  	(v2sf) =	vpush v0, $0x5;
	_ =	sdelay $0x1  }
0x161: {  	(v2sf) =	vpush v0, $0x6  }
0x162: {  	s19 =	sshra.s32 s19, $0x2  }
0x163: {  	s30 =	sadd.s32 $0x1400, s19;
	s7 =	sadd.s32 $0x1700, s19;
	(v2sf) =	vpush v0, $0x7  }
0x164: {  	s8 =	sadd.s32 $0x1780, s19;
	s31 =	sadd.s32 $0x1480, s19;
	s22 =	sadd.s32 $0x1580, s19  }
0x165: {  	s0 =	sadd.s32 $0x1900, s19;
	s9 =	sadd.s32 $0x1680, s19;
	s20 =	sadd.s32 $0x1500, s19  }
0x166: {  	s1 =	sadd.s32 $0x1880, s19;
	s24 =	sadd.s32 $0x1800, s19;
	s6 =	spop (v2sf)  }
0x167: {  	s4 =	sadd.s32 $0x1600, s19;
	(v2sf) =	vpush v0, $0x8;
	s6 =	sand.u32 $0x1FFFFFF0, s6;
	s10 =	spop (v2sf)  }
0x168: {  	(v2sf) =	vpush v0, $0x9;
	s6 =	sadd.s32 s3, s6;
	s13 =	sand.u32 $0x1FFFFFF0, s10;
	s16 =	spop (v2sf)  }
0x169: {  	[tilespmem:s30], [sflag:$0x1] =	stream.linear.gather [hbm4b:s6+s2], $0x80, $0x38;
	[tilespmem:$0x11400] =	vst v63  }
0x16a: {  	(v2sf) =	vpush v0, $0xA;
	s10 =	sand.u32 $0x1FFFFFF0, s16;
	s11 =	spop (v2sf);
	s6 =	sadd.s32 s3, s13  }
0x16b: {  	[tilespmem:s31], [sflag:$0x1] =	stream.linear.gather [hbm4b:s6+s2], $0x80, $0x38;
	[tilespmem:$0x11400] =	vst v63  }
0x16c: {  	(v2sf) =	vpush v0, $0xB;
	s21 =	sand.u32 $0x1FFFFFF0, s11;
	s10 =	sadd.s32 s3, s10;
	s23 =	spop (v2sf)  }
0x16d: {  	[tilespmem:s20], [sflag:$0x1] =	stream.linear.gather [hbm4b:s10+s2], $0x80, $0x38;
	[tilespmem:$0x11400] =	vst v63  }
0x16e: {  	(v2sf) =	vpush v0, $0xC;
	s6 =	sadd.s32 s3, s21;
	s25 =	sand.u32 $0x1FFFFFF0, s23;
	s26 =	spop (v2sf)  }
0x16f: {  	[tilespmem:s22], [sflag:$0x1] =	stream.linear.gather [hbm4b:s6+s2], $0x80, $0x38;
	[tilespmem:$0x11400] =	vst v63  }
0x170: {  	(v2sf) =	vpush v0, $0xD;
	s29 =	spop (v2sf);
	s10 =	sand.u32 $0x1FFFFFF0, s26;
	s6 =	sadd.s32 s3, s25  }
0x171: {  	[tilespmem:s4], [sflag:$0x1] =	stream.linear.gather [hbm4b:s6+s2], $0x80, $0x38;
	[tilespmem:$0x11400] =	vst v63  }
0x172: {  	(v2sf) =	vpush v0, $0xE;
	s30 =	sand.u32 $0x1FFFFFF0, s29;
	s31 =	spop (v2sf);
	s10 =	sadd.s32 s3, s10  }
0x173: {  	[tilespmem:s9], [sflag:$0x1] =	stream.linear.gather [hbm4b:s10+s2], $0x80, $0x38;
	[tilespmem:$0x11400] =	vst v63  }
0x174: {  	(v2sf) =	vpush v0, $0xF;
	s11 =	sand.u32 $0x1FFFFFF0, s31;
	s4 =	sadd.s32 $0x1980, s19;
	s6 =	sadd.s32 s3, s30  }
0x175: {  	[tilespmem:s7], [sflag:$0x1] =	stream.linear.gather [hbm4b:s6+s2], $0x80, $0x38;
	[tilespmem:$0x11400] =	vst v63  }
0x176: {  	s9 =	sadd.s32 $0x1A80, s19;
	s6 =	sadd.s32 $0x1A00, s19;
	s13 =	spop (v2sf)  }
0x177: {  	s7 =	sadd.s32 s3, s11;
	s10 =	sand.u32 $0x1FFFFFF0, s13;
	s16 =	spop (v2sf)  }
0x178: {  	[tilespmem:s8], [sflag:$0x1] =	stream.linear.gather [hbm4b:s7+s2], $0x80, $0x38;
	[tilespmem:$0x11400] =	vst v63  }
0x179: {  	s20 =	sand.u32 $0x1FFFFFF0, s16;
	s21 =	spop (v2sf);
	s10 =	sadd.s32 s3, s10  }
0x17a: {  	[tilespmem:s24], [sflag:$0x1] =	stream.linear.gather [hbm4b:s10+s2], $0x80, $0x38;
	[tilespmem:$0x11400] =	vst v63  }
0x17b: {  	s22 =	sand.u32 $0x1FFFFFF0, s21;
	s23 =	spop (v2sf);
	s7 =	sadd.s32 s3, s20  }
0x17c: {  	[tilespmem:s1], [sflag:$0x1] =	stream.linear.gather [hbm4b:s7+s2], $0x80, $0x38;
	[tilespmem:$0x11400] =	vst v63  }
0x17d: {  	s24 =	sadd.s32 s3, s22;
	s25 =	sand.u32 $0x1FFFFFF0, s23;
	s26 =	spop (v2sf)  }
0x17e: {  	[tilespmem:s0], [sflag:$0x1] =	stream.linear.gather [hbm4b:s24+s2], $0x80, $0x38;
	[tilespmem:$0x11400] =	vst v63  }
0x17f: {  	s29 =	sadd.s32 s3, s25;
	s30 =	sand.u32 $0x1FFFFFF0, s26;
	s31 =	spop (v2sf)  }
0x180: {  	[tilespmem:s4], [sflag:$0x1] =	stream.linear.gather [hbm4b:s29+s2], $0x80, $0x38;
	[tilespmem:$0x11400] =	vst v63  }
0x181: {  	s7 =	sadd.s32 s3, s30;
	s8 =	sand.u32 $0x1FFFFFF0, s31;
	s10 =	spop (v2sf)  }
0x182: {  	[tilespmem:s6], [sflag:$0x1] =	stream.linear.gather [hbm4b:s7+s2], $0x80, $0x38;
	[tilespmem:$0x11400] =	vst v63  }
0x183: {  	s11 =	sadd.s32 s3, s8;
	s13 =	sand.u32 $0x1FFFFFF0, s10;
	s16 =	spop (v2sf)  }
0x184: {  	[tilespmem:s9], [sflag:$0x1] =	stream.linear.gather [hbm4b:s11+s2], $0x80, $0x38;
	[tilespmem:$0x11400] =	vst v63  }
0x185: {  	s20 =	sadd.s32 $0x1B00, s19;
	s1 =	sadd.s32 s3, s13;
	s4 =	sand.u32 $0x1FFFFFF0, s16  }
0x186: {  	[tilespmem:s20], [sflag:$0x1] =	stream.linear.gather [hbm4b:s1+s2], $0x80, $0x38;
	[tilespmem:$0x11400] =	vst v63  }
0x187: {  	s21 =	sadd.s32 $0x1B80, s19;
	s23 =	sadd.s32 $0x300, s18;
	s22 =	sadd.s32 s3, s4  }
0x188: {  	[tilespmem:s21], [sflag:$0x1] =	stream.linear.gather [hbm4b:s22+s2], $0x80, $0x38;
	[tilespmem:$0x11400] =	vst v63  }
0x189: {  	s24 =	simm.s32 $0x0;
	_ =	swait.ge [sflag:s15], $0x8000;
	[dreg:$0x3] =	wrdreg s23  }
0x18a: {  	s25 =	sand.u32 $0x80, s24;
	s0 =	rddreg [dreg:$0x3]  }
0x18b: {  	s1 =	sand.u32 $0x70, s24;
	[sflag:s15] =	ssyncset.done $0x0;
	s0 =	sadd.s32 s25, s0  }
0x18c: {  	[sflag:s15] =	ssyncadd.s32 $0xFFFF8000;
	s0 =	sadd.s32 s1, s0  }
0x18d: {  	v63 =	vld [tilespmem:s0+$0x0];
	_ =	sdelay $0x4  }
0x18e: {  	v0 =	vshll.u32 v63, $0x4  }
0x18f: {  	(v2sf) =	vpush v0, $0x0  }
0x190: {  	(v2sf) =	vpush v0, $0x1  }
0x191: {  	(v2sf) =	vpush v0, $0x2;
	_ =	sdelay $0x2  }
0x192: {  	(v2sf) =	vpush v0, $0x3;
	_ =	sdelay $0x1  }
0x193: {  	(v2sf) =	vpush v0, $0x4;
	_ =	sdelay $0x1  }
0x194: {  	(v2sf) =	vpush v0, $0x5;
	_ =	sdelay $0x1  }
0x195: {  	(v2sf) =	vpush v0, $0x6  }
0x196: {  	s28 =	simm.s32 $0x9A00;
	s5 =	simm.s32 $0x9880;
	s19 =	simm.s32 $0x10  }
0x197: {  	s18 =	simm.s32 $0x2000;
	s10 =	simm.s32 $0x9500;
	s13 =	simm.s32 $0x9580;
	(v2sf) =	vpush v0, $0x7  }
0x198: {  	s29 =	simm.s32 $0x9400;
	s4 =	simm.s32 $0x9600;
	s7 =	simm.s32 $0x9480  }
0x199: {  	s20 =	simm.s32 $0x4000;
	s24 =	simm.s32 $0x9900;
	s26 =	spop (v2sf)  }
0x19a: {  	s21 =	simm.s32 $0x0;
	s6 =	sand.u32 $0x1FFFFFF0, s26;
	s30 =	spop (v2sf)  }
0x19b: {  	s1 =	rddreg [dreg:$0x3];
	(v2sf) =	vpush v0, $0x8;
	s31 =	spop (v2sf);
	s6 =	sadd.s32 s3, s6  }
0x19c: {  	[tilespmem:s29], [sflag:$0x2] =	stream.linear.gather [hbm4b:s6+s2], $0x80, $0x38;
	[tilespmem:$0x11400] =	vst v63  }
0x19d: {  	s0 =	sand.u32 $0x80, s19;
	s8 =	sand.u32 $0x1FFFFFF0, s30;
	s9 =	sand.u32 $0x1FFFFFF0, s31  }
0x19e: {  	(v2sf) =	vpush v0, $0x9;
	s8 =	sadd.s32 s3, s8;
	s11 =	spop (v2sf);
	s29 =	simm.s32 $0x9680  }
0x19f: {  	[tilespmem:s7], [sflag:$0x2] =	stream.linear.gather [hbm4b:s8+s2], $0x80, $0x38;
	[tilespmem:$0x11400] =	vst v63  }
0x1a0: {  	(v2sf) =	vpush v0, $0xA;
	s16 =	sand.u32 $0x1FFFFFF0, s11;
	s22 =	spop (v2sf);
	s7 =	sadd.s32 s3, s9  }
0x1a1: {  	(v2sf) =	vpush v0, $0xB;
	[tilespmem:s10], [sflag:$0x2] =	stream.linear.gather [hbm4b:s7+s2], $0x80, $0x38;
	[tilespmem:$0x11400] =	vst v63  }
0x1a2: {  	s8 =	sand.u32 $0x1FFFFFF0, s22;
	s23 =	spop (v2sf);
	s7 =	sadd.s32 s3, s16  }
0x1a3: {  	[tilespmem:s13], [sflag:$0x2] =	stream.linear.gather [hbm4b:s7+s2], $0x80, $0x38;
	[tilespmem:$0x11400] =	vst v63  }
0x1a4: {  	s25 =	sand.u32 $0x1FFFFFF0, s23;
	s26 =	sadd.s32 s3, s8;
	s30 =	spop (v2sf)  }
0x1a5: {  	[tilespmem:s4], [sflag:$0x2] =	stream.linear.gather [hbm4b:s26+s2], $0x80, $0x38;
	[tilespmem:$0x11400] =	vst v63  }
0x1a6: {  	s6 =	sadd.s32 s3, s25;
	s8 =	sand.u32 $0x1FFFFFF0, s30;
	s9 =	spop (v2sf)  }
0x1a7: {  	[tilespmem:s29], [sflag:$0x2] =	stream.linear.gather [hbm4b:s6+s2], $0x80, $0x38;
	[tilespmem:$0x11400] =	vst v63  }
0x1a8: {  	s31 =	simm.s32 $0x9700;
	s7 =	sand.u32 $0x1FFFFFF0, s9;
	s6 =	sadd.s32 s3, s8  }
0x1a9: {  	[tilespmem:s31], [sflag:$0x2] =	stream.linear.gather [hbm4b:s6+s2], $0x80, $0x38;
	[tilespmem:$0x11400] =	vst v63  }
0x1aa: {  	s10 =	simm.s32 $0x9780;
	s7 =	sadd.s32 s3, s7;
	s13 =	spop (v2sf)  }
0x1ab: {  	[tilespmem:s10], [sflag:$0x2] =	stream.linear.gather [hbm4b:s7+s2], $0x80, $0x38;
	[tilespmem:$0x11400] =	vst v63  }
0x1ac: {  	s11 =	simm.s32 $0x9800;
	s22 =	simm.s32 $0x9B80;
	s6 =	sand.u32 $0x1FFFFFF0, s13  }
0x1ad: {  	s23 =	sadd.s32 s0, s1;
	s16 =	spop (v2sf);
	s26 =	sadd.s32 s3, s6  }
0x1ae: {  	[tilespmem:s11], [sflag:$0x2] =	stream.linear.gather [hbm4b:s26+s2], $0x80, $0x38;
	[tilespmem:$0x11400] =	vst v63  }
0x1af: {  	(v2sf) =	vpush v0, $0xC;
	s25 =	sand.u32 $0x1FFFFFF0, s16;
	s29 =	spop (v2sf);
	s26 =	simm.s32 $0x9980  }
0x1b0: {  	(v2sf) =	vpush v0, $0xD;
	s0 =	sadd.s32 s3, s25;
	s30 =	sand.u32 $0x1FFFFFF0, s29;
	s31 =	spop (v2sf)  }
0x1b1: {  	(v2sf) =	vpush v0, $0xE;
	[tilespmem:s5], [sflag:$0x2] =	stream.linear.gather [hbm4b:s0+s2], $0x80, $0x38;
	[tilespmem:$0x11400] =	vst v63  }
0x1b2: {  	s25 =	simm.s32 $0x9A80;
	(v2sf) =	vpush v0, $0xF;
	s5 =	sadd.s32 s3, s30;
	s0 =	sand.u32 $0x1FFFFFF0, s31  }
.LBB2_10:
0x1b3: {  	_ =	sdelay $0x7  }
0x1b4: {  	[tilespmem:s24], [sflag:$0x2] =	stream.linear.gather [hbm4b:s5+s2], $0x80, $0x38;
	[tilespmem:$0x11400] =	vst v63  }
0x1b5: {  	s0 =	sadd.s32 s3, s0  }
0x1b6: {  	[tilespmem:s26], [sflag:$0x2] =	stream.linear.gather [hbm4b:s0+s2], $0x80, $0x38;
	[tilespmem:$0x11400] =	vst v63  }
0x1b7: {  	s6 =	spop (v2sf)  }
0x1b8: {  	s4 =	sand.u32 $0x70, s19;
	s6 =	sand.u32 $0x1FFFFFF0, s6;
	s7 =	spop (v2sf)  }
0x1b9: {  	s8 =	sadd.s32 s3, s6;
	s9 =	sand.u32 $0x1FFFFFF0, s7;
	s10 =	spop (v2sf)  }
0x1ba: {  	[tilespmem:s28], [sflag:$0x2] =	stream.linear.gather [hbm4b:s8+s2], $0x80, $0x38;
	[tilespmem:$0x11400] =	vst v63  }
0x1bb: {  	s11 =	sadd.s32 s3, s9;
	s13 =	sand.u32 $0x1FFFFFF0, s10;
	s16 =	spop (v2sf)  }
0x1bc: {  	[tilespmem:s25], [sflag:$0x2] =	stream.linear.gather [hbm4b:s11+s2], $0x80, $0x38;
	[tilespmem:$0x11400] =	vst v63  }
0x1bd: {  	s21 =	sadd.s32 $0x9B00, s21;
	s5 =	sadd.s32 s3, s13;
	s6 =	sand.u32 $0x1FFFFFF0, s16  }
0x1be: {  	[tilespmem:s21], [sflag:$0x2] =	stream.linear.gather [hbm4b:s5+s2], $0x80, $0x38;
	[tilespmem:$0x11400] =	vst v63  }
0x1bf: {  	s23 =	sadd.s32 s4, s23;
	s24 =	sadd.s32 s3, s6  }
0x1c0: {  	[tilespmem:s22], [sflag:$0x2] =	stream.linear.gather [hbm4b:s24+s2], $0x80, $0x38;
	[tilespmem:$0x11400] =	vst v63  }
0x1c1: {  	v0 =	vld [tilespmem:s23+$0x0];
	_ =	sdelay $0x4  }
0x1c2: {  	v0 =	vshll.u32 v0, $0x4  }
0x1c3: {  	(v2sf) =	vpush v0, $0x0  }
0x1c4: {  	(v2sf) =	vpush v0, $0x1  }
0x1c5: {  	(v2sf) =	vpush v0, $0x2;
	_ =	sdelay $0x1  }
0x1c6: {  	(v2sf) =	vpush v0, $0x3;
	_ =	sdelay $0x1  }
0x1c7: {  	(v2sf) =	vpush v0, $0x4;
	_ =	sdelay $0x1  }
0x1c8: {  	p0 =	sne.s32 s20, $0x1E000;
	s1 =	smov.u32 s20;
	s20 =	sadd.s32 $0x2000, s20;
	(v2sf) =	vpush v0, $0x5  }
0x1c9: {  	s19 =	sadd.s32 $0x10, s19;
	s26 =	rddreg [dreg:$0x3];
	s21 =	sshra.s32 s18, $0x2  }
0x1ca: {  	s25 =	sand.u32 $0x80, s19;
	s18 =	smov.u32 s1;
	s7 =	sadd.s32 $0x9600, s21;
	(v2sf) =	vpush v0, $0x6  }
0x1cb: {  	s29 =	sadd.s32 $0x9880, s21;
	s8 =	sadd.s32 $0x9400, s21;
	s5 =	sadd.s32 $0x9700, s21  }
0x1cc: {  	s0 =	sadd.s32 $0x9780, s21;
	s9 =	sadd.s32 $0x9680, s21;
	s30 =	sadd.s32 $0x9800, s21;
	(v2sf) =	vpush v0, $0x7  }
0x1cd: {  	s4 =	sadd.s32 $0x9580, s21;
	s6 =	sadd.s32 $0x9480, s21;
	s28 =	sadd.s32 $0x9A00, s21  }
0x1ce: {  	s11 =	sadd.s32 $0x9500, s21;
	s24 =	sadd.s32 $0x9900, s21;
	s22 =	sadd.s32 $0x9B80, s21;
	(v2sf) =	vpush v0, $0x8  }
0x1cf: {  	s23 =	sadd.s32 s25, s26;
	s26 =	sadd.s32 $0x9980, s21;
	s31 =	spop (v2sf)  }
0x1d0: {  	s25 =	sadd.s32 $0x9A80, s21;
	(v2sf) =	vpush v0, $0x9;
	s1 =	sand.u32 $0x1FFFFFF0, s31;
	s10 =	spop (v2sf)  }
0x1d1: {  	s10 =	sand.u32 $0x1FFFFFF0, s10;
	s13 =	spop (v2sf);
	s1 =	sadd.s32 s3, s1  }
0x1d2: {  	(v2sf) =	vpush v0, $0xA;
	[tilespmem:s8], [sflag:$0x2] =	stream.linear.gather [hbm4b:s1+s2], $0x80, $0x38;
	[tilespmem:$0x11400] =	vst v63  }
0x1d3: {  	s13 =	sand.u32 $0x1FFFFFF0, s13;
	s16 =	spop (v2sf);
	(v2sf) =	vpush v0, $0xB;
	s10 =	sadd.s32 s3, s10  }
0x1d4: {  	[tilespmem:s6], [sflag:$0x2] =	stream.linear.gather [hbm4b:s10+s2], $0x80, $0x38;
	[tilespmem:$0x11400] =	vst v63  }
0x1d5: {  	s8 =	sand.u32 $0x1FFFFFF0, s16;
	s31 =	spop (v2sf);
	s6 =	sadd.s32 s3, s13  }
0x1d6: {  	[tilespmem:s11], [sflag:$0x2] =	stream.linear.gather [hbm4b:s6+s2], $0x80, $0x38;
	[tilespmem:$0x11400] =	vst v63  }
0x1d7: {  	s13 =	sand.u32 $0x1FFFFFF0, s31;
	s16 =	spop (v2sf);
	s31 =	sadd.s32 s3, s8  }
0x1d8: {  	[tilespmem:s4], [sflag:$0x2] =	stream.linear.gather [hbm4b:s31+s2], $0x80, $0x38;
	[tilespmem:$0x11400] =	vst v63  }
0x1d9: {  	s8 =	sand.u32 $0x1FFFFFF0, s16;
	s13 =	sadd.s32 s3, s13;
	s11 =	spop (v2sf)  }
0x1da: {  	[tilespmem:s7], [sflag:$0x2] =	stream.linear.gather [hbm4b:s13+s2], $0x80, $0x38;
	[tilespmem:$0x11400] =	vst v63  }
0x1db: {  	s10 =	sadd.s32 s3, s8;
	s16 =	sand.u32 $0x1FFFFFF0, s11;
	s31 =	spop (v2sf)  }
0x1dc: {  	[tilespmem:s9], [sflag:$0x2] =	stream.linear.gather [hbm4b:s10+s2], $0x80, $0x38;
	[tilespmem:$0x11400] =	vst v63  }
0x1dd: {  	s6 =	sand.u32 $0x1FFFFFF0, s31;
	s11 =	spop (v2sf);
	s13 =	sadd.s32 s3, s16  }
0x1de: {  	[tilespmem:s5], [sflag:$0x2] =	stream.linear.gather [hbm4b:s13+s2], $0x80, $0x38;
	[tilespmem:$0x11400] =	vst v63  }
0x1df: {  	s16 =	sand.u32 $0x1FFFFFF0, s11;
	s8 =	sadd.s32 s3, s6;
	s31 =	spop (v2sf)  }
0x1e0: {  	[tilespmem:s0], [sflag:$0x2] =	stream.linear.gather [hbm4b:s8+s2], $0x80, $0x38;
	[tilespmem:$0x11400] =	vst v63  }
.Ltmp6:
0x1e1: {  	s11 =	sadd.s32 s3, s16;
	s10 =	spop (v2sf);
	(pc) =	sbr.rel @p0 .LBB2_10-.Ltmp6, $4  }
0x1e2: {  	(v2sf) =	vpush v0, $0xC;
	s9 =	sand.u32 $0x1FFFFFF0, s31;
	s13 =	sand.u32 $0x1FFFFFF0, s10;
	s16 =	spop (v2sf)  }
0x1e3: {  	(v2sf) =	vpush v0, $0xD;
	[tilespmem:s30], [sflag:$0x2] =	stream.linear.gather [hbm4b:s11+s2], $0x80, $0x38;
	[tilespmem:$0x11400] =	vst v63  }
0x1e4: {  	(v2sf) =	vpush v0, $0xE;
	s31 =	sadd.s32 s3, s9;
	s5 =	sadd.s32 s3, s13;
	s0 =	sand.u32 $0x1FFFFFF0, s16  }
0x1e5: {  	(v2sf) =	vpush v0, $0xF;
	[tilespmem:s29], [sflag:$0x2] =	stream.linear.gather [hbm4b:s31+s2], $0x80, $0x38;
	[tilespmem:$0x11400] =	vst v63  }
0x1e6: {  	_ =	sdelay $0x7  }
0x1e7: {  	[tilespmem:s24], [sflag:$0x2] =	stream.linear.gather [hbm4b:s5+s2], $0x80, $0x38;
	[tilespmem:$0x11400] =	vst v63  }
0x1e8: {  	s0 =	sadd.s32 s3, s0  }
0x1e9: {  	[tilespmem:s26], [sflag:$0x2] =	stream.linear.gather [hbm4b:s0+s2], $0x80, $0x38;
	[tilespmem:$0x11400] =	vst v63  }
0x1ea: {  	s4 =	spop (v2sf)  }
0x1eb: {  	s1 =	sand.u32 $0x70, s19;
	s4 =	sand.u32 $0x1FFFFFF0, s4;
	s7 =	spop (v2sf)  }
0x1ec: {  	s8 =	sadd.s32 s3, s4;
	s9 =	sand.u32 $0x1FFFFFF0, s7;
	s10 =	spop (v2sf)  }
0x1ed: {  	[tilespmem:s28], [sflag:$0x2] =	stream.linear.gather [hbm4b:s8+s2], $0x80, $0x38;
	[tilespmem:$0x11400] =	vst v63  }
0x1ee: {  	s11 =	sadd.s32 s3, s9;
	s13 =	sand.u32 $0x1FFFFFF0, s10;
	s16 =	spop (v2sf)  }
0x1ef: {  	[tilespmem:s25], [sflag:$0x2] =	stream.linear.gather [hbm4b:s11+s2], $0x80, $0x38;
	[tilespmem:$0x11400] =	vst v63  }
0x1f0: {  	s19 =	sadd.s32 $0x9B00, s21;
	s4 =	sadd.s32 s3, s13;
	s5 =	sand.u32 $0x1FFFFFF0, s16  }
0x1f1: {  	[tilespmem:s19], [sflag:$0x2] =	stream.linear.gather [hbm4b:s4+s2], $0x80, $0x38;
	[tilespmem:$0x11400] =	vst v63  }
0x1f2: {  	s20 =	sadd.s32 s1, s23;
	s21 =	sadd.s32 s3, s5  }
0x1f3: {  	[tilespmem:s22], [sflag:$0x2] =	stream.linear.gather [hbm4b:s21+s2], $0x80, $0x38;
	[tilespmem:$0x11400] =	vst v63  }
0x1f4: {  	v0 =	vld [tilespmem:s20+$0x0];
	_ =	sdelay $0x4  }
0x1f5: {  	v0 =	vshll.u32 v0, $0x4  }
0x1f6: {  	(v2sf) =	vpush v0, $0x0  }
0x1f7: {  	(v2sf) =	vpush v0, $0x1  }
0x1f8: {  	(v2sf) =	vpush v0, $0x2;
	_ =	sdelay $0x1  }
0x1f9: {  	(v2sf) =	vpush v0, $0x3;
	_ =	sdelay $0x1  }
0x1fa: {  	(v2sf) =	vpush v0, $0x4;
	_ =	sdelay $0x1  }
0x1fb: {  	(v2sf) =	vpush v0, $0x5;
	_ =	sdelay $0x1  }
0x1fc: {  	(v2sf) =	vpush v0, $0x6  }
0x1fd: {  	s18 =	sshra.s32 s18, $0x2  }
0x1fe: {  	s6 =	sadd.s32 $0x9400, s18;
	s24 =	sadd.s32 $0x9500, s18;
	s0 =	sadd.s32 $0x9900, s18;
	(v2sf) =	vpush v0, $0x7  }
0x1ff: {  	s7 =	sadd.s32 $0x9980, s18;
	s8 =	sadd.s32 $0x9700, s18;
	s9 =	sadd.s32 $0x9780, s18  }
0x200: {  	s10 =	sadd.s32 $0x9680, s18;
	s13 =	sadd.s32 $0x9580, s18;
	s5 =	sadd.s32 $0x9880, s18;
	(v2sf) =	vpush v0, $0x8  }
0x201: {  	s11 =	sadd.s32 $0x9800, s18;
	s4 =	sadd.s32 $0x9600, s18;
	s16 =	spop (v2sf)  }
0x202: {  	s22 =	sadd.s32 $0x9480, s18;
	(v2sf) =	vpush v0, $0x9;
	s20 =	spop (v2sf);
	s16 =	sand.u32 $0x1FFFFFF0, s16  }
0x203: {  	s20 =	sand.u32 $0x1FFFFFF0, s20;
	s25 =	spop (v2sf);
	s16 =	sadd.s32 s3, s16  }
0x204: {  	(v2sf) =	vpush v0, $0xA;
	[tilespmem:s6], [sflag:$0x2] =	stream.linear.gather [hbm4b:s16+s2], $0x80, $0x38;
	[tilespmem:$0x11400] =	vst v63  }
0x205: {  	s26 =	sand.u32 $0x1FFFFFF0, s25;
	s28 =	spop (v2sf);
	s20 =	sadd.s32 s3, s20  }
0x206: {  	(v2sf) =	vpush v0, $0xB;
	[tilespmem:s22], [sflag:$0x2] =	stream.linear.gather [hbm4b:s20+s2], $0x80, $0x38;
	[tilespmem:$0x11400] =	vst v63  }
0x207: {  	s16 =	sand.u32 $0x1FFFFFF0, s28;
	s29 =	spop (v2sf);
	s6 =	sadd.s32 s3, s26  }
0x208: {  	(v2sf) =	vpush v0, $0xC;
	[tilespmem:s24], [sflag:$0x2] =	stream.linear.gather [hbm4b:s6+s2], $0x80, $0x38;
	[tilespmem:$0x11400] =	vst v63  }
0x209: {  	s30 =	sand.u32 $0x1FFFFFF0, s29;
	s31 =	spop (v2sf);
	s16 =	sadd.s32 s3, s16  }
0x20a: {  	(v2sf) =	vpush v0, $0xD;
	[tilespmem:s13], [sflag:$0x2] =	stream.linear.gather [hbm4b:s16+s2], $0x80, $0x38;
	[tilespmem:$0x11400] =	vst v63  }
0x20b: {  	s19 =	sand.u32 $0x1FFFFFF0, s31;
	s20 =	spop (v2sf);
	s6 =	sadd.s32 s3, s30  }
0x20c: {  	[tilespmem:s4], [sflag:$0x2] =	stream.linear.gather [hbm4b:s6+s2], $0x80, $0x38;
	[tilespmem:$0x11400] =	vst v63  }
0x20d: {  	s22 =	sand.u32 $0x1FFFFFF0, s20;
	s23 =	spop (v2sf);
	s13 =	sadd.s32 s3, s19  }
0x20e: {  	(v2sf) =	vpush v0, $0xE;
	[tilespmem:s10], [sflag:$0x2] =	stream.linear.gather [hbm4b:s13+s2], $0x80, $0x38;
	[tilespmem:$0x11400] =	vst v63  }
0x20f: {  	s24 =	spop (v2sf);
	s6 =	sand.u32 $0x1FFFFFF0, s23;
	s4 =	sadd.s32 s3, s22  }
0x210: {  	(v2sf) =	vpush v0, $0xF;
	[tilespmem:s8], [sflag:$0x2] =	stream.linear.gather [hbm4b:s4+s2], $0x80, $0x38;
	[tilespmem:$0x11400] =	vst v63  }
0x211: {  	s25 =	sand.u32 $0x1FFFFFF0, s24;
	s6 =	sadd.s32 s3, s6;
	s26 =	spop (v2sf)  }
0x212: {  	[tilespmem:s9], [sflag:$0x2] =	stream.linear.gather [hbm4b:s6+s2], $0x80, $0x38;
	[tilespmem:$0x11400] =	vst v63  }
0x213: {  	s4 =	sadd.s32 s3, s25;
	s28 =	sand.u32 $0x1FFFFFF0, s26;
	s29 =	spop (v2sf)  }
0x214: {  	[tilespmem:s11], [sflag:$0x2] =	stream.linear.gather [hbm4b:s4+s2], $0x80, $0x38;
	[tilespmem:$0x11400] =	vst v63  }
0x215: {  	s30 =	sand.u32 $0x1FFFFFF0, s29;
	s31 =	spop (v2sf);
	s6 =	sadd.s32 s3, s28  }
0x216: {  	[tilespmem:s5], [sflag:$0x2] =	stream.linear.gather [hbm4b:s6+s2], $0x80, $0x38;
	[tilespmem:$0x11400] =	vst v63  }
0x217: {  	s9 =	sand.u32 $0x1FFFFFF0, s31;
	s10 =	spop (v2sf);
	s4 =	sadd.s32 s3, s30  }
0x218: {  	[tilespmem:s0], [sflag:$0x2] =	stream.linear.gather [hbm4b:s4+s2], $0x80, $0x38;
	[tilespmem:$0x11400] =	vst v63  }
0x219: {  	s11 =	sadd.s32 s3, s9;
	s13 =	sand.u32 $0x1FFFFFF0, s10;
	s16 =	spop (v2sf)  }
0x21a: {  	[tilespmem:s7], [sflag:$0x2] =	stream.linear.gather [hbm4b:s11+s2], $0x80, $0x38;
	[tilespmem:$0x11400] =	vst v63  }
0x21b: {  	s21 =	sadd.s32 $0x9A00, s18;
	s19 =	sadd.s32 s3, s13;
	s20 =	sand.u32 $0x1FFFFFF0, s16  }
0x21c: {  	[tilespmem:s21], [sflag:$0x2] =	stream.linear.gather [hbm4b:s19+s2], $0x80, $0x38;
	[tilespmem:$0x11400] =	vst v63  }
0x21d: {  	s1 =	sadd.s32 $0x9A80, s18;
	s22 =	spop (v2sf);
	s23 =	sadd.s32 s3, s20  }
0x21e: {  	[tilespmem:s1], [sflag:$0x2] =	stream.linear.gather [hbm4b:s23+s2], $0x80, $0x38;
	[tilespmem:$0x11400] =	vst v63  }
.Ltmp7:
0x21f: {  	s24 =	sand.u32 $0x1FFFFFF0, s22;
	s25 =	spop (v2sf);
	(pc) =	sbr.rel .LBB2_6-.Ltmp7, $4  }
0x220: {  	s26 =	sadd.s32 $0x9B00, s18;
	s28 =	sadd.s32 s3, s24;
	s29 =	sand.u32 $0x1FFFFFF0, s25  }
0x221: {  	[tilespmem:s26], [sflag:$0x2] =	stream.linear.gather [hbm4b:s28+s2], $0x80, $0x38;
	[tilespmem:$0x11400] =	vst v63  }
0x222: {  	s17 =	sadd.s32 $0x1, s17;
	s30 =	sadd.s32 $0x9B80, s18;
	s31 =	sadd.s32 s3, s29  }
0x223: {  	[tilespmem:s30], [sflag:$0x2] =	stream.linear.gather [hbm4b:s31+s2], $0x80, $0x38;
	[tilespmem:$0x11400] =	vst v63  }
.LBB2_13:
0x224: {  	_ =	sfence.sel $0x180000  }
0x225: {  	[bflag:$0x0] =	sbarrier.arrive $0xFFFF  }
0x226: {  	_ =	strace $0x90000047  }
0x227: {  	s0 =	stileid.u32;
	[bflag:$0x2] =	sbarrier.arrive $0xFFFF  }
0x228: {  	p0 =	sne.s32 s0, $0x0;
	s0 =	rddreg [dreg:$0x1]  }
0x229: {  	s0 =	sadd.s32 @!p0 $0x100000, s0  }
0x22a: {  	[sflag:s0] =	ssyncadd.tile.s32 @!p0 $0x1;
	_ =	shalt  }
.Lfunc_end2:
_tile_overlayer_lowered:
.L_overlay_start_2:
0x22b: {  	(tag) =	ssettag $0x2  }
0x22c: {  	s0 =	rddreg [dreg:$0x0];
	s2 =	stileid.u32  }
0x22d: {  	s1 =	rddreg [dreg:$0x1];
	p0 =	sne.s32 s2, $0x0  }
0x22e: {  	s3 =	rddreg [dreg:$0x2];
	[bflag:$0x3] =	sbarrier.arrive $0xFFFF;
	s2 =	simm.s32 @!p0 $0x1C05  }
0x22f: {  	[timem:s3], [sflag:s2] =	dma.local @!p0 [hbm:s0], s1  }
0x230: {  	s0 =	simm.s32 @!p0 $0x5  }
0x231: {  	_ =	swait.ge @!p0 [sflag:s0], s1  }
0x232: {  	s1 =	ssub.s32 @!p0 $0x0, s1;
	[sflag:s0] =	ssyncset.done @!p0 $0x0  }
0x233: {  	[sflag:s0] =	ssyncadd.s32 @!p0 s1  }
0x234: {  	[bflag:$0x3] =	sbarrier.arrive $0xFFFF  }
0x235: {  	_ =	shalt  }

// kernel: kernel.9.cloned.1.call-start
scs
__scs_entry_jumppad:
0x0: {  	(pc) =	sbr.rel $0x88, $3  }
0x1: {  	(tag) =	ssettag $0x0;
	lr =	simm.s32 $0x1  }
0x2: {  	[smem:$0x3F9D] =	sst lr;
	_ =	strace $0xD0000000  }
0x3: {  	_ = 	snop  }
0x4: {  	_ = 	snop  }
0x5: {  	_ = 	snop  }
0x6: {  	_ = 	snop  }
0x7: {  	_ = 	snop  }
__scs_overlays_trampoline_lowered:
0x8: {  	[smem:$0x3FAC] =	sst s0  }
0x9: {  	[smem:$0x3FAD] =	sst s1  }
0xa: {  	[smem:$0x3FAE] =	sst s2  }
0xb: {  	[smem:$0x3FAF] =	sst s3  }
0xc: {  	[smem:$0x3FB0] =	sst s4  }
0xd: {  	[smem:$0x3FB1] =	sst s5  }
0xe: {  	[smem:$0x3FB2] =	sst s6  }
0xf: {  	[smem:$0x3FB3] =	sst s7  }
0x10: {  	[smem:$0x3FB4] =	sst s8  }
0x11: {  	[smem:$0x3FB5] =	sst s9;
	s0 =	simm.s32 @!p0 $0x0  }
0x12: {  	s1 =	sld [smem:$0x3F9B];
	s0 =	simm.s32 @p0 $0x1  }
0x13: {  	[smem:$0x3FB6] =	sst s0;
	s0 =	simm.s32 @!p1 $0x0  }
0x14: {  	s2 =	sld [smem:$0x3F9A];
	s0 =	simm.s32 @p1 $0x1  }
0x15: {  	[smem:$0x3FB7] =	sst s0;
	s0 =	simm.s32 @!p2 $0x0  }
0x16: {  	s3 =	sld [smem:$0x3FDB];
	s0 =	simm.s32 @p2 $0x1  }
0x17: {  	s4 =	simm.s32 $0x1BF5;
	[smem:$0x3FB9] =	sst s0  }
0x18: {  	s0 =	sld [smem:$0x3F9C];
	_ =	swait.ge [sflag:s4], $0x0  }
0x19: {  	s7 =	sld [smem:$0x3F9D]  }
0x1a: {  	s8 =	sadd.s32 $0xFFFFE003, lr  }
0x1b: {  	s9 =	sadd.s32 $0xFFFFFEF7, lr;
	s5 =	simm.s32 $0xFFFFFFFF;
	p2 =	slt.u32 s8, $0xFFFFF086  }
0x1c: {  	p1 =	slt.u32 s9, $0xF7A;
	s5 =	simm.s32 @!p2 $0x0  }
0x1d: {  	s5 =	simm.s32 @p1 $0x1;
	p0 =	seq.s32 s7, s2  }
0x1e: {  	s7 =	smul.u32 @!p0 $0xF7A, s2;
	p2 =	seq.s32 @!p0 s5, $0x0  }
0x1f: {  	s9 =	smul.u32 $0xF7A, s1;
	s8 =	simm.s32 @!p0 $0x1BF5;
	p2 =	por !p2, p0  }
0x20: {  	[sflag:s8] =	ssyncset.s32 @!p0 $0xFFFFF086;
	s6 =	sadd.s32 @!p0 s3, s7;
	s7 =	simm.s32 @!p0 $0x108  }
0x21: {  	s3 =	sadd.s32 s3, s9;
	s6 =	sadd.s32 @!p0 $0x88, s6;
	s7 =	simm.s32 @p2 $0x1082  }
0x22: {  	[simem:s7], [sflag:s8] =	dma.local @!p0 [hbm:s6], $0xF7A  }
0x23: {  	s9 =	sor.u32 $0xD0000000, s2;
	s6 =	simm.s32 $0x108;
	_ =	swait.ge @!p0 [sflag:s8], $0x0  }
0x24: {  	s3 =	sadd.s32 $0x88, s3;
	s6 =	simm.s32 @!p1 $0x1082;
	[sflag:s4] =	ssyncset.s32 $0xFFFFF086  }
0x25: {  	[simem:s6], [sflag:s4] =	dma.local [hbm:s3], $0xF7A  }
0x26: {  	[smem:$0x3F9D] =	sst s1;
	(tag) =	ssettag s2;
	_ =	strace s9  }
0x27: {  	s1 =	sld [smem:$0x3FAD]  }
0x28: {  	s2 =	sld [smem:$0x3FAE]  }
0x29: {  	s4 =	sld [smem:$0x3FB0]  }
0x2a: {  	p0 =	seq.s32 s5, $0x0;
	s5 =	sld [smem:$0x3FB1]  }
0x2b: {  	s6 =	sld [smem:$0x3FB2]  }
0x2c: {  	s7 =	sld [smem:$0x3FB3]  }
0x2d: {  	s3 =	simm.s32 $0x108;
	s8 =	sld [smem:$0x3FB4]  }
0x2e: {  	s3 =	simm.s32 @!p0 $0x1082;
	s9 =	sld [smem:$0x3FB5]  }
0x2f: {  	lr =	sadd.s32 s0, s3;
	s0 =	sld [smem:$0x3FAC]  }
0x30: {  	s3 =	sld [smem:$0x3FAF]  }
0x31: {  	[smem:$0x3FB8] =	sst s10  }
0x32: {  	s10 =	sld [smem:$0x3FB6];
	_ =	sdelay $0x3  }
0x33: {  	p0 =	seq.s32 s10, $0x1;
	s10 =	sld [smem:$0x3FB8];
	_ =	sdelay $0x3  }
0x34: {  	[smem:$0x3FB8] =	sst s10  }
0x35: {  	s10 =	sld [smem:$0x3FB7];
	_ =	sdelay $0x3  }
0x36: {  	p1 =	seq.s32 s10, $0x1;
	s10 =	sld [smem:$0x3FB8];
	_ =	sdelay $0x3  }
0x37: {  	[smem:$0x3FB8] =	sst s10  }
0x38: {  	s10 =	sld [smem:$0x3FB9]  }
0x39: {  	_ = 	snop;
	(pc) =	sbr.ind lr, $3  }
0x3a: {  	_ = 	snop  }
0x3b: {  	_ = 	snop  }
0x3c: {  	p2 =	seq.s32 s10, $0x1;
	s10 =	sld [smem:$0x3FB8]  }
0x3d: {  	_ =	shalt  }
0x3e: {  	_ =	shalt  }
0x3f: {  	_ =	shalt  }
0x40: {  	_ =	shalt  }
0x41: {  	_ =	shalt  }
0x42: {  	_ =	shalt  }
0x43: {  	_ =	shalt  }
0x44: {  	_ =	shalt  }
0x45: {  	_ =	shalt  }
0x46: {  	_ =	shalt  }
0x47: {  	_ =	shalt  }
0x48: {  	_ =	shalt  }
0x49: {  	_ =	shalt  }
0x4a: {  	_ =	shalt  }
0x4b: {  	_ =	shalt  }
0x4c: {  	_ =	shalt  }
0x4d: {  	_ =	shalt  }
0x4e: {  	_ =	shalt  }
0x4f: {  	_ =	shalt  }
0x50: {  	_ =	shalt  }
0x51: {  	_ =	shalt  }
0x52: {  	_ =	shalt  }
0x53: {  	_ =	shalt  }
0x54: {  	_ =	shalt  }
0x55: {  	_ =	shalt  }
0x56: {  	_ =	shalt  }
0x57: {  	_ =	shalt  }
0x58: {  	_ =	shalt  }
0x59: {  	_ =	shalt  }
0x5a: {  	_ =	shalt  }
0x5b: {  	_ =	shalt  }
0x5c: {  	_ =	shalt  }
0x5d: {  	_ =	shalt  }
0x5e: {  	_ =	shalt  }
0x5f: {  	_ =	shalt  }
0x60: {  	_ =	shalt  }
0x61: {  	_ =	shalt  }
0x62: {  	_ =	shalt  }
0x63: {  	_ =	shalt  }
0x64: {  	_ =	shalt  }
0x65: {  	_ =	shalt  }
0x66: {  	_ =	shalt  }
0x67: {  	_ =	shalt  }
0x68: {  	_ =	shalt  }
0x69: {  	_ =	shalt  }
0x6a: {  	_ =	shalt  }
0x6b: {  	_ =	shalt  }
0x6c: {  	_ =	shalt  }
0x6d: {  	_ =	shalt  }
0x6e: {  	_ =	shalt  }
0x6f: {  	_ =	shalt  }
0x70: {  	_ =	shalt  }
0x71: {  	_ =	shalt  }
0x72: {  	_ =	shalt  }
0x73: {  	_ =	shalt  }
0x74: {  	_ =	shalt  }
0x75: {  	_ =	shalt  }
0x76: {  	_ =	shalt  }
0x77: {  	_ =	shalt  }
0x78: {  	_ =	shalt  }
0x79: {  	_ =	shalt  }
0x7a: {  	_ =	shalt  }
0x7b: {  	_ =	shalt  }
0x7c: {  	_ =	shalt  }
0x7d: {  	_ =	shalt  }
0x7e: {  	_ =	shalt  }
0x7f: {  	_ =	shalt  }
0x80: {  	_ =	shalt  }
0x81: {  	_ =	shalt  }
0x82: {  	_ =	shalt  }
0x83: {  	_ =	shalt  }
0x84: {  	_ =	shalt  }
0x85: {  	_ =	shalt  }
0x86: {  	_ =	shalt  }
0x87: {  	_ =	shalt  }
.Lfunc_end0:
.L_simem_size_0:
called_computation.1_lowered:
.L_overlay_start_0:
0x88: {  	s2 =	sld [smem:$0x3FD9]  }
0x89: {  	s3 =	sld [smem:$0x3FFE];
	_ =	sdelay $0x1  }
0x8a: {  	s1 =	srdreg.scid  }
0x8b: {  	s0 =	sand.u32 $0x1, s1  }
0x8c: {  	s17 =	sshll.u32 s0, $0xA;
	s2 =	sadd.s32 s3, s2  }
0x8d: {  	s2 =	sadd.s32 s2, s17  }
0x8e: {  	[smem:$0x3FC4] =	sst s2  }
0x8f: {  	_ = 	snop  }
0x90: {  	s18 =	sld [smem:$0x3FD0];
	(tm) =	ssettm $0x1  }
0x91: {  	s19 =	sld [smem:$0x3FFB];
	_ =	sdelay $0x3  }
0x92: {  	_ =	strace s19  }
0x93: {  	s2 =	sld [smem:$0x3FFC];
	_ =	sdelay $0x3  }
0x94: {  	_ =	strace s2  }
0x95: {  	s2 =	sld [smem:$0x3FFD];
	_ =	sdelay $0x3  }
0x96: {  	_ =	strace s2  }
0x97: {  	_ =	strace $0x8FFFFFFF  }
0x98: {  	s20 =	sld [smem:$0x3FDB];
	_ =	sdelay $0x1  }
0x99: {  	s4 =	simm.s32 $_scs_section_size  }
0x9a: {  	s5 =	simm.s32 $_size__tile_overlayer_lowered;
	s6 =	simm.s32 $_tile_overlayer_lowered  }
0x9b: {  	s7 =	simm.s32 $0x1BFF;
	s21 =	sshll.u32 s6, $0x1;
	s4 =	sadd.s32 s4, s20  }
0x9c: {  	s22 =	simm.s32 $0x0;
	s5 =	sshll.u32 s5, $0x1;
	s6 =	sadd.s32 s21, s4  }
0x9d: {  	[timem:s22], [sflag:s7] =	dma.local [hbm:s6], s5  }
0x9e: {  	_ =	swait.ge [sflag:s7], s5  }
0x9f: {  	s5 =	ssub.s32 $0x0, s5;
	[sflag:s7] =	ssyncset.done $0x0  }
0xa0: {  	[sflag:s7] =	ssyncadd.s32 s5;
	_ =	sdelay $0x1  }
0xa1: {  	s23 =	simm.s32 $0x1B8B  }
0xa2: {  	_ =	swait.ge [sflag:s23], $0x1  }
0xa3: {  	[sflag:s23] =	ssyncset.done $0x0  }
0xa4: {  	[sflag:s23] =	ssyncadd.s32 $0xFFFFFFFF  }
0xa5: {  	s5 =	sld [smem:$0x0]  }
0xa6: {  	s6 =	sand.u32 $0xFFFFFFFE, s1  }
0xa7: {  	p0 =	sne.s32 s1, s6  }
0xa8: {  	s6 =	sshll.u32 @p0 s6, $0xE  }
0xa9: {  	s6 =	sadd.s32 @p0 $0x11B8D, s6;
	s7 =	sshll.u32 @p0 s5, $0x11  }
0xaa: {  	s6 =	sor.u32 @p0 s7, s6  }
0xab: {  	[sflag:s6] =	ssyncadd.remote.s32 @p0 $0x1;
	_ =	sdelay $0x1  }
0xac: {  	s6 =	simm.s32 @p0 $0x1B8D  }
0xad: {  	_ =	swait.eq @p0 [sflag:s6], $0x1  }
0xae: {  	[sflag:s6] =	ssyncadd.s32 @p0 $0xFFFFFFFF  }
0xaf: {  	s7 =	sshll.u32 @!p0 s1, $0xE  }
0xb0: {  	s7 =	sor.u32 @!p0 $0x4000, s7;
	s6 =	simm.s32 @!p0 $0x1B8D  }
0xb1: {  	s5 =	sshll.u32 @!p0 s5, $0x11;
	s7 =	sadd.s32 @!p0 $0x11B8D, s7;
	_ =	swait.eq @!p0 [sflag:s6], $0x1  }
0xb2: {  	s5 =	sor.u32 @!p0 s5, s7;
	[sflag:s6] =	ssyncadd.s32 @!p0 $0xFFFFFFFF  }
0xb3: {  	s25 =	simm.s32 $0x1B8E;
	s24 =	sld [smem:$0x3FFE];
	[sflag:s5] =	ssyncadd.remote.s32 @!p0 $0x1  }
0xb4: {  	s26 =	simm.s32 $execute0_lowered;
	[smem:$0x3FD2] =	sst s25  }
0xb5: {  	s6 =	sshll.u32 s26, $0x1;
	_ =	strace $0x80000049;
	[dreg:$0x1] =	wrdreg $0xFFFFFFFF  }
0xb6: {  	s28 =	simm.s32 $_size_execute0_lowered;
	s4 =	sadd.s32 s4, s6;
	[dreg:$0x0] =	wrdreg $0x0  }
0xb7: {  	s6 =	sshll.u32 s28, $0x1;
	[dreg:$0x2] =	wrdreg s4  }
0xb8: {  	[dreg:$0x3] =	wrdreg s6  }
0xb9: {  	[dreg:$0x4] =	wrdreg $0xC0  }
0xba: {  	_ =	task [dreg:s22], $0x5FFFF  }
0xbb: {  	[dreg:$0x1] =	wrdreg $0xFFFFFFFF  }
0xbc: {  	[dreg:$0x0] =	wrdreg $0x60  }
0xbd: {  	[dreg:$0x2] =	wrdreg s24  }
0xbe: {  	[dreg:$0x3] =	wrdreg s18  }
0xbf: {  	[dreg:$0x4] =	wrdreg $0xA  }
0xc0: {  	_ =	task.clear_ibuf [dreg:s22], $0x5FFFF;
	_ =	strace $0x90000049  }
0xc1: {  	s29 =	simm.s32 $0xA;
	_ =	strace $0x8000004B  }
0xc2: {  	_ =	swait.ge [sflag:s29], $0x1  }
0xc3: {  	[sflag:s29] =	ssyncadd.s32 $0xFFFFFFFF  }
0xc4: {  	_ =	strace $0x9000004B  }
0xc5: {  	_ =	sfence  }
0xc6: {  	s30 =	sld [smem:$0x0];
	_ =	sdelay $0x2  }
0xc7: {  	s31 =	sshll.u32 s1, $0xD;
	s1 =	sshrl.u32 s1, $0x2  }
0xc8: {  	s4 =	sand.u32 $0x4000, s31;
	s1 =	sadd.s32 s1, s30  }
0xc9: {  	s0 =	sor.u32 s4, s0;
	s1 =	sshll.u32 s1, $0x11  }
0xca: {  	s0 =	sor.u32 s1, s0  }
0xcb: {  	s0 =	sadd.s32 $0x8F2B, s0  }
0xcc: {  	[sflag:s0] =	ssyncadd.remote.s32 $0x1  }
0xcd: {  	_ =	sfence.sel $0xFFFF  }
0xce: {  	[dreg:$0x0] =	wrdreg $0xFFFFFFFF;
	(pc) =	sbr.abs _section_cstart, $3  }
0xcf: {  	[dreg:$0x1] =	wrdreg $0xFFFFFFFF  }
0xd0: {  	_ =	task.clear_ibuf [dreg:s22], $0x2FFFF;
	_ =	strace $0x9FFFFFFF  }
0xd1: {  	(tm) =	ssettm $0x7FFFFFFF  }
tec
execute0_lowered:
.L_overlay_start_1:
0x0: {  	(tag) =	ssettag $0x1  }
0x1: {  	s1 =	srdreg.scid;
	s2 =	stileid.u32  }
0x2: {  	s0 =	rddreg [dreg:$0x0];
	s1 =	sand.u32 $0x1, s1;
	s4 =	sshll.u32 s2, $0x1  }
0x3: {  	s9 =	rddreg [dreg:$0x1];
	s5 =	sor.u32 s1, s4  }
0x4: {  	s3 =	simm.s32 $0x0;
	s12 =	simm.s32 $0x2;
	s4 =	smul.u32 $0x280, s5  }
0x5: {  	[smem:$0x7FF] =	sst s3;
	s1 =	ssub.s32 $0x2, s1;
	s8 =	smul.u32 $0x14000, s5  }
0x6: {  	_ =	strace $0x8000004A;
	s7 =	sshrl.u32 s1, $0x1;
	s30 =	smul.u32 $0xA0000, s5  }
.Ltmp0:
0x7: {  	s28 =	ssub.s32 s1, s7;
	s6 =	sadd.s32 s4, s0;
	(pc) =	sbr.rel .LBB2_1-.Ltmp0, $4  }
0x8: {  	s4 =	sadd.s32 $0x5E00, s0;
	[dreg:$0x6] =	wrdreg s30;
	s0 =	smax.u32 s28, $0x1  }
0x9: {  	s31 =	sadd.s32 s8, s9;
	s29 =	sadd.s32 $0x11C8200, s6;
	[dreg:$0x7] =	wrdreg s0  }
0xa: {  	s14 =	simm.s32 $0x3;
	s0 =	sadd.s32 $0x1000, s31;
	[dreg:$0x5] =	wrdreg s29  }
0xb: {  	s15 =	simm.s32 $0x4;
	s1 =	simm.s32 $0x0;
	[dreg:$0x8] =	wrdreg s0  }
.LBB2_12:
0xc: {  	_ =	swait.ge [sflag:s15], $0x8000  }
0xd: {  	s1 =	rddreg [dreg:$0x9]  }
0xe: {  	s0 =	rddreg [dreg:$0x7];
	s1 =	sadd.s32 $0x1, s1  }
0xf: {  	p0 =	sne.s32 s1, s0  }
.Ltmp1:
0x10: {  	_ = 	snop;
	(pc) =	sbr.rel @!p0 .LBB2_13-.Ltmp1, $3  }
0x11: {  	_ =	sdelay $0x1  }
0x12: {  	[sflag:s15] =	ssyncset.done $0x0  }
0x13: {  	[sflag:s15] =	ssyncadd.s32 $0xFFFF8000  }
.LBB2_1:
0x14: {  	[dreg:$0x9] =	wrdreg s1  }
0x15: {  	s0 =	rddreg [dreg:$0x5];
	s31 =	simm.s32 $0x5  }
0x16: {  	[tilespmem:s3], [sflag:$0x5] =	stream.linear.gather [hbm4b:s0+s3], $0x1400, $0x38;
	[tilespmem:$0x11400] =	vst v63  }
0x17: {  	_ =	swait.ge [sflag:s31], $0x1400  }
0x18: {  	[sflag:s31] =	ssyncset.done $0x0  }
0x19: {  	[sflag:s31] =	ssyncadd.s32 $0xFFFFEC00  }
0x1a: {  	v0 =	vld [tilespmem:s3+$0x0];
	_ =	sdelay $0x4  }
0x1b: {  	v0 =	vshll.u32 v0, $0x4  }
0x1c: {  	(v2sf) =	vpush v0, $0x0  }
0x1d: {  	(v2sf) =	vpush v0, $0x1  }
0x1e: {  	(v2sf) =	vpush v0, $0x2;
	_ =	sdelay $0x1  }
0x1f: {  	(v2sf) =	vpush v0, $0x4;
	_ =	sdelay $0x1  }
0x20: {  	(v2sf) =	vpush v0, $0x3  }
0x21: {  	(v2sf) =	vpush v0, $0x5  }
0x22: {  	s19 =	simm.s32 $0x2000;
	s18 =	simm.s32 $0x0;
	s20 =	simm.s32 $0x0;
	(v2sf) =	vpush v0, $0x6  }
.LBB2_2:
0x23: {  	p0 =	sne.s32 s19, $0x1E000  }
0x24: {  	s7 =	sadd.s32 $0x1480, s18;
	s24 =	sadd.s32 $0x1980, s18;
	s21 =	smov.u32 s19  }
0x25: {  	s19 =	sadd.s32 $0x2000, s19;
	s26 =	sadd.s32 $0x1780, s18;
	s22 =	sadd.s32 $0x1A00, s18;
	(v2sf) =	vpush v0, $0x7  }
0x26: {  	s5 =	sadd.s32 $0x1680, s18;
	s1 =	sadd.s32 $0x1800, s18;
	s23 =	sadd.s32 $0x1A80, s18  }
0x27: {  	s9 =	sadd.s32 $0x1400, s18;
	s28 =	sadd.s32 $0x1600, s18;
	(v2sf) =	vpush v0, $0x8  }
0x28: {  	s17 =	simm.s32 $0x0;
	s29 =	sadd.s32 $0x1700, s18;
	s20 =	sadd.s32 $0x10, s20  }
0x29: {  	s30 =	sadd.s32 $0x1500, s18;
	s25 =	sadd.s32 $0x1900, s18;
	s0 =	spop (v2sf);
	(v2sf) =	vpush v0, $0x9  }
0x2a: {  	s31 =	sand.u32 $0x1FFFFFF0, s0;
	s0 =	sadd.s32 $0x1880, s18;
	s16 =	spop (v2sf)  }
0x2b: {  	s31 =	sadd.s32 s4, s31;
	s16 =	sand.u32 $0x1FFFFFF0, s16;
	s2 =	spop (v2sf);
	(v2sf) =	vpush v0, $0xA  }
0x2c: {  	[tilespmem:s9], [sflag:$0x1] =	stream.linear.gather [hbm4b:s31+s17], $0x80, $0x38;
	[tilespmem:$0x11400] =	vst v63  }
0x2d: {  	s9 =	sadd.s32 s4, s16;
	s16 =	sadd.s32 $0x1580, s18;
	s31 =	spop (v2sf);
	(v2sf) =	vpush v0, $0xB  }
0x2e: {  	[tilespmem:s7], [sflag:$0x1] =	stream.linear.gather [hbm4b:s9+s17], $0x80, $0x38;
	[tilespmem:$0x11400] =	vst v63  }
0x2f: {  	s2 =	sand.u32 $0x1FFFFFF0, s2;
	s7 =	sand.u32 $0x1FFFFFF0, s31;
	s9 =	spop (v2sf);
	(v2sf) =	vpush v0, $0xC  }
0x30: {  	s2 =	sadd.s32 s4, s2;
	s9 =	sand.u32 $0x1FFFFFF0, s9;
	s31 =	spop (v2sf)  }
0x31: {  	[tilespmem:s30], [sflag:$0x1] =	stream.linear.gather [hbm4b:s2+s17], $0x80, $0x38;
	(v2sf) =	vpush v0, $0xD;
	[tilespmem:$0x11400] =	vst v63  }
0x32: {  	s2 =	sadd.s32 s4, s9;
	s9 =	sand.u32 $0x1FFFFFF0, s31;
	s30 =	spop (v2sf)  }
0x33: {  	[tilespmem:s16], [sflag:$0x1] =	stream.linear.gather [hbm4b:s2+s17], $0x80, $0x38;
	(v2sf) =	vpush v0, $0xE;
	[tilespmem:$0x11400] =	vst v63  }
0x34: {  	s2 =	sadd.s32 s4, s7;
	s7 =	sand.u32 $0x1FFFFFF0, s30;
	s16 =	spop (v2sf)  }
0x35: {  	[tilespmem:s28], [sflag:$0x1] =	stream.linear.gather [hbm4b:s2+s17], $0x80, $0x38;
	(v2sf) =	vpush v0, $0xF;
	[tilespmem:$0x11400] =	vst v63  }
0x36: {  	s2 =	sadd.s32 s4, s9;
	s9 =	sand.u32 $0x1FFFFFF0, s16;
	s16 =	spop (v2sf)  }
0x37: {  	[tilespmem:s5], [sflag:$0x1] =	stream.linear.gather [hbm4b:s2+s17], $0x80, $0x38;
	[tilespmem:$0x11400] =	vst v63  }
0x38: {  	s2 =	sadd.s32 s4, s7;
	s5 =	sand.u32 $0x1FFFFFF0, s16;
	s7 =	spop (v2sf)  }
0x39: {  	[tilespmem:s29], [sflag:$0x1] =	stream.linear.gather [hbm4b:s2+s17], $0x80, $0x38;
	[tilespmem:$0x11400] =	vst v63  }
0x3a: {  	s2 =	sadd.s32 s4, s9;
	s7 =	sand.u32 $0x1FFFFFF0, s7;
	s9 =	spop (v2sf)  }
0x3b: {  	[tilespmem:s26], [sflag:$0x1] =	stream.linear.gather [hbm4b:s2+s17], $0x80, $0x38;
	[tilespmem:$0x11400] =	vst v63  }
0x3c: {  	s2 =	sadd.s32 s4, s5;
	s5 =	sand.u32 $0x1FFFFFF0, s9;
	s9 =	spop (v2sf)  }
0x3d: {  	[tilespmem:s1], [sflag:$0x1] =	stream.linear.gather [hbm4b:s2+s17], $0x80, $0x38;
	[tilespmem:$0x11400] =	vst v63  }
0x3e: {  	s1 =	sadd.s32 s4, s7;
	s2 =	sand.u32 $0x1FFFFFF0, s9;
	s7 =	spop (v2sf)  }
0x3f: {  	[tilespmem:s0], [sflag:$0x1] =	stream.linear.gather [hbm4b:s1+s17], $0x80, $0x38;
	[tilespmem:$0x11400] =	vst v63  }
0x40: {  	s0 =	sadd.s32 s4, s5;
	s1 =	sand.u32 $0x1FFFFFF0, s7;
	s5 =	spop (v2sf)  }
0x41: {  	[tilespmem:s25], [sflag:$0x1] =	stream.linear.gather [hbm4b:s0+s17], $0x80, $0x38;
	[tilespmem:$0x11400] =	vst v63  }
0x42: {  	s0 =	sadd.s32 s4, s2;
	s2 =	sand.u32 $0x1FFFFFF0, s5;
	s5 =	spop (v2sf)  }
0x43: {  	[tilespmem:s24], [sflag:$0x1] =	stream.linear.gather [hbm4b:s0+s17], $0x80, $0x38;
	[tilespmem:$0x11400] =	vst v63  }
0x44: {  	s0 =	sadd.s32 s4, s1;
	s1 =	sand.u32 $0x1FFFFFF0, s5;
	s5 =	spop (v2sf)  }
0x45: {  	[tilespmem:s22], [sflag:$0x1] =	stream.linear.gather [hbm4b:s0+s17], $0x80, $0x38;
	[tilespmem:$0x11400] =	vst v63  }
0x46: {  	s0 =	sadd.s32 s4, s2;
	s2 =	sand.u32 $0x1FFFFFF0, s5  }
0x47: {  	[tilespmem:s23], [sflag:$0x1] =	stream.linear.gather [hbm4b:s0+s17], $0x80, $0x38;
	[tilespmem:$0x11400] =	vst v63  }
0x48: {  	s1 =	sadd.s32 s4, s1;
	s0 =	sadd.s32 $0x1B00, s18  }
0x49: {  	[tilespmem:s0], [sflag:$0x1] =	stream.linear.gather [hbm4b:s1+s17], $0x80, $0x38;
	[tilespmem:$0x11400] =	vst v63  }
0x4a: {  	s0 =	sadd.s32 $0x1B80, s18;
	s1 =	sadd.s32 s4, s2  }
0x4b: {  	[tilespmem:s0], [sflag:$0x1] =	stream.linear.gather [hbm4b:s1+s17], $0x80, $0x38;
	[tilespmem:$0x11400] =	vst v63  }
0x4c: {  	v0 =	vld [tilespmem:s20+$0x0];
	_ =	sdelay $0x4  }
0x4d: {  	v0 =	vshll.u32 v0, $0x4  }
0x4e: {  	(v2sf) =	vpush v0, $0x0  }
0x4f: {  	(v2sf) =	vpush v0, $0x1  }
0x50: {  	(v2sf) =	vpush v0, $0x2;
	_ =	sdelay $0x1  }
0x51: {  	(v2sf) =	vpush v0, $0x4  }
.Ltmp2:
0x52: {  	(pc) =	sbr.rel @p0 .LBB2_2-.Ltmp2, $3  }
0x53: {  	(v2sf) =	vpush v0, $0x3  }
0x54: {  	(v2sf) =	vpush v0, $0x5;
	_ =	sdelay $0x1  }
0x55: {  	s18 =	sshra.s32 s21, $0x2;
	(v2sf) =	vpush v0, $0x6  }
0x56: {  	_ =	sdelay $0x1  }
0x57: {  	s2 =	sadd.s32 $0x1480, s18;
	s5 =	sadd.s32 $0x1980, s18  }
0x58: {  	s7 =	sadd.s32 $0x1780, s18;
	s0 =	sadd.s32 $0x1A00, s18;
	(v2sf) =	vpush v0, $0x7;
	s9 =	sadd.s32 $0x1680, s18  }
0x59: {  	s16 =	sadd.s32 $0x1800, s18;
	s1 =	sadd.s32 $0x1A80, s18;
	s19 =	sadd.s32 $0x1400, s18  }
0x5a: {  	s20 =	sadd.s32 $0x1600, s18;
	s21 =	sadd.s32 $0x1700, s18;
	(v2sf) =	vpush v0, $0x8;
	s22 =	spop (v2sf)  }
0x5b: {  	s23 =	sadd.s32 $0x1500, s18;
	s22 =	sand.u32 $0x1FFFFFF0, s22;
	s24 =	spop (v2sf)  }
0x5c: {  	(v2sf) =	vpush v0, $0x9;
	s22 =	sadd.s32 s4, s22;
	s24 =	sand.u32 $0x1FFFFFF0, s24;
	s25 =	spop (v2sf)  }
0x5d: {  	[tilespmem:s19], [sflag:$0x1] =	stream.linear.gather [hbm4b:s22+s17], $0x80, $0x38;
	[tilespmem:$0x11400] =	vst v63  }
0x5e: {  	s26 =	sadd.s32 $0x1580, s18;
	(v2sf) =	vpush v0, $0xA;
	s31 =	sadd.s32 s4, s24;
	s6 =	spop (v2sf)  }
0x5f: {  	[tilespmem:s2], [sflag:$0x1] =	stream.linear.gather [hbm4b:s31+s17], $0x80, $0x38;
	[tilespmem:$0x11400] =	vst v63  }
0x60: {  	s19 =	sadd.s32 $0x1900, s18;
	s8 =	sand.u32 $0x1FFFFFF0, s25;
	(v2sf) =	vpush v0, $0xB;
	s10 =	spop (v2sf)  }
0x61: {  	s22 =	sadd.s32 s4, s8;
	s2 =	sadd.s32 $0x1880, s18;
	s25 =	sand.u32 $0x1FFFFFF0, s10  }
0x62: {  	(v2sf) =	vpush v0, $0xC;
	[tilespmem:s23], [sflag:$0x1] =	stream.linear.gather [hbm4b:s22+s17], $0x80, $0x38;
	[tilespmem:$0x11400] =	vst v63  }
0x63: {  	s11 =	sand.u32 $0x1FFFFFF0, s6;
	s13 =	spop (v2sf);
	s25 =	sadd.s32 s4, s25  }
0x64: {  	(v2sf) =	vpush v0, $0xD;
	[tilespmem:s26], [sflag:$0x1] =	stream.linear.gather [hbm4b:s25+s17], $0x80, $0x38;
	[tilespmem:$0x11400] =	vst v63  }
0x65: {  	s22 =	sadd.s32 s4, s11;
	s23 =	sand.u32 $0x1FFFFFF0, s13;
	s26 =	spop (v2sf)  }
0x66: {  	(v2sf) =	vpush v0, $0xE;
	[tilespmem:s20], [sflag:$0x1] =	stream.linear.gather [hbm4b:s22+s17], $0x80, $0x38;
	[tilespmem:$0x11400] =	vst v63  }
0x67: {  	s23 =	sadd.s32 s4, s23;
	s28 =	sand.u32 $0x1FFFFFF0, s26;
	s29 =	spop (v2sf)  }
0x68: {  	(v2sf) =	vpush v0, $0xF;
	[tilespmem:s9], [sflag:$0x1] =	stream.linear.gather [hbm4b:s23+s17], $0x80, $0x38;
	[tilespmem:$0x11400] =	vst v63  }
0x69: {  	s30 =	sand.u32 $0x1FFFFFF0, s29;
	s31 =	spop (v2sf);
	s20 =	sadd.s32 s4, s28  }
0x6a: {  	[tilespmem:s21], [sflag:$0x1] =	stream.linear.gather [hbm4b:s20+s17], $0x80, $0x38;
	[tilespmem:$0x11400] =	vst v63  }
0x6b: {  	s6 =	sand.u32 $0x1FFFFFF0, s31;
	s9 =	sadd.s32 s4, s30;
	s8 =	spop (v2sf)  }
0x6c: {  	[tilespmem:s7], [sflag:$0x1] =	stream.linear.gather [hbm4b:s9+s17], $0x80, $0x38;
	[tilespmem:$0x11400] =	vst v63  }
0x6d: {  	s20 =	sadd.s32 s4, s6;
	s10 =	sand.u32 $0x1FFFFFF0, s8;
	s11 =	spop (v2sf)  }
0x6e: {  	[tilespmem:s16], [sflag:$0x1] =	stream.linear.gather [hbm4b:s20+s17], $0x80, $0x38;
	[tilespmem:$0x11400] =	vst v63  }
0x6f: {  	s9 =	sand.u32 $0x1FFFFFF0, s11;
	s7 =	sadd.s32 s4, s10;
	s13 =	spop (v2sf)  }
0x70: {  	[tilespmem:s2], [sflag:$0x1] =	stream.linear.gather [hbm4b:s7+s17], $0x80, $0x38;
	[tilespmem:$0x11400] =	vst v63  }
0x71: {  	s9 =	sadd.s32 s4, s9;
	s20 =	sand.u32 $0x1FFFFFF0, s13;
	s21 =	spop (v2sf)  }
0x72: {  	[tilespmem:s19], [sflag:$0x1] =	stream.linear.gather [hbm4b:s9+s17], $0x80, $0x38;
	[tilespmem:$0x11400] =	vst v63  }
0x73: {  	s2 =	sadd.s32 s4, s20;
	s7 =	sand.u32 $0x1FFFFFF0, s21;
	s22 =	spop (v2sf)  }
0x74: {  	[tilespmem:s5], [sflag:$0x1] =	stream.linear.gather [hbm4b:s2+s17], $0x80, $0x38;
	[tilespmem:$0x11400] =	vst v63  }
0x75: {  	s23 =	sand.u32 $0x1FFFFFF0, s22;
	s7 =	sadd.s32 s4, s7;
	s24 =	spop (v2sf)  }
0x76: {  	[tilespmem:s0], [sflag:$0x1] =	stream.linear.gather [hbm4b:s7+s17], $0x80, $0x38;
	[tilespmem:$0x11400] =	vst v63  }
0x77: {  	s25 =	sand.u32 $0x1FFFFFF0, s24;
	s26 =	spop (v2sf);
	s2 =	sadd.s32 s4, s23  }
0x78: {  	[tilespmem:s1], [sflag:$0x1] =	stream.linear.gather [hbm4b:s2+s17], $0x80, $0x38;
	[tilespmem:$0x11400] =	vst v63  }
0x79: {  	s29 =	sadd.s32 $0x1B00, s18;
	s28 =	sand.u32 $0x1FFFFFF0, s26;
	s0 =	sadd.s32 s4, s25  }
0x7a: {  	[tilespmem:s29], [sflag:$0x1] =	stream.linear.gather [hbm4b:s0+s17], $0x80, $0x38;
	[tilespmem:$0x11400] =	vst v63  }
0x7b: {  	s31 =	sand.u32 $0xF0, s17;
	s30 =	sadd.s32 $0x1B80, s18;
	s1 =	sadd.s32 s4, s28  }
0x7c: {  	[tilespmem:s30], [sflag:$0x1] =	stream.linear.gather [hbm4b:s1+s17], $0x80, $0x38;
	[tilespmem:$0x11400] =	vst v63  }
0x7d: {  	v0 =	vld [tilespmem:s31+$0x100];
	_ =	sdelay $0x4  }
0x7e: {  	v0 =	vshll.u32 v0, $0x4  }
0x7f: {  	(v2sf) =	vpush v0, $0x0  }
0x80: {  	(v2sf) =	vpush v0, $0x2  }
0x81: {  	(v2sf) =	vpush v0, $0x1;
	_ =	sdelay $0x1  }
0x82: {  	(v2sf) =	vpush v0, $0x3  }
0x83: {  	(v2sf) =	vpush v0, $0x4;
	_ =	sdelay $0x2  }
0x84: {  	s18 =	simm.s32 $0x2000;
	s20 =	simm.s32 $0x10;
	s19 =	simm.s32 $0x0  }
.LBB2_4:
0x85: {  	p0 =	sne.s32 s18, $0x1E000;
	(v2sf) =	vpush v0, $0x5;
	s0 =	smov.u32 s18;
	s18 =	sadd.s32 $0x2000, s18  }
0x86: {  	s21 =	sshra.s32 s19, $0x2;
	s19 =	smov.u32 s0  }
0x87: {  	s2 =	sadd.s32 $0x9480, s21;
	(v2sf) =	vpush v0, $0x6  }
0x88: {  	s7 =	sadd.s32 $0x9400, s21  }
0x89: {  	s24 =	sadd.s32 $0x9980, s21;
	s23 =	sadd.s32 $0x9A00, s21;
	s22 =	sadd.s32 $0x9A80, s21;
	(v2sf) =	vpush v0, $0x7  }
0x8a: {  	s0 =	sadd.s32 $0x9800, s21;
	s1 =	sadd.s32 $0x9880, s21;
	s25 =	sadd.s32 $0x9900, s21  }
0x8b: {  	s9 =	sadd.s32 $0x9700, s21;
	s5 =	sadd.s32 $0x9780, s21;
	s16 =	spop (v2sf);
	(v2sf) =	vpush v0, $0x8  }
0x8c: {  	s26 =	sadd.s32 $0x9500, s21;
	s16 =	sand.u32 $0x1FFFFFF0, s16;
	s28 =	spop (v2sf)  }
0x8d: {  	s29 =	sadd.s32 $0x9680, s21;
	s16 =	sadd.s32 s4, s16;
	s30 =	spop (v2sf);
	(v2sf) =	vpush v0, $0x9  }
0x8e: {  	[tilespmem:s7], [sflag:$0x2] =	stream.linear.gather [hbm4b:s16+s17], $0x80, $0x38;
	[tilespmem:$0x11400] =	vst v63  }
0x8f: {  	s7 =	sand.u32 $0x1FFFFFF0, s30;
	s16 =	sand.u32 $0x1FFFFFF0, s28;
	s28 =	spop (v2sf);
	(v2sf) =	vpush v0, $0xA  }
0x90: {  	s30 =	sadd.s32 $0x9600, s21;
	s7 =	sadd.s32 s4, s7;
	s31 =	spop (v2sf)  }
0x91: {  	[tilespmem:s2], [sflag:$0x2] =	stream.linear.gather [hbm4b:s7+s17], $0x80, $0x38;
	(v2sf) =	vpush v0, $0xB;
	[tilespmem:$0x11400] =	vst v63  }
0x92: {  	s2 =	sadd.s32 s4, s16;
	s7 =	sand.u32 $0x1FFFFFF0, s28;
	s16 =	sand.u32 $0x1FFFFFF0, s31  }
0x93: {  	[tilespmem:s26], [sflag:$0x2] =	stream.linear.gather [hbm4b:s2+s17], $0x80, $0x38;
	(v2sf) =	vpush v0, $0xC;
	[tilespmem:$0x11400] =	vst v63  }
0x94: {  	s7 =	sadd.s32 s4, s7;
	s2 =	sadd.s32 $0x9580, s21;
	s26 =	spop (v2sf)  }
0x95: {  	[tilespmem:s2], [sflag:$0x2] =	stream.linear.gather [hbm4b:s7+s17], $0x80, $0x38;
	(v2sf) =	vpush v0, $0xD;
	[tilespmem:$0x11400] =	vst v63  }
0x96: {  	s2 =	sadd.s32 s4, s16;
	s7 =	sand.u32 $0x1FFFFFF0, s26;
	s16 =	spop (v2sf)  }
0x97: {  	[tilespmem:s30], [sflag:$0x2] =	stream.linear.gather [hbm4b:s2+s17], $0x80, $0x38;
	(v2sf) =	vpush v0, $0xE;
	[tilespmem:$0x11400] =	vst v63  }
0x98: {  	s2 =	sadd.s32 s4, s7;
	s7 =	sand.u32 $0x1FFFFFF0, s16;
	s16 =	spop (v2sf)  }
0x99: {  	[tilespmem:s29], [sflag:$0x2] =	stream.linear.gather [hbm4b:s2+s17], $0x80, $0x38;
	(v2sf) =	vpush v0, $0xF;
	[tilespmem:$0x11400] =	vst v63  }
0x9a: {  	s2 =	sadd.s32 s4, s7;
	s7 =	sand.u32 $0x1FFFFFF0, s16;
	s16 =	spop (v2sf)  }
0x9b: {  	[tilespmem:s9], [sflag:$0x2] =	stream.linear.gather [hbm4b:s2+s17], $0x80, $0x38;
	[tilespmem:$0x11400] =	vst v63  }
0x9c: {  	s2 =	sadd.s32 s4, s7;
	s7 =	sand.u32 $0x1FFFFFF0, s16;
	s9 =	spop (v2sf)  }
0x9d: {  	[tilespmem:s5], [sflag:$0x2] =	stream.linear.gather [hbm4b:s2+s17], $0x80, $0x38;
	[tilespmem:$0x11400] =	vst v63  }
0x9e: {  	s2 =	sadd.s32 s4, s7;
	s5 =	sand.u32 $0x1FFFFFF0, s9;
	s7 =	spop (v2sf)  }
0x9f: {  	[tilespmem:s0], [sflag:$0x2] =	stream.linear.gather [hbm4b:s2+s17], $0x80, $0x38;
	[tilespmem:$0x11400] =	vst v63  }
0xa0: {  	s0 =	sadd.s32 s4, s5;
	s2 =	sand.u32 $0x1FFFFFF0, s7;
	s5 =	spop (v2sf)  }
0xa1: {  	[tilespmem:s1], [sflag:$0x2] =	stream.linear.gather [hbm4b:s0+s17], $0x80, $0x38;
	[tilespmem:$0x11400] =	vst v63  }
0xa2: {  	s0 =	sadd.s32 s4, s2;
	s1 =	sand.u32 $0x1FFFFFF0, s5;
	s2 =	spop (v2sf)  }
0xa3: {  	[tilespmem:s25], [sflag:$0x2] =	stream.linear.gather [hbm4b:s0+s17], $0x80, $0x38;
	[tilespmem:$0x11400] =	vst v63  }
0xa4: {  	s0 =	sadd.s32 s4, s1;
	s1 =	sand.u32 $0x1FFFFFF0, s2;
	s2 =	spop (v2sf)  }
0xa5: {  	[tilespmem:s24], [sflag:$0x2] =	stream.linear.gather [hbm4b:s0+s17], $0x80, $0x38;
	[tilespmem:$0x11400] =	vst v63  }
0xa6: {  	s0 =	sadd.s32 s4, s1;
	s1 =	sand.u32 $0x1FFFFFF0, s2;
	s2 =	spop (v2sf)  }
0xa7: {  	[tilespmem:s23], [sflag:$0x2] =	stream.linear.gather [hbm4b:s0+s17], $0x80, $0x38;
	[tilespmem:$0x11400] =	vst v63  }
0xa8: {  	s0 =	sadd.s32 s4, s1;
	s1 =	sand.u32 $0x1FFFFFF0, s2;
	s2 =	spop (v2sf)  }
0xa9: {  	[tilespmem:s22], [sflag:$0x2] =	stream.linear.gather [hbm4b:s0+s17], $0x80, $0x38;
	[tilespmem:$0x11400] =	vst v63  }
0xaa: {  	s1 =	sadd.s32 s4, s1;
	s0 =	sadd.s32 $0x9B00, s21;
	s2 =	sand.u32 $0x1FFFFFF0, s2  }
0xab: {  	[tilespmem:s0], [sflag:$0x2] =	stream.linear.gather [hbm4b:s1+s17], $0x80, $0x38;
	[tilespmem:$0x11400] =	vst v63  }
0xac: {  	s2 =	sadd.s32 s4, s2;
	s0 =	sand.u32 $0xF0, s20;
	s1 =	sadd.s32 $0x9B80, s21  }
0xad: {  	[tilespmem:s1], [sflag:$0x2] =	stream.linear.gather [hbm4b:s2+s17], $0x80, $0x38;
	[tilespmem:$0x11400] =	vst v63  }
0xae: {  	v0 =	vld [tilespmem:s0+$0x100];
	_ =	sdelay $0x4  }
0xaf: {  	v0 =	vshll.u32 v0, $0x4  }
0xb0: {  	(v2sf) =	vpush v0, $0x0  }
0xb1: {  	(v2sf) =	vpush v0, $0x2  }
0xb2: {  	(v2sf) =	vpush v0, $0x1;
	_ =	sdelay $0x1  }
.Ltmp3:
0xb3: {  	(v2sf) =	vpush v0, $0x3;
	(pc) =	sbr.rel @p0 .LBB2_4-.Ltmp3, $2  }
0xb4: {  	(v2sf) =	vpush v0, $0x4;
	_ =	sdelay $0x2  }
0xb5: {  	s20 =	sadd.s32 $0x10, s20  }
0xb6: {  	(v2sf) =	vpush v0, $0x5;
	_ =	sdelay $0x1  }
0xb7: {  	s18 =	sshra.s32 s19, $0x2;
	(v2sf) =	vpush v0, $0x6  }
0xb8: {  	s2 =	sadd.s32 $0x9480, s18;
	s7 =	sadd.s32 $0x9400, s18  }
0xb9: {  	s5 =	sadd.s32 $0x9980, s18;
	s1 =	sadd.s32 $0x9A00, s18;
	s0 =	sadd.s32 $0x9A80, s18;
	(v2sf) =	vpush v0, $0x7  }
0xba: {  	s9 =	sadd.s32 $0x9800, s18;
	s16 =	sadd.s32 $0x9880, s18;
	s19 =	sadd.s32 $0x9900, s18  }
0xbb: {  	s20 =	sadd.s32 $0x9700, s18;
	s21 =	sadd.s32 $0x9780, s18;
	s22 =	spop (v2sf);
	(v2sf) =	vpush v0, $0x8  }
0xbc: {  	s23 =	sadd.s32 $0x9500, s18;
	s22 =	sand.u32 $0x1FFFFFF0, s22;
	s24 =	spop (v2sf)  }
0xbd: {  	s25 =	sadd.s32 $0x9680, s18;
	s22 =	sadd.s32 s4, s22;
	s26 =	spop (v2sf);
	(v2sf) =	vpush v0, $0x9  }
0xbe: {  	[tilespmem:s7], [sflag:$0x2] =	stream.linear.gather [hbm4b:s22+s17], $0x80, $0x38;
	[tilespmem:$0x11400] =	vst v63  }
0xbf: {  	s8 =	sadd.s32 $0x9600, s18;
	s30 =	sand.u32 $0x1FFFFFF0, s26;
	s6 =	spop (v2sf);
	(v2sf) =	vpush v0, $0xA  }
0xc0: {  	s31 =	sand.u32 $0x1FFFFFF0, s24;
	s7 =	sadd.s32 s4, s30;
	s28 =	spop (v2sf)  }
0xc1: {  	[tilespmem:s2], [sflag:$0x2] =	stream.linear.gather [hbm4b:s7+s17], $0x80, $0x38;
	(v2sf) =	vpush v0, $0xB;
	[tilespmem:$0x11400] =	vst v63  }
0xc2: {  	s10 =	sadd.s32 s4, s31;
	s11 =	sand.u32 $0x1FFFFFF0, s6;
	s13 =	sand.u32 $0x1FFFFFF0, s28  }
0xc3: {  	(v2sf) =	vpush v0, $0xC;
	[tilespmem:s23], [sflag:$0x2] =	stream.linear.gather [hbm4b:s10+s17], $0x80, $0x38;
	[tilespmem:$0x11400] =	vst v63  }
0xc4: {  	s7 =	sadd.s32 s4, s11;
	s23 =	sadd.s32 $0x9580, s18;
	s24 =	spop (v2sf)  }
0xc5: {  	[tilespmem:s23], [sflag:$0x2] =	stream.linear.gather [hbm4b:s7+s17], $0x80, $0x38;
	(v2sf) =	vpush v0, $0xD;
	[tilespmem:$0x11400] =	vst v63  }
0xc6: {  	s28 =	sadd.s32 s4, s13;
	s29 =	sand.u32 $0x1FFFFFF0, s24;
	s30 =	spop (v2sf)  }
0xc7: {  	(v2sf) =	vpush v0, $0xE;
	[tilespmem:s8], [sflag:$0x2] =	stream.linear.gather [hbm4b:s28+s17], $0x80, $0x38;
	[tilespmem:$0x11400] =	vst v63  }
0xc8: {  	s31 =	sadd.s32 s4, s29;
	s6 =	sand.u32 $0x1FFFFFF0, s30;
	s8 =	spop (v2sf)  }
0xc9: {  	(v2sf) =	vpush v0, $0xF;
	[tilespmem:s25], [sflag:$0x2] =	stream.linear.gather [hbm4b:s31+s17], $0x80, $0x38;
	[tilespmem:$0x11400] =	vst v63  }
0xca: {  	s10 =	sadd.s32 s4, s6;
	s11 =	sand.u32 $0x1FFFFFF0, s8;
	s13 =	spop (v2sf)  }
0xcb: {  	[tilespmem:s20], [sflag:$0x2] =	stream.linear.gather [hbm4b:s10+s17], $0x80, $0x38;
	[tilespmem:$0x11400] =	vst v63  }
0xcc: {  	s23 =	sadd.s32 s4, s11;
	s24 =	sand.u32 $0x1FFFFFF0, s13;
	s25 =	spop (v2sf)  }
0xcd: {  	[tilespmem:s21], [sflag:$0x2] =	stream.linear.gather [hbm4b:s23+s17], $0x80, $0x38;
	[tilespmem:$0x11400] =	vst v63  }
0xce: {  	s26 =	sadd.s32 s4, s24;
	s28 =	sand.u32 $0x1FFFFFF0, s25;
	s29 =	spop (v2sf)  }
0xcf: {  	[tilespmem:s9], [sflag:$0x2] =	stream.linear.gather [hbm4b:s26+s17], $0x80, $0x38;
	[tilespmem:$0x11400] =	vst v63  }
0xd0: {  	s30 =	sadd.s32 s4, s28;
	s31 =	sand.u32 $0x1FFFFFF0, s29;
	s6 =	spop (v2sf)  }
0xd1: {  	[tilespmem:s16], [sflag:$0x2] =	stream.linear.gather [hbm4b:s30+s17], $0x80, $0x38;
	[tilespmem:$0x11400] =	vst v63  }
0xd2: {  	s8 =	sadd.s32 s4, s31;
	s10 =	sand.u32 $0x1FFFFFF0, s6;
	s11 =	spop (v2sf)  }
0xd3: {  	[tilespmem:s19], [sflag:$0x2] =	stream.linear.gather [hbm4b:s8+s17], $0x80, $0x38;
	[tilespmem:$0x11400] =	vst v63  }
0xd4: {  	s13 =	sadd.s32 s4, s10;
	s16 =	sand.u32 $0x1FFFFFF0, s11;
	s19 =	spop (v2sf)  }
0xd5: {  	[tilespmem:s5], [sflag:$0x2] =	stream.linear.gather [hbm4b:s13+s17], $0x80, $0x38;
	[tilespmem:$0x11400] =	vst v63  }
0xd6: {  	s20 =	sadd.s32 s4, s16;
	s21 =	sand.u32 $0x1FFFFFF0, s19;
	s22 =	spop (v2sf)  }
0xd7: {  	[tilespmem:s1], [sflag:$0x2] =	stream.linear.gather [hbm4b:s20+s17], $0x80, $0x38;
	[tilespmem:$0x11400] =	vst v63  }
0xd8: {  	s23 =	sadd.s32 s4, s21;
	s24 =	sand.u32 $0x1FFFFFF0, s22;
	s25 =	spop (v2sf)  }
0xd9: {  	[tilespmem:s0], [sflag:$0x2] =	stream.linear.gather [hbm4b:s23+s17], $0x80, $0x38;
	[tilespmem:$0x11400] =	vst v63  }
0xda: {  	s26 =	sadd.s32 $0x9B00, s18;
	s28 =	sadd.s32 s4, s24;
	s29 =	sand.u32 $0x1FFFFFF0, s25  }
0xdb: {  	[tilespmem:s26], [sflag:$0x2] =	stream.linear.gather [hbm4b:s28+s17], $0x80, $0x38;
	[tilespmem:$0x11400] =	vst v63  }
0xdc: {  	s30 =	sadd.s32 $0x9B80, s18;
	s31 =	sadd.s32 s4, s29  }
0xdd: {  	[tilespmem:s30], [sflag:$0x2] =	stream.linear.gather [hbm4b:s31+s17], $0x80, $0x38;
	[tilespmem:$0x11400] =	vst v63  }
.LBB2_6:
0xde: {  	s2 =	simm.s32 $0x1  }
0xdf: {  	_ =	swait.ge [sflag:s2], $0x8000  }
0xe0: {  	s0 =	sshll.u32 s17, $0x10;
	s1 =	rddreg [dreg:$0x6];
	[sflag:s2] =	ssyncset.done $0x0  }
0xe1: {  	s0 =	sadd.s32 s1, s0;
	[sflag:s2] =	ssyncadd.s32 $0xFFFF8000  }
0xe2: {  	s0 =	sshrl.u32 s0, $0x3;
	s26 =	rddreg [dreg:$0x1]  }
0xe3: {  	s28 =	simm.s32 $0x1400;
	s0 =	sadd.s32 s26, s0  }
0xe4: {  	[hbm4b:s0+s3] =	stream.linear.scatter [tilespmem:s28], [sflag:$0x3], $0x8000, $0x38;
	[tilespmem:$0x11400] =	vst v63  }
0xe5: {  	s29 =	sshll.u32 s17, $0xD;
	s31 =	simm.s32 $0x9400;
	_ =	swait.ge [sflag:s12], $0x8000  }
0xe6: {  	p0 =	seq.s32 s17, $0x9;
	[sflag:s12] =	ssyncset.done $0x0;
	s30 =	rddreg [dreg:$0x8]  }
.Ltmp4:
0xe7: {  	[sflag:s12] =	ssyncadd.s32 $0xFFFF8000;
	s0 =	sadd.s32 s30, s29;
	(pc) =	sbr.rel @p0 .LBB2_12-.Ltmp4, $4  }
0xe8: {  	[hbm4b:s0+s3] =	stream.linear.scatter [tilespmem:s31], [sflag:$0x4], $0x8000, $0x38;
	[tilespmem:$0x11400] =	vst v63  }
0xe9: {  	_ =	swait.ge [sflag:s14], $0x8000  }
0xea: {  	[sflag:s14] =	ssyncset.done $0x0  }
0xeb: {  	[sflag:s14] =	ssyncadd.s32 $0xFFFF8000  }
0xec: {  	s0 =	sshll.u32 s17, $0x9  }
0xed: {  	s18 =	sand.u32 $0x3FFFFE00, s0  }
0xee: {  	s0 =	sadd.s32 $0x200, s18  }
0xef: {  	s1 =	simm.s32 $0x0;
	[dreg:$0x3] =	wrdreg s0  }
0xf0: {  	s2 =	sand.u32 $0x80, s1;
	s0 =	rddreg [dreg:$0x3]  }
0xf1: {  	s1 =	sand.u32 $0x70, s1;
	s0 =	sadd.s32 s2, s0  }
0xf2: {  	s0 =	sadd.s32 s1, s0  }
0xf3: {  	v0 =	vld [tilespmem:s0+$0x0];
	_ =	sdelay $0x4  }
0xf4: {  	v0 =	vshll.u32 v0, $0x4  }
0xf5: {  	(v2sf) =	vpush v0, $0x0  }
0xf6: {  	(v2sf) =	vpush v0, $0x1  }
0xf7: {  	(v2sf) =	vpush v0, $0x2;
	_ =	sdelay $0x2  }
0xf8: {  	(v2sf) =	vpush v0, $0x3  }
0xf9: {  	(v2sf) =	vpush v0, $0x4;
	_ =	sdelay $0x1  }
0xfa: {  	(v2sf) =	vpush v0, $0x5;
	_ =	sdelay $0x3  }
0xfb: {  	s19 =	simm.s32 $0x2000;
	s21 =	simm.s32 $0x4000;
	s20 =	simm.s32 $0x10;
	(v2sf) =	vpush v0, $0x6  }
0xfc: {  	s22 =	simm.s32 $0x0;
	s5 =	simm.s32 $0x1880;
	s9 =	simm.s32 $0x1400  }
0xfd: {  	s24 =	simm.s32 $0x1480;
	s26 =	simm.s32 $0x1500;
	s31 =	simm.s32 $0x1580;
	(v2sf) =	vpush v0, $0x7  }
0xfe: {  	s28 =	simm.s32 $0x1980;
	s29 =	simm.s32 $0x1A00;
	s7 =	spop (v2sf)  }
0xff: {  	s2 =	simm.s32 $0x1600;
	s7 =	sand.u32 $0x1FFFFFF0, s7;
	s16 =	spop (v2sf)  }
0x100: {  	s1 =	rddreg [dreg:$0x3];
	s23 =	spop (v2sf);
	s7 =	sadd.s32 s4, s7  }
0x101: {  	(v2sf) =	vpush v0, $0x8;
	[tilespmem:s9], [sflag:$0x1] =	stream.linear.gather [hbm4b:s7+s3], $0x80, $0x38;
	[tilespmem:$0x11400] =	vst v63  }
0x102: {  	s0 =	sand.u32 $0x80, s20;
	(v2sf) =	vpush v0, $0x9;
	s16 =	sand.u32 $0x1FFFFFF0, s16;
	s25 =	sand.u32 $0x1FFFFFF0, s23  }
0x103: {  	s16 =	sadd.s32 s4, s16;
	s30 =	spop (v2sf);
	s9 =	sadd.s32 s4, s25  }
0x104: {  	(v2sf) =	vpush v0, $0xA;
	s6 =	sand.u32 $0x1FFFFFF0, s30;
	s8 =	spop (v2sf);
	s25 =	simm.s32 $0x1900  }
0x105: {  	[tilespmem:s24], [sflag:$0x1] =	stream.linear.gather [hbm4b:s16+s3], $0x80, $0x38;
	[tilespmem:$0x11400] =	vst v63  }
0x106: {  	(v2sf) =	vpush v0, $0xB;
	s16 =	sand.u32 $0x1FFFFFF0, s8;
	s10 =	spop (v2sf);
	s24 =	simm.s32 $0x1700  }
0x107: {  	[tilespmem:s26], [sflag:$0x1] =	stream.linear.gather [hbm4b:s9+s3], $0x80, $0x38;
	[tilespmem:$0x11400] =	vst v63  }
0x108: {  	s11 =	sand.u32 $0x1FFFFFF0, s10;
	s13 =	sadd.s32 s4, s16;
	s9 =	sadd.s32 s4, s6  }
0x109: {  	[tilespmem:s31], [sflag:$0x1] =	stream.linear.gather [hbm4b:s9+s3], $0x80, $0x38;
	[tilespmem:$0x11400] =	vst v63  }
0x10a: {  	s16 =	simm.s32 $0x1680;
	s23 =	spop (v2sf);
	s7 =	sadd.s32 s4, s11  }
0x10b: {  	[tilespmem:s2], [sflag:$0x1] =	stream.linear.gather [hbm4b:s13+s3], $0x80, $0x38;
	[tilespmem:$0x11400] =	vst v63  }
0x10c: {  	s26 =	sand.u32 $0x1FFFFFF0, s23;
	s30 =	spop (v2sf);
	s6 =	simm.s32 $0x1800  }
0x10d: {  	[tilespmem:s16], [sflag:$0x1] =	stream.linear.gather [hbm4b:s7+s3], $0x80, $0x38;
	[tilespmem:$0x11400] =	vst v63  }
0x10e: {  	s23 =	simm.s32 $0x1B80;
	s9 =	sand.u32 $0x1FFFFFF0, s30;
	s7 =	sadd.s32 s4, s26  }
0x10f: {  	[tilespmem:s24], [sflag:$0x1] =	stream.linear.gather [hbm4b:s7+s3], $0x80, $0x38;
	[tilespmem:$0x11400] =	vst v63  }
0x110: {  	s31 =	simm.s32 $0x1780;
	s9 =	sadd.s32 s4, s9;
	s8 =	spop (v2sf)  }
0x111: {  	s24 =	sadd.s32 s0, s1;
	s7 =	sand.u32 $0x1FFFFFF0, s8;
	s10 =	spop (v2sf)  }
0x112: {  	[tilespmem:s31], [sflag:$0x1] =	stream.linear.gather [hbm4b:s9+s3], $0x80, $0x38;
	[tilespmem:$0x11400] =	vst v63  }
0x113: {  	s11 =	sand.u32 $0x1FFFFFF0, s10;
	s13 =	sadd.s32 s4, s7;
	s16 =	spop (v2sf)  }
0x114: {  	(v2sf) =	vpush v0, $0xC;
	[tilespmem:s6], [sflag:$0x1] =	stream.linear.gather [hbm4b:s13+s3], $0x80, $0x38;
	[tilespmem:$0x11400] =	vst v63  }
0x115: {  	(v2sf) =	vpush v0, $0xD;
	s0 =	sadd.s32 s4, s11;
	s30 =	sand.u32 $0x1FFFFFF0, s16;
	s31 =	spop (v2sf)  }
0x116: {  	(v2sf) =	vpush v0, $0xE;
	[tilespmem:s5], [sflag:$0x1] =	stream.linear.gather [hbm4b:s0+s3], $0x80, $0x38;
	[tilespmem:$0x11400] =	vst v63  }
0x117: {  	s26 =	simm.s32 $0x1A80;
	(v2sf) =	vpush v0, $0xF;
	s5 =	sadd.s32 s4, s30;
	s0 =	sand.u32 $0x1FFFFFF0, s31  }
.LBB2_8:
0x118: {  	_ =	sdelay $0x7  }
0x119: {  	[tilespmem:s25], [sflag:$0x1] =	stream.linear.gather [hbm4b:s5+s3], $0x80, $0x38;
	[tilespmem:$0x11400] =	vst v63  }
0x11a: {  	s0 =	sadd.s32 s4, s0  }
0x11b: {  	[tilespmem:s28], [sflag:$0x1] =	stream.linear.gather [hbm4b:s0+s3], $0x80, $0x38;
	[tilespmem:$0x11400] =	vst v63  }
0x11c: {  	s7 =	spop (v2sf)  }
0x11d: {  	s2 =	sand.u32 $0x70, s20;
	s8 =	sand.u32 $0x1FFFFFF0, s7;
	s9 =	spop (v2sf)  }
0x11e: {  	s10 =	sadd.s32 s4, s8;
	s11 =	sand.u32 $0x1FFFFFF0, s9;
	s13 =	spop (v2sf)  }
0x11f: {  	[tilespmem:s29], [sflag:$0x1] =	stream.linear.gather [hbm4b:s10+s3], $0x80, $0x38;
	[tilespmem:$0x11400] =	vst v63  }
0x120: {  	s16 =	sadd.s32 s4, s11;
	s25 =	sand.u32 $0x1FFFFFF0, s13;
	s30 =	spop (v2sf)  }
0x121: {  	[tilespmem:s26], [sflag:$0x1] =	stream.linear.gather [hbm4b:s16+s3], $0x80, $0x38;
	[tilespmem:$0x11400] =	vst v63  }
0x122: {  	s31 =	sadd.s32 $0x1B00, s22;
	s5 =	sadd.s32 s4, s25;
	s7 =	sand.u32 $0x1FFFFFF0, s30  }
0x123: {  	[tilespmem:s31], [sflag:$0x1] =	stream.linear.gather [hbm4b:s5+s3], $0x80, $0x38;
	[tilespmem:$0x11400] =	vst v63  }
0x124: {  	s6 =	sadd.s32 s2, s24;
	s7 =	sadd.s32 s4, s7  }
0x125: {  	[tilespmem:s23], [sflag:$0x1] =	stream.linear.gather [hbm4b:s7+s3], $0x80, $0x38;
	[tilespmem:$0x11400] =	vst v63  }
0x126: {  	v0 =	vld [tilespmem:s6+$0x0];
	_ =	sdelay $0x4  }
0x127: {  	v0 =	vshll.u32 v0, $0x4  }
0x128: {  	(v2sf) =	vpush v0, $0x0  }
0x129: {  	(v2sf) =	vpush v0, $0x1  }
0x12a: {  	(v2sf) =	vpush v0, $0x2;
	_ =	sdelay $0x1  }
0x12b: {  	(v2sf) =	vpush v0, $0x3;
	_ =	sdelay $0x1  }
0x12c: {  	(v2sf) =	vpush v0, $0x4;
	_ =	sdelay $0x1  }
0x12d: {  	p0 =	sne.s32 s21, $0x1E000;
	s1 =	smov.u32 s21;
	s22 =	sshra.s32 s19, $0x2;
	(v2sf) =	vpush v0, $0x5  }
0x12e: {  	s21 =	sadd.s32 $0x2000, s21;
	s20 =	sadd.s32 $0x10, s20;
	s2 =	sadd.s32 $0x1580, s22  }
0x12f: {  	s19 =	smov.u32 s1;
	s0 =	sadd.s32 $0x1780, s22;
	s28 =	sadd.s32 $0x1980, s22;
	(v2sf) =	vpush v0, $0x6  }
0x130: {  	s8 =	sand.u32 $0x80, s20;
	s9 =	sadd.s32 $0x1680, s22;
	s11 =	sadd.s32 $0x1400, s22  }
0x131: {  	s29 =	sadd.s32 $0x1A00, s22;
	s30 =	sadd.s32 $0x1880, s22;
	s16 =	rddreg [dreg:$0x3];
	(v2sf) =	vpush v0, $0x7  }
0x132: {  	s25 =	sadd.s32 $0x1900, s22;
	s26 =	sadd.s32 $0x1A80, s22;
	s24 =	sadd.s32 s8, s16  }
0x133: {  	s16 =	sadd.s32 $0x1480, s22;
	s5 =	sadd.s32 $0x1700, s22;
	s31 =	sadd.s32 $0x1800, s22;
	(v2sf) =	vpush v0, $0x8  }
0x134: {  	s7 =	sadd.s32 $0x1600, s22;
	s23 =	sadd.s32 $0x1B80, s22;
	s10 =	spop (v2sf)  }
0x135: {  	s6 =	sadd.s32 $0x1500, s22;
	(v2sf) =	vpush v0, $0x9;
	s1 =	sand.u32 $0x1FFFFFF0, s10;
	s13 =	spop (v2sf)  }
0x136: {  	s13 =	sand.u32 $0x1FFFFFF0, s13;
	s8 =	spop (v2sf);
	s1 =	sadd.s32 s4, s1  }
0x137: {  	(v2sf) =	vpush v0, $0xA;
	[tilespmem:s11], [sflag:$0x1] =	stream.linear.gather [hbm4b:s1+s3], $0x80, $0x38;
	[tilespmem:$0x11400] =	vst v63  }
0x138: {  	s8 =	sand.u32 $0x1FFFFFF0, s8;
	s10 =	spop (v2sf);
	(v2sf) =	vpush v0, $0xB;
	s13 =	sadd.s32 s4, s13  }
0x139: {  	[tilespmem:s16], [sflag:$0x1] =	stream.linear.gather [hbm4b:s13+s3], $0x80, $0x38;
	[tilespmem:$0x11400] =	vst v63  }
0x13a: {  	s10 =	sand.u32 $0x1FFFFFF0, s10;
	s11 =	spop (v2sf);
	s13 =	sadd.s32 s4, s8  }
0x13b: {  	[tilespmem:s6], [sflag:$0x1] =	stream.linear.gather [hbm4b:s13+s3], $0x80, $0x38;
	[tilespmem:$0x11400] =	vst v63  }
0x13c: {  	s8 =	sand.u32 $0x1FFFFFF0, s11;
	s16 =	spop (v2sf);
	s13 =	sadd.s32 s4, s10  }
0x13d: {  	[tilespmem:s2], [sflag:$0x1] =	stream.linear.gather [hbm4b:s13+s3], $0x80, $0x38;
	[tilespmem:$0x11400] =	vst v63  }
0x13e: {  	s11 =	sadd.s32 s4, s8;
	s6 =	sand.u32 $0x1FFFFFF0, s16;
	s16 =	spop (v2sf)  }
0x13f: {  	[tilespmem:s7], [sflag:$0x1] =	stream.linear.gather [hbm4b:s11+s3], $0x80, $0x38;
	[tilespmem:$0x11400] =	vst v63  }
0x140: {  	s13 =	sand.u32 $0x1FFFFFF0, s16;
	s16 =	spop (v2sf);
	s7 =	sadd.s32 s4, s6  }
0x141: {  	[tilespmem:s9], [sflag:$0x1] =	stream.linear.gather [hbm4b:s7+s3], $0x80, $0x38;
	[tilespmem:$0x11400] =	vst v63  }
0x142: {  	s8 =	sand.u32 $0x1FFFFFF0, s16;
	s10 =	spop (v2sf);
	s11 =	sadd.s32 s4, s13  }
0x143: {  	[tilespmem:s5], [sflag:$0x1] =	stream.linear.gather [hbm4b:s11+s3], $0x80, $0x38;
	[tilespmem:$0x11400] =	vst v63  }
0x144: {  	s13 =	sand.u32 $0x1FFFFFF0, s10;
	s8 =	sadd.s32 s4, s8;
	s16 =	spop (v2sf)  }
0x145: {  	[tilespmem:s0], [sflag:$0x1] =	stream.linear.gather [hbm4b:s8+s3], $0x80, $0x38;
	[tilespmem:$0x11400] =	vst v63  }
.Ltmp5:
0x146: {  	s11 =	sadd.s32 s4, s13;
	s10 =	spop (v2sf);
	(pc) =	sbr.rel @p0 .LBB2_8-.Ltmp5, $4  }
0x147: {  	(v2sf) =	vpush v0, $0xC;
	s9 =	sand.u32 $0x1FFFFFF0, s16;
	s13 =	sand.u32 $0x1FFFFFF0, s10;
	s16 =	spop (v2sf)  }
0x148: {  	(v2sf) =	vpush v0, $0xD;
	[tilespmem:s31], [sflag:$0x1] =	stream.linear.gather [hbm4b:s11+s3], $0x80, $0x38;
	[tilespmem:$0x11400] =	vst v63  }
0x149: {  	(v2sf) =	vpush v0, $0xE;
	s31 =	sadd.s32 s4, s9;
	s5 =	sadd.s32 s4, s13;
	s0 =	sand.u32 $0x1FFFFFF0, s16  }
0x14a: {  	(v2sf) =	vpush v0, $0xF;
	[tilespmem:s30], [sflag:$0x1] =	stream.linear.gather [hbm4b:s31+s3], $0x80, $0x38;
	[tilespmem:$0x11400] =	vst v63  }
0x14b: {  	_ =	sdelay $0x7  }
0x14c: {  	[tilespmem:s25], [sflag:$0x1] =	stream.linear.gather [hbm4b:s5+s3], $0x80, $0x38;
	[tilespmem:$0x11400] =	vst v63  }
0x14d: {  	s0 =	sadd.s32 s4, s0  }
0x14e: {  	[tilespmem:s28], [sflag:$0x1] =	stream.linear.gather [hbm4b:s0+s3], $0x80, $0x38;
	[tilespmem:$0x11400] =	vst v63  }
0x14f: {  	s2 =	spop (v2sf)  }
0x150: {  	s1 =	sand.u32 $0x70, s20;
	s2 =	sand.u32 $0x1FFFFFF0, s2;
	s9 =	spop (v2sf)  }
0x151: {  	s10 =	sadd.s32 s4, s2;
	s11 =	sand.u32 $0x1FFFFFF0, s9;
	s13 =	spop (v2sf)  }
0x152: {  	[tilespmem:s29], [sflag:$0x1] =	stream.linear.gather [hbm4b:s10+s3], $0x80, $0x38;
	[tilespmem:$0x11400] =	vst v63  }
0x153: {  	s16 =	sadd.s32 s4, s11;
	s20 =	sand.u32 $0x1FFFFFF0, s13;
	s21 =	spop (v2sf)  }
0x154: {  	[tilespmem:s26], [sflag:$0x1] =	stream.linear.gather [hbm4b:s16+s3], $0x80, $0x38;
	[tilespmem:$0x11400] =	vst v63  }
0x155: {  	s25 =	sadd.s32 $0x1B00, s22;
	s2 =	sadd.s32 s4, s20;
	s5 =	sand.u32 $0x1FFFFFF0, s21  }
0x156: {  	[tilespmem:s25], [sflag:$0x1] =	stream.linear.gather [hbm4b:s2+s3], $0x80, $0x38;
	[tilespmem:$0x11400] =	vst v63  }
0x157: {  	s26 =	sadd.s32 s1, s24;
	s29 =	sadd.s32 s4, s5  }
0x158: {  	[tilespmem:s23], [sflag:$0x1] =	stream.linear.gather [hbm4b:s29+s3], $0x80, $0x38;
	[tilespmem:$0x11400] =	vst v63  }
0x159: {  	v0 =	vld [tilespmem:s26+$0x0];
	_ =	sdelay $0x4  }
0x15a: {  	v0 =	vshll.u32 v0, $0x4  }
0x15b: {  	(v2sf) =	vpush v0, $0x0  }
0x15c: {  	(v2sf) =	vpush v0, $0x1  }
0x15d: {  	(v2sf) =	vpush v0, $0x2;
	_ =	sdelay $0x1  }
0x15e: {  	(v2sf) =	vpush v0, $0x3;
	_ =	sdelay $0x1  }
0x15f: {  	(v2sf) =	vpush v0, $0x4;
	_ =	sdelay $0x1  }
0x160: {  	(v2sf) =	vpush v0, $0x5;
	_ =	sdelay $0x1  }
0x161: {  	(v2sf) =	vpush v0, $0x6  }
0x162: {  	s19 =	sshra.s32 s19, $0x2  }
0x163: {  	s30 =	sadd.s32 $0x1400, s19;
	s7 =	sadd.s32 $0x1700, s19;
	(v2sf) =	vpush v0, $0x7  }
0x164: {  	s8 =	sadd.s32 $0x1780, s19;
	s31 =	sadd.s32 $0x1480, s19;
	s22 =	sadd.s32 $0x1580, s19  }
0x165: {  	s0 =	sadd.s32 $0x1900, s19;
	s9 =	sadd.s32 $0x1680, s19;
	s20 =	sadd.s32 $0x1500, s19  }
0x166: {  	s1 =	sadd.s32 $0x1880, s19;
	s24 =	sadd.s32 $0x1800, s19;
	s6 =	spop (v2sf)  }
0x167: {  	s2 =	sadd.s32 $0x1600, s19;
	(v2sf) =	vpush v0, $0x8;
	s6 =	sand.u32 $0x1FFFFFF0, s6;
	s10 =	spop (v2sf)  }
0x168: {  	(v2sf) =	vpush v0, $0x9;
	s6 =	sadd.s32 s4, s6;
	s13 =	sand.u32 $0x1FFFFFF0, s10;
	s16 =	spop (v2sf)  }
0x169: {  	[tilespmem:s30], [sflag:$0x1] =	stream.linear.gather [hbm4b:s6+s3], $0x80, $0x38;
	[tilespmem:$0x11400] =	vst v63  }
0x16a: {  	(v2sf) =	vpush v0, $0xA;
	s10 =	sand.u32 $0x1FFFFFF0, s16;
	s11 =	spop (v2sf);
	s6 =	sadd.s32 s4, s13  }
0x16b: {  	[tilespmem:s31], [sflag:$0x1] =	stream.linear.gather [hbm4b:s6+s3], $0x80, $0x38;
	[tilespmem:$0x11400] =	vst v63  }
0x16c: {  	(v2sf) =	vpush v0, $0xB;
	s21 =	sand.u32 $0x1FFFFFF0, s11;
	s10 =	sadd.s32 s4, s10;
	s23 =	spop (v2sf)  }
0x16d: {  	[tilespmem:s20], [sflag:$0x1] =	stream.linear.gather [hbm4b:s10+s3], $0x80, $0x38;
	[tilespmem:$0x11400] =	vst v63  }
0x16e: {  	(v2sf) =	vpush v0, $0xC;
	s6 =	sadd.s32 s4, s21;
	s25 =	sand.u32 $0x1FFFFFF0, s23;
	s26 =	spop (v2sf)  }
0x16f: {  	[tilespmem:s22], [sflag:$0x1] =	stream.linear.gather [hbm4b:s6+s3], $0x80, $0x38;
	[tilespmem:$0x11400] =	vst v63  }
0x170: {  	(v2sf) =	vpush v0, $0xD;
	s29 =	spop (v2sf);
	s10 =	sand.u32 $0x1FFFFFF0, s26;
	s6 =	sadd.s32 s4, s25  }
0x171: {  	[tilespmem:s2], [sflag:$0x1] =	stream.linear.gather [hbm4b:s6+s3], $0x80, $0x38;
	[tilespmem:$0x11400] =	vst v63  }
0x172: {  	(v2sf) =	vpush v0, $0xE;
	s30 =	sand.u32 $0x1FFFFFF0, s29;
	s31 =	spop (v2sf);
	s10 =	sadd.s32 s4, s10  }
0x173: {  	[tilespmem:s9], [sflag:$0x1] =	stream.linear.gather [hbm4b:s10+s3], $0x80, $0x38;
	[tilespmem:$0x11400] =	vst v63  }
0x174: {  	(v2sf) =	vpush v0, $0xF;
	s11 =	sand.u32 $0x1FFFFFF0, s31;
	s2 =	sadd.s32 $0x1980, s19;
	s6 =	sadd.s32 s4, s30  }
0x175: {  	[tilespmem:s7], [sflag:$0x1] =	stream.linear.gather [hbm4b:s6+s3], $0x80, $0x38;
	[tilespmem:$0x11400] =	vst v63  }
0x176: {  	s9 =	sadd.s32 $0x1A80, s19;
	s6 =	sadd.s32 $0x1A00, s19;
	s13 =	spop (v2sf)  }
0x177: {  	s7 =	sadd.s32 s4, s11;
	s10 =	sand.u32 $0x1FFFFFF0, s13;
	s16 =	spop (v2sf)  }
0x178: {  	[tilespmem:s8], [sflag:$0x1] =	stream.linear.gather [hbm4b:s7+s3], $0x80, $0x38;
	[tilespmem:$0x11400] =	vst v63  }
0x179: {  	s20 =	sand.u32 $0x1FFFFFF0, s16;
	s21 =	spop (v2sf);
	s10 =	sadd.s32 s4, s10  }
0x17a: {  	[tilespmem:s24], [sflag:$0x1] =	stream.linear.gather [hbm4b:s10+s3], $0x80, $0x38;
	[tilespmem:$0x11400] =	vst v63  }
0x17b: {  	s22 =	sand.u32 $0x1FFFFFF0, s21;
	s23 =	spop (v2sf);
	s7 =	sadd.s32 s4, s20  }
0x17c: {  	[tilespmem:s1], [sflag:$0x1] =	stream.linear.gather [hbm4b:s7+s3], $0x80, $0x38;
	[tilespmem:$0x11400] =	vst v63  }
0x17d: {  	s24 =	sadd.s32 s4, s22;
	s25 =	sand.u32 $0x1FFFFFF0, s23;
	s26 =	spop (v2sf)  }
0x17e: {  	[tilespmem:s0], [sflag:$0x1] =	stream.linear.gather [hbm4b:s24+s3], $0x80, $0x38;
	[tilespmem:$0x11400] =	vst v63  }
0x17f: {  	s29 =	sadd.s32 s4, s25;
	s30 =	sand.u32 $0x1FFFFFF0, s26;
	s31 =	spop (v2sf)  }
0x180: {  	[tilespmem:s2], [sflag:$0x1] =	stream.linear.gather [hbm4b:s29+s3], $0x80, $0x38;
	[tilespmem:$0x11400] =	vst v63  }
0x181: {  	s7 =	sadd.s32 s4, s30;
	s8 =	sand.u32 $0x1FFFFFF0, s31;
	s10 =	spop (v2sf)  }
0x182: {  	[tilespmem:s6], [sflag:$0x1] =	stream.linear.gather [hbm4b:s7+s3], $0x80, $0x38;
	[tilespmem:$0x11400] =	vst v63  }
0x183: {  	s11 =	sadd.s32 s4, s8;
	s13 =	sand.u32 $0x1FFFFFF0, s10;
	s16 =	spop (v2sf)  }
0x184: {  	[tilespmem:s9], [sflag:$0x1] =	stream.linear.gather [hbm4b:s11+s3], $0x80, $0x38;
	[tilespmem:$0x11400] =	vst v63  }
0x185: {  	s20 =	sadd.s32 $0x1B00, s19;
	s1 =	sadd.s32 s4, s13;
	s2 =	sand.u32 $0x1FFFFFF0, s16  }
0x186: {  	[tilespmem:s20], [sflag:$0x1] =	stream.linear.gather [hbm4b:s1+s3], $0x80, $0x38;
	[tilespmem:$0x11400] =	vst v63  }
0x187: {  	s21 =	sadd.s32 $0x1B80, s19;
	s23 =	sadd.s32 $0x300, s18;
	s22 =	sadd.s32 s4, s2  }
0x188: {  	[tilespmem:s21], [sflag:$0x1] =	stream.linear.gather [hbm4b:s22+s3], $0x80, $0x38;
	[tilespmem:$0x11400] =	vst v63  }
0x189: {  	s24 =	simm.s32 $0x0;
	_ =	swait.ge [sflag:s15], $0x8000;
	[dreg:$0x4] =	wrdreg s23  }
0x18a: {  	s25 =	sand.u32 $0x80, s24;
	s0 =	rddreg [dreg:$0x4]  }
0x18b: {  	s1 =	sand.u32 $0x70, s24;
	[sflag:s15] =	ssyncset.done $0x0;
	s0 =	sadd.s32 s25, s0  }
0x18c: {  	[sflag:s15] =	ssyncadd.s32 $0xFFFF8000;
	s0 =	sadd.s32 s1, s0  }
0x18d: {  	v63 =	vld [tilespmem:s0+$0x0];
	_ =	sdelay $0x4  }
0x18e: {  	v0 =	vshll.u32 v63, $0x4  }
0x18f: {  	(v2sf) =	vpush v0, $0x0  }
0x190: {  	(v2sf) =	vpush v0, $0x1  }
0x191: {  	(v2sf) =	vpush v0, $0x2;
	_ =	sdelay $0x2  }
0x192: {  	(v2sf) =	vpush v0, $0x3;
	_ =	sdelay $0x1  }
0x193: {  	(v2sf) =	vpush v0, $0x4;
	_ =	sdelay $0x1  }
0x194: {  	(v2sf) =	vpush v0, $0x5;
	_ =	sdelay $0x1  }
0x195: {  	(v2sf) =	vpush v0, $0x6  }
0x196: {  	s28 =	simm.s32 $0x9A00;
	s5 =	simm.s32 $0x9880;
	s19 =	simm.s32 $0x10  }
0x197: {  	s18 =	simm.s32 $0x2000;
	s10 =	simm.s32 $0x9500;
	s13 =	simm.s32 $0x9580;
	(v2sf) =	vpush v0, $0x7  }
0x198: {  	s29 =	simm.s32 $0x9400;
	s2 =	simm.s32 $0x9600;
	s7 =	simm.s32 $0x9480  }
0x199: {  	s20 =	simm.s32 $0x4000;
	s24 =	simm.s32 $0x9900;
	s26 =	spop (v2sf)  }
0x19a: {  	s21 =	simm.s32 $0x0;
	s6 =	sand.u32 $0x1FFFFFF0, s26;
	s30 =	spop (v2sf)  }
0x19b: {  	s1 =	rddreg [dreg:$0x4];
	(v2sf) =	vpush v0, $0x8;
	s31 =	spop (v2sf);
	s6 =	sadd.s32 s4, s6  }
0x19c: {  	[tilespmem:s29], [sflag:$0x2] =	stream.linear.gather [hbm4b:s6+s3], $0x80, $0x38;
	[tilespmem:$0x11400] =	vst v63  }
0x19d: {  	s0 =	sand.u32 $0x80, s19;
	s8 =	sand.u32 $0x1FFFFFF0, s30;
	s9 =	sand.u32 $0x1FFFFFF0, s31  }
0x19e: {  	(v2sf) =	vpush v0, $0x9;
	s8 =	sadd.s32 s4, s8;
	s11 =	spop (v2sf);
	s29 =	simm.s32 $0x9680  }
0x19f: {  	[tilespmem:s7], [sflag:$0x2] =	stream.linear.gather [hbm4b:s8+s3], $0x80, $0x38;
	[tilespmem:$0x11400] =	vst v63  }
0x1a0: {  	(v2sf) =	vpush v0, $0xA;
	s16 =	sand.u32 $0x1FFFFFF0, s11;
	s22 =	spop (v2sf);
	s7 =	sadd.s32 s4, s9  }
0x1a1: {  	(v2sf) =	vpush v0, $0xB;
	[tilespmem:s10], [sflag:$0x2] =	stream.linear.gather [hbm4b:s7+s3], $0x80, $0x38;
	[tilespmem:$0x11400] =	vst v63  }
0x1a2: {  	s8 =	sand.u32 $0x1FFFFFF0, s22;
	s23 =	spop (v2sf);
	s7 =	sadd.s32 s4, s16  }
0x1a3: {  	[tilespmem:s13], [sflag:$0x2] =	stream.linear.gather [hbm4b:s7+s3], $0x80, $0x38;
	[tilespmem:$0x11400] =	vst v63  }
0x1a4: {  	s25 =	sand.u32 $0x1FFFFFF0, s23;
	s26 =	sadd.s32 s4, s8;
	s30 =	spop (v2sf)  }
0x1a5: {  	[tilespmem:s2], [sflag:$0x2] =	stream.linear.gather [hbm4b:s26+s3], $0x80, $0x38;
	[tilespmem:$0x11400] =	vst v63  }
0x1a6: {  	s6 =	sadd.s32 s4, s25;
	s8 =	sand.u32 $0x1FFFFFF0, s30;
	s9 =	spop (v2sf)  }
0x1a7: {  	[tilespmem:s29], [sflag:$0x2] =	stream.linear.gather [hbm4b:s6+s3], $0x80, $0x38;
	[tilespmem:$0x11400] =	vst v63  }
0x1a8: {  	s31 =	simm.s32 $0x9700;
	s7 =	sand.u32 $0x1FFFFFF0, s9;
	s6 =	sadd.s32 s4, s8  }
0x1a9: {  	[tilespmem:s31], [sflag:$0x2] =	stream.linear.gather [hbm4b:s6+s3], $0x80, $0x38;
	[tilespmem:$0x11400] =	vst v63  }
0x1aa: {  	s10 =	simm.s32 $0x9780;
	s7 =	sadd.s32 s4, s7;
	s13 =	spop (v2sf)  }
0x1ab: {  	[tilespmem:s10], [sflag:$0x2] =	stream.linear.gather [hbm4b:s7+s3], $0x80, $0x38;
	[tilespmem:$0x11400] =	vst v63  }
0x1ac: {  	s11 =	simm.s32 $0x9800;
	s22 =	simm.s32 $0x9B80;
	s6 =	sand.u32 $0x1FFFFFF0, s13  }
0x1ad: {  	s23 =	sadd.s32 s0, s1;
	s16 =	spop (v2sf);
	s26 =	sadd.s32 s4, s6  }
0x1ae: {  	[tilespmem:s11], [sflag:$0x2] =	stream.linear.gather [hbm4b:s26+s3], $0x80, $0x38;
	[tilespmem:$0x11400] =	vst v63  }
0x1af: {  	(v2sf) =	vpush v0, $0xC;
	s25 =	sand.u32 $0x1FFFFFF0, s16;
	s29 =	spop (v2sf);
	s26 =	simm.s32 $0x9980  }
0x1b0: {  	(v2sf) =	vpush v0, $0xD;
	s0 =	sadd.s32 s4, s25;
	s30 =	sand.u32 $0x1FFFFFF0, s29;
	s31 =	spop (v2sf)  }
0x1b1: {  	(v2sf) =	vpush v0, $0xE;
	[tilespmem:s5], [sflag:$0x2] =	stream.linear.gather [hbm4b:s0+s3], $0x80, $0x38;
	[tilespmem:$0x11400] =	vst v63  }
0x1b2: {  	s25 =	simm.s32 $0x9A80;
	(v2sf) =	vpush v0, $0xF;
	s5 =	sadd.s32 s4, s30;
	s0 =	sand.u32 $0x1FFFFFF0, s31  }
.LBB2_10:
0x1b3: {  	_ =	sdelay $0x7  }
0x1b4: {  	[tilespmem:s24], [sflag:$0x2] =	stream.linear.gather [hbm4b:s5+s3], $0x80, $0x38;
	[tilespmem:$0x11400] =	vst v63  }
0x1b5: {  	s0 =	sadd.s32 s4, s0  }
0x1b6: {  	[tilespmem:s26], [sflag:$0x2] =	stream.linear.gather [hbm4b:s0+s3], $0x80, $0x38;
	[tilespmem:$0x11400] =	vst v63  }
0x1b7: {  	s6 =	spop (v2sf)  }
0x1b8: {  	s2 =	sand.u32 $0x70, s19;
	s6 =	sand.u32 $0x1FFFFFF0, s6;
	s7 =	spop (v2sf)  }
0x1b9: {  	s8 =	sadd.s32 s4, s6;
	s9 =	sand.u32 $0x1FFFFFF0, s7;
	s10 =	spop (v2sf)  }
0x1ba: {  	[tilespmem:s28], [sflag:$0x2] =	stream.linear.gather [hbm4b:s8+s3], $0x80, $0x38;
	[tilespmem:$0x11400] =	vst v63  }
0x1bb: {  	s11 =	sadd.s32 s4, s9;
	s13 =	sand.u32 $0x1FFFFFF0, s10;
	s16 =	spop (v2sf)  }
0x1bc: {  	[tilespmem:s25], [sflag:$0x2] =	stream.linear.gather [hbm4b:s11+s3], $0x80, $0x38;
	[tilespmem:$0x11400] =	vst v63  }
0x1bd: {  	s21 =	sadd.s32 $0x9B00, s21;
	s5 =	sadd.s32 s4, s13;
	s6 =	sand.u32 $0x1FFFFFF0, s16  }
0x1be: {  	[tilespmem:s21], [sflag:$0x2] =	stream.linear.gather [hbm4b:s5+s3], $0x80, $0x38;
	[tilespmem:$0x11400] =	vst v63  }
0x1bf: {  	s23 =	sadd.s32 s2, s23;
	s24 =	sadd.s32 s4, s6  }
0x1c0: {  	[tilespmem:s22], [sflag:$0x2] =	stream.linear.gather [hbm4b:s24+s3], $0x80, $0x38;
	[tilespmem:$0x11400] =	vst v63  }
0x1c1: {  	v0 =	vld [tilespmem:s23+$0x0];
	_ =	sdelay $0x4  }
0x1c2: {  	v0 =	vshll.u32 v0, $0x4  }
0x1c3: {  	(v2sf) =	vpush v0, $0x0  }
0x1c4: {  	(v2sf) =	vpush v0, $0x1  }
0x1c5: {  	(v2sf) =	vpush v0, $0x2;
	_ =	sdelay $0x1  }
0x1c6: {  	(v2sf) =	vpush v0, $0x3;
	_ =	sdelay $0x1  }
0x1c7: {  	(v2sf) =	vpush v0, $0x4;
	_ =	sdelay $0x1  }
0x1c8: {  	p0 =	sne.s32 s20, $0x1E000;
	s1 =	smov.u32 s20;
	s20 =	sadd.s32 $0x2000, s20;
	(v2sf) =	vpush v0, $0x5  }
0x1c9: {  	s19 =	sadd.s32 $0x10, s19;
	s26 =	rddreg [dreg:$0x4];
	s21 =	sshra.s32 s18, $0x2  }
0x1ca: {  	s25 =	sand.u32 $0x80, s19;
	s18 =	smov.u32 s1;
	s7 =	sadd.s32 $0x9600, s21;
	(v2sf) =	vpush v0, $0x6  }
0x1cb: {  	s29 =	sadd.s32 $0x9880, s21;
	s8 =	sadd.s32 $0x9400, s21;
	s5 =	sadd.s32 $0x9700, s21  }
0x1cc: {  	s0 =	sadd.s32 $0x9780, s21;
	s9 =	sadd.s32 $0x9680, s21;
	s30 =	sadd.s32 $0x9800, s21;
	(v2sf) =	vpush v0, $0x7  }
0x1cd: {  	s2 =	sadd.s32 $0x9580, s21;
	s6 =	sadd.s32 $0x9480, s21;
	s28 =	sadd.s32 $0x9A00, s21  }
0x1ce: {  	s11 =	sadd.s32 $0x9500, s21;
	s24 =	sadd.s32 $0x9900, s21;
	s22 =	sadd.s32 $0x9B80, s21;
	(v2sf) =	vpush v0, $0x8  }
0x1cf: {  	s23 =	sadd.s32 s25, s26;
	s26 =	sadd.s32 $0x9980, s21;
	s31 =	spop (v2sf)  }
0x1d0: {  	s25 =	sadd.s32 $0x9A80, s21;
	(v2sf) =	vpush v0, $0x9;
	s1 =	sand.u32 $0x1FFFFFF0, s31;
	s10 =	spop (v2sf)  }
0x1d1: {  	s10 =	sand.u32 $0x1FFFFFF0, s10;
	s13 =	spop (v2sf);
	s1 =	sadd.s32 s4, s1  }
0x1d2: {  	(v2sf) =	vpush v0, $0xA;
	[tilespmem:s8], [sflag:$0x2] =	stream.linear.gather [hbm4b:s1+s3], $0x80, $0x38;
	[tilespmem:$0x11400] =	vst v63  }
0x1d3: {  	s13 =	sand.u32 $0x1FFFFFF0, s13;
	s16 =	spop (v2sf);
	(v2sf) =	vpush v0, $0xB;
	s10 =	sadd.s32 s4, s10  }
0x1d4: {  	[tilespmem:s6], [sflag:$0x2] =	stream.linear.gather [hbm4b:s10+s3], $0x80, $0x38;
	[tilespmem:$0x11400] =	vst v63  }
0x1d5: {  	s8 =	sand.u32 $0x1FFFFFF0, s16;
	s31 =	spop (v2sf);
	s6 =	sadd.s32 s4, s13  }
0x1d6: {  	[tilespmem:s11], [sflag:$0x2] =	stream.linear.gather [hbm4b:s6+s3], $0x80, $0x38;
	[tilespmem:$0x11400] =	vst v63  }
0x1d7: {  	s13 =	sand.u32 $0x1FFFFFF0, s31;
	s16 =	spop (v2sf);
	s31 =	sadd.s32 s4, s8  }
0x1d8: {  	[tilespmem:s2], [sflag:$0x2] =	stream.linear.gather [hbm4b:s31+s3], $0x80, $0x38;
	[tilespmem:$0x11400] =	vst v63  }
0x1d9: {  	s8 =	sand.u32 $0x1FFFFFF0, s16;
	s13 =	sadd.s32 s4, s13;
	s11 =	spop (v2sf)  }
0x1da: {  	[tilespmem:s7], [sflag:$0x2] =	stream.linear.gather [hbm4b:s13+s3], $0x80, $0x38;
	[tilespmem:$0x11400] =	vst v63  }
0x1db: {  	s10 =	sadd.s32 s4, s8;
	s16 =	sand.u32 $0x1FFFFFF0, s11;
	s31 =	spop (v2sf)  }
0x1dc: {  	[tilespmem:s9], [sflag:$0x2] =	stream.linear.gather [hbm4b:s10+s3], $0x80, $0x38;
	[tilespmem:$0x11400] =	vst v63  }
0x1dd: {  	s6 =	sand.u32 $0x1FFFFFF0, s31;
	s11 =	spop (v2sf);
	s13 =	sadd.s32 s4, s16  }
0x1de: {  	[tilespmem:s5], [sflag:$0x2] =	stream.linear.gather [hbm4b:s13+s3], $0x80, $0x38;
	[tilespmem:$0x11400] =	vst v63  }
0x1df: {  	s16 =	sand.u32 $0x1FFFFFF0, s11;
	s8 =	sadd.s32 s4, s6;
	s31 =	spop (v2sf)  }
0x1e0: {  	[tilespmem:s0], [sflag:$0x2] =	stream.linear.gather [hbm4b:s8+s3], $0x80, $0x38;
	[tilespmem:$0x11400] =	vst v63  }
.Ltmp6:
0x1e1: {  	s11 =	sadd.s32 s4, s16;
	s10 =	spop (v2sf);
	(pc) =	sbr.rel @p0 .LBB2_10-.Ltmp6, $4  }
0x1e2: {  	(v2sf) =	vpush v0, $0xC;
	s9 =	sand.u32 $0x1FFFFFF0, s31;
	s13 =	sand.u32 $0x1FFFFFF0, s10;
	s16 =	spop (v2sf)  }
0x1e3: {  	(v2sf) =	vpush v0, $0xD;
	[tilespmem:s30], [sflag:$0x2] =	stream.linear.gather [hbm4b:s11+s3], $0x80, $0x38;
	[tilespmem:$0x11400] =	vst v63  }
0x1e4: {  	(v2sf) =	vpush v0, $0xE;
	s31 =	sadd.s32 s4, s9;
	s5 =	sadd.s32 s4, s13;
	s0 =	sand.u32 $0x1FFFFFF0, s16  }
0x1e5: {  	(v2sf) =	vpush v0, $0xF;
	[tilespmem:s29], [sflag:$0x2] =	stream.linear.gather [hbm4b:s31+s3], $0x80, $0x38;
	[tilespmem:$0x11400] =	vst v63  }
0x1e6: {  	_ =	sdelay $0x7  }
0x1e7: {  	[tilespmem:s24], [sflag:$0x2] =	stream.linear.gather [hbm4b:s5+s3], $0x80, $0x38;
	[tilespmem:$0x11400] =	vst v63  }
0x1e8: {  	s0 =	sadd.s32 s4, s0  }
0x1e9: {  	[tilespmem:s26], [sflag:$0x2] =	stream.linear.gather [hbm4b:s0+s3], $0x80, $0x38;
	[tilespmem:$0x11400] =	vst v63  }
0x1ea: {  	s2 =	spop (v2sf)  }
0x1eb: {  	s1 =	sand.u32 $0x70, s19;
	s2 =	sand.u32 $0x1FFFFFF0, s2;
	s7 =	spop (v2sf)  }
0x1ec: {  	s8 =	sadd.s32 s4, s2;
	s9 =	sand.u32 $0x1FFFFFF0, s7;
	s10 =	spop (v2sf)  }
0x1ed: {  	[tilespmem:s28], [sflag:$0x2] =	stream.linear.gather [hbm4b:s8+s3], $0x80, $0x38;
	[tilespmem:$0x11400] =	vst v63  }
0x1ee: {  	s11 =	sadd.s32 s4, s9;
	s13 =	sand.u32 $0x1FFFFFF0, s10;
	s16 =	spop (v2sf)  }
0x1ef: {  	[tilespmem:s25], [sflag:$0x2] =	stream.linear.gather [hbm4b:s11+s3], $0x80, $0x38;
	[tilespmem:$0x11400] =	vst v63  }
0x1f0: {  	s19 =	sadd.s32 $0x9B00, s21;
	s2 =	sadd.s32 s4, s13;
	s5 =	sand.u32 $0x1FFFFFF0, s16  }
0x1f1: {  	[tilespmem:s19], [sflag:$0x2] =	stream.linear.gather [hbm4b:s2+s3], $0x80, $0x38;
	[tilespmem:$0x11400] =	vst v63  }
0x1f2: {  	s20 =	sadd.s32 s1, s23;
	s21 =	sadd.s32 s4, s5  }
0x1f3: {  	[tilespmem:s22], [sflag:$0x2] =	stream.linear.gather [hbm4b:s21+s3], $0x80, $0x38;
	[tilespmem:$0x11400] =	vst v63  }
0x1f4: {  	v0 =	vld [tilespmem:s20+$0x0];
	_ =	sdelay $0x4  }
0x1f5: {  	v0 =	vshll.u32 v0, $0x4  }
0x1f6: {  	(v2sf) =	vpush v0, $0x0  }
0x1f7: {  	(v2sf) =	vpush v0, $0x1  }
0x1f8: {  	(v2sf) =	vpush v0, $0x2;
	_ =	sdelay $0x1  }
0x1f9: {  	(v2sf) =	vpush v0, $0x3;
	_ =	sdelay $0x1  }
0x1fa: {  	(v2sf) =	vpush v0, $0x4;
	_ =	sdelay $0x1  }
0x1fb: {  	(v2sf) =	vpush v0, $0x5;
	_ =	sdelay $0x1  }
0x1fc: {  	(v2sf) =	vpush v0, $0x6  }
0x1fd: {  	s18 =	sshra.s32 s18, $0x2  }
0x1fe: {  	s6 =	sadd.s32 $0x9400, s18;
	s24 =	sadd.s32 $0x9500, s18;
	s0 =	sadd.s32 $0x9900, s18;
	(v2sf) =	vpush v0, $0x7  }
0x1ff: {  	s7 =	sadd.s32 $0x9980, s18;
	s8 =	sadd.s32 $0x9700, s18;
	s9 =	sadd.s32 $0x9780, s18  }
0x200: {  	s10 =	sadd.s32 $0x9680, s18;
	s13 =	sadd.s32 $0x9580, s18;
	s5 =	sadd.s32 $0x9880, s18;
	(v2sf) =	vpush v0, $0x8  }
0x201: {  	s11 =	sadd.s32 $0x9800, s18;
	s2 =	sadd.s32 $0x9600, s18;
	s16 =	spop (v2sf)  }
0x202: {  	s22 =	sadd.s32 $0x9480, s18;
	(v2sf) =	vpush v0, $0x9;
	s20 =	spop (v2sf);
	s16 =	sand.u32 $0x1FFFFFF0, s16  }
0x203: {  	s20 =	sand.u32 $0x1FFFFFF0, s20;
	s25 =	spop (v2sf);
	s16 =	sadd.s32 s4, s16  }
0x204: {  	(v2sf) =	vpush v0, $0xA;
	[tilespmem:s6], [sflag:$0x2] =	stream.linear.gather [hbm4b:s16+s3], $0x80, $0x38;
	[tilespmem:$0x11400] =	vst v63  }
0x205: {  	s26 =	sand.u32 $0x1FFFFFF0, s25;
	s28 =	spop (v2sf);
	s20 =	sadd.s32 s4, s20  }
0x206: {  	(v2sf) =	vpush v0, $0xB;
	[tilespmem:s22], [sflag:$0x2] =	stream.linear.gather [hbm4b:s20+s3], $0x80, $0x38;
	[tilespmem:$0x11400] =	vst v63  }
0x207: {  	s16 =	sand.u32 $0x1FFFFFF0, s28;
	s29 =	spop (v2sf);
	s6 =	sadd.s32 s4, s26  }
0x208: {  	(v2sf) =	vpush v0, $0xC;
	[tilespmem:s24], [sflag:$0x2] =	stream.linear.gather [hbm4b:s6+s3], $0x80, $0x38;
	[tilespmem:$0x11400] =	vst v63  }
0x209: {  	s30 =	sand.u32 $0x1FFFFFF0, s29;
	s31 =	spop (v2sf);
	s16 =	sadd.s32 s4, s16  }
0x20a: {  	(v2sf) =	vpush v0, $0xD;
	[tilespmem:s13], [sflag:$0x2] =	stream.linear.gather [hbm4b:s16+s3], $0x80, $0x38;
	[tilespmem:$0x11400] =	vst v63  }
0x20b: {  	s19 =	sand.u32 $0x1FFFFFF0, s31;
	s20 =	spop (v2sf);
	s6 =	sadd.s32 s4, s30  }
0x20c: {  	[tilespmem:s2], [sflag:$0x2] =	stream.linear.gather [hbm4b:s6+s3], $0x80, $0x38;
	[tilespmem:$0x11400] =	vst v63  }
0x20d: {  	s22 =	sand.u32 $0x1FFFFFF0, s20;
	s23 =	spop (v2sf);
	s13 =	sadd.s32 s4, s19  }
0x20e: {  	(v2sf) =	vpush v0, $0xE;
	[tilespmem:s10], [sflag:$0x2] =	stream.linear.gather [hbm4b:s13+s3], $0x80, $0x38;
	[tilespmem:$0x11400] =	vst v63  }
0x20f: {  	s24 =	spop (v2sf);
	s6 =	sand.u32 $0x1FFFFFF0, s23;
	s2 =	sadd.s32 s4, s22  }
0x210: {  	(v2sf) =	vpush v0, $0xF;
	[tilespmem:s8], [sflag:$0x2] =	stream.linear.gather [hbm4b:s2+s3], $0x80, $0x38;
	[tilespmem:$0x11400] =	vst v63  }
0x211: {  	s25 =	sand.u32 $0x1FFFFFF0, s24;
	s6 =	sadd.s32 s4, s6;
	s26 =	spop (v2sf)  }
0x212: {  	[tilespmem:s9], [sflag:$0x2] =	stream.linear.gather [hbm4b:s6+s3], $0x80, $0x38;
	[tilespmem:$0x11400] =	vst v63  }
0x213: {  	s2 =	sadd.s32 s4, s25;
	s28 =	sand.u32 $0x1FFFFFF0, s26;
	s29 =	spop (v2sf)  }
0x214: {  	[tilespmem:s11], [sflag:$0x2] =	stream.linear.gather [hbm4b:s2+s3], $0x80, $0x38;
	[tilespmem:$0x11400] =	vst v63  }
0x215: {  	s30 =	sand.u32 $0x1FFFFFF0, s29;
	s31 =	spop (v2sf);
	s6 =	sadd.s32 s4, s28  }
0x216: {  	[tilespmem:s5], [sflag:$0x2] =	stream.linear.gather [hbm4b:s6+s3], $0x80, $0x38;
	[tilespmem:$0x11400] =	vst v63  }
0x217: {  	s9 =	sand.u32 $0x1FFFFFF0, s31;
	s10 =	spop (v2sf);
	s2 =	sadd.s32 s4, s30  }
0x218: {  	[tilespmem:s0], [sflag:$0x2] =	stream.linear.gather [hbm4b:s2+s3], $0x80, $0x38;
	[tilespmem:$0x11400] =	vst v63  }
0x219: {  	s11 =	sadd.s32 s4, s9;
	s13 =	sand.u32 $0x1FFFFFF0, s10;
	s16 =	spop (v2sf)  }
0x21a: {  	[tilespmem:s7], [sflag:$0x2] =	stream.linear.gather [hbm4b:s11+s3], $0x80, $0x38;
	[tilespmem:$0x11400] =	vst v63  }
0x21b: {  	s21 =	sadd.s32 $0x9A00, s18;
	s19 =	sadd.s32 s4, s13;
	s20 =	sand.u32 $0x1FFFFFF0, s16  }
0x21c: {  	[tilespmem:s21], [sflag:$0x2] =	stream.linear.gather [hbm4b:s19+s3], $0x80, $0x38;
	[tilespmem:$0x11400] =	vst v63  }
0x21d: {  	s1 =	sadd.s32 $0x9A80, s18;
	s22 =	spop (v2sf);
	s23 =	sadd.s32 s4, s20  }
0x21e: {  	[tilespmem:s1], [sflag:$0x2] =	stream.linear.gather [hbm4b:s23+s3], $0x80, $0x38;
	[tilespmem:$0x11400] =	vst v63  }
.Ltmp7:
0x21f: {  	s24 =	sand.u32 $0x1FFFFFF0, s22;
	s25 =	spop (v2sf);
	(pc) =	sbr.rel .LBB2_6-.Ltmp7, $4  }
0x220: {  	s26 =	sadd.s32 $0x9B00, s18;
	s28 =	sadd.s32 s4, s24;
	s29 =	sand.u32 $0x1FFFFFF0, s25  }
0x221: {  	[tilespmem:s26], [sflag:$0x2] =	stream.linear.gather [hbm4b:s28+s3], $0x80, $0x38;
	[tilespmem:$0x11400] =	vst v63  }
0x222: {  	s17 =	sadd.s32 $0x1, s17;
	s30 =	sadd.s32 $0x9B80, s18;
	s31 =	sadd.s32 s4, s29  }
0x223: {  	[tilespmem:s30], [sflag:$0x2] =	stream.linear.gather [hbm4b:s31+s3], $0x80, $0x38;
	[tilespmem:$0x11400] =	vst v63  }
.LBB2_13:
0x224: {  	_ =	sfence.sel $0x180000  }
0x225: {  	[bflag:$0x0] =	sbarrier.arrive $0xFFFF  }
0x226: {  	_ =	strace $0x9000004A  }
0x227: {  	s0 =	stileid.u32;
	[bflag:$0x2] =	sbarrier.arrive $0xFFFF  }
0x228: {  	p0 =	sne.s32 s0, $0x0;
	s0 =	rddreg [dreg:$0x2]  }
0x229: {  	s0 =	sadd.s32 @!p0 $0x100000, s0  }
0x22a: {  	[sflag:s0] =	ssyncadd.tile.s32 @!p0 $0x1;
	_ =	shalt  }
.Lfunc_end2:
_tile_overlayer_lowered:
.L_overlay_start_2:
0x22b: {  	(tag) =	ssettag $0x2  }
0x22c: {  	s0 =	rddreg [dreg:$0x0];
	s2 =	stileid.u32  }
0x22d: {  	s1 =	rddreg [dreg:$0x1];
	p0 =	sne.s32 s2, $0x0  }
0x22e: {  	s3 =	rddreg [dreg:$0x2];
	[bflag:$0x3] =	sbarrier.arrive $0xFFFF;
	s2 =	simm.s32 @!p0 $0x1C05  }
0x22f: {  	[timem:s3], [sflag:s2] =	dma.local @!p0 [hbm:s0], s1  }
0x230: {  	s0 =	simm.s32 @!p0 $0x5  }
0x231: {  	_ =	swait.ge @!p0 [sflag:s0], s1  }
0x232: {  	s1 =	ssub.s32 @!p0 $0x0, s1;
	[sflag:s0] =	ssyncset.done @!p0 $0x0  }
0x233: {  	[sflag:s0] =	ssyncadd.s32 @!p0 s1  }
0x234: {  	[bflag:$0x3] =	sbarrier.arrive $0xFFFF  }
0x235: {  	_ =	shalt  }

</sc_bundles>
